<compile_context>
chip_gen: v7x
topology: tpu7x:2x2x1
jax: 0.10.2.dev20260603
libtpu: 0.0.44.dev20260713+nightly
codegen_flags: <defaults>
</compile_context>

<pallas_src>
import functools

import jax
import jax.numpy as jnp
from jax import lax
from jax.experimental import pallas as pl
from jax.experimental.pallas import tpu as pltpu, tpu_sc as plsc

BLK = 4
NBUF = 4
GSPLIT = (104, 96)


def _make_gather(S, R, D, NC, NS):
    NW = NC * NS
    s_per_w = S // NW
    r_per_w = s_per_w * R
    BR = BLK * R
    n_blocks = s_per_w // BLK
    assert sum(GSPLIT) == BR
    mesh = plsc.VectorSubcoreMesh(core_axis_name="c", subcore_axis_name="s")

    @functools.partial(
        pl.kernel,
        mesh=mesh,
        out_type=jax.ShapeDtypeStruct((S, R, D), jnp.float32),
        scratch_types=(
            [
                pltpu.VMEM((r_per_w,), jnp.int32),
                pltpu.VMEM((NBUF, BR, D), jnp.float32),
            ]
            + [pltpu.SemaphoreType.DMA] * (2 * NBUF)
        ),
    )
    def k(idx_hbm, table_hbm, out_hbm, idx_v, rows_v, *sems):
        gsem = sems[:NBUF]
        osem = sems[NBUF:]
        wid = lax.axis_index("s") * NC + lax.axis_index("c")
        s_base = wid * s_per_w

        pltpu.sync_copy(idx_hbm.at[pl.ds(s_base * R, r_per_w)], idx_v)

        def start_gathers(blk, b):
            off = 0
            for n in GSPLIT:
                pltpu.async_copy(
                    table_hbm.at[idx_v.at[pl.ds(blk * BR + off, n)]],
                    rows_v.at[b].at[pl.ds(off, n)],
                    gsem[b],
                )
                off += n

        def wait_gathers(b):
            off = 0
            for n in GSPLIT:
                pltpu.make_async_copy(
                    table_hbm.at[idx_v.at[pl.ds(0, n)]],
                    rows_v.at[b].at[pl.ds(off, n)],
                    gsem[b],
                ).wait()
                off += n

        def start_store(blk, b):
            pltpu.async_copy(
                rows_v.at[b].reshape(BLK, R, D),
                out_hbm.at[pl.ds(s_base + blk * BLK, BLK)],
                osem[b],
            )

        def wait_store(b):
            pltpu.make_async_copy(
                rows_v.at[b].reshape(BLK, R, D),
                out_hbm.at[pl.ds(0, BLK)],
                osem[b],
            ).wait()

        start_gathers(0, 0)
        for blk in range(n_blocks):
            b = blk % NBUF
            nb = (blk + 1) % NBUF
            if blk + 1 < n_blocks:
                if blk + 1 >= NBUF:
                    wait_store(nb)
                start_gathers(blk + 1, nb)
            wait_gathers(b)
            start_store(blk, b)
        wait_store((n_blocks - 1) % NBUF)

    return k


def kernel(x, weight):
    S, R = x.shape
    D = weight.shape[1]
    idx = x.reshape(-1).astype(jnp.int32)
    info = plsc.get_sparse_core_info()
    f = _make_gather(S, R, D, info.num_cores, info.num_subcores)
    return f(idx, weight)

# --- scband reference (transcript-rebuilt; emitter-appended) ---
"""Pipeline reference for scband-embedding-6519760355791 (READ-ONLY COPY).

The authoritative reference and input builder live on the scoring server;
editing this copy changes nothing except your own understanding.
"""

import jax, jax.numpy as jnp
import numpy as np

VOCAB_SIZE = 100000
D_MODEL = 128


def setup_inputs(seed: int = 0) -> dict:
    key = jax.random.key(seed)
    k_idx, k_w = jax.random.split(key)
    x = jax.random.randint(k_idx, (4096, 50), 0, VOCAB_SIZE, dtype=jnp.int64 if jax.config.jax_enable_x64 else jnp.int32)
    # trunc_normal_(mean=0, std=1, a=-3, b=3)
    weight = jax.random.truncated_normal(k_w, -3.0, 3.0, (VOCAB_SIZE, D_MODEL), dtype=jnp.float32)
    return {"x": x, "weight": weight}


def reference(x, weight):
    # Embedding lookup: weight[x]
    res = jnp.take(weight, x, axis=0)
    return res

if __name__ == "__main__":
    import jax
    _d = setup_inputs()
    print(jax.jit(kernel)(*tuple(_d.values())))

</pallas_src>

<mosaic_0001>
#map = affine_map<(d0, d1) -> (0)>
#map1 = affine_map<(d0, d1) -> (0, 0)>
#map2 = affine_map<(d0, d1) -> (0, 0, 0)>
module attributes {stable_mosaic.version = 14 : i64} {
  func.func @k(%arg0: i32, %arg1: i32, %arg2: memref<204800xi32, #tpu.memory_space<hbm>>, %arg3: memref<100000x128xf32, #tpu.memory_space<hbm>>, %arg4: memref<4096x50x128xf32, #tpu.memory_space<hbm>>, %arg5: memref<6400xi32, #tpu.memory_space<vmem>>, %arg6: memref<4x200x128xf32, #tpu.memory_space<vmem>>, %arg7: memref<!tpu.dma_semaphore, #tpu.memory_space<semaphore_mem>>, %arg8: memref<!tpu.dma_semaphore, #tpu.memory_space<semaphore_mem>>, %arg9: memref<!tpu.dma_semaphore, #tpu.memory_space<semaphore_mem>>, %arg10: memref<!tpu.dma_semaphore, #tpu.memory_space<semaphore_mem>>, %arg11: memref<!tpu.dma_semaphore, #tpu.memory_space<semaphore_mem>>, %arg12: memref<!tpu.dma_semaphore, #tpu.memory_space<semaphore_mem>>, %arg13: memref<!tpu.dma_semaphore, #tpu.memory_space<semaphore_mem>>, %arg14: memref<!tpu.dma_semaphore, #tpu.memory_space<semaphore_mem>>) attributes {dimension_semantics = [#tpu.dimension_semantics<core_parallel>, #tpu.dimension_semantics<subcore_parallel>], iteration_bounds = array<i64: 2, 16>, scalar_prefetch = 0 : i64, scratch_operands = 10 : i64, tpu.core_type = #tpu.core_type<sc_vector_subcore>, window_params = [{transform_indices = #map}, {transform_indices = #map1}, {transform_indices = #map2}]} {
    %mul3A = arith.constant 2 : i32
    %mul3A_0 = arith.muli %arg1, %mul3A : i32
    %add3A = arith.addi %mul3A_0, %arg0 : i32
    %mul3A_1 = arith.constant 128 : i32
    %mul3A_2 = arith.muli %add3A, %mul3A_1 : i32
    %mul3A_3 = arith.constant 50 : i32
    %mul3A_4 = arith.muli %mul3A_2, %mul3A_3 : i32
    "tpu.region"() ({
      %run_scoped3A = tpu.sem_alloc : memref<!tpu.dma_semaphore, #tpu.memory_space<semaphore_mem>>
      %dma_start3A_2826 = tpu.memref_slice %arg2[%mul3A_4] : memref<204800xi32, #tpu.memory_space<hbm>> -> memref<6400xi32, #tpu.memory_space<hbm>>
      %dma_start3A_2827 = tpu.memref_slice %arg2[%mul3A_4] : memref<204800xi32, #tpu.memory_space<hbm>> -> memref<6400xi32, #tpu.memory_space<hbm>>
      tpu.enqueue_dma source(%dma_start3A_2827 : memref<6400xi32, #tpu.memory_space<hbm>>) target(%arg5 : memref<6400xi32, #tpu.memory_space<vmem>>) target_semaphore(%run_scoped3A : memref<!tpu.dma_semaphore, #tpu.memory_space<semaphore_mem>>)
      %dma_wait3A_2828 = tpu.memref_slice %arg2[%mul3A_4] : memref<204800xi32, #tpu.memory_space<hbm>> -> memref<6400xi32, #tpu.memory_space<hbm>>
      %dma_wait3A_2829 = tpu.memref_slice %arg2[%mul3A_4] : memref<204800xi32, #tpu.memory_space<hbm>> -> memref<6400xi32, #tpu.memory_space<hbm>>
      tpu.wait_dma2 semaphore(%run_scoped3A : memref<!tpu.dma_semaphore, #tpu.memory_space<semaphore_mem>>) src(%dma_wait3A_2829 : memref<6400xi32, #tpu.memory_space<hbm>>) dst(%arg5 : memref<6400xi32, #tpu.memory_space<vmem>>)
      tpu.yield
    }) : () -> ()
    %dma_start3A = arith.constant 0 : i32
    %dma_start3A_5 = arith.constant 0 : i32
    %dma_start3A_6 = arith.constant 0 : i32
    %dma_start3A_7 = tpu.memref_slice %arg6[%dma_start3A, %dma_start3A_5, %dma_start3A_6] : memref<4x200x128xf32, #tpu.memory_space<vmem>> -> memref<1x200x128xf32, #tpu.memory_space<vmem>>
    %dma_start3A_8 = tpu.memref_squeeze %dma_start3A_7 : memref<1x200x128xf32, #tpu.memory_space<vmem>> -> memref<200x128xf32, #tpu.memory_space<vmem>>
    %dma_start3A_9 = arith.constant 0 : i32
    %dma_start3A_10 = arith.constant 0 : i32
    %dma_start3A_11 = tpu.memref_slice %dma_start3A_8[%dma_start3A_9, %dma_start3A_10] : memref<200x128xf32, #tpu.memory_space<vmem>> -> memref<104x128xf32, #tpu.memory_space<vmem>>
    %dma_start3A_12 = arith.constant 0 : i32
    %dma_start3A_13 = tpu.memref_slice %arg5[%dma_start3A_12] : memref<6400xi32, #tpu.memory_space<vmem>> -> memref<104xi32, #tpu.memory_space<vmem>>
    %dma_start3A_14 = arith.constant 0 : i32
    %dma_start3A_15 = arith.constant 0 : i32
    %dma_start3A_16 = tpu.memref_slice %arg3[%dma_start3A_14, %dma_start3A_15] : memref<100000x128xf32, #tpu.memory_space<hbm>> -> memref<100000x128xf32, #tpu.memory_space<hbm>>
    tpu.enqueue_indirect_dma source(%dma_start3A_16 : memref<100000x128xf32, #tpu.memory_space<hbm>>) target(%dma_start3A_11 : memref<104x128xf32, #tpu.memory_space<vmem>>) offsets(%dma_start3A_13 : memref<104xi32, #tpu.memory_space<vmem>>) semaphore(%arg7 : memref<!tpu.dma_semaphore, #tpu.memory_space<semaphore_mem>>)
    %dma_start3A_17 = arith.constant 0 : i32
    %dma_start3A_18 = arith.constant 0 : i32
    %dma_start3A_19 = arith.constant 0 : i32
    %dma_start3A_20 = tpu.memref_slice %arg6[%dma_start3A_17, %dma_start3A_18, %dma_start3A_19] : memref<4x200x128xf32, #tpu.memory_space<vmem>> -> memref<1x200x128xf32, #tpu.memory_space<vmem>>
    %dma_start3A_21 = tpu.memref_squeeze %dma_start3A_20 : memref<1x200x128xf32, #tpu.memory_space<vmem>> -> memref<200x128xf32, #tpu.memory_space<vmem>>
    %dma_start3A_22 = arith.constant 104 : i32
    %dma_start3A_23 = arith.constant 0 : i32
    %dma_start3A_24 = tpu.memref_slice %dma_start3A_21[%dma_start3A_22, %dma_start3A_23] : memref<200x128xf32, #tpu.memory_space<vmem>> -> memref<96x128xf32, #tpu.memory_space<vmem>>
    %dma_start3A_25 = arith.constant 104 : i32
    %dma_start3A_26 = tpu.memref_slice %arg5[%dma_start3A_25] : memref<6400xi32, #tpu.memory_space<vmem>> -> memref<96xi32, #tpu.memory_space<vmem>>
    %dma_start3A_27 = arith.constant 0 : i32
    %dma_start3A_28 = arith.constant 0 : i32
    %dma_start3A_29 = tpu.memref_slice %arg3[%dma_start3A_27, %dma_start3A_28] : memref<100000x128xf32, #tpu.memory_space<hbm>> -> memref<100000x128xf32, #tpu.memory_space<hbm>>
    tpu.enqueue_indirect_dma source(%dma_start3A_29 : memref<100000x128xf32, #tpu.memory_space<hbm>>) target(%dma_start3A_24 : memref<96x128xf32, #tpu.memory_space<vmem>>) offsets(%dma_start3A_26 : memref<96xi32, #tpu.memory_space<vmem>>) semaphore(%arg7 : memref<!tpu.dma_semaphore, #tpu.memory_space<semaphore_mem>>)
    %dma_start3A_30 = arith.constant 1 : i32
    %dma_start3A_31 = arith.constant 0 : i32
    %dma_start3A_32 = arith.constant 0 : i32
    %dma_start3A_33 = tpu.memref_slice %arg6[%dma_start3A_30, %dma_start3A_31, %dma_start3A_32] : memref<4x200x128xf32, #tpu.memory_space<vmem>> -> memref<1x200x128xf32, #tpu.memory_space<vmem>>
    %dma_start3A_34 = tpu.memref_squeeze %dma_start3A_33 : memref<1x200x128xf32, #tpu.memory_space<vmem>> -> memref<200x128xf32, #tpu.memory_space<vmem>>
    %dma_start3A_35 = arith.constant 0 : i32
    %dma_start3A_36 = arith.constant 0 : i32
    %dma_start3A_37 = tpu.memref_slice %dma_start3A_34[%dma_start3A_35, %dma_start3A_36] : memref<200x128xf32, #tpu.memory_space<vmem>> -> memref<104x128xf32, #tpu.memory_space<vmem>>
    %dma_start3A_38 = arith.constant 200 : i32
    %dma_start3A_39 = tpu.memref_slice %arg5[%dma_start3A_38] : memref<6400xi32, #tpu.memory_space<vmem>> -> memref<104xi32, #tpu.memory_space<vmem>>
    %dma_start3A_40 = arith.constant 0 : i32
    %dma_start3A_41 = arith.constant 0 : i32
    %dma_start3A_42 = tpu.memref_slice %arg3[%dma_start3A_40, %dma_start3A_41] : memref<100000x128xf32, #tpu.memory_space<hbm>> -> memref<100000x128xf32, #tpu.memory_space<hbm>>
    tpu.enqueue_indirect_dma source(%dma_start3A_42 : memref<100000x128xf32, #tpu.memory_space<hbm>>) target(%dma_start3A_37 : memref<104x128xf32, #tpu.memory_space<vmem>>) offsets(%dma_start3A_39 : memref<104xi32, #tpu.memory_space<vmem>>) semaphore(%arg8 : memref<!tpu.dma_semaphore, #tpu.memory_space<semaphore_mem>>)
    %dma_start3A_43 = arith.constant 1 : i32
    %dma_start3A_44 = arith.constant 0 : i32
    %dma_start3A_45 = arith.constant 0 : i32
    %dma_start3A_46 = tpu.memref_slice %arg6[%dma_start3A_43, %dma_start3A_44, %dma_start3A_45] : memref<4x200x128xf32, #tpu.memory_space<vmem>> -> memref<1x200x128xf32, #tpu.memory_space<vmem>>
    %dma_start3A_47 = tpu.memref_squeeze %dma_start3A_46 : memref<1x200x128xf32, #tpu.memory_space<vmem>> -> memref<200x128xf32, #tpu.memory_space<vmem>>
    %dma_start3A_48 = arith.constant 104 : i32
    %dma_start3A_49 = arith.constant 0 : i32
    %dma_start3A_50 = tpu.memref_slice %dma_start3A_47[%dma_start3A_48, %dma_start3A_49] : memref<200x128xf32, #tpu.memory_space<vmem>> -> memref<96x128xf32, #tpu.memory_space<vmem>>
    %dma_start3A_51 = arith.constant 304 : i32
    %dma_start3A_52 = tpu.memref_slice %arg5[%dma_start3A_51] : memref<6400xi32, #tpu.memory_space<vmem>> -> memref<96xi32, #tpu.memory_space<vmem>>
    %dma_start3A_53 = arith.constant 0 : i32
    %dma_start3A_54 = arith.constant 0 : i32
    %dma_start3A_55 = tpu.memref_slice %arg3[%dma_start3A_53, %dma_start3A_54] : memref<100000x128xf32, #tpu.memory_space<hbm>> -> memref<100000x128xf32, #tpu.memory_space<hbm>>
    tpu.enqueue_indirect_dma source(%dma_start3A_55 : memref<100000x128xf32, #tpu.memory_space<hbm>>) target(%dma_start3A_50 : memref<96x128xf32, #tpu.memory_space<vmem>>) offsets(%dma_start3A_52 : memref<96xi32, #tpu.memory_space<vmem>>) semaphore(%arg8 : memref<!tpu.dma_semaphore, #tpu.memory_space<semaphore_mem>>)
    %dma_wait3A = arith.constant 0 : i32
    %dma_wait3A_56 = arith.constant 0 : i32
    %dma_wait3A_57 = arith.constant 0 : i32
    %dma_wait3A_58 = tpu.memref_slice %arg6[%dma_wait3A, %dma_wait3A_56, %dma_wait3A_57] : memref<4x200x128xf32, #tpu.memory_space<vmem>> -> memref<1x200x128xf32, #tpu.memory_space<vmem>>
    %dma_wait3A_59 = tpu.memref_squeeze %dma_wait3A_58 : memref<1x200x128xf32, #tpu.memory_space<vmem>> -> memref<200x128xf32, #tpu.memory_space<vmem>>
    %dma_wait3A_60 = arith.constant 0 : i32
    %dma_wait3A_61 = arith.constant 0 : i32
    %dma_wait3A_62 = tpu.memref_slice %dma_wait3A_59[%dma_wait3A_60, %dma_wait3A_61] : memref<200x128xf32, #tpu.memory_space<vmem>> -> memref<104x128xf32, #tpu.memory_space<vmem>>
    %dma_wait3A_63 = arith.constant 0 : i32
    %dma_wait3A_64 = tpu.memref_slice %arg5[%dma_wait3A_63] : memref<6400xi32, #tpu.memory_space<vmem>> -> memref<104xi32, #tpu.memory_space<vmem>>
    %dma_wait3A_65 = arith.constant 0 : i32
    %dma_wait3A_66 = arith.constant 0 : i32
    %dma_wait3A_67 = tpu.memref_slice %arg3[%dma_wait3A_65, %dma_wait3A_66] : memref<100000x128xf32, #tpu.memory_space<hbm>> -> memref<100000x128xf32, #tpu.memory_space<hbm>>
    tpu.wait_indirect_dma semaphore(%arg7 : memref<!tpu.dma_semaphore, #tpu.memory_space<semaphore_mem>>) src(%dma_wait3A_67 : memref<100000x128xf32, #tpu.memory_space<hbm>>) dst(%dma_wait3A_62 : memref<104x128xf32, #tpu.memory_space<vmem>>)
    %dma_wait3A_68 = arith.constant 0 : i32
    %dma_wait3A_69 = arith.constant 0 : i32
    %dma_wait3A_70 = arith.constant 0 : i32
    %dma_wait3A_71 = tpu.memref_slice %arg6[%dma_wait3A_68, %dma_wait3A_69, %dma_wait3A_70] : memref<4x200x128xf32, #tpu.memory_space<vmem>> -> memref<1x200x128xf32, #tpu.memory_space<vmem>>
    %dma_wait3A_72 = tpu.memref_squeeze %dma_wait3A_71 : memref<1x200x128xf32, #tpu.memory_space<vmem>> -> memref<200x128xf32, #tpu.memory_space<vmem>>
    %dma_wait3A_73 = arith.constant 104 : i32
    %dma_wait3A_74 = arith.constant 0 : i32
    %dma_wait3A_75 = tpu.memref_slice %dma_wait3A_72[%dma_wait3A_73, %dma_wait3A_74] : memref<200x128xf32, #tpu.memory_space<vmem>> -> memref<96x128xf32, #tpu.memory_space<vmem>>
    %dma_wait3A_76 = arith.constant 0 : i32
    %dma_wait3A_77 = tpu.memref_slice %arg5[%dma_wait3A_76] : memref<6400xi32, #tpu.memory_space<vmem>> -> memref<96xi32, #tpu.memory_space<vmem>>
    %dma_wait3A_78 = arith.constant 0 : i32
    %dma_wait3A_79 = arith.constant 0 : i32
    %dma_wait3A_80 = tpu.memref_slice %arg3[%dma_wait3A_78, %dma_wait3A_79] : memref<100000x128xf32, #tpu.memory_space<hbm>> -> memref<100000x128xf32, #tpu.memory_space<hbm>>
    tpu.wait_indirect_dma semaphore(%arg7 : memref<!tpu.dma_semaphore, #tpu.memory_space<semaphore_mem>>) src(%dma_wait3A_80 : memref<100000x128xf32, #tpu.memory_space<hbm>>) dst(%dma_wait3A_75 : memref<96x128xf32, #tpu.memory_space<vmem>>)
    %add3A_81 = arith.constant 0 : i32
    %add3A_82 = arith.addi %mul3A_2, %add3A_81 : i32
    %dma_start3A_83 = arith.constant 0 : i32
    %dma_start3A_84 = arith.constant 0 : i32
    %dma_start3A_85 = arith.constant 0 : i32
    %dma_start3A_86 = tpu.memref_slice %arg6[%dma_start3A_83, %dma_start3A_84, %dma_start3A_85] : memref<4x200x128xf32, #tpu.memory_space<vmem>> -> memref<1x200x128xf32, #tpu.memory_space<vmem>>
    %dma_start3A_87 = tpu.memref_squeeze %dma_start3A_86 : memref<1x200x128xf32, #tpu.memory_space<vmem>> -> memref<200x128xf32, #tpu.memory_space<vmem>>
    %dma_start3A_88 = tpu.memref_reshape %dma_start3A_87 : memref<200x128xf32, #tpu.memory_space<vmem>> -> memref<4x50x128xf32, #tpu.memory_space<vmem>>
    %dma_start3A_89 = arith.constant 0 : i32
    %dma_start3A_90 = arith.constant 0 : i32
    %dma_start3A_91 = tpu.memref_slice %arg4[%add3A_82, %dma_start3A_89, %dma_start3A_90] : memref<4096x50x128xf32, #tpu.memory_space<hbm>> -> memref<4x50x128xf32, #tpu.memory_space<hbm>>
    %dma_start3A_92 = arith.constant 0 : i32
    %dma_start3A_93 = arith.constant 0 : i32
    %dma_start3A_94 = tpu.memref_slice %arg4[%add3A_82, %dma_start3A_92, %dma_start3A_93] : memref<4096x50x128xf32, #tpu.memory_space<hbm>> -> memref<4x50x128xf32, #tpu.memory_space<hbm>>
    %dma_start3A_95 = arith.constant 0 : i32
    %dma_start3A_96 = arith.constant 0 : i32
    %dma_start3A_97 = tpu.memref_slice %arg6[%dma_start3A_83, %dma_start3A_95, %dma_start3A_96] : memref<4x200x128xf32, #tpu.memory_space<vmem>> -> memref<1x200x128xf32, #tpu.memory_space<vmem>>
    %dma_start3A_98 = tpu.memref_squeeze %dma_start3A_97 : memref<1x200x128xf32, #tpu.memory_space<vmem>> -> memref<200x128xf32, #tpu.memory_space<vmem>>
    %dma_start3A_99 = tpu.memref_reshape %dma_start3A_98 : memref<200x128xf32, #tpu.memory_space<vmem>> -> memref<4x50x128xf32, #tpu.memory_space<vmem>>
    tpu.enqueue_dma source(%dma_start3A_99 : memref<4x50x128xf32, #tpu.memory_space<vmem>>) target(%dma_start3A_94 : memref<4x50x128xf32, #tpu.memory_space<hbm>>) target_semaphore(%arg11 : memref<!tpu.dma_semaphore, #tpu.memory_space<semaphore_mem>>)
    %dma_start3A_100 = arith.constant 2 : i32
    %dma_start3A_101 = arith.constant 0 : i32
    %dma_start3A_102 = arith.constant 0 : i32
    %dma_start3A_103 = tpu.memref_slice %arg6[%dma_start3A_100, %dma_start3A_101, %dma_start3A_102] : memref<4x200x128xf32, #tpu.memory_space<vmem>> -> memref<1x200x128xf32, #tpu.memory_space<vmem>>
    %dma_start3A_104 = tpu.memref_squeeze %dma_start3A_103 : memref<1x200x128xf32, #tpu.memory_space<vmem>> -> memref<200x128xf32, #tpu.memory_space<vmem>>
    %dma_start3A_105 = arith.constant 0 : i32
    %dma_start3A_106 = arith.constant 0 : i32
    %dma_start3A_107 = tpu.memref_slice %dma_start3A_104[%dma_start3A_105, %dma_start3A_106] : memref<200x128xf32, #tpu.memory_space<vmem>> -> memref<104x128xf32, #tpu.memory_space<vmem>>
    %dma_start3A_108 = arith.constant 400 : i32
    %dma_start3A_109 = tpu.memref_slice %arg5[%dma_start3A_108] : memref<6400xi32, #tpu.memory_space<vmem>> -> memref<104xi32, #tpu.memory_space<vmem>>
    %dma_start3A_110 = arith.constant 0 : i32
    %dma_start3A_111 = arith.constant 0 : i32
    %dma_start3A_112 = tpu.memref_slice %arg3[%dma_start3A_110, %dma_start3A_111] : memref<100000x128xf32, #tpu.memory_space<hbm>> -> memref<100000x128xf32, #tpu.memory_space<hbm>>
    tpu.enqueue_indirect_dma source(%dma_start3A_112 : memref<100000x128xf32, #tpu.memory_space<hbm>>) target(%dma_start3A_107 : memref<104x128xf32, #tpu.memory_space<vmem>>) offsets(%dma_start3A_109 : memref<104xi32, #tpu.memory_space<vmem>>) semaphore(%arg9 : memref<!tpu.dma_semaphore, #tpu.memory_space<semaphore_mem>>)
    %dma_start3A_113 = arith.constant 2 : i32
    %dma_start3A_114 = arith.constant 0 : i32
    %dma_start3A_115 = arith.constant 0 : i32
    %dma_start3A_116 = tpu.memref_slice %arg6[%dma_start3A_113, %dma_start3A_114, %dma_start3A_115] : memref<4x200x128xf32, #tpu.memory_space<vmem>> -> memref<1x200x128xf32, #tpu.memory_space<vmem>>
    %dma_start3A_117 = tpu.memref_squeeze %dma_start3A_116 : memref<1x200x128xf32, #tpu.memory_space<vmem>> -> memref<200x128xf32, #tpu.memory_space<vmem>>
    %dma_start3A_118 = arith.constant 104 : i32
    %dma_start3A_119 = arith.constant 0 : i32
    %dma_start3A_120 = tpu.memref_slice %dma_start3A_117[%dma_start3A_118, %dma_start3A_119] : memref<200x128xf32, #tpu.memory_space<vmem>> -> memref<96x128xf32, #tpu.memory_space<vmem>>
    %dma_start3A_121 = arith.constant 504 : i32
    %dma_start3A_122 = tpu.memref_slice %arg5[%dma_start3A_121] : memref<6400xi32, #tpu.memory_space<vmem>> -> memref<96xi32, #tpu.memory_space<vmem>>
    %dma_start3A_123 = arith.constant 0 : i32
    %dma_start3A_124 = arith.constant 0 : i32
    %dma_start3A_125 = tpu.memref_slice %arg3[%dma_start3A_123, %dma_start3A_124] : memref<100000x128xf32, #tpu.memory_space<hbm>> -> memref<100000x128xf32, #tpu.memory_space<hbm>>
    tpu.enqueue_indirect_dma source(%dma_start3A_125 : memref<100000x128xf32, #tpu.memory_space<hbm>>) target(%dma_start3A_120 : memref<96x128xf32, #tpu.memory_space<vmem>>) offsets(%dma_start3A_122 : memref<96xi32, #tpu.memory_space<vmem>>) semaphore(%arg9 : memref<!tpu.dma_semaphore, #tpu.memory_space<semaphore_mem>>)
    %dma_wait3A_126 = arith.constant 1 : i32
    %dma_wait3A_127 = arith.constant 0 : i32
    %dma_wait3A_128 = arith.constant 0 : i32
    %dma_wait3A_129 = tpu.memref_slice %arg6[%dma_wait3A_126, %dma_wait3A_127, %dma_wait3A_128] : memref<4x200x128xf32, #tpu.memory_space<vmem>> -> memref<1x200x128xf32, #tpu.memory_space<vmem>>
    %dma_wait3A_130 = tpu.memref_squeeze %dma_wait3A_129 : memref<1x200x128xf32, #tpu.memory_space<vmem>> -> memref<200x128xf32, #tpu.memory_space<vmem>>
    %dma_wait3A_131 = arith.constant 0 : i32
    %dma_wait3A_132 = arith.constant 0 : i32
    %dma_wait3A_133 = tpu.memref_slice %dma_wait3A_130[%dma_wait3A_131, %dma_wait3A_132] : memref<200x128xf32, #tpu.memory_space<vmem>> -> memref<104x128xf32, #tpu.memory_space<vmem>>
    %dma_wait3A_134 = arith.constant 0 : i32
    %dma_wait3A_135 = tpu.memref_slice %arg5[%dma_wait3A_134] : memref<6400xi32, #tpu.memory_space<vmem>> -> memref<104xi32, #tpu.memory_space<vmem>>
    %dma_wait3A_136 = arith.constant 0 : i32
    %dma_wait3A_137 = arith.constant 0 : i32
    %dma_wait3A_138 = tpu.memref_slice %arg3[%dma_wait3A_136, %dma_wait3A_137] : memref<100000x128xf32, #tpu.memory_space<hbm>> -> memref<100000x128xf32, #tpu.memory_space<hbm>>
    tpu.wait_indirect_dma semaphore(%arg8 : memref<!tpu.dma_semaphore, #tpu.memory_space<semaphore_mem>>) src(%dma_wait3A_138 : memref<100000x128xf32, #tpu.memory_space<hbm>>) dst(%dma_wait3A_133 : memref<104x128xf32, #tpu.memory_space<vmem>>)
    %dma_wait3A_139 = arith.constant 1 : i32
    %dma_wait3A_140 = arith.constant 0 : i32
    %dma_wait3A_141 = arith.constant 0 : i32
    %dma_wait3A_142 = tpu.memref_slice %arg6[%dma_wait3A_139, %dma_wait3A_140, %dma_wait3A_141] : memref<4x200x128xf32, #tpu.memory_space<vmem>> -> memref<1x200x128xf32, #tpu.memory_space<vmem>>
    %dma_wait3A_143 = tpu.memref_squeeze %dma_wait3A_142 : memref<1x200x128xf32, #tpu.memory_space<vmem>> -> memref<200x128xf32, #tpu.memory_space<vmem>>
    %dma_wait3A_144 = arith.constant 104 : i32
    %dma_wait3A_145 = arith.constant 0 : i32
    %dma_wait3A_146 = tpu.memref_slice %dma_wait3A_143[%dma_wait3A_144, %dma_wait3A_145] : memref<200x128xf32, #tpu.memory_space<vmem>> -> memref<96x128xf32, #tpu.memory_space<vmem>>
    %dma_wait3A_147 = arith.constant 0 : i32
    %dma_wait3A_148 = tpu.memref_slice %arg5[%dma_wait3A_147] : memref<6400xi32, #tpu.memory_space<vmem>> -> memref<96xi32, #tpu.memory_space<vmem>>
    %dma_wait3A_149 = arith.constant 0 : i32
    %dma_wait3A_150 = arith.constant 0 : i32
    %dma_wait3A_151 = tpu.memref_slice %arg3[%dma_wait3A_149, %dma_wait3A_150] : memref<100000x128xf32, #tpu.memory_space<hbm>> -> memref<100000x128xf32, #tpu.memory_space<hbm>>
    tpu.wait_indirect_dma semaphore(%arg8 : memref<!tpu.dma_semaphore, #tpu.memory_space<semaphore_mem>>) src(%dma_wait3A_151 : memref<100000x128xf32, #tpu.memory_space<hbm>>) dst(%dma_wait3A_146 : memref<96x128xf32, #tpu.memory_space<vmem>>)
    %add3A_152 = arith.constant 4 : i32
    %add3A_153 = arith.addi %mul3A_2, %add3A_152 : i32
    %dma_start3A_154 = arith.constant 1 : i32
    %dma_start3A_155 = arith.constant 0 : i32
    %dma_start3A_156 = arith.constant 0 : i32
    %dma_start3A_157 = tpu.memref_slice %arg6[%dma_start3A_154, %dma_start3A_155, %dma_start3A_156] : memref<4x200x128xf32, #tpu.memory_space<vmem>> -> memref<1x200x128xf32, #tpu.memory_space<vmem>>
    %dma_start3A_158 = tpu.memref_squeeze %dma_start3A_157 : memref<1x200x128xf32, #tpu.memory_space<vmem>> -> memref<200x128xf32, #tpu.memory_space<vmem>>
    %dma_start3A_159 = tpu.memref_reshape %dma_start3A_158 : memref<200x128xf32, #tpu.memory_space<vmem>> -> memref<4x50x128xf32, #tpu.memory_space<vmem>>
    %dma_start3A_160 = arith.constant 0 : i32
    %dma_start3A_161 = arith.constant 0 : i32
    %dma_start3A_162 = tpu.memref_slice %arg4[%add3A_153, %dma_start3A_160, %dma_start3A_161] : memref<4096x50x128xf32, #tpu.memory_space<hbm>> -> memref<4x50x128xf32, #tpu.memory_space<hbm>>
    %dma_start3A_163 = arith.constant 0 : i32
    %dma_start3A_164 = arith.constant 0 : i32
    %dma_start3A_165 = tpu.memref_slice %arg4[%add3A_153, %dma_start3A_163, %dma_start3A_164] : memref<4096x50x128xf32, #tpu.memory_space<hbm>> -> memref<4x50x128xf32, #tpu.memory_space<hbm>>
    %dma_start3A_166 = arith.constant 0 : i32
    %dma_start3A_167 = arith.constant 0 : i32
    %dma_start3A_168 = tpu.memref_slice %arg6[%dma_start3A_154, %dma_start3A_166, %dma_start3A_167] : memref<4x200x128xf32, #tpu.memory_space<vmem>> -> memref<1x200x128xf32, #tpu.memory_space<vmem>>
    %dma_start3A_169 = tpu.memref_squeeze %dma_start3A_168 : memref<1x200x128xf32, #tpu.memory_space<vmem>> -> memref<200x128xf32, #tpu.memory_space<vmem>>
    %dma_start3A_170 = tpu.memref_reshape %dma_start3A_169 : memref<200x128xf32, #tpu.memory_space<vmem>> -> memref<4x50x128xf32, #tpu.memory_space<vmem>>
    tpu.enqueue_dma source(%dma_start3A_170 : memref<4x50x128xf32, #tpu.memory_space<vmem>>) target(%dma_start3A_165 : memref<4x50x128xf32, #tpu.memory_space<hbm>>) target_semaphore(%arg12 : memref<!tpu.dma_semaphore, #tpu.memory_space<semaphore_mem>>)
    %dma_start3A_171 = arith.constant 3 : i32
    %dma_start3A_172 = arith.constant 0 : i32
    %dma_start3A_173 = arith.constant 0 : i32
    %dma_start3A_174 = tpu.memref_slice %arg6[%dma_start3A_171, %dma_start3A_172, %dma_start3A_173] : memref<4x200x128xf32, #tpu.memory_space<vmem>> -> memref<1x200x128xf32, #tpu.memory_space<vmem>>
    %dma_start3A_175 = tpu.memref_squeeze %dma_start3A_174 : memref<1x200x128xf32, #tpu.memory_space<vmem>> -> memref<200x128xf32, #tpu.memory_space<vmem>>
    %dma_start3A_176 = arith.constant 0 : i32
    %dma_start3A_177 = arith.constant 0 : i32
    %dma_start3A_178 = tpu.memref_slice %dma_start3A_175[%dma_start3A_176, %dma_start3A_177] : memref<200x128xf32, #tpu.memory_space<vmem>> -> memref<104x128xf32, #tpu.memory_space<vmem>>
    %dma_start3A_179 = arith.constant 600 : i32
    %dma_start3A_180 = tpu.memref_slice %arg5[%dma_start3A_179] : memref<6400xi32, #tpu.memory_space<vmem>> -> memref<104xi32, #tpu.memory_space<vmem>>
    %dma_start3A_181 = arith.constant 0 : i32
    %dma_start3A_182 = arith.constant 0 : i32
    %dma_start3A_183 = tpu.memref_slice %arg3[%dma_start3A_181, %dma_start3A_182] : memref<100000x128xf32, #tpu.memory_space<hbm>> -> memref<100000x128xf32, #tpu.memory_space<hbm>>
    tpu.enqueue_indirect_dma source(%dma_start3A_183 : memref<100000x128xf32, #tpu.memory_space<hbm>>) target(%dma_start3A_178 : memref<104x128xf32, #tpu.memory_space<vmem>>) offsets(%dma_start3A_180 : memref<104xi32, #tpu.memory_space<vmem>>) semaphore(%arg10 : memref<!tpu.dma_semaphore, #tpu.memory_space<semaphore_mem>>)
    %dma_start3A_184 = arith.constant 3 : i32
    %dma_start3A_185 = arith.constant 0 : i32
    %dma_start3A_186 = arith.constant 0 : i32
    %dma_start3A_187 = tpu.memref_slice %arg6[%dma_start3A_184, %dma_start3A_185, %dma_start3A_186] : memref<4x200x128xf32, #tpu.memory_space<vmem>> -> memref<1x200x128xf32, #tpu.memory_space<vmem>>
    %dma_start3A_188 = tpu.memref_squeeze %dma_start3A_187 : memref<1x200x128xf32, #tpu.memory_space<vmem>> -> memref<200x128xf32, #tpu.memory_space<vmem>>
    %dma_start3A_189 = arith.constant 104 : i32
    %dma_start3A_190 = arith.constant 0 : i32
    %dma_start3A_191 = tpu.memref_slice %dma_start3A_188[%dma_start3A_189, %dma_start3A_190] : memref<200x128xf32, #tpu.memory_space<vmem>> -> memref<96x128xf32, #tpu.memory_space<vmem>>
    %dma_start3A_192 = arith.constant 704 : i32
    %dma_start3A_193 = tpu.memref_slice %arg5[%dma_start3A_192] : memref<6400xi32, #tpu.memory_space<vmem>> -> memref<96xi32, #tpu.memory_space<vmem>>
    %dma_start3A_194 = arith.constant 0 : i32
    %dma_start3A_195 = arith.constant 0 : i32
    %dma_start3A_196 = tpu.memref_slice %arg3[%dma_start3A_194, %dma_start3A_195] : memref<100000x128xf32, #tpu.memory_space<hbm>> -> memref<100000x128xf32, #tpu.memory_space<hbm>>
    tpu.enqueue_indirect_dma source(%dma_start3A_196 : memref<100000x128xf32, #tpu.memory_space<hbm>>) target(%dma_start3A_191 : memref<96x128xf32, #tpu.memory_space<vmem>>) offsets(%dma_start3A_193 : memref<96xi32, #tpu.memory_space<vmem>>) semaphore(%arg10 : memref<!tpu.dma_semaphore, #tpu.memory_space<semaphore_mem>>)
    %dma_wait3A_197 = arith.constant 2 : i32
    %dma_wait3A_198 = arith.constant 0 : i32
    %dma_wait3A_199 = arith.constant 0 : i32
    %dma_wait3A_200 = tpu.memref_slice %arg6[%dma_wait3A_197, %dma_wait3A_198, %dma_wait3A_199] : memref<4x200x128xf32, #tpu.memory_space<vmem>> -> memref<1x200x128xf32, #tpu.memory_space<vmem>>
    %dma_wait3A_201 = tpu.memref_squeeze %dma_wait3A_200 : memref<1x200x128xf32, #tpu.memory_space<vmem>> -> memref<200x128xf32, #tpu.memory_space<vmem>>
    %dma_wait3A_202 = arith.constant 0 : i32
    %dma_wait3A_203 = arith.constant 0 : i32
    %dma_wait3A_204 = tpu.memref_slice %dma_wait3A_201[%dma_wait3A_202, %dma_wait3A_203] : memref<200x128xf32, #tpu.memory_space<vmem>> -> memref<104x128xf32, #tpu.memory_space<vmem>>
    %dma_wait3A_205 = arith.constant 0 : i32
    %dma_wait3A_206 = tpu.memref_slice %arg5[%dma_wait3A_205] : memref<6400xi32, #tpu.memory_space<vmem>> -> memref<104xi32, #tpu.memory_space<vmem>>
    %dma_wait3A_207 = arith.constant 0 : i32
    %dma_wait3A_208 = arith.constant 0 : i32
    %dma_wait3A_209 = tpu.memref_slice %arg3[%dma_wait3A_207, %dma_wait3A_208] : memref<100000x128xf32, #tpu.memory_space<hbm>> -> memref<100000x128xf32, #tpu.memory_space<hbm>>
    tpu.wait_indirect_dma semaphore(%arg9 : memref<!tpu.dma_semaphore, #tpu.memory_space<semaphore_mem>>) src(%dma_wait3A_209 : memref<100000x128xf32, #tpu.memory_space<hbm>>) dst(%dma_wait3A_204 : memref<104x128xf32, #tpu.memory_space<vmem>>)
    %dma_wait3A_210 = arith.constant 2 : i32
    %dma_wait3A_211 = arith.constant 0 : i32
    %dma_wait3A_212 = arith.constant 0 : i32
    %dma_wait3A_213 = tpu.memref_slice %arg6[%dma_wait3A_210, %dma_wait3A_211, %dma_wait3A_212] : memref<4x200x128xf32, #tpu.memory_space<vmem>> -> memref<1x200x128xf32, #tpu.memory_space<vmem>>
    %dma_wait3A_214 = tpu.memref_squeeze %dma_wait3A_213 : memref<1x200x128xf32, #tpu.memory_space<vmem>> -> memref<200x128xf32, #tpu.memory_space<vmem>>
    %dma_wait3A_215 = arith.constant 104 : i32
    %dma_wait3A_216 = arith.constant 0 : i32
    %dma_wait3A_217 = tpu.memref_slice %dma_wait3A_214[%dma_wait3A_215, %dma_wait3A_216] : memref<200x128xf32, #tpu.memory_space<vmem>> -> memref<96x128xf32, #tpu.memory_space<vmem>>
    %dma_wait3A_218 = arith.constant 0 : i32
    %dma_wait3A_219 = tpu.memref_slice %arg5[%dma_wait3A_218] : memref<6400xi32, #tpu.memory_space<vmem>> -> memref<96xi32, #tpu.memory_space<vmem>>
    %dma_wait3A_220 = arith.constant 0 : i32
    %dma_wait3A_221 = arith.constant 0 : i32
    %dma_wait3A_222 = tpu.memref_slice %arg3[%dma_wait3A_220, %dma_wait3A_221] : memref<100000x128xf32, #tpu.memory_space<hbm>> -> memref<100000x128xf32, #tpu.memory_space<hbm>>
    tpu.wait_indirect_dma semaphore(%arg9 : memref<!tpu.dma_semaphore, #tpu.memory_space<semaphore_mem>>) src(%dma_wait3A_222 : memref<100000x128xf32, #tpu.memory_space<hbm>>) dst(%dma_wait3A_217 : memref<96x128xf32, #tpu.memory_space<vmem>>)
    %add3A_223 = arith.constant 8 : i32
    %add3A_224 = arith.addi %mul3A_2, %add3A_223 : i32
    %dma_start3A_225 = arith.constant 2 : i32
    %dma_start3A_226 = arith.constant 0 : i32
    %dma_start3A_227 = arith.constant 0 : i32
    %dma_start3A_228 = tpu.memref_slice %arg6[%dma_start3A_225, %dma_start3A_226, %dma_start3A_227] : memref<4x200x128xf32, #tpu.memory_space<vmem>> -> memref<1x200x128xf32, #tpu.memory_space<vmem>>
    %dma_start3A_229 = tpu.memref_squeeze %dma_start3A_228 : memref<1x200x128xf32, #tpu.memory_space<vmem>> -> memref<200x128xf32, #tpu.memory_space<vmem>>
    %dma_start3A_230 = tpu.memref_reshape %dma_start3A_229 : memref<200x128xf32, #tpu.memory_space<vmem>> -> memref<4x50x128xf32, #tpu.memory_space<vmem>>
    %dma_start3A_231 = arith.constant 0 : i32
    %dma_start3A_232 = arith.constant 0 : i32
    %dma_start3A_233 = tpu.memref_slice %arg4[%add3A_224, %dma_start3A_231, %dma_start3A_232] : memref<4096x50x128xf32, #tpu.memory_space<hbm>> -> memref<4x50x128xf32, #tpu.memory_space<hbm>>
    %dma_start3A_234 = arith.constant 0 : i32
    %dma_start3A_235 = arith.constant 0 : i32
    %dma_start3A_236 = tpu.memref_slice %arg4[%add3A_224, %dma_start3A_234, %dma_start3A_235] : memref<4096x50x128xf32, #tpu.memory_space<hbm>> -> memref<4x50x128xf32, #tpu.memory_space<hbm>>
    %dma_start3A_237 = arith.constant 0 : i32
    %dma_start3A_238 = arith.constant 0 : i32
    %dma_start3A_239 = tpu.memref_slice %arg6[%dma_start3A_225, %dma_start3A_237, %dma_start3A_238] : memref<4x200x128xf32, #tpu.memory_space<vmem>> -> memref<1x200x128xf32, #tpu.memory_space<vmem>>
    %dma_start3A_240 = tpu.memref_squeeze %dma_start3A_239 : memref<1x200x128xf32, #tpu.memory_space<vmem>> -> memref<200x128xf32, #tpu.memory_space<vmem>>
    %dma_start3A_241 = tpu.memref_reshape %dma_start3A_240 : memref<200x128xf32, #tpu.memory_space<vmem>> -> memref<4x50x128xf32, #tpu.memory_space<vmem>>
    tpu.enqueue_dma source(%dma_start3A_241 : memref<4x50x128xf32, #tpu.memory_space<vmem>>) target(%dma_start3A_236 : memref<4x50x128xf32, #tpu.memory_space<hbm>>) target_semaphore(%arg13 : memref<!tpu.dma_semaphore, #tpu.memory_space<semaphore_mem>>)
    %dma_wait3A_242 = arith.constant 0 : i32
    %dma_wait3A_243 = arith.constant 0 : i32
    %dma_wait3A_244 = arith.constant 0 : i32
    %dma_wait3A_245 = tpu.memref_slice %arg6[%dma_wait3A_242, %dma_wait3A_243, %dma_wait3A_244] : memref<4x200x128xf32, #tpu.memory_space<vmem>> -> memref<1x200x128xf32, #tpu.memory_space<vmem>>
    %dma_wait3A_246 = tpu.memref_squeeze %dma_wait3A_245 : memref<1x200x128xf32, #tpu.memory_space<vmem>> -> memref<200x128xf32, #tpu.memory_space<vmem>>
    %dma_wait3A_247 = tpu.memref_reshape %dma_wait3A_246 : memref<200x128xf32, #tpu.memory_space<vmem>> -> memref<4x50x128xf32, #tpu.memory_space<vmem>>
    %dma_wait3A_248 = arith.constant 0 : i32
    %dma_wait3A_249 = arith.constant 0 : i32
    %dma_wait3A_250 = arith.constant 0 : i32
    %dma_wait3A_251 = tpu.memref_slice %arg4[%dma_wait3A_248, %dma_wait3A_249, %dma_wait3A_250] : memref<4096x50x128xf32, #tpu.memory_space<hbm>> -> memref<4x50x128xf32, #tpu.memory_space<hbm>>
    %dma_wait3A_252 = arith.constant 0 : i32
    %dma_wait3A_253 = arith.constant 0 : i32
    %dma_wait3A_254 = arith.constant 0 : i32
    %dma_wait3A_255 = tpu.memref_slice %arg4[%dma_wait3A_252, %dma_wait3A_253, %dma_wait3A_254] : memref<4096x50x128xf32, #tpu.memory_space<hbm>> -> memref<4x50x128xf32, #tpu.memory_space<hbm>>
    %dma_wait3A_256 = arith.constant 0 : i32
    %dma_wait3A_257 = arith.constant 0 : i32
    %dma_wait3A_258 = tpu.memref_slice %arg6[%dma_wait3A_242, %dma_wait3A_256, %dma_wait3A_257] : memref<4x200x128xf32, #tpu.memory_space<vmem>> -> memref<1x200x128xf32, #tpu.memory_space<vmem>>
    %dma_wait3A_259 = tpu.memref_squeeze %dma_wait3A_258 : memref<1x200x128xf32, #tpu.memory_space<vmem>> -> memref<200x128xf32, #tpu.memory_space<vmem>>
    %dma_wait3A_260 = tpu.memref_reshape %dma_wait3A_259 : memref<200x128xf32, #tpu.memory_space<vmem>> -> memref<4x50x128xf32, #tpu.memory_space<vmem>>
    tpu.wait_dma2 semaphore(%arg11 : memref<!tpu.dma_semaphore, #tpu.memory_space<semaphore_mem>>) src(%dma_wait3A_260 : memref<4x50x128xf32, #tpu.memory_space<vmem>>) dst(%dma_wait3A_255 : memref<4x50x128xf32, #tpu.memory_space<hbm>>)
    %dma_start3A_261 = arith.constant 0 : i32
    %dma_start3A_262 = arith.constant 0 : i32
    %dma_start3A_263 = arith.constant 0 : i32
    %dma_start3A_264 = tpu.memref_slice %arg6[%dma_start3A_261, %dma_start3A_262, %dma_start3A_263] : memref<4x200x128xf32, #tpu.memory_space<vmem>> -> memref<1x200x128xf32, #tpu.memory_space<vmem>>
    %dma_start3A_265 = tpu.memref_squeeze %dma_start3A_264 : memref<1x200x128xf32, #tpu.memory_space<vmem>> -> memref<200x128xf32, #tpu.memory_space<vmem>>
    %dma_start3A_266 = arith.constant 0 : i32
    %dma_start3A_267 = arith.constant 0 : i32
    %dma_start3A_268 = tpu.memref_slice %dma_start3A_265[%dma_start3A_266, %dma_start3A_267] : memref<200x128xf32, #tpu.memory_space<vmem>> -> memref<104x128xf32, #tpu.memory_space<vmem>>
    %dma_start3A_269 = arith.constant 800 : i32
    %dma_start3A_270 = tpu.memref_slice %arg5[%dma_start3A_269] : memref<6400xi32, #tpu.memory_space<vmem>> -> memref<104xi32, #tpu.memory_space<vmem>>
    %dma_start3A_271 = arith.constant 0 : i32
    %dma_start3A_272 = arith.constant 0 : i32
    %dma_start3A_273 = tpu.memref_slice %arg3[%dma_start3A_271, %dma_start3A_272] : memref<100000x128xf32, #tpu.memory_space<hbm>> -> memref<100000x128xf32, #tpu.memory_space<hbm>>
    tpu.enqueue_indirect_dma source(%dma_start3A_273 : memref<100000x128xf32, #tpu.memory_space<hbm>>) target(%dma_start3A_268 : memref<104x128xf32, #tpu.memory_space<vmem>>) offsets(%dma_start3A_270 : memref<104xi32, #tpu.memory_space<vmem>>) semaphore(%arg7 : memref<!tpu.dma_semaphore, #tpu.memory_space<semaphore_mem>>)
    %dma_start3A_274 = arith.constant 0 : i32
    %dma_start3A_275 = arith.constant 0 : i32
    %dma_start3A_276 = arith.constant 0 : i32
    %dma_start3A_277 = tpu.memref_slice %arg6[%dma_start3A_274, %dma_start3A_275, %dma_start3A_276] : memref<4x200x128xf32, #tpu.memory_space<vmem>> -> memref<1x200x128xf32, #tpu.memory_space<vmem>>
    %dma_start3A_278 = tpu.memref_squeeze %dma_start3A_277 : memref<1x200x128xf32, #tpu.memory_space<vmem>> -> memref<200x128xf32, #tpu.memory_space<vmem>>
    %dma_start3A_279 = arith.constant 104 : i32
    %dma_start3A_280 = arith.constant 0 : i32
    %dma_start3A_281 = tpu.memref_slice %dma_start3A_278[%dma_start3A_279, %dma_start3A_280] : memref<200x128xf32, #tpu.memory_space<vmem>> -> memref<96x128xf32, #tpu.memory_space<vmem>>
    %dma_start3A_282 = arith.constant 904 : i32
    %dma_start3A_283 = tpu.memref_slice %arg5[%dma_start3A_282] : memref<6400xi32, #tpu.memory_space<vmem>> -> memref<96xi32, #tpu.memory_space<vmem>>
    %dma_start3A_284 = arith.constant 0 : i32
    %dma_start3A_285 = arith.constant 0 : i32
    %dma_start3A_286 = tpu.memref_slice %arg3[%dma_start3A_284, %dma_start3A_285] : memref<100000x128xf32, #tpu.memory_space<hbm>> -> memref<100000x128xf32, #tpu.memory_space<hbm>>
    tpu.enqueue_indirect_dma source(%dma_start3A_286 : memref<100000x128xf32, #tpu.memory_space<hbm>>) target(%dma_start3A_281 : memref<96x128xf32, #tpu.memory_space<vmem>>) offsets(%dma_start3A_283 : memref<96xi32, #tpu.memory_space<vmem>>) semaphore(%arg7 : memref<!tpu.dma_semaphore, #tpu.memory_space<semaphore_mem>>)
    %dma_wait3A_287 = arith.constant 3 : i32
    %dma_wait3A_288 = arith.constant 0 : i32
    %dma_wait3A_289 = arith.constant 0 : i32
    %dma_wait3A_290 = tpu.memref_slice %arg6[%dma_wait3A_287, %dma_wait3A_288, %dma_wait3A_289] : memref<4x200x128xf32, #tpu.memory_space<vmem>> -> memref<1x200x128xf32, #tpu.memory_space<vmem>>
    %dma_wait3A_291 = tpu.memref_squeeze %dma_wait3A_290 : memref<1x200x128xf32, #tpu.memory_space<vmem>> -> memref<200x128xf32, #tpu.memory_space<vmem>>
    %dma_wait3A_292 = arith.constant 0 : i32
    %dma_wait3A_293 = arith.constant 0 : i32
    %dma_wait3A_294 = tpu.memref_slice %dma_wait3A_291[%dma_wait3A_292, %dma_wait3A_293] : memref<200x128xf32, #tpu.memory_space<vmem>> -> memref<104x128xf32, #tpu.memory_space<vmem>>
    %dma_wait3A_295 = arith.constant 0 : i32
    %dma_wait3A_296 = tpu.memref_slice %arg5[%dma_wait3A_295] : memref<6400xi32, #tpu.memory_space<vmem>> -> memref<104xi32, #tpu.memory_space<vmem>>
    %dma_wait3A_297 = arith.constant 0 : i32
    %dma_wait3A_298 = arith.constant 0 : i32
    %dma_wait3A_299 = tpu.memref_slice %arg3[%dma_wait3A_297, %dma_wait3A_298] : memref<100000x128xf32, #tpu.memory_space<hbm>> -> memref<100000x128xf32, #tpu.memory_space<hbm>>
    tpu.wait_indirect_dma semaphore(%arg10 : memref<!tpu.dma_semaphore, #tpu.memory_space<semaphore_mem>>) src(%dma_wait3A_299 : memref<100000x128xf32, #tpu.memory_space<hbm>>) dst(%dma_wait3A_294 : memref<104x128xf32, #tpu.memory_space<vmem>>)
    %dma_wait3A_300 = arith.constant 3 : i32
    %dma_wait3A_301 = arith.constant 0 : i32
    %dma_wait3A_302 = arith.constant 0 : i32
    %dma_wait3A_303 = tpu.memref_slice %arg6[%dma_wait3A_300, %dma_wait3A_301, %dma_wait3A_302] : memref<4x200x128xf32, #tpu.memory_space<vmem>> -> memref<1x200x128xf32, #tpu.memory_space<vmem>>
    %dma_wait3A_304 = tpu.memref_squeeze %dma_wait3A_303 : memref<1x200x128xf32, #tpu.memory_space<vmem>> -> memref<200x128xf32, #tpu.memory_space<vmem>>
    %dma_wait3A_305 = arith.constant 104 : i32
    %dma_wait3A_306 = arith.constant 0 : i32
    %dma_wait3A_307 = tpu.memref_slice %dma_wait3A_304[%dma_wait3A_305, %dma_wait3A_306] : memref<200x128xf32, #tpu.memory_space<vmem>> -> memref<96x128xf32, #tpu.memory_space<vmem>>
    %dma_wait3A_308 = arith.constant 0 : i32
    %dma_wait3A_309 = tpu.memref_slice %arg5[%dma_wait3A_308] : memref<6400xi32, #tpu.memory_space<vmem>> -> memref<96xi32, #tpu.memory_space<vmem>>
    %dma_wait3A_310 = arith.constant 0 : i32
    %dma_wait3A_311 = arith.constant 0 : i32
    %dma_wait3A_312 = tpu.memref_slice %arg3[%dma_wait3A_310, %dma_wait3A_311] : memref<100000x128xf32, #tpu.memory_space<hbm>> -> memref<100000x128xf32, #tpu.memory_space<hbm>>
    tpu.wait_indirect_dma semaphore(%arg10 : memref<!tpu.dma_semaphore, #tpu.memory_space<semaphore_mem>>) src(%dma_wait3A_312 : memref<100000x128xf32, #tpu.memory_space<hbm>>) dst(%dma_wait3A_307 : memref<96x128xf32, #tpu.memory_space<vmem>>)
    %add3A_313 = arith.constant 12 : i32
    %add3A_314 = arith.addi %mul3A_2, %add3A_313 : i32
    %dma_start3A_315 = arith.constant 3 : i32
    %dma_start3A_316 = arith.constant 0 : i32
    %dma_start3A_317 = arith.constant 0 : i32
    %dma_start3A_318 = tpu.memref_slice %arg6[%dma_start3A_315, %dma_start3A_316, %dma_start3A_317] : memref<4x200x128xf32, #tpu.memory_space<vmem>> -> memref<1x200x128xf32, #tpu.memory_space<vmem>>
    %dma_start3A_319 = tpu.memref_squeeze %dma_start3A_318 : memref<1x200x128xf32, #tpu.memory_space<vmem>> -> memref<200x128xf32, #tpu.memory_space<vmem>>
    %dma_start3A_320 = tpu.memref_reshape %dma_start3A_319 : memref<200x128xf32, #tpu.memory_space<vmem>> -> memref<4x50x128xf32, #tpu.memory_space<vmem>>
    %dma_start3A_321 = arith.constant 0 : i32
    %dma_start3A_322 = arith.constant 0 : i32
    %dma_start3A_323 = tpu.memref_slice %arg4[%add3A_314, %dma_start3A_321, %dma_start3A_322] : memref<4096x50x128xf32, #tpu.memory_space<hbm>> -> memref<4x50x128xf32, #tpu.memory_space<hbm>>
    %dma_start3A_324 = arith.constant 0 : i32
    %dma_start3A_325 = arith.constant 0 : i32
    %dma_start3A_326 = tpu.memref_slice %arg4[%add3A_314, %dma_start3A_324, %dma_start3A_325] : memref<4096x50x128xf32, #tpu.memory_space<hbm>> -> memref<4x50x128xf32, #tpu.memory_space<hbm>>
    %dma_start3A_327 = arith.constant 0 : i32
    %dma_start3A_328 = arith.constant 0 : i32
    %dma_start3A_329 = tpu.memref_slice %arg6[%dma_start3A_315, %dma_start3A_327, %dma_start3A_328] : memref<4x200x128xf32, #tpu.memory_space<vmem>> -> memref<1x200x128xf32, #tpu.memory_space<vmem>>
    %dma_start3A_330 = tpu.memref_squeeze %dma_start3A_329 : memref<1x200x128xf32, #tpu.memory_space<vmem>> -> memref<200x128xf32, #tpu.memory_space<vmem>>
    %dma_start3A_331 = tpu.memref_reshape %dma_start3A_330 : memref<200x128xf32, #tpu.memory_space<vmem>> -> memref<4x50x128xf32, #tpu.memory_space<vmem>>
    tpu.enqueue_dma source(%dma_start3A_331 : memref<4x50x128xf32, #tpu.memory_space<vmem>>) target(%dma_start3A_326 : memref<4x50x128xf32, #tpu.memory_space<hbm>>) target_semaphore(%arg14 : memref<!tpu.dma_semaphore, #tpu.memory_space<semaphore_mem>>)
    %dma_wait3A_332 = arith.constant 1 : i32
    %dma_wait3A_333 = arith.constant 0 : i32
    %dma_wait3A_334 = arith.constant 0 : i32
    %dma_wait3A_335 = tpu.memref_slice %arg6[%dma_wait3A_332, %dma_wait3A_333, %dma_wait3A_334] : memref<4x200x128xf32, #tpu.memory_space<vmem>> -> memref<1x200x128xf32, #tpu.memory_space<vmem>>
    %dma_wait3A_336 = tpu.memref_squeeze %dma_wait3A_335 : memref<1x200x128xf32, #tpu.memory_space<vmem>> -> memref<200x128xf32, #tpu.memory_space<vmem>>
    %dma_wait3A_337 = tpu.memref_reshape %dma_wait3A_336 : memref<200x128xf32, #tpu.memory_space<vmem>> -> memref<4x50x128xf32, #tpu.memory_space<vmem>>
    %dma_wait3A_338 = arith.constant 0 : i32
    %dma_wait3A_339 = arith.constant 0 : i32
    %dma_wait3A_340 = arith.constant 0 : i32
    %dma_wait3A_341 = tpu.memref_slice %arg4[%dma_wait3A_338, %dma_wait3A_339, %dma_wait3A_340] : memref<4096x50x128xf32, #tpu.memory_space<hbm>> -> memref<4x50x128xf32, #tpu.memory_space<hbm>>
    %dma_wait3A_342 = arith.constant 0 : i32
    %dma_wait3A_343 = arith.constant 0 : i32
    %dma_wait3A_344 = arith.constant 0 : i32
    %dma_wait3A_345 = tpu.memref_slice %arg4[%dma_wait3A_342, %dma_wait3A_343, %dma_wait3A_344] : memref<4096x50x128xf32, #tpu.memory_space<hbm>> -> memref<4x50x128xf32, #tpu.memory_space<hbm>>
    %dma_wait3A_346 = arith.constant 0 : i32
    %dma_wait3A_347 = arith.constant 0 : i32
    %dma_wait3A_348 = tpu.memref_slice %arg6[%dma_wait3A_332, %dma_wait3A_346, %dma_wait3A_347] : memref<4x200x128xf32, #tpu.memory_space<vmem>> -> memref<1x200x128xf32, #tpu.memory_space<vmem>>
    %dma_wait3A_349 = tpu.memref_squeeze %dma_wait3A_348 : memref<1x200x128xf32, #tpu.memory_space<vmem>> -> memref<200x128xf32, #tpu.memory_space<vmem>>
    %dma_wait3A_350 = tpu.memref_reshape %dma_wait3A_349 : memref<200x128xf32, #tpu.memory_space<vmem>> -> memref<4x50x128xf32, #tpu.memory_space<vmem>>
    tpu.wait_dma2 semaphore(%arg12 : memref<!tpu.dma_semaphore, #tpu.memory_space<semaphore_mem>>) src(%dma_wait3A_350 : memref<4x50x128xf32, #tpu.memory_space<vmem>>) dst(%dma_wait3A_345 : memref<4x50x128xf32, #tpu.memory_space<hbm>>)
    %dma_start3A_351 = arith.constant 1 : i32
    %dma_start3A_352 = arith.constant 0 : i32
    %dma_start3A_353 = arith.constant 0 : i32
    %dma_start3A_354 = tpu.memref_slice %arg6[%dma_start3A_351, %dma_start3A_352, %dma_start3A_353] : memref<4x200x128xf32, #tpu.memory_space<vmem>> -> memref<1x200x128xf32, #tpu.memory_space<vmem>>
    %dma_start3A_355 = tpu.memref_squeeze %dma_start3A_354 : memref<1x200x128xf32, #tpu.memory_space<vmem>> -> memref<200x128xf32, #tpu.memory_space<vmem>>
    %dma_start3A_356 = arith.constant 0 : i32
    %dma_start3A_357 = arith.constant 0 : i32
    %dma_start3A_358 = tpu.memref_slice %dma_start3A_355[%dma_start3A_356, %dma_start3A_357] : memref<200x128xf32, #tpu.memory_space<vmem>> -> memref<104x128xf32, #tpu.memory_space<vmem>>
    %dma_start3A_359 = arith.constant 1000 : i32
    %dma_start3A_360 = tpu.memref_slice %arg5[%dma_start3A_359] : memref<6400xi32, #tpu.memory_space<vmem>> -> memref<104xi32, #tpu.memory_space<vmem>>
    %dma_start3A_361 = arith.constant 0 : i32
    %dma_start3A_362 = arith.constant 0 : i32
    %dma_start3A_363 = tpu.memref_slice %arg3[%dma_start3A_361, %dma_start3A_362] : memref<100000x128xf32, #tpu.memory_space<hbm>> -> memref<100000x128xf32, #tpu.memory_space<hbm>>
    tpu.enqueue_indirect_dma source(%dma_start3A_363 : memref<100000x128xf32, #tpu.memory_space<hbm>>) target(%dma_start3A_358 : memref<104x128xf32, #tpu.memory_space<vmem>>) offsets(%dma_start3A_360 : memref<104xi32, #tpu.memory_space<vmem>>) semaphore(%arg8 : memref<!tpu.dma_semaphore, #tpu.memory_space<semaphore_mem>>)
    %dma_start3A_364 = arith.constant 1 : i32
    %dma_start3A_365 = arith.constant 0 : i32
    %dma_start3A_366 = arith.constant 0 : i32
    %dma_start3A_367 = tpu.memref_slice %arg6[%dma_start3A_364, %dma_start3A_365, %dma_start3A_366] : memref<4x200x128xf32, #tpu.memory_space<vmem>> -> memref<1x200x128xf32, #tpu.memory_space<vmem>>
    %dma_start3A_368 = tpu.memref_squeeze %dma_start3A_367 : memref<1x200x128xf32, #tpu.memory_space<vmem>> -> memref<200x128xf32, #tpu.memory_space<vmem>>
    %dma_start3A_369 = arith.constant 104 : i32
    %dma_start3A_370 = arith.constant 0 : i32
    %dma_start3A_371 = tpu.memref_slice %dma_start3A_368[%dma_start3A_369, %dma_start3A_370] : memref<200x128xf32, #tpu.memory_space<vmem>> -> memref<96x128xf32, #tpu.memory_space<vmem>>
    %dma_start3A_372 = arith.constant 1104 : i32
    %dma_start3A_373 = tpu.memref_slice %arg5[%dma_start3A_372] : memref<6400xi32, #tpu.memory_space<vmem>> -> memref<96xi32, #tpu.memory_space<vmem>>
    %dma_start3A_374 = arith.constant 0 : i32
    %dma_start3A_375 = arith.constant 0 : i32
    %dma_start3A_376 = tpu.memref_slice %arg3[%dma_start3A_374, %dma_start3A_375] : memref<100000x128xf32, #tpu.memory_space<hbm>> -> memref<100000x128xf32, #tpu.memory_space<hbm>>
    tpu.enqueue_indirect_dma source(%dma_start3A_376 : memref<100000x128xf32, #tpu.memory_space<hbm>>) target(%dma_start3A_371 : memref<96x128xf32, #tpu.memory_space<vmem>>) offsets(%dma_start3A_373 : memref<96xi32, #tpu.memory_space<vmem>>) semaphore(%arg8 : memref<!tpu.dma_semaphore, #tpu.memory_space<semaphore_mem>>)
    %dma_wait3A_377 = arith.constant 0 : i32
    %dma_wait3A_378 = arith.constant 0 : i32
    %dma_wait3A_379 = arith.constant 0 : i32
    %dma_wait3A_380 = tpu.memref_slice %arg6[%dma_wait3A_377, %dma_wait3A_378, %dma_wait3A_379] : memref<4x200x128xf32, #tpu.memory_space<vmem>> -> memref<1x200x128xf32, #tpu.memory_space<vmem>>
    %dma_wait3A_381 = tpu.memref_squeeze %dma_wait3A_380 : memref<1x200x128xf32, #tpu.memory_space<vmem>> -> memref<200x128xf32, #tpu.memory_space<vmem>>
    %dma_wait3A_382 = arith.constant 0 : i32
    %dma_wait3A_383 = arith.constant 0 : i32
    %dma_wait3A_384 = tpu.memref_slice %dma_wait3A_381[%dma_wait3A_382, %dma_wait3A_383] : memref<200x128xf32, #tpu.memory_space<vmem>> -> memref<104x128xf32, #tpu.memory_space<vmem>>
    %dma_wait3A_385 = arith.constant 0 : i32
    %dma_wait3A_386 = tpu.memref_slice %arg5[%dma_wait3A_385] : memref<6400xi32, #tpu.memory_space<vmem>> -> memref<104xi32, #tpu.memory_space<vmem>>
    %dma_wait3A_387 = arith.constant 0 : i32
    %dma_wait3A_388 = arith.constant 0 : i32
    %dma_wait3A_389 = tpu.memref_slice %arg3[%dma_wait3A_387, %dma_wait3A_388] : memref<100000x128xf32, #tpu.memory_space<hbm>> -> memref<100000x128xf32, #tpu.memory_space<hbm>>
    tpu.wait_indirect_dma semaphore(%arg7 : memref<!tpu.dma_semaphore, #tpu.memory_space<semaphore_mem>>) src(%dma_wait3A_389 : memref<100000x128xf32, #tpu.memory_space<hbm>>) dst(%dma_wait3A_384 : memref<104x128xf32, #tpu.memory_space<vmem>>)
    %dma_wait3A_390 = arith.constant 0 : i32
    %dma_wait3A_391 = arith.constant 0 : i32
    %dma_wait3A_392 = arith.constant 0 : i32
    %dma_wait3A_393 = tpu.memref_slice %arg6[%dma_wait3A_390, %dma_wait3A_391, %dma_wait3A_392] : memref<4x200x128xf32, #tpu.memory_space<vmem>> -> memref<1x200x128xf32, #tpu.memory_space<vmem>>
    %dma_wait3A_394 = tpu.memref_squeeze %dma_wait3A_393 : memref<1x200x128xf32, #tpu.memory_space<vmem>> -> memref<200x128xf32, #tpu.memory_space<vmem>>
    %dma_wait3A_395 = arith.constant 104 : i32
    %dma_wait3A_396 = arith.constant 0 : i32
    %dma_wait3A_397 = tpu.memref_slice %dma_wait3A_394[%dma_wait3A_395, %dma_wait3A_396] : memref<200x128xf32, #tpu.memory_space<vmem>> -> memref<96x128xf32, #tpu.memory_space<vmem>>
    %dma_wait3A_398 = arith.constant 0 : i32
    %dma_wait3A_399 = tpu.memref_slice %arg5[%dma_wait3A_398] : memref<6400xi32, #tpu.memory_space<vmem>> -> memref<96xi32, #tpu.memory_space<vmem>>
    %dma_wait3A_400 = arith.constant 0 : i32
    %dma_wait3A_401 = arith.constant 0 : i32
    %dma_wait3A_402 = tpu.memref_slice %arg3[%dma_wait3A_400, %dma_wait3A_401] : memref<100000x128xf32, #tpu.memory_space<hbm>> -> memref<100000x128xf32, #tpu.memory_space<hbm>>
    tpu.wait_indirect_dma semaphore(%arg7 : memref<!tpu.dma_semaphore, #tpu.memory_space<semaphore_mem>>) src(%dma_wait3A_402 : memref<100000x128xf32, #tpu.memory_space<hbm>>) dst(%dma_wait3A_397 : memref<96x128xf32, #tpu.memory_space<vmem>>)
    %add3A_403 = arith.constant 16 : i32
    %add3A_404 = arith.addi %mul3A_2, %add3A_403 : i32
    %dma_start3A_405 = arith.constant 0 : i32
    %dma_start3A_406 = arith.constant 0 : i32
    %dma_start3A_407 = arith.constant 0 : i32
    %dma_start3A_408 = tpu.memref_slice %arg6[%dma_start3A_405, %dma_start3A_406, %dma_start3A_407] : memref<4x200x128xf32, #tpu.memory_space<vmem>> -> memref<1x200x128xf32, #tpu.memory_space<vmem>>
    %dma_start3A_409 = tpu.memref_squeeze %dma_start3A_408 : memref<1x200x128xf32, #tpu.memory_space<vmem>> -> memref<200x128xf32, #tpu.memory_space<vmem>>
    %dma_start3A_410 = tpu.memref_reshape %dma_start3A_409 : memref<200x128xf32, #tpu.memory_space<vmem>> -> memref<4x50x128xf32, #tpu.memory_space<vmem>>
    %dma_start3A_411 = arith.constant 0 : i32
    %dma_start3A_412 = arith.constant 0 : i32
    %dma_start3A_413 = tpu.memref_slice %arg4[%add3A_404, %dma_start3A_411, %dma_start3A_412] : memref<4096x50x128xf32, #tpu.memory_space<hbm>> -> memref<4x50x128xf32, #tpu.memory_space<hbm>>
    %dma_start3A_414 = arith.constant 0 : i32
    %dma_start3A_415 = arith.constant 0 : i32
    %dma_start3A_416 = tpu.memref_slice %arg4[%add3A_404, %dma_start3A_414, %dma_start3A_415] : memref<4096x50x128xf32, #tpu.memory_space<hbm>> -> memref<4x50x128xf32, #tpu.memory_space<hbm>>
    %dma_start3A_417 = arith.constant 0 : i32
    %dma_start3A_418 = arith.constant 0 : i32
    %dma_start3A_419 = tpu.memref_slice %arg6[%dma_start3A_405, %dma_start3A_417, %dma_start3A_418] : memref<4x200x128xf32, #tpu.memory_space<vmem>> -> memref<1x200x128xf32, #tpu.memory_space<vmem>>
    %dma_start3A_420 = tpu.memref_squeeze %dma_start3A_419 : memref<1x200x128xf32, #tpu.memory_space<vmem>> -> memref<200x128xf32, #tpu.memory_space<vmem>>
    %dma_start3A_421 = tpu.memref_reshape %dma_start3A_420 : memref<200x128xf32, #tpu.memory_space<vmem>> -> memref<4x50x128xf32, #tpu.memory_space<vmem>>
    tpu.enqueue_dma source(%dma_start3A_421 : memref<4x50x128xf32, #tpu.memory_space<vmem>>) target(%dma_start3A_416 : memref<4x50x128xf32, #tpu.memory_space<hbm>>) target_semaphore(%arg11 : memref<!tpu.dma_semaphore, #tpu.memory_space<semaphore_mem>>)
    %dma_wait3A_422 = arith.constant 2 : i32
    %dma_wait3A_423 = arith.constant 0 : i32
    %dma_wait3A_424 = arith.constant 0 : i32
    %dma_wait3A_425 = tpu.memref_slice %arg6[%dma_wait3A_422, %dma_wait3A_423, %dma_wait3A_424] : memref<4x200x128xf32, #tpu.memory_space<vmem>> -> memref<1x200x128xf32, #tpu.memory_space<vmem>>
    %dma_wait3A_426 = tpu.memref_squeeze %dma_wait3A_425 : memref<1x200x128xf32, #tpu.memory_space<vmem>> -> memref<200x128xf32, #tpu.memory_space<vmem>>
    %dma_wait3A_427 = tpu.memref_reshape %dma_wait3A_426 : memref<200x128xf32, #tpu.memory_space<vmem>> -> memref<4x50x128xf32, #tpu.memory_space<vmem>>
    %dma_wait3A_428 = arith.constant 0 : i32
    %dma_wait3A_429 = arith.constant 0 : i32
    %dma_wait3A_430 = arith.constant 0 : i32
    %dma_wait3A_431 = tpu.memref_slice %arg4[%dma_wait3A_428, %dma_wait3A_429, %dma_wait3A_430] : memref<4096x50x128xf32, #tpu.memory_space<hbm>> -> memref<4x50x128xf32, #tpu.memory_space<hbm>>
    %dma_wait3A_432 = arith.constant 0 : i32
    %dma_wait3A_433 = arith.constant 0 : i32
    %dma_wait3A_434 = arith.constant 0 : i32
    %dma_wait3A_435 = tpu.memref_slice %arg4[%dma_wait3A_432, %dma_wait3A_433, %dma_wait3A_434] : memref<4096x50x128xf32, #tpu.memory_space<hbm>> -> memref<4x50x128xf32, #tpu.memory_space<hbm>>
    %dma_wait3A_436 = arith.constant 0 : i32
    %dma_wait3A_437 = arith.constant 0 : i32
    %dma_wait3A_438 = tpu.memref_slice %arg6[%dma_wait3A_422, %dma_wait3A_436, %dma_wait3A_437] : memref<4x200x128xf32, #tpu.memory_space<vmem>> -> memref<1x200x128xf32, #tpu.memory_space<vmem>>
    %dma_wait3A_439 = tpu.memref_squeeze %dma_wait3A_438 : memref<1x200x128xf32, #tpu.memory_space<vmem>> -> memref<200x128xf32, #tpu.memory_space<vmem>>
    %dma_wait3A_440 = tpu.memref_reshape %dma_wait3A_439 : memref<200x128xf32, #tpu.memory_space<vmem>> -> memref<4x50x128xf32, #tpu.memory_space<vmem>>
    tpu.wait_dma2 semaphore(%arg13 : memref<!tpu.dma_semaphore, #tpu.memory_space<semaphore_mem>>) src(%dma_wait3A_440 : memref<4x50x128xf32, #tpu.memory_space<vmem>>) dst(%dma_wait3A_435 : memref<4x50x128xf32, #tpu.memory_space<hbm>>)
    %dma_start3A_441 = arith.constant 2 : i32
    %dma_start3A_442 = arith.constant 0 : i32
    %dma_start3A_443 = arith.constant 0 : i32
    %dma_start3A_444 = tpu.memref_slice %arg6[%dma_start3A_441, %dma_start3A_442, %dma_start3A_443] : memref<4x200x128xf32, #tpu.memory_space<vmem>> -> memref<1x200x128xf32, #tpu.memory_space<vmem>>
    %dma_start3A_445 = tpu.memref_squeeze %dma_start3A_444 : memref<1x200x128xf32, #tpu.memory_space<vmem>> -> memref<200x128xf32, #tpu.memory_space<vmem>>
    %dma_start3A_446 = arith.constant 0 : i32
    %dma_start3A_447 = arith.constant 0 : i32
    %dma_start3A_448 = tpu.memref_slice %dma_start3A_445[%dma_start3A_446, %dma_start3A_447] : memref<200x128xf32, #tpu.memory_space<vmem>> -> memref<104x128xf32, #tpu.memory_space<vmem>>
    %dma_start3A_449 = arith.constant 1200 : i32
    %dma_start3A_450 = tpu.memref_slice %arg5[%dma_start3A_449] : memref<6400xi32, #tpu.memory_space<vmem>> -> memref<104xi32, #tpu.memory_space<vmem>>
    %dma_start3A_451 = arith.constant 0 : i32
    %dma_start3A_452 = arith.constant 0 : i32
    %dma_start3A_453 = tpu.memref_slice %arg3[%dma_start3A_451, %dma_start3A_452] : memref<100000x128xf32, #tpu.memory_space<hbm>> -> memref<100000x128xf32, #tpu.memory_space<hbm>>
    tpu.enqueue_indirect_dma source(%dma_start3A_453 : memref<100000x128xf32, #tpu.memory_space<hbm>>) target(%dma_start3A_448 : memref<104x128xf32, #tpu.memory_space<vmem>>) offsets(%dma_start3A_450 : memref<104xi32, #tpu.memory_space<vmem>>) semaphore(%arg9 : memref<!tpu.dma_semaphore, #tpu.memory_space<semaphore_mem>>)
    %dma_start3A_454 = arith.constant 2 : i32
    %dma_start3A_455 = arith.constant 0 : i32
    %dma_start3A_456 = arith.constant 0 : i32
    %dma_start3A_457 = tpu.memref_slice %arg6[%dma_start3A_454, %dma_start3A_455, %dma_start3A_456] : memref<4x200x128xf32, #tpu.memory_space<vmem>> -> memref<1x200x128xf32, #tpu.memory_space<vmem>>
    %dma_start3A_458 = tpu.memref_squeeze %dma_start3A_457 : memref<1x200x128xf32, #tpu.memory_space<vmem>> -> memref<200x128xf32, #tpu.memory_space<vmem>>
    %dma_start3A_459 = arith.constant 104 : i32
    %dma_start3A_460 = arith.constant 0 : i32
    %dma_start3A_461 = tpu.memref_slice %dma_start3A_458[%dma_start3A_459, %dma_start3A_460] : memref<200x128xf32, #tpu.memory_space<vmem>> -> memref<96x128xf32, #tpu.memory_space<vmem>>
    %dma_start3A_462 = arith.constant 1304 : i32
    %dma_start3A_463 = tpu.memref_slice %arg5[%dma_start3A_462] : memref<6400xi32, #tpu.memory_space<vmem>> -> memref<96xi32, #tpu.memory_space<vmem>>
    %dma_start3A_464 = arith.constant 0 : i32
    %dma_start3A_465 = arith.constant 0 : i32
    %dma_start3A_466 = tpu.memref_slice %arg3[%dma_start3A_464, %dma_start3A_465] : memref<100000x128xf32, #tpu.memory_space<hbm>> -> memref<100000x128xf32, #tpu.memory_space<hbm>>
    tpu.enqueue_indirect_dma source(%dma_start3A_466 : memref<100000x128xf32, #tpu.memory_space<hbm>>) target(%dma_start3A_461 : memref<96x128xf32, #tpu.memory_space<vmem>>) offsets(%dma_start3A_463 : memref<96xi32, #tpu.memory_space<vmem>>) semaphore(%arg9 : memref<!tpu.dma_semaphore, #tpu.memory_space<semaphore_mem>>)
    %dma_wait3A_467 = arith.constant 1 : i32
    %dma_wait3A_468 = arith.constant 0 : i32
    %dma_wait3A_469 = arith.constant 0 : i32
    %dma_wait3A_470 = tpu.memref_slice %arg6[%dma_wait3A_467, %dma_wait3A_468, %dma_wait3A_469] : memref<4x200x128xf32, #tpu.memory_space<vmem>> -> memref<1x200x128xf32, #tpu.memory_space<vmem>>
    %dma_wait3A_471 = tpu.memref_squeeze %dma_wait3A_470 : memref<1x200x128xf32, #tpu.memory_space<vmem>> -> memref<200x128xf32, #tpu.memory_space<vmem>>
    %dma_wait3A_472 = arith.constant 0 : i32
    %dma_wait3A_473 = arith.constant 0 : i32
    %dma_wait3A_474 = tpu.memref_slice %dma_wait3A_471[%dma_wait3A_472, %dma_wait3A_473] : memref<200x128xf32, #tpu.memory_space<vmem>> -> memref<104x128xf32, #tpu.memory_space<vmem>>
    %dma_wait3A_475 = arith.constant 0 : i32
    %dma_wait3A_476 = tpu.memref_slice %arg5[%dma_wait3A_475] : memref<6400xi32, #tpu.memory_space<vmem>> -> memref<104xi32, #tpu.memory_space<vmem>>
    %dma_wait3A_477 = arith.constant 0 : i32
    %dma_wait3A_478 = arith.constant 0 : i32
    %dma_wait3A_479 = tpu.memref_slice %arg3[%dma_wait3A_477, %dma_wait3A_478] : memref<100000x128xf32, #tpu.memory_space<hbm>> -> memref<100000x128xf32, #tpu.memory_space<hbm>>
    tpu.wait_indirect_dma semaphore(%arg8 : memref<!tpu.dma_semaphore, #tpu.memory_space<semaphore_mem>>) src(%dma_wait3A_479 : memref<100000x128xf32, #tpu.memory_space<hbm>>) dst(%dma_wait3A_474 : memref<104x128xf32, #tpu.memory_space<vmem>>)
    %dma_wait3A_480 = arith.constant 1 : i32
    %dma_wait3A_481 = arith.constant 0 : i32
    %dma_wait3A_482 = arith.constant 0 : i32
    %dma_wait3A_483 = tpu.memref_slice %arg6[%dma_wait3A_480, %dma_wait3A_481, %dma_wait3A_482] : memref<4x200x128xf32, #tpu.memory_space<vmem>> -> memref<1x200x128xf32, #tpu.memory_space<vmem>>
    %dma_wait3A_484 = tpu.memref_squeeze %dma_wait3A_483 : memref<1x200x128xf32, #tpu.memory_space<vmem>> -> memref<200x128xf32, #tpu.memory_space<vmem>>
    %dma_wait3A_485 = arith.constant 104 : i32
    %dma_wait3A_486 = arith.constant 0 : i32
    %dma_wait3A_487 = tpu.memref_slice %dma_wait3A_484[%dma_wait3A_485, %dma_wait3A_486] : memref<200x128xf32, #tpu.memory_space<vmem>> -> memref<96x128xf32, #tpu.memory_space<vmem>>
    %dma_wait3A_488 = arith.constant 0 : i32
    %dma_wait3A_489 = tpu.memref_slice %arg5[%dma_wait3A_488] : memref<6400xi32, #tpu.memory_space<vmem>> -> memref<96xi32, #tpu.memory_space<vmem>>
    %dma_wait3A_490 = arith.constant 0 : i32
    %dma_wait3A_491 = arith.constant 0 : i32
    %dma_wait3A_492 = tpu.memref_slice %arg3[%dma_wait3A_490, %dma_wait3A_491] : memref<100000x128xf32, #tpu.memory_space<hbm>> -> memref<100000x128xf32, #tpu.memory_space<hbm>>
    tpu.wait_indirect_dma semaphore(%arg8 : memref<!tpu.dma_semaphore, #tpu.memory_space<semaphore_mem>>) src(%dma_wait3A_492 : memref<100000x128xf32, #tpu.memory_space<hbm>>) dst(%dma_wait3A_487 : memref<96x128xf32, #tpu.memory_space<vmem>>)
    %add3A_493 = arith.constant 20 : i32
    %add3A_494 = arith.addi %mul3A_2, %add3A_493 : i32
    %dma_start3A_495 = arith.constant 1 : i32
    %dma_start3A_496 = arith.constant 0 : i32
    %dma_start3A_497 = arith.constant 0 : i32
    %dma_start3A_498 = tpu.memref_slice %arg6[%dma_start3A_495, %dma_start3A_496, %dma_start3A_497] : memref<4x200x128xf32, #tpu.memory_space<vmem>> -> memref<1x200x128xf32, #tpu.memory_space<vmem>>
    %dma_start3A_499 = tpu.memref_squeeze %dma_start3A_498 : memref<1x200x128xf32, #tpu.memory_space<vmem>> -> memref<200x128xf32, #tpu.memory_space<vmem>>
    %dma_start3A_500 = tpu.memref_reshape %dma_start3A_499 : memref<200x128xf32, #tpu.memory_space<vmem>> -> memref<4x50x128xf32, #tpu.memory_space<vmem>>
    %dma_start3A_501 = arith.constant 0 : i32
    %dma_start3A_502 = arith.constant 0 : i32
    %dma_start3A_503 = tpu.memref_slice %arg4[%add3A_494, %dma_start3A_501, %dma_start3A_502] : memref<4096x50x128xf32, #tpu.memory_space<hbm>> -> memref<4x50x128xf32, #tpu.memory_space<hbm>>
    %dma_start3A_504 = arith.constant 0 : i32
    %dma_start3A_505 = arith.constant 0 : i32
    %dma_start3A_506 = tpu.memref_slice %arg4[%add3A_494, %dma_start3A_504, %dma_start3A_505] : memref<4096x50x128xf32, #tpu.memory_space<hbm>> -> memref<4x50x128xf32, #tpu.memory_space<hbm>>
    %dma_start3A_507 = arith.constant 0 : i32
    %dma_start3A_508 = arith.constant 0 : i32
    %dma_start3A_509 = tpu.memref_slice %arg6[%dma_start3A_495, %dma_start3A_507, %dma_start3A_508] : memref<4x200x128xf32, #tpu.memory_space<vmem>> -> memref<1x200x128xf32, #tpu.memory_space<vmem>>
    %dma_start3A_510 = tpu.memref_squeeze %dma_start3A_509 : memref<1x200x128xf32, #tpu.memory_space<vmem>> -> memref<200x128xf32, #tpu.memory_space<vmem>>
    %dma_start3A_511 = tpu.memref_reshape %dma_start3A_510 : memref<200x128xf32, #tpu.memory_space<vmem>> -> memref<4x50x128xf32, #tpu.memory_space<vmem>>
    tpu.enqueue_dma source(%dma_start3A_511 : memref<4x50x128xf32, #tpu.memory_space<vmem>>) target(%dma_start3A_506 : memref<4x50x128xf32, #tpu.memory_space<hbm>>) target_semaphore(%arg12 : memref<!tpu.dma_semaphore, #tpu.memory_space<semaphore_mem>>)
    %dma_wait3A_512 = arith.constant 3 : i32
    %dma_wait3A_513 = arith.constant 0 : i32
    %dma_wait3A_514 = arith.constant 0 : i32
    %dma_wait3A_515 = tpu.memref_slice %arg6[%dma_wait3A_512, %dma_wait3A_513, %dma_wait3A_514] : memref<4x200x128xf32, #tpu.memory_space<vmem>> -> memref<1x200x128xf32, #tpu.memory_space<vmem>>
    %dma_wait3A_516 = tpu.memref_squeeze %dma_wait3A_515 : memref<1x200x128xf32, #tpu.memory_space<vmem>> -> memref<200x128xf32, #tpu.memory_space<vmem>>
    %dma_wait3A_517 = tpu.memref_reshape %dma_wait3A_516 : memref<200x128xf32, #tpu.memory_space<vmem>> -> memref<4x50x128xf32, #tpu.memory_space<vmem>>
    %dma_wait3A_518 = arith.constant 0 : i32
    %dma_wait3A_519 = arith.constant 0 : i32
    %dma_wait3A_520 = arith.constant 0 : i32
    %dma_wait3A_521 = tpu.memref_slice %arg4[%dma_wait3A_518, %dma_wait3A_519, %dma_wait3A_520] : memref<4096x50x128xf32, #tpu.memory_space<hbm>> -> memref<4x50x128xf32, #tpu.memory_space<hbm>>
    %dma_wait3A_522 = arith.constant 0 : i32
    %dma_wait3A_523 = arith.constant 0 : i32
    %dma_wait3A_524 = arith.constant 0 : i32
    %dma_wait3A_525 = tpu.memref_slice %arg4[%dma_wait3A_522, %dma_wait3A_523, %dma_wait3A_524] : memref<4096x50x128xf32, #tpu.memory_space<hbm>> -> memref<4x50x128xf32, #tpu.memory_space<hbm>>
    %dma_wait3A_526 = arith.constant 0 : i32
    %dma_wait3A_527 = arith.constant 0 : i32
    %dma_wait3A_528 = tpu.memref_slice %arg6[%dma_wait3A_512, %dma_wait3A_526, %dma_wait3A_527] : memref<4x200x128xf32, #tpu.memory_space<vmem>> -> memref<1x200x128xf32, #tpu.memory_space<vmem>>
    %dma_wait3A_529 = tpu.memref_squeeze %dma_wait3A_528 : memref<1x200x128xf32, #tpu.memory_space<vmem>> -> memref<200x128xf32, #tpu.memory_space<vmem>>
    %dma_wait3A_530 = tpu.memref_reshape %dma_wait3A_529 : memref<200x128xf32, #tpu.memory_space<vmem>> -> memref<4x50x128xf32, #tpu.memory_space<vmem>>
    tpu.wait_dma2 semaphore(%arg14 : memref<!tpu.dma_semaphore, #tpu.memory_space<semaphore_mem>>) src(%dma_wait3A_530 : memref<4x50x128xf32, #tpu.memory_space<vmem>>) dst(%dma_wait3A_525 : memref<4x50x128xf32, #tpu.memory_space<hbm>>)
    %dma_start3A_531 = arith.constant 3 : i32
    %dma_start3A_532 = arith.constant 0 : i32
    %dma_start3A_533 = arith.constant 0 : i32
    %dma_start3A_534 = tpu.memref_slice %arg6[%dma_start3A_531, %dma_start3A_532, %dma_start3A_533] : memref<4x200x128xf32, #tpu.memory_space<vmem>> -> memref<1x200x128xf32, #tpu.memory_space<vmem>>
    %dma_start3A_535 = tpu.memref_squeeze %dma_start3A_534 : memref<1x200x128xf32, #tpu.memory_space<vmem>> -> memref<200x128xf32, #tpu.memory_space<vmem>>
    %dma_start3A_536 = arith.constant 0 : i32
    %dma_start3A_537 = arith.constant 0 : i32
    %dma_start3A_538 = tpu.memref_slice %dma_start3A_535[%dma_start3A_536, %dma_start3A_537] : memref<200x128xf32, #tpu.memory_space<vmem>> -> memref<104x128xf32, #tpu.memory_space<vmem>>
    %dma_start3A_539 = arith.constant 1400 : i32
    %dma_start3A_540 = tpu.memref_slice %arg5[%dma_start3A_539] : memref<6400xi32, #tpu.memory_space<vmem>> -> memref<104xi32, #tpu.memory_space<vmem>>
    %dma_start3A_541 = arith.constant 0 : i32
    %dma_start3A_542 = arith.constant 0 : i32
    %dma_start3A_543 = tpu.memref_slice %arg3[%dma_start3A_541, %dma_start3A_542] : memref<100000x128xf32, #tpu.memory_space<hbm>> -> memref<100000x128xf32, #tpu.memory_space<hbm>>
    tpu.enqueue_indirect_dma source(%dma_start3A_543 : memref<100000x128xf32, #tpu.memory_space<hbm>>) target(%dma_start3A_538 : memref<104x128xf32, #tpu.memory_space<vmem>>) offsets(%dma_start3A_540 : memref<104xi32, #tpu.memory_space<vmem>>) semaphore(%arg10 : memref<!tpu.dma_semaphore, #tpu.memory_space<semaphore_mem>>)
    %dma_start3A_544 = arith.constant 3 : i32
    %dma_start3A_545 = arith.constant 0 : i32
    %dma_start3A_546 = arith.constant 0 : i32
    %dma_start3A_547 = tpu.memref_slice %arg6[%dma_start3A_544, %dma_start3A_545, %dma_start3A_546] : memref<4x200x128xf32, #tpu.memory_space<vmem>> -> memref<1x200x128xf32, #tpu.memory_space<vmem>>
    %dma_start3A_548 = tpu.memref_squeeze %dma_start3A_547 : memref<1x200x128xf32, #tpu.memory_space<vmem>> -> memref<200x128xf32, #tpu.memory_space<vmem>>
    %dma_start3A_549 = arith.constant 104 : i32
    %dma_start3A_550 = arith.constant 0 : i32
    %dma_start3A_551 = tpu.memref_slice %dma_start3A_548[%dma_start3A_549, %dma_start3A_550] : memref<200x128xf32, #tpu.memory_space<vmem>> -> memref<96x128xf32, #tpu.memory_space<vmem>>
    %dma_start3A_552 = arith.constant 1504 : i32
    %dma_start3A_553 = tpu.memref_slice %arg5[%dma_start3A_552] : memref<6400xi32, #tpu.memory_space<vmem>> -> memref<96xi32, #tpu.memory_space<vmem>>
    %dma_start3A_554 = arith.constant 0 : i32
    %dma_start3A_555 = arith.constant 0 : i32
    %dma_start3A_556 = tpu.memref_slice %arg3[%dma_start3A_554, %dma_start3A_555] : memref<100000x128xf32, #tpu.memory_space<hbm>> -> memref<100000x128xf32, #tpu.memory_space<hbm>>
    tpu.enqueue_indirect_dma source(%dma_start3A_556 : memref<100000x128xf32, #tpu.memory_space<hbm>>) target(%dma_start3A_551 : memref<96x128xf32, #tpu.memory_space<vmem>>) offsets(%dma_start3A_553 : memref<96xi32, #tpu.memory_space<vmem>>) semaphore(%arg10 : memref<!tpu.dma_semaphore, #tpu.memory_space<semaphore_mem>>)
    %dma_wait3A_557 = arith.constant 2 : i32
    %dma_wait3A_558 = arith.constant 0 : i32
    %dma_wait3A_559 = arith.constant 0 : i32
    %dma_wait3A_560 = tpu.memref_slice %arg6[%dma_wait3A_557, %dma_wait3A_558, %dma_wait3A_559] : memref<4x200x128xf32, #tpu.memory_space<vmem>> -> memref<1x200x128xf32, #tpu.memory_space<vmem>>
    %dma_wait3A_561 = tpu.memref_squeeze %dma_wait3A_560 : memref<1x200x128xf32, #tpu.memory_space<vmem>> -> memref<200x128xf32, #tpu.memory_space<vmem>>
    %dma_wait3A_562 = arith.constant 0 : i32
    %dma_wait3A_563 = arith.constant 0 : i32
    %dma_wait3A_564 = tpu.memref_slice %dma_wait3A_561[%dma_wait3A_562, %dma_wait3A_563] : memref<200x128xf32, #tpu.memory_space<vmem>> -> memref<104x128xf32, #tpu.memory_space<vmem>>
    %dma_wait3A_565 = arith.constant 0 : i32
    %dma_wait3A_566 = tpu.memref_slice %arg5[%dma_wait3A_565] : memref<6400xi32, #tpu.memory_space<vmem>> -> memref<104xi32, #tpu.memory_space<vmem>>
    %dma_wait3A_567 = arith.constant 0 : i32
    %dma_wait3A_568 = arith.constant 0 : i32
    %dma_wait3A_569 = tpu.memref_slice %arg3[%dma_wait3A_567, %dma_wait3A_568] : memref<100000x128xf32, #tpu.memory_space<hbm>> -> memref<100000x128xf32, #tpu.memory_space<hbm>>
    tpu.wait_indirect_dma semaphore(%arg9 : memref<!tpu.dma_semaphore, #tpu.memory_space<semaphore_mem>>) src(%dma_wait3A_569 : memref<100000x128xf32, #tpu.memory_space<hbm>>) dst(%dma_wait3A_564 : memref<104x128xf32, #tpu.memory_space<vmem>>)
    %dma_wait3A_570 = arith.constant 2 : i32
    %dma_wait3A_571 = arith.constant 0 : i32
    %dma_wait3A_572 = arith.constant 0 : i32
    %dma_wait3A_573 = tpu.memref_slice %arg6[%dma_wait3A_570, %dma_wait3A_571, %dma_wait3A_572] : memref<4x200x128xf32, #tpu.memory_space<vmem>> -> memref<1x200x128xf32, #tpu.memory_space<vmem>>
    %dma_wait3A_574 = tpu.memref_squeeze %dma_wait3A_573 : memref<1x200x128xf32, #tpu.memory_space<vmem>> -> memref<200x128xf32, #tpu.memory_space<vmem>>
    %dma_wait3A_575 = arith.constant 104 : i32
    %dma_wait3A_576 = arith.constant 0 : i32
    %dma_wait3A_577 = tpu.memref_slice %dma_wait3A_574[%dma_wait3A_575, %dma_wait3A_576] : memref<200x128xf32, #tpu.memory_space<vmem>> -> memref<96x128xf32, #tpu.memory_space<vmem>>
    %dma_wait3A_578 = arith.constant 0 : i32
    %dma_wait3A_579 = tpu.memref_slice %arg5[%dma_wait3A_578] : memref<6400xi32, #tpu.memory_space<vmem>> -> memref<96xi32, #tpu.memory_space<vmem>>
    %dma_wait3A_580 = arith.constant 0 : i32
    %dma_wait3A_581 = arith.constant 0 : i32
    %dma_wait3A_582 = tpu.memref_slice %arg3[%dma_wait3A_580, %dma_wait3A_581] : memref<100000x128xf32, #tpu.memory_space<hbm>> -> memref<100000x128xf32, #tpu.memory_space<hbm>>
    tpu.wait_indirect_dma semaphore(%arg9 : memref<!tpu.dma_semaphore, #tpu.memory_space<semaphore_mem>>) src(%dma_wait3A_582 : memref<100000x128xf32, #tpu.memory_space<hbm>>) dst(%dma_wait3A_577 : memref<96x128xf32, #tpu.memory_space<vmem>>)
    %add3A_583 = arith.constant 24 : i32
    %add3A_584 = arith.addi %mul3A_2, %add3A_583 : i32
    %dma_start3A_585 = arith.constant 2 : i32
    %dma_start3A_586 = arith.constant 0 : i32
    %dma_start3A_587 = arith.constant 0 : i32
    %dma_start3A_588 = tpu.memref_slice %arg6[%dma_start3A_585, %dma_start3A_586, %dma_start3A_587] : memref<4x200x128xf32, #tpu.memory_space<vmem>> -> memref<1x200x128xf32, #tpu.memory_space<vmem>>
    %dma_start3A_589 = tpu.memref_squeeze %dma_start3A_588 : memref<1x200x128xf32, #tpu.memory_space<vmem>> -> memref<200x128xf32, #tpu.memory_space<vmem>>
    %dma_start3A_590 = tpu.memref_reshape %dma_start3A_589 : memref<200x128xf32, #tpu.memory_space<vmem>> -> memref<4x50x128xf32, #tpu.memory_space<vmem>>
    %dma_start3A_591 = arith.constant 0 : i32
    %dma_start3A_592 = arith.constant 0 : i32
    %dma_start3A_593 = tpu.memref_slice %arg4[%add3A_584, %dma_start3A_591, %dma_start3A_592] : memref<4096x50x128xf32, #tpu.memory_space<hbm>> -> memref<4x50x128xf32, #tpu.memory_space<hbm>>
    %dma_start3A_594 = arith.constant 0 : i32
    %dma_start3A_595 = arith.constant 0 : i32
    %dma_start3A_596 = tpu.memref_slice %arg4[%add3A_584, %dma_start3A_594, %dma_start3A_595] : memref<4096x50x128xf32, #tpu.memory_space<hbm>> -> memref<4x50x128xf32, #tpu.memory_space<hbm>>
    %dma_start3A_597 = arith.constant 0 : i32
    %dma_start3A_598 = arith.constant 0 : i32
    %dma_start3A_599 = tpu.memref_slice %arg6[%dma_start3A_585, %dma_start3A_597, %dma_start3A_598] : memref<4x200x128xf32, #tpu.memory_space<vmem>> -> memref<1x200x128xf32, #tpu.memory_space<vmem>>
    %dma_start3A_600 = tpu.memref_squeeze %dma_start3A_599 : memref<1x200x128xf32, #tpu.memory_space<vmem>> -> memref<200x128xf32, #tpu.memory_space<vmem>>
    %dma_start3A_601 = tpu.memref_reshape %dma_start3A_600 : memref<200x128xf32, #tpu.memory_space<vmem>> -> memref<4x50x128xf32, #tpu.memory_space<vmem>>
    tpu.enqueue_dma source(%dma_start3A_601 : memref<4x50x128xf32, #tpu.memory_space<vmem>>) target(%dma_start3A_596 : memref<4x50x128xf32, #tpu.memory_space<hbm>>) target_semaphore(%arg13 : memref<!tpu.dma_semaphore, #tpu.memory_space<semaphore_mem>>)
    %dma_wait3A_602 = arith.constant 0 : i32
    %dma_wait3A_603 = arith.constant 0 : i32
    %dma_wait3A_604 = arith.constant 0 : i32
    %dma_wait3A_605 = tpu.memref_slice %arg6[%dma_wait3A_602, %dma_wait3A_603, %dma_wait3A_604] : memref<4x200x128xf32, #tpu.memory_space<vmem>> -> memref<1x200x128xf32, #tpu.memory_space<vmem>>
    %dma_wait3A_606 = tpu.memref_squeeze %dma_wait3A_605 : memref<1x200x128xf32, #tpu.memory_space<vmem>> -> memref<200x128xf32, #tpu.memory_space<vmem>>
    %dma_wait3A_607 = tpu.memref_reshape %dma_wait3A_606 : memref<200x128xf32, #tpu.memory_space<vmem>> -> memref<4x50x128xf32, #tpu.memory_space<vmem>>
    %dma_wait3A_608 = arith.constant 0 : i32
    %dma_wait3A_609 = arith.constant 0 : i32
    %dma_wait3A_610 = arith.constant 0 : i32
    %dma_wait3A_611 = tpu.memref_slice %arg4[%dma_wait3A_608, %dma_wait3A_609, %dma_wait3A_610] : memref<4096x50x128xf32, #tpu.memory_space<hbm>> -> memref<4x50x128xf32, #tpu.memory_space<hbm>>
    %dma_wait3A_612 = arith.constant 0 : i32
    %dma_wait3A_613 = arith.constant 0 : i32
    %dma_wait3A_614 = arith.constant 0 : i32
    %dma_wait3A_615 = tpu.memref_slice %arg4[%dma_wait3A_612, %dma_wait3A_613, %dma_wait3A_614] : memref<4096x50x128xf32, #tpu.memory_space<hbm>> -> memref<4x50x128xf32, #tpu.memory_space<hbm>>
    %dma_wait3A_616 = arith.constant 0 : i32
    %dma_wait3A_617 = arith.constant 0 : i32
    %dma_wait3A_618 = tpu.memref_slice %arg6[%dma_wait3A_602, %dma_wait3A_616, %dma_wait3A_617] : memref<4x200x128xf32, #tpu.memory_space<vmem>> -> memref<1x200x128xf32, #tpu.memory_space<vmem>>
    %dma_wait3A_619 = tpu.memref_squeeze %dma_wait3A_618 : memref<1x200x128xf32, #tpu.memory_space<vmem>> -> memref<200x128xf32, #tpu.memory_space<vmem>>
    %dma_wait3A_620 = tpu.memref_reshape %dma_wait3A_619 : memref<200x128xf32, #tpu.memory_space<vmem>> -> memref<4x50x128xf32, #tpu.memory_space<vmem>>
    tpu.wait_dma2 semaphore(%arg11 : memref<!tpu.dma_semaphore, #tpu.memory_space<semaphore_mem>>) src(%dma_wait3A_620 : memref<4x50x128xf32, #tpu.memory_space<vmem>>) dst(%dma_wait3A_615 : memref<4x50x128xf32, #tpu.memory_space<hbm>>)
    %dma_start3A_621 = arith.constant 0 : i32
    %dma_start3A_622 = arith.constant 0 : i32
    %dma_start3A_623 = arith.constant 0 : i32
    %dma_start3A_624 = tpu.memref_slice %arg6[%dma_start3A_621, %dma_start3A_622, %dma_start3A_623] : memref<4x200x128xf32, #tpu.memory_space<vmem>> -> memref<1x200x128xf32, #tpu.memory_space<vmem>>
    %dma_start3A_625 = tpu.memref_squeeze %dma_start3A_624 : memref<1x200x128xf32, #tpu.memory_space<vmem>> -> memref<200x128xf32, #tpu.memory_space<vmem>>
    %dma_start3A_626 = arith.constant 0 : i32
    %dma_start3A_627 = arith.constant 0 : i32
    %dma_start3A_628 = tpu.memref_slice %dma_start3A_625[%dma_start3A_626, %dma_start3A_627] : memref<200x128xf32, #tpu.memory_space<vmem>> -> memref<104x128xf32, #tpu.memory_space<vmem>>
    %dma_start3A_629 = arith.constant 1600 : i32
    %dma_start3A_630 = tpu.memref_slice %arg5[%dma_start3A_629] : memref<6400xi32, #tpu.memory_space<vmem>> -> memref<104xi32, #tpu.memory_space<vmem>>
    %dma_start3A_631 = arith.constant 0 : i32
    %dma_start3A_632 = arith.constant 0 : i32
    %dma_start3A_633 = tpu.memref_slice %arg3[%dma_start3A_631, %dma_start3A_632] : memref<100000x128xf32, #tpu.memory_space<hbm>> -> memref<100000x128xf32, #tpu.memory_space<hbm>>
    tpu.enqueue_indirect_dma source(%dma_start3A_633 : memref<100000x128xf32, #tpu.memory_space<hbm>>) target(%dma_start3A_628 : memref<104x128xf32, #tpu.memory_space<vmem>>) offsets(%dma_start3A_630 : memref<104xi32, #tpu.memory_space<vmem>>) semaphore(%arg7 : memref<!tpu.dma_semaphore, #tpu.memory_space<semaphore_mem>>)
    %dma_start3A_634 = arith.constant 0 : i32
    %dma_start3A_635 = arith.constant 0 : i32
    %dma_start3A_636 = arith.constant 0 : i32
    %dma_start3A_637 = tpu.memref_slice %arg6[%dma_start3A_634, %dma_start3A_635, %dma_start3A_636] : memref<4x200x128xf32, #tpu.memory_space<vmem>> -> memref<1x200x128xf32, #tpu.memory_space<vmem>>
    %dma_start3A_638 = tpu.memref_squeeze %dma_start3A_637 : memref<1x200x128xf32, #tpu.memory_space<vmem>> -> memref<200x128xf32, #tpu.memory_space<vmem>>
    %dma_start3A_639 = arith.constant 104 : i32
    %dma_start3A_640 = arith.constant 0 : i32
    %dma_start3A_641 = tpu.memref_slice %dma_start3A_638[%dma_start3A_639, %dma_start3A_640] : memref<200x128xf32, #tpu.memory_space<vmem>> -> memref<96x128xf32, #tpu.memory_space<vmem>>
    %dma_start3A_642 = arith.constant 1704 : i32
    %dma_start3A_643 = tpu.memref_slice %arg5[%dma_start3A_642] : memref<6400xi32, #tpu.memory_space<vmem>> -> memref<96xi32, #tpu.memory_space<vmem>>
    %dma_start3A_644 = arith.constant 0 : i32
    %dma_start3A_645 = arith.constant 0 : i32
    %dma_start3A_646 = tpu.memref_slice %arg3[%dma_start3A_644, %dma_start3A_645] : memref<100000x128xf32, #tpu.memory_space<hbm>> -> memref<100000x128xf32, #tpu.memory_space<hbm>>
    tpu.enqueue_indirect_dma source(%dma_start3A_646 : memref<100000x128xf32, #tpu.memory_space<hbm>>) target(%dma_start3A_641 : memref<96x128xf32, #tpu.memory_space<vmem>>) offsets(%dma_start3A_643 : memref<96xi32, #tpu.memory_space<vmem>>) semaphore(%arg7 : memref<!tpu.dma_semaphore, #tpu.memory_space<semaphore_mem>>)
    %dma_wait3A_647 = arith.constant 3 : i32
    %dma_wait3A_648 = arith.constant 0 : i32
    %dma_wait3A_649 = arith.constant 0 : i32
    %dma_wait3A_650 = tpu.memref_slice %arg6[%dma_wait3A_647, %dma_wait3A_648, %dma_wait3A_649] : memref<4x200x128xf32, #tpu.memory_space<vmem>> -> memref<1x200x128xf32, #tpu.memory_space<vmem>>
    %dma_wait3A_651 = tpu.memref_squeeze %dma_wait3A_650 : memref<1x200x128xf32, #tpu.memory_space<vmem>> -> memref<200x128xf32, #tpu.memory_space<vmem>>
    %dma_wait3A_652 = arith.constant 0 : i32
    %dma_wait3A_653 = arith.constant 0 : i32
    %dma_wait3A_654 = tpu.memref_slice %dma_wait3A_651[%dma_wait3A_652, %dma_wait3A_653] : memref<200x128xf32, #tpu.memory_space<vmem>> -> memref<104x128xf32, #tpu.memory_space<vmem>>
    %dma_wait3A_655 = arith.constant 0 : i32
    %dma_wait3A_656 = tpu.memref_slice %arg5[%dma_wait3A_655] : memref<6400xi32, #tpu.memory_space<vmem>> -> memref<104xi32, #tpu.memory_space<vmem>>
    %dma_wait3A_657 = arith.constant 0 : i32
    %dma_wait3A_658 = arith.constant 0 : i32
    %dma_wait3A_659 = tpu.memref_slice %arg3[%dma_wait3A_657, %dma_wait3A_658] : memref<100000x128xf32, #tpu.memory_space<hbm>> -> memref<100000x128xf32, #tpu.memory_space<hbm>>
    tpu.wait_indirect_dma semaphore(%arg10 : memref<!tpu.dma_semaphore, #tpu.memory_space<semaphore_mem>>) src(%dma_wait3A_659 : memref<100000x128xf32, #tpu.memory_space<hbm>>) dst(%dma_wait3A_654 : memref<104x128xf32, #tpu.memory_space<vmem>>)
    %dma_wait3A_660 = arith.constant 3 : i32
    %dma_wait3A_661 = arith.constant 0 : i32
    %dma_wait3A_662 = arith.constant 0 : i32
    %dma_wait3A_663 = tpu.memref_slice %arg6[%dma_wait3A_660, %dma_wait3A_661, %dma_wait3A_662] : memref<4x200x128xf32, #tpu.memory_space<vmem>> -> memref<1x200x128xf32, #tpu.memory_space<vmem>>
    %dma_wait3A_664 = tpu.memref_squeeze %dma_wait3A_663 : memref<1x200x128xf32, #tpu.memory_space<vmem>> -> memref<200x128xf32, #tpu.memory_space<vmem>>
    %dma_wait3A_665 = arith.constant 104 : i32
    %dma_wait3A_666 = arith.constant 0 : i32
    %dma_wait3A_667 = tpu.memref_slice %dma_wait3A_664[%dma_wait3A_665, %dma_wait3A_666] : memref<200x128xf32, #tpu.memory_space<vmem>> -> memref<96x128xf32, #tpu.memory_space<vmem>>
    %dma_wait3A_668 = arith.constant 0 : i32
    %dma_wait3A_669 = tpu.memref_slice %arg5[%dma_wait3A_668] : memref<6400xi32, #tpu.memory_space<vmem>> -> memref<96xi32, #tpu.memory_space<vmem>>
    %dma_wait3A_670 = arith.constant 0 : i32
    %dma_wait3A_671 = arith.constant 0 : i32
    %dma_wait3A_672 = tpu.memref_slice %arg3[%dma_wait3A_670, %dma_wait3A_671] : memref<100000x128xf32, #tpu.memory_space<hbm>> -> memref<100000x128xf32, #tpu.memory_space<hbm>>
    tpu.wait_indirect_dma semaphore(%arg10 : memref<!tpu.dma_semaphore, #tpu.memory_space<semaphore_mem>>) src(%dma_wait3A_672 : memref<100000x128xf32, #tpu.memory_space<hbm>>) dst(%dma_wait3A_667 : memref<96x128xf32, #tpu.memory_space<vmem>>)
    %add3A_673 = arith.constant 28 : i32
    %add3A_674 = arith.addi %mul3A_2, %add3A_673 : i32
    %dma_start3A_675 = arith.constant 3 : i32
    %dma_start3A_676 = arith.constant 0 : i32
    %dma_start3A_677 = arith.constant 0 : i32
    %dma_start3A_678 = tpu.memref_slice %arg6[%dma_start3A_675, %dma_start3A_676, %dma_start3A_677] : memref<4x200x128xf32, #tpu.memory_space<vmem>> -> memref<1x200x128xf32, #tpu.memory_space<vmem>>
    %dma_start3A_679 = tpu.memref_squeeze %dma_start3A_678 : memref<1x200x128xf32, #tpu.memory_space<vmem>> -> memref<200x128xf32, #tpu.memory_space<vmem>>
    %dma_start3A_680 = tpu.memref_reshape %dma_start3A_679 : memref<200x128xf32, #tpu.memory_space<vmem>> -> memref<4x50x128xf32, #tpu.memory_space<vmem>>
    %dma_start3A_681 = arith.constant 0 : i32
    %dma_start3A_682 = arith.constant 0 : i32
    %dma_start3A_683 = tpu.memref_slice %arg4[%add3A_674, %dma_start3A_681, %dma_start3A_682] : memref<4096x50x128xf32, #tpu.memory_space<hbm>> -> memref<4x50x128xf32, #tpu.memory_space<hbm>>
    %dma_start3A_684 = arith.constant 0 : i32
    %dma_start3A_685 = arith.constant 0 : i32
    %dma_start3A_686 = tpu.memref_slice %arg4[%add3A_674, %dma_start3A_684, %dma_start3A_685] : memref<4096x50x128xf32, #tpu.memory_space<hbm>> -> memref<4x50x128xf32, #tpu.memory_space<hbm>>
    %dma_start3A_687 = arith.constant 0 : i32
    %dma_start3A_688 = arith.constant 0 : i32
    %dma_start3A_689 = tpu.memref_slice %arg6[%dma_start3A_675, %dma_start3A_687, %dma_start3A_688] : memref<4x200x128xf32, #tpu.memory_space<vmem>> -> memref<1x200x128xf32, #tpu.memory_space<vmem>>
    %dma_start3A_690 = tpu.memref_squeeze %dma_start3A_689 : memref<1x200x128xf32, #tpu.memory_space<vmem>> -> memref<200x128xf32, #tpu.memory_space<vmem>>
    %dma_start3A_691 = tpu.memref_reshape %dma_start3A_690 : memref<200x128xf32, #tpu.memory_space<vmem>> -> memref<4x50x128xf32, #tpu.memory_space<vmem>>
    tpu.enqueue_dma source(%dma_start3A_691 : memref<4x50x128xf32, #tpu.memory_space<vmem>>) target(%dma_start3A_686 : memref<4x50x128xf32, #tpu.memory_space<hbm>>) target_semaphore(%arg14 : memref<!tpu.dma_semaphore, #tpu.memory_space<semaphore_mem>>)
    %dma_wait3A_692 = arith.constant 1 : i32
    %dma_wait3A_693 = arith.constant 0 : i32
    %dma_wait3A_694 = arith.constant 0 : i32
    %dma_wait3A_695 = tpu.memref_slice %arg6[%dma_wait3A_692, %dma_wait3A_693, %dma_wait3A_694] : memref<4x200x128xf32, #tpu.memory_space<vmem>> -> memref<1x200x128xf32, #tpu.memory_space<vmem>>
    %dma_wait3A_696 = tpu.memref_squeeze %dma_wait3A_695 : memref<1x200x128xf32, #tpu.memory_space<vmem>> -> memref<200x128xf32, #tpu.memory_space<vmem>>
    %dma_wait3A_697 = tpu.memref_reshape %dma_wait3A_696 : memref<200x128xf32, #tpu.memory_space<vmem>> -> memref<4x50x128xf32, #tpu.memory_space<vmem>>
    %dma_wait3A_698 = arith.constant 0 : i32
    %dma_wait3A_699 = arith.constant 0 : i32
    %dma_wait3A_700 = arith.constant 0 : i32
    %dma_wait3A_701 = tpu.memref_slice %arg4[%dma_wait3A_698, %dma_wait3A_699, %dma_wait3A_700] : memref<4096x50x128xf32, #tpu.memory_space<hbm>> -> memref<4x50x128xf32, #tpu.memory_space<hbm>>
    %dma_wait3A_702 = arith.constant 0 : i32
    %dma_wait3A_703 = arith.constant 0 : i32
    %dma_wait3A_704 = arith.constant 0 : i32
    %dma_wait3A_705 = tpu.memref_slice %arg4[%dma_wait3A_702, %dma_wait3A_703, %dma_wait3A_704] : memref<4096x50x128xf32, #tpu.memory_space<hbm>> -> memref<4x50x128xf32, #tpu.memory_space<hbm>>
    %dma_wait3A_706 = arith.constant 0 : i32
    %dma_wait3A_707 = arith.constant 0 : i32
    %dma_wait3A_708 = tpu.memref_slice %arg6[%dma_wait3A_692, %dma_wait3A_706, %dma_wait3A_707] : memref<4x200x128xf32, #tpu.memory_space<vmem>> -> memref<1x200x128xf32, #tpu.memory_space<vmem>>
    %dma_wait3A_709 = tpu.memref_squeeze %dma_wait3A_708 : memref<1x200x128xf32, #tpu.memory_space<vmem>> -> memref<200x128xf32, #tpu.memory_space<vmem>>
    %dma_wait3A_710 = tpu.memref_reshape %dma_wait3A_709 : memref<200x128xf32, #tpu.memory_space<vmem>> -> memref<4x50x128xf32, #tpu.memory_space<vmem>>
    tpu.wait_dma2 semaphore(%arg12 : memref<!tpu.dma_semaphore, #tpu.memory_space<semaphore_mem>>) src(%dma_wait3A_710 : memref<4x50x128xf32, #tpu.memory_space<vmem>>) dst(%dma_wait3A_705 : memref<4x50x128xf32, #tpu.memory_space<hbm>>)
    %dma_start3A_711 = arith.constant 1 : i32
    %dma_start3A_712 = arith.constant 0 : i32
    %dma_start3A_713 = arith.constant 0 : i32
    %dma_start3A_714 = tpu.memref_slice %arg6[%dma_start3A_711, %dma_start3A_712, %dma_start3A_713] : memref<4x200x128xf32, #tpu.memory_space<vmem>> -> memref<1x200x128xf32, #tpu.memory_space<vmem>>
    %dma_start3A_715 = tpu.memref_squeeze %dma_start3A_714 : memref<1x200x128xf32, #tpu.memory_space<vmem>> -> memref<200x128xf32, #tpu.memory_space<vmem>>
    %dma_start3A_716 = arith.constant 0 : i32
    %dma_start3A_717 = arith.constant 0 : i32
    %dma_start3A_718 = tpu.memref_slice %dma_start3A_715[%dma_start3A_716, %dma_start3A_717] : memref<200x128xf32, #tpu.memory_space<vmem>> -> memref<104x128xf32, #tpu.memory_space<vmem>>
    %dma_start3A_719 = arith.constant 1800 : i32
    %dma_start3A_720 = tpu.memref_slice %arg5[%dma_start3A_719] : memref<6400xi32, #tpu.memory_space<vmem>> -> memref<104xi32, #tpu.memory_space<vmem>>
    %dma_start3A_721 = arith.constant 0 : i32
    %dma_start3A_722 = arith.constant 0 : i32
    %dma_start3A_723 = tpu.memref_slice %arg3[%dma_start3A_721, %dma_start3A_722] : memref<100000x128xf32, #tpu.memory_space<hbm>> -> memref<100000x128xf32, #tpu.memory_space<hbm>>
    tpu.enqueue_indirect_dma source(%dma_start3A_723 : memref<100000x128xf32, #tpu.memory_space<hbm>>) target(%dma_start3A_718 : memref<104x128xf32, #tpu.memory_space<vmem>>) offsets(%dma_start3A_720 : memref<104xi32, #tpu.memory_space<vmem>>) semaphore(%arg8 : memref<!tpu.dma_semaphore, #tpu.memory_space<semaphore_mem>>)
    %dma_start3A_724 = arith.constant 1 : i32
    %dma_start3A_725 = arith.constant 0 : i32
    %dma_start3A_726 = arith.constant 0 : i32
    %dma_start3A_727 = tpu.memref_slice %arg6[%dma_start3A_724, %dma_start3A_725, %dma_start3A_726] : memref<4x200x128xf32, #tpu.memory_space<vmem>> -> memref<1x200x128xf32, #tpu.memory_space<vmem>>
    %dma_start3A_728 = tpu.memref_squeeze %dma_start3A_727 : memref<1x200x128xf32, #tpu.memory_space<vmem>> -> memref<200x128xf32, #tpu.memory_space<vmem>>
    %dma_start3A_729 = arith.constant 104 : i32
    %dma_start3A_730 = arith.constant 0 : i32
    %dma_start3A_731 = tpu.memref_slice %dma_start3A_728[%dma_start3A_729, %dma_start3A_730] : memref<200x128xf32, #tpu.memory_space<vmem>> -> memref<96x128xf32, #tpu.memory_space<vmem>>
    %dma_start3A_732 = arith.constant 1904 : i32
    %dma_start3A_733 = tpu.memref_slice %arg5[%dma_start3A_732] : memref<6400xi32, #tpu.memory_space<vmem>> -> memref<96xi32, #tpu.memory_space<vmem>>
    %dma_start3A_734 = arith.constant 0 : i32
    %dma_start3A_735 = arith.constant 0 : i32
    %dma_start3A_736 = tpu.memref_slice %arg3[%dma_start3A_734, %dma_start3A_735] : memref<100000x128xf32, #tpu.memory_space<hbm>> -> memref<100000x128xf32, #tpu.memory_space<hbm>>
    tpu.enqueue_indirect_dma source(%dma_start3A_736 : memref<100000x128xf32, #tpu.memory_space<hbm>>) target(%dma_start3A_731 : memref<96x128xf32, #tpu.memory_space<vmem>>) offsets(%dma_start3A_733 : memref<96xi32, #tpu.memory_space<vmem>>) semaphore(%arg8 : memref<!tpu.dma_semaphore, #tpu.memory_space<semaphore_mem>>)
    %dma_wait3A_737 = arith.constant 0 : i32
    %dma_wait3A_738 = arith.constant 0 : i32
    %dma_wait3A_739 = arith.constant 0 : i32
    %dma_wait3A_740 = tpu.memref_slice %arg6[%dma_wait3A_737, %dma_wait3A_738, %dma_wait3A_739] : memref<4x200x128xf32, #tpu.memory_space<vmem>> -> memref<1x200x128xf32, #tpu.memory_space<vmem>>
    %dma_wait3A_741 = tpu.memref_squeeze %dma_wait3A_740 : memref<1x200x128xf32, #tpu.memory_space<vmem>> -> memref<200x128xf32, #tpu.memory_space<vmem>>
    %dma_wait3A_742 = arith.constant 0 : i32
    %dma_wait3A_743 = arith.constant 0 : i32
    %dma_wait3A_744 = tpu.memref_slice %dma_wait3A_741[%dma_wait3A_742, %dma_wait3A_743] : memref<200x128xf32, #tpu.memory_space<vmem>> -> memref<104x128xf32, #tpu.memory_space<vmem>>
    %dma_wait3A_745 = arith.constant 0 : i32
    %dma_wait3A_746 = tpu.memref_slice %arg5[%dma_wait3A_745] : memref<6400xi32, #tpu.memory_space<vmem>> -> memref<104xi32, #tpu.memory_space<vmem>>
    %dma_wait3A_747 = arith.constant 0 : i32
    %dma_wait3A_748 = arith.constant 0 : i32
    %dma_wait3A_749 = tpu.memref_slice %arg3[%dma_wait3A_747, %dma_wait3A_748] : memref<100000x128xf32, #tpu.memory_space<hbm>> -> memref<100000x128xf32, #tpu.memory_space<hbm>>
    tpu.wait_indirect_dma semaphore(%arg7 : memref<!tpu.dma_semaphore, #tpu.memory_space<semaphore_mem>>) src(%dma_wait3A_749 : memref<100000x128xf32, #tpu.memory_space<hbm>>) dst(%dma_wait3A_744 : memref<104x128xf32, #tpu.memory_space<vmem>>)
    %dma_wait3A_750 = arith.constant 0 : i32
    %dma_wait3A_751 = arith.constant 0 : i32
    %dma_wait3A_752 = arith.constant 0 : i32
    %dma_wait3A_753 = tpu.memref_slice %arg6[%dma_wait3A_750, %dma_wait3A_751, %dma_wait3A_752] : memref<4x200x128xf32, #tpu.memory_space<vmem>> -> memref<1x200x128xf32, #tpu.memory_space<vmem>>
    %dma_wait3A_754 = tpu.memref_squeeze %dma_wait3A_753 : memref<1x200x128xf32, #tpu.memory_space<vmem>> -> memref<200x128xf32, #tpu.memory_space<vmem>>
    %dma_wait3A_755 = arith.constant 104 : i32
    %dma_wait3A_756 = arith.constant 0 : i32
    %dma_wait3A_757 = tpu.memref_slice %dma_wait3A_754[%dma_wait3A_755, %dma_wait3A_756] : memref<200x128xf32, #tpu.memory_space<vmem>> -> memref<96x128xf32, #tpu.memory_space<vmem>>
    %dma_wait3A_758 = arith.constant 0 : i32
    %dma_wait3A_759 = tpu.memref_slice %arg5[%dma_wait3A_758] : memref<6400xi32, #tpu.memory_space<vmem>> -> memref<96xi32, #tpu.memory_space<vmem>>
    %dma_wait3A_760 = arith.constant 0 : i32
    %dma_wait3A_761 = arith.constant 0 : i32
    %dma_wait3A_762 = tpu.memref_slice %arg3[%dma_wait3A_760, %dma_wait3A_761] : memref<100000x128xf32, #tpu.memory_space<hbm>> -> memref<100000x128xf32, #tpu.memory_space<hbm>>
    tpu.wait_indirect_dma semaphore(%arg7 : memref<!tpu.dma_semaphore, #tpu.memory_space<semaphore_mem>>) src(%dma_wait3A_762 : memref<100000x128xf32, #tpu.memory_space<hbm>>) dst(%dma_wait3A_757 : memref<96x128xf32, #tpu.memory_space<vmem>>)
    %add3A_763 = arith.constant 32 : i32
    %add3A_764 = arith.addi %mul3A_2, %add3A_763 : i32
    %dma_start3A_765 = arith.constant 0 : i32
    %dma_start3A_766 = arith.constant 0 : i32
    %dma_start3A_767 = arith.constant 0 : i32
    %dma_start3A_768 = tpu.memref_slice %arg6[%dma_start3A_765, %dma_start3A_766, %dma_start3A_767] : memref<4x200x128xf32, #tpu.memory_space<vmem>> -> memref<1x200x128xf32, #tpu.memory_space<vmem>>
    %dma_start3A_769 = tpu.memref_squeeze %dma_start3A_768 : memref<1x200x128xf32, #tpu.memory_space<vmem>> -> memref<200x128xf32, #tpu.memory_space<vmem>>
    %dma_start3A_770 = tpu.memref_reshape %dma_start3A_769 : memref<200x128xf32, #tpu.memory_space<vmem>> -> memref<4x50x128xf32, #tpu.memory_space<vmem>>
    %dma_start3A_771 = arith.constant 0 : i32
    %dma_start3A_772 = arith.constant 0 : i32
    %dma_start3A_773 = tpu.memref_slice %arg4[%add3A_764, %dma_start3A_771, %dma_start3A_772] : memref<4096x50x128xf32, #tpu.memory_space<hbm>> -> memref<4x50x128xf32, #tpu.memory_space<hbm>>
    %dma_start3A_774 = arith.constant 0 : i32
    %dma_start3A_775 = arith.constant 0 : i32
    %dma_start3A_776 = tpu.memref_slice %arg4[%add3A_764, %dma_start3A_774, %dma_start3A_775] : memref<4096x50x128xf32, #tpu.memory_space<hbm>> -> memref<4x50x128xf32, #tpu.memory_space<hbm>>
    %dma_start3A_777 = arith.constant 0 : i32
    %dma_start3A_778 = arith.constant 0 : i32
    %dma_start3A_779 = tpu.memref_slice %arg6[%dma_start3A_765, %dma_start3A_777, %dma_start3A_778] : memref<4x200x128xf32, #tpu.memory_space<vmem>> -> memref<1x200x128xf32, #tpu.memory_space<vmem>>
    %dma_start3A_780 = tpu.memref_squeeze %dma_start3A_779 : memref<1x200x128xf32, #tpu.memory_space<vmem>> -> memref<200x128xf32, #tpu.memory_space<vmem>>
    %dma_start3A_781 = tpu.memref_reshape %dma_start3A_780 : memref<200x128xf32, #tpu.memory_space<vmem>> -> memref<4x50x128xf32, #tpu.memory_space<vmem>>
    tpu.enqueue_dma source(%dma_start3A_781 : memref<4x50x128xf32, #tpu.memory_space<vmem>>) target(%dma_start3A_776 : memref<4x50x128xf32, #tpu.memory_space<hbm>>) target_semaphore(%arg11 : memref<!tpu.dma_semaphore, #tpu.memory_space<semaphore_mem>>)
    %dma_wait3A_782 = arith.constant 2 : i32
    %dma_wait3A_783 = arith.constant 0 : i32
    %dma_wait3A_784 = arith.constant 0 : i32
    %dma_wait3A_785 = tpu.memref_slice %arg6[%dma_wait3A_782, %dma_wait3A_783, %dma_wait3A_784] : memref<4x200x128xf32, #tpu.memory_space<vmem>> -> memref<1x200x128xf32, #tpu.memory_space<vmem>>
    %dma_wait3A_786 = tpu.memref_squeeze %dma_wait3A_785 : memref<1x200x128xf32, #tpu.memory_space<vmem>> -> memref<200x128xf32, #tpu.memory_space<vmem>>
    %dma_wait3A_787 = tpu.memref_reshape %dma_wait3A_786 : memref<200x128xf32, #tpu.memory_space<vmem>> -> memref<4x50x128xf32, #tpu.memory_space<vmem>>
    %dma_wait3A_788 = arith.constant 0 : i32
    %dma_wait3A_789 = arith.constant 0 : i32
    %dma_wait3A_790 = arith.constant 0 : i32
    %dma_wait3A_791 = tpu.memref_slice %arg4[%dma_wait3A_788, %dma_wait3A_789, %dma_wait3A_790] : memref<4096x50x128xf32, #tpu.memory_space<hbm>> -> memref<4x50x128xf32, #tpu.memory_space<hbm>>
    %dma_wait3A_792 = arith.constant 0 : i32
    %dma_wait3A_793 = arith.constant 0 : i32
    %dma_wait3A_794 = arith.constant 0 : i32
    %dma_wait3A_795 = tpu.memref_slice %arg4[%dma_wait3A_792, %dma_wait3A_793, %dma_wait3A_794] : memref<4096x50x128xf32, #tpu.memory_space<hbm>> -> memref<4x50x128xf32, #tpu.memory_space<hbm>>
    %dma_wait3A_796 = arith.constant 0 : i32
    %dma_wait3A_797 = arith.constant 0 : i32
    %dma_wait3A_798 = tpu.memref_slice %arg6[%dma_wait3A_782, %dma_wait3A_796, %dma_wait3A_797] : memref<4x200x128xf32, #tpu.memory_space<vmem>> -> memref<1x200x128xf32, #tpu.memory_space<vmem>>
    %dma_wait3A_799 = tpu.memref_squeeze %dma_wait3A_798 : memref<1x200x128xf32, #tpu.memory_space<vmem>> -> memref<200x128xf32, #tpu.memory_space<vmem>>
    %dma_wait3A_800 = tpu.memref_reshape %dma_wait3A_799 : memref<200x128xf32, #tpu.memory_space<vmem>> -> memref<4x50x128xf32, #tpu.memory_space<vmem>>
    tpu.wait_dma2 semaphore(%arg13 : memref<!tpu.dma_semaphore, #tpu.memory_space<semaphore_mem>>) src(%dma_wait3A_800 : memref<4x50x128xf32, #tpu.memory_space<vmem>>) dst(%dma_wait3A_795 : memref<4x50x128xf32, #tpu.memory_space<hbm>>)
    %dma_start3A_801 = arith.constant 2 : i32
    %dma_start3A_802 = arith.constant 0 : i32
    %dma_start3A_803 = arith.constant 0 : i32
    %dma_start3A_804 = tpu.memref_slice %arg6[%dma_start3A_801, %dma_start3A_802, %dma_start3A_803] : memref<4x200x128xf32, #tpu.memory_space<vmem>> -> memref<1x200x128xf32, #tpu.memory_space<vmem>>
    %dma_start3A_805 = tpu.memref_squeeze %dma_start3A_804 : memref<1x200x128xf32, #tpu.memory_space<vmem>> -> memref<200x128xf32, #tpu.memory_space<vmem>>
    %dma_start3A_806 = arith.constant 0 : i32
    %dma_start3A_807 = arith.constant 0 : i32
    %dma_start3A_808 = tpu.memref_slice %dma_start3A_805[%dma_start3A_806, %dma_start3A_807] : memref<200x128xf32, #tpu.memory_space<vmem>> -> memref<104x128xf32, #tpu.memory_space<vmem>>
    %dma_start3A_809 = arith.constant 2000 : i32
    %dma_start3A_810 = tpu.memref_slice %arg5[%dma_start3A_809] : memref<6400xi32, #tpu.memory_space<vmem>> -> memref<104xi32, #tpu.memory_space<vmem>>
    %dma_start3A_811 = arith.constant 0 : i32
    %dma_start3A_812 = arith.constant 0 : i32
    %dma_start3A_813 = tpu.memref_slice %arg3[%dma_start3A_811, %dma_start3A_812] : memref<100000x128xf32, #tpu.memory_space<hbm>> -> memref<100000x128xf32, #tpu.memory_space<hbm>>
    tpu.enqueue_indirect_dma source(%dma_start3A_813 : memref<100000x128xf32, #tpu.memory_space<hbm>>) target(%dma_start3A_808 : memref<104x128xf32, #tpu.memory_space<vmem>>) offsets(%dma_start3A_810 : memref<104xi32, #tpu.memory_space<vmem>>) semaphore(%arg9 : memref<!tpu.dma_semaphore, #tpu.memory_space<semaphore_mem>>)
    %dma_start3A_814 = arith.constant 2 : i32
    %dma_start3A_815 = arith.constant 0 : i32
    %dma_start3A_816 = arith.constant 0 : i32
    %dma_start3A_817 = tpu.memref_slice %arg6[%dma_start3A_814, %dma_start3A_815, %dma_start3A_816] : memref<4x200x128xf32, #tpu.memory_space<vmem>> -> memref<1x200x128xf32, #tpu.memory_space<vmem>>
    %dma_start3A_818 = tpu.memref_squeeze %dma_start3A_817 : memref<1x200x128xf32, #tpu.memory_space<vmem>> -> memref<200x128xf32, #tpu.memory_space<vmem>>
    %dma_start3A_819 = arith.constant 104 : i32
    %dma_start3A_820 = arith.constant 0 : i32
    %dma_start3A_821 = tpu.memref_slice %dma_start3A_818[%dma_start3A_819, %dma_start3A_820] : memref<200x128xf32, #tpu.memory_space<vmem>> -> memref<96x128xf32, #tpu.memory_space<vmem>>
    %dma_start3A_822 = arith.constant 2104 : i32
    %dma_start3A_823 = tpu.memref_slice %arg5[%dma_start3A_822] : memref<6400xi32, #tpu.memory_space<vmem>> -> memref<96xi32, #tpu.memory_space<vmem>>
    %dma_start3A_824 = arith.constant 0 : i32
    %dma_start3A_825 = arith.constant 0 : i32
    %dma_start3A_826 = tpu.memref_slice %arg3[%dma_start3A_824, %dma_start3A_825] : memref<100000x128xf32, #tpu.memory_space<hbm>> -> memref<100000x128xf32, #tpu.memory_space<hbm>>
    tpu.enqueue_indirect_dma source(%dma_start3A_826 : memref<100000x128xf32, #tpu.memory_space<hbm>>) target(%dma_start3A_821 : memref<96x128xf32, #tpu.memory_space<vmem>>) offsets(%dma_start3A_823 : memref<96xi32, #tpu.memory_space<vmem>>) semaphore(%arg9 : memref<!tpu.dma_semaphore, #tpu.memory_space<semaphore_mem>>)
    %dma_wait3A_827 = arith.constant 1 : i32
    %dma_wait3A_828 = arith.constant 0 : i32
    %dma_wait3A_829 = arith.constant 0 : i32
    %dma_wait3A_830 = tpu.memref_slice %arg6[%dma_wait3A_827, %dma_wait3A_828, %dma_wait3A_829] : memref<4x200x128xf32, #tpu.memory_space<vmem>> -> memref<1x200x128xf32, #tpu.memory_space<vmem>>
    %dma_wait3A_831 = tpu.memref_squeeze %dma_wait3A_830 : memref<1x200x128xf32, #tpu.memory_space<vmem>> -> memref<200x128xf32, #tpu.memory_space<vmem>>
    %dma_wait3A_832 = arith.constant 0 : i32
    %dma_wait3A_833 = arith.constant 0 : i32
    %dma_wait3A_834 = tpu.memref_slice %dma_wait3A_831[%dma_wait3A_832, %dma_wait3A_833] : memref<200x128xf32, #tpu.memory_space<vmem>> -> memref<104x128xf32, #tpu.memory_space<vmem>>
    %dma_wait3A_835 = arith.constant 0 : i32
    %dma_wait3A_836 = tpu.memref_slice %arg5[%dma_wait3A_835] : memref<6400xi32, #tpu.memory_space<vmem>> -> memref<104xi32, #tpu.memory_space<vmem>>
    %dma_wait3A_837 = arith.constant 0 : i32
    %dma_wait3A_838 = arith.constant 0 : i32
    %dma_wait3A_839 = tpu.memref_slice %arg3[%dma_wait3A_837, %dma_wait3A_838] : memref<100000x128xf32, #tpu.memory_space<hbm>> -> memref<100000x128xf32, #tpu.memory_space<hbm>>
    tpu.wait_indirect_dma semaphore(%arg8 : memref<!tpu.dma_semaphore, #tpu.memory_space<semaphore_mem>>) src(%dma_wait3A_839 : memref<100000x128xf32, #tpu.memory_space<hbm>>) dst(%dma_wait3A_834 : memref<104x128xf32, #tpu.memory_space<vmem>>)
    %dma_wait3A_840 = arith.constant 1 : i32
    %dma_wait3A_841 = arith.constant 0 : i32
    %dma_wait3A_842 = arith.constant 0 : i32
    %dma_wait3A_843 = tpu.memref_slice %arg6[%dma_wait3A_840, %dma_wait3A_841, %dma_wait3A_842] : memref<4x200x128xf32, #tpu.memory_space<vmem>> -> memref<1x200x128xf32, #tpu.memory_space<vmem>>
    %dma_wait3A_844 = tpu.memref_squeeze %dma_wait3A_843 : memref<1x200x128xf32, #tpu.memory_space<vmem>> -> memref<200x128xf32, #tpu.memory_space<vmem>>
    %dma_wait3A_845 = arith.constant 104 : i32
    %dma_wait3A_846 = arith.constant 0 : i32
    %dma_wait3A_847 = tpu.memref_slice %dma_wait3A_844[%dma_wait3A_845, %dma_wait3A_846] : memref<200x128xf32, #tpu.memory_space<vmem>> -> memref<96x128xf32, #tpu.memory_space<vmem>>
    %dma_wait3A_848 = arith.constant 0 : i32
    %dma_wait3A_849 = tpu.memref_slice %arg5[%dma_wait3A_848] : memref<6400xi32, #tpu.memory_space<vmem>> -> memref<96xi32, #tpu.memory_space<vmem>>
    %dma_wait3A_850 = arith.constant 0 : i32
    %dma_wait3A_851 = arith.constant 0 : i32
    %dma_wait3A_852 = tpu.memref_slice %arg3[%dma_wait3A_850, %dma_wait3A_851] : memref<100000x128xf32, #tpu.memory_space<hbm>> -> memref<100000x128xf32, #tpu.memory_space<hbm>>
    tpu.wait_indirect_dma semaphore(%arg8 : memref<!tpu.dma_semaphore, #tpu.memory_space<semaphore_mem>>) src(%dma_wait3A_852 : memref<100000x128xf32, #tpu.memory_space<hbm>>) dst(%dma_wait3A_847 : memref<96x128xf32, #tpu.memory_space<vmem>>)
    %add3A_853 = arith.constant 36 : i32
    %add3A_854 = arith.addi %mul3A_2, %add3A_853 : i32
    %dma_start3A_855 = arith.constant 1 : i32
    %dma_start3A_856 = arith.constant 0 : i32
    %dma_start3A_857 = arith.constant 0 : i32
    %dma_start3A_858 = tpu.memref_slice %arg6[%dma_start3A_855, %dma_start3A_856, %dma_start3A_857] : memref<4x200x128xf32, #tpu.memory_space<vmem>> -> memref<1x200x128xf32, #tpu.memory_space<vmem>>
    %dma_start3A_859 = tpu.memref_squeeze %dma_start3A_858 : memref<1x200x128xf32, #tpu.memory_space<vmem>> -> memref<200x128xf32, #tpu.memory_space<vmem>>
    %dma_start3A_860 = tpu.memref_reshape %dma_start3A_859 : memref<200x128xf32, #tpu.memory_space<vmem>> -> memref<4x50x128xf32, #tpu.memory_space<vmem>>
    %dma_start3A_861 = arith.constant 0 : i32
    %dma_start3A_862 = arith.constant 0 : i32
    %dma_start3A_863 = tpu.memref_slice %arg4[%add3A_854, %dma_start3A_861, %dma_start3A_862] : memref<4096x50x128xf32, #tpu.memory_space<hbm>> -> memref<4x50x128xf32, #tpu.memory_space<hbm>>
    %dma_start3A_864 = arith.constant 0 : i32
    %dma_start3A_865 = arith.constant 0 : i32
    %dma_start3A_866 = tpu.memref_slice %arg4[%add3A_854, %dma_start3A_864, %dma_start3A_865] : memref<4096x50x128xf32, #tpu.memory_space<hbm>> -> memref<4x50x128xf32, #tpu.memory_space<hbm>>
    %dma_start3A_867 = arith.constant 0 : i32
    %dma_start3A_868 = arith.constant 0 : i32
    %dma_start3A_869 = tpu.memref_slice %arg6[%dma_start3A_855, %dma_start3A_867, %dma_start3A_868] : memref<4x200x128xf32, #tpu.memory_space<vmem>> -> memref<1x200x128xf32, #tpu.memory_space<vmem>>
    %dma_start3A_870 = tpu.memref_squeeze %dma_start3A_869 : memref<1x200x128xf32, #tpu.memory_space<vmem>> -> memref<200x128xf32, #tpu.memory_space<vmem>>
    %dma_start3A_871 = tpu.memref_reshape %dma_start3A_870 : memref<200x128xf32, #tpu.memory_space<vmem>> -> memref<4x50x128xf32, #tpu.memory_space<vmem>>
    tpu.enqueue_dma source(%dma_start3A_871 : memref<4x50x128xf32, #tpu.memory_space<vmem>>) target(%dma_start3A_866 : memref<4x50x128xf32, #tpu.memory_space<hbm>>) target_semaphore(%arg12 : memref<!tpu.dma_semaphore, #tpu.memory_space<semaphore_mem>>)
    %dma_wait3A_872 = arith.constant 3 : i32
    %dma_wait3A_873 = arith.constant 0 : i32
    %dma_wait3A_874 = arith.constant 0 : i32
    %dma_wait3A_875 = tpu.memref_slice %arg6[%dma_wait3A_872, %dma_wait3A_873, %dma_wait3A_874] : memref<4x200x128xf32, #tpu.memory_space<vmem>> -> memref<1x200x128xf32, #tpu.memory_space<vmem>>
    %dma_wait3A_876 = tpu.memref_squeeze %dma_wait3A_875 : memref<1x200x128xf32, #tpu.memory_space<vmem>> -> memref<200x128xf32, #tpu.memory_space<vmem>>
    %dma_wait3A_877 = tpu.memref_reshape %dma_wait3A_876 : memref<200x128xf32, #tpu.memory_space<vmem>> -> memref<4x50x128xf32, #tpu.memory_space<vmem>>
    %dma_wait3A_878 = arith.constant 0 : i32
    %dma_wait3A_879 = arith.constant 0 : i32
    %dma_wait3A_880 = arith.constant 0 : i32
    %dma_wait3A_881 = tpu.memref_slice %arg4[%dma_wait3A_878, %dma_wait3A_879, %dma_wait3A_880] : memref<4096x50x128xf32, #tpu.memory_space<hbm>> -> memref<4x50x128xf32, #tpu.memory_space<hbm>>
    %dma_wait3A_882 = arith.constant 0 : i32
    %dma_wait3A_883 = arith.constant 0 : i32
    %dma_wait3A_884 = arith.constant 0 : i32
    %dma_wait3A_885 = tpu.memref_slice %arg4[%dma_wait3A_882, %dma_wait3A_883, %dma_wait3A_884] : memref<4096x50x128xf32, #tpu.memory_space<hbm>> -> memref<4x50x128xf32, #tpu.memory_space<hbm>>
    %dma_wait3A_886 = arith.constant 0 : i32
    %dma_wait3A_887 = arith.constant 0 : i32
    %dma_wait3A_888 = tpu.memref_slice %arg6[%dma_wait3A_872, %dma_wait3A_886, %dma_wait3A_887] : memref<4x200x128xf32, #tpu.memory_space<vmem>> -> memref<1x200x128xf32, #tpu.memory_space<vmem>>
    %dma_wait3A_889 = tpu.memref_squeeze %dma_wait3A_888 : memref<1x200x128xf32, #tpu.memory_space<vmem>> -> memref<200x128xf32, #tpu.memory_space<vmem>>
    %dma_wait3A_890 = tpu.memref_reshape %dma_wait3A_889 : memref<200x128xf32, #tpu.memory_space<vmem>> -> memref<4x50x128xf32, #tpu.memory_space<vmem>>
    tpu.wait_dma2 semaphore(%arg14 : memref<!tpu.dma_semaphore, #tpu.memory_space<semaphore_mem>>) src(%dma_wait3A_890 : memref<4x50x128xf32, #tpu.memory_space<vmem>>) dst(%dma_wait3A_885 : memref<4x50x128xf32, #tpu.memory_space<hbm>>)
    %dma_start3A_891 = arith.constant 3 : i32
    %dma_start3A_892 = arith.constant 0 : i32
    %dma_start3A_893 = arith.constant 0 : i32
    %dma_start3A_894 = tpu.memref_slice %arg6[%dma_start3A_891, %dma_start3A_892, %dma_start3A_893] : memref<4x200x128xf32, #tpu.memory_space<vmem>> -> memref<1x200x128xf32, #tpu.memory_space<vmem>>
    %dma_start3A_895 = tpu.memref_squeeze %dma_start3A_894 : memref<1x200x128xf32, #tpu.memory_space<vmem>> -> memref<200x128xf32, #tpu.memory_space<vmem>>
    %dma_start3A_896 = arith.constant 0 : i32
    %dma_start3A_897 = arith.constant 0 : i32
    %dma_start3A_898 = tpu.memref_slice %dma_start3A_895[%dma_start3A_896, %dma_start3A_897] : memref<200x128xf32, #tpu.memory_space<vmem>> -> memref<104x128xf32, #tpu.memory_space<vmem>>
    %dma_start3A_899 = arith.constant 2200 : i32
    %dma_start3A_900 = tpu.memref_slice %arg5[%dma_start3A_899] : memref<6400xi32, #tpu.memory_space<vmem>> -> memref<104xi32, #tpu.memory_space<vmem>>
    %dma_start3A_901 = arith.constant 0 : i32
    %dma_start3A_902 = arith.constant 0 : i32
    %dma_start3A_903 = tpu.memref_slice %arg3[%dma_start3A_901, %dma_start3A_902] : memref<100000x128xf32, #tpu.memory_space<hbm>> -> memref<100000x128xf32, #tpu.memory_space<hbm>>
    tpu.enqueue_indirect_dma source(%dma_start3A_903 : memref<100000x128xf32, #tpu.memory_space<hbm>>) target(%dma_start3A_898 : memref<104x128xf32, #tpu.memory_space<vmem>>) offsets(%dma_start3A_900 : memref<104xi32, #tpu.memory_space<vmem>>) semaphore(%arg10 : memref<!tpu.dma_semaphore, #tpu.memory_space<semaphore_mem>>)
    %dma_start3A_904 = arith.constant 3 : i32
    %dma_start3A_905 = arith.constant 0 : i32
    %dma_start3A_906 = arith.constant 0 : i32
    %dma_start3A_907 = tpu.memref_slice %arg6[%dma_start3A_904, %dma_start3A_905, %dma_start3A_906] : memref<4x200x128xf32, #tpu.memory_space<vmem>> -> memref<1x200x128xf32, #tpu.memory_space<vmem>>
    %dma_start3A_908 = tpu.memref_squeeze %dma_start3A_907 : memref<1x200x128xf32, #tpu.memory_space<vmem>> -> memref<200x128xf32, #tpu.memory_space<vmem>>
    %dma_start3A_909 = arith.constant 104 : i32
    %dma_start3A_910 = arith.constant 0 : i32
    %dma_start3A_911 = tpu.memref_slice %dma_start3A_908[%dma_start3A_909, %dma_start3A_910] : memref<200x128xf32, #tpu.memory_space<vmem>> -> memref<96x128xf32, #tpu.memory_space<vmem>>
    %dma_start3A_912 = arith.constant 2304 : i32
    %dma_start3A_913 = tpu.memref_slice %arg5[%dma_start3A_912] : memref<6400xi32, #tpu.memory_space<vmem>> -> memref<96xi32, #tpu.memory_space<vmem>>
    %dma_start3A_914 = arith.constant 0 : i32
    %dma_start3A_915 = arith.constant 0 : i32
    %dma_start3A_916 = tpu.memref_slice %arg3[%dma_start3A_914, %dma_start3A_915] : memref<100000x128xf32, #tpu.memory_space<hbm>> -> memref<100000x128xf32, #tpu.memory_space<hbm>>
    tpu.enqueue_indirect_dma source(%dma_start3A_916 : memref<100000x128xf32, #tpu.memory_space<hbm>>) target(%dma_start3A_911 : memref<96x128xf32, #tpu.memory_space<vmem>>) offsets(%dma_start3A_913 : memref<96xi32, #tpu.memory_space<vmem>>) semaphore(%arg10 : memref<!tpu.dma_semaphore, #tpu.memory_space<semaphore_mem>>)
    %dma_wait3A_917 = arith.constant 2 : i32
    %dma_wait3A_918 = arith.constant 0 : i32
    %dma_wait3A_919 = arith.constant 0 : i32
    %dma_wait3A_920 = tpu.memref_slice %arg6[%dma_wait3A_917, %dma_wait3A_918, %dma_wait3A_919] : memref<4x200x128xf32, #tpu.memory_space<vmem>> -> memref<1x200x128xf32, #tpu.memory_space<vmem>>
    %dma_wait3A_921 = tpu.memref_squeeze %dma_wait3A_920 : memref<1x200x128xf32, #tpu.memory_space<vmem>> -> memref<200x128xf32, #tpu.memory_space<vmem>>
    %dma_wait3A_922 = arith.constant 0 : i32
    %dma_wait3A_923 = arith.constant 0 : i32
    %dma_wait3A_924 = tpu.memref_slice %dma_wait3A_921[%dma_wait3A_922, %dma_wait3A_923] : memref<200x128xf32, #tpu.memory_space<vmem>> -> memref<104x128xf32, #tpu.memory_space<vmem>>
    %dma_wait3A_925 = arith.constant 0 : i32
    %dma_wait3A_926 = tpu.memref_slice %arg5[%dma_wait3A_925] : memref<6400xi32, #tpu.memory_space<vmem>> -> memref<104xi32, #tpu.memory_space<vmem>>
    %dma_wait3A_927 = arith.constant 0 : i32
    %dma_wait3A_928 = arith.constant 0 : i32
    %dma_wait3A_929 = tpu.memref_slice %arg3[%dma_wait3A_927, %dma_wait3A_928] : memref<100000x128xf32, #tpu.memory_space<hbm>> -> memref<100000x128xf32, #tpu.memory_space<hbm>>
    tpu.wait_indirect_dma semaphore(%arg9 : memref<!tpu.dma_semaphore, #tpu.memory_space<semaphore_mem>>) src(%dma_wait3A_929 : memref<100000x128xf32, #tpu.memory_space<hbm>>) dst(%dma_wait3A_924 : memref<104x128xf32, #tpu.memory_space<vmem>>)
    %dma_wait3A_930 = arith.constant 2 : i32
    %dma_wait3A_931 = arith.constant 0 : i32
    %dma_wait3A_932 = arith.constant 0 : i32
    %dma_wait3A_933 = tpu.memref_slice %arg6[%dma_wait3A_930, %dma_wait3A_931, %dma_wait3A_932] : memref<4x200x128xf32, #tpu.memory_space<vmem>> -> memref<1x200x128xf32, #tpu.memory_space<vmem>>
    %dma_wait3A_934 = tpu.memref_squeeze %dma_wait3A_933 : memref<1x200x128xf32, #tpu.memory_space<vmem>> -> memref<200x128xf32, #tpu.memory_space<vmem>>
    %dma_wait3A_935 = arith.constant 104 : i32
    %dma_wait3A_936 = arith.constant 0 : i32
    %dma_wait3A_937 = tpu.memref_slice %dma_wait3A_934[%dma_wait3A_935, %dma_wait3A_936] : memref<200x128xf32, #tpu.memory_space<vmem>> -> memref<96x128xf32, #tpu.memory_space<vmem>>
    %dma_wait3A_938 = arith.constant 0 : i32
    %dma_wait3A_939 = tpu.memref_slice %arg5[%dma_wait3A_938] : memref<6400xi32, #tpu.memory_space<vmem>> -> memref<96xi32, #tpu.memory_space<vmem>>
    %dma_wait3A_940 = arith.constant 0 : i32
    %dma_wait3A_941 = arith.constant 0 : i32
    %dma_wait3A_942 = tpu.memref_slice %arg3[%dma_wait3A_940, %dma_wait3A_941] : memref<100000x128xf32, #tpu.memory_space<hbm>> -> memref<100000x128xf32, #tpu.memory_space<hbm>>
    tpu.wait_indirect_dma semaphore(%arg9 : memref<!tpu.dma_semaphore, #tpu.memory_space<semaphore_mem>>) src(%dma_wait3A_942 : memref<100000x128xf32, #tpu.memory_space<hbm>>) dst(%dma_wait3A_937 : memref<96x128xf32, #tpu.memory_space<vmem>>)
    %add3A_943 = arith.constant 40 : i32
    %add3A_944 = arith.addi %mul3A_2, %add3A_943 : i32
    %dma_start3A_945 = arith.constant 2 : i32
    %dma_start3A_946 = arith.constant 0 : i32
    %dma_start3A_947 = arith.constant 0 : i32
    %dma_start3A_948 = tpu.memref_slice %arg6[%dma_start3A_945, %dma_start3A_946, %dma_start3A_947] : memref<4x200x128xf32, #tpu.memory_space<vmem>> -> memref<1x200x128xf32, #tpu.memory_space<vmem>>
    %dma_start3A_949 = tpu.memref_squeeze %dma_start3A_948 : memref<1x200x128xf32, #tpu.memory_space<vmem>> -> memref<200x128xf32, #tpu.memory_space<vmem>>
    %dma_start3A_950 = tpu.memref_reshape %dma_start3A_949 : memref<200x128xf32, #tpu.memory_space<vmem>> -> memref<4x50x128xf32, #tpu.memory_space<vmem>>
    %dma_start3A_951 = arith.constant 0 : i32
    %dma_start3A_952 = arith.constant 0 : i32
    %dma_start3A_953 = tpu.memref_slice %arg4[%add3A_944, %dma_start3A_951, %dma_start3A_952] : memref<4096x50x128xf32, #tpu.memory_space<hbm>> -> memref<4x50x128xf32, #tpu.memory_space<hbm>>
    %dma_start3A_954 = arith.constant 0 : i32
    %dma_start3A_955 = arith.constant 0 : i32
    %dma_start3A_956 = tpu.memref_slice %arg4[%add3A_944, %dma_start3A_954, %dma_start3A_955] : memref<4096x50x128xf32, #tpu.memory_space<hbm>> -> memref<4x50x128xf32, #tpu.memory_space<hbm>>
    %dma_start3A_957 = arith.constant 0 : i32
    %dma_start3A_958 = arith.constant 0 : i32
    %dma_start3A_959 = tpu.memref_slice %arg6[%dma_start3A_945, %dma_start3A_957, %dma_start3A_958] : memref<4x200x128xf32, #tpu.memory_space<vmem>> -> memref<1x200x128xf32, #tpu.memory_space<vmem>>
    %dma_start3A_960 = tpu.memref_squeeze %dma_start3A_959 : memref<1x200x128xf32, #tpu.memory_space<vmem>> -> memref<200x128xf32, #tpu.memory_space<vmem>>
    %dma_start3A_961 = tpu.memref_reshape %dma_start3A_960 : memref<200x128xf32, #tpu.memory_space<vmem>> -> memref<4x50x128xf32, #tpu.memory_space<vmem>>
    tpu.enqueue_dma source(%dma_start3A_961 : memref<4x50x128xf32, #tpu.memory_space<vmem>>) target(%dma_start3A_956 : memref<4x50x128xf32, #tpu.memory_space<hbm>>) target_semaphore(%arg13 : memref<!tpu.dma_semaphore, #tpu.memory_space<semaphore_mem>>)
    %dma_wait3A_962 = arith.constant 0 : i32
    %dma_wait3A_963 = arith.constant 0 : i32
    %dma_wait3A_964 = arith.constant 0 : i32
    %dma_wait3A_965 = tpu.memref_slice %arg6[%dma_wait3A_962, %dma_wait3A_963, %dma_wait3A_964] : memref<4x200x128xf32, #tpu.memory_space<vmem>> -> memref<1x200x128xf32, #tpu.memory_space<vmem>>
    %dma_wait3A_966 = tpu.memref_squeeze %dma_wait3A_965 : memref<1x200x128xf32, #tpu.memory_space<vmem>> -> memref<200x128xf32, #tpu.memory_space<vmem>>
    %dma_wait3A_967 = tpu.memref_reshape %dma_wait3A_966 : memref<200x128xf32, #tpu.memory_space<vmem>> -> memref<4x50x128xf32, #tpu.memory_space<vmem>>
    %dma_wait3A_968 = arith.constant 0 : i32
    %dma_wait3A_969 = arith.constant 0 : i32
    %dma_wait3A_970 = arith.constant 0 : i32
    %dma_wait3A_971 = tpu.memref_slice %arg4[%dma_wait3A_968, %dma_wait3A_969, %dma_wait3A_970] : memref<4096x50x128xf32, #tpu.memory_space<hbm>> -> memref<4x50x128xf32, #tpu.memory_space<hbm>>
    %dma_wait3A_972 = arith.constant 0 : i32
    %dma_wait3A_973 = arith.constant 0 : i32
    %dma_wait3A_974 = arith.constant 0 : i32
    %dma_wait3A_975 = tpu.memref_slice %arg4[%dma_wait3A_972, %dma_wait3A_973, %dma_wait3A_974] : memref<4096x50x128xf32, #tpu.memory_space<hbm>> -> memref<4x50x128xf32, #tpu.memory_space<hbm>>
    %dma_wait3A_976 = arith.constant 0 : i32
    %dma_wait3A_977 = arith.constant 0 : i32
    %dma_wait3A_978 = tpu.memref_slice %arg6[%dma_wait3A_962, %dma_wait3A_976, %dma_wait3A_977] : memref<4x200x128xf32, #tpu.memory_space<vmem>> -> memref<1x200x128xf32, #tpu.memory_space<vmem>>
    %dma_wait3A_979 = tpu.memref_squeeze %dma_wait3A_978 : memref<1x200x128xf32, #tpu.memory_space<vmem>> -> memref<200x128xf32, #tpu.memory_space<vmem>>
    %dma_wait3A_980 = tpu.memref_reshape %dma_wait3A_979 : memref<200x128xf32, #tpu.memory_space<vmem>> -> memref<4x50x128xf32, #tpu.memory_space<vmem>>
    tpu.wait_dma2 semaphore(%arg11 : memref<!tpu.dma_semaphore, #tpu.memory_space<semaphore_mem>>) src(%dma_wait3A_980 : memref<4x50x128xf32, #tpu.memory_space<vmem>>) dst(%dma_wait3A_975 : memref<4x50x128xf32, #tpu.memory_space<hbm>>)
    %dma_start3A_981 = arith.constant 0 : i32
    %dma_start3A_982 = arith.constant 0 : i32
    %dma_start3A_983 = arith.constant 0 : i32
    %dma_start3A_984 = tpu.memref_slice %arg6[%dma_start3A_981, %dma_start3A_982, %dma_start3A_983] : memref<4x200x128xf32, #tpu.memory_space<vmem>> -> memref<1x200x128xf32, #tpu.memory_space<vmem>>
    %dma_start3A_985 = tpu.memref_squeeze %dma_start3A_984 : memref<1x200x128xf32, #tpu.memory_space<vmem>> -> memref<200x128xf32, #tpu.memory_space<vmem>>
    %dma_start3A_986 = arith.constant 0 : i32
    %dma_start3A_987 = arith.constant 0 : i32
    %dma_start3A_988 = tpu.memref_slice %dma_start3A_985[%dma_start3A_986, %dma_start3A_987] : memref<200x128xf32, #tpu.memory_space<vmem>> -> memref<104x128xf32, #tpu.memory_space<vmem>>
    %dma_start3A_989 = arith.constant 2400 : i32
    %dma_start3A_990 = tpu.memref_slice %arg5[%dma_start3A_989] : memref<6400xi32, #tpu.memory_space<vmem>> -> memref<104xi32, #tpu.memory_space<vmem>>
    %dma_start3A_991 = arith.constant 0 : i32
    %dma_start3A_992 = arith.constant 0 : i32
    %dma_start3A_993 = tpu.memref_slice %arg3[%dma_start3A_991, %dma_start3A_992] : memref<100000x128xf32, #tpu.memory_space<hbm>> -> memref<100000x128xf32, #tpu.memory_space<hbm>>
    tpu.enqueue_indirect_dma source(%dma_start3A_993 : memref<100000x128xf32, #tpu.memory_space<hbm>>) target(%dma_start3A_988 : memref<104x128xf32, #tpu.memory_space<vmem>>) offsets(%dma_start3A_990 : memref<104xi32, #tpu.memory_space<vmem>>) semaphore(%arg7 : memref<!tpu.dma_semaphore, #tpu.memory_space<semaphore_mem>>)
    %dma_start3A_994 = arith.constant 0 : i32
    %dma_start3A_995 = arith.constant 0 : i32
    %dma_start3A_996 = arith.constant 0 : i32
    %dma_start3A_997 = tpu.memref_slice %arg6[%dma_start3A_994, %dma_start3A_995, %dma_start3A_996] : memref<4x200x128xf32, #tpu.memory_space<vmem>> -> memref<1x200x128xf32, #tpu.memory_space<vmem>>
    %dma_start3A_998 = tpu.memref_squeeze %dma_start3A_997 : memref<1x200x128xf32, #tpu.memory_space<vmem>> -> memref<200x128xf32, #tpu.memory_space<vmem>>
    %dma_start3A_999 = arith.constant 104 : i32
    %dma_start3A_1000 = arith.constant 0 : i32
    %dma_start3A_1001 = tpu.memref_slice %dma_start3A_998[%dma_start3A_999, %dma_start3A_1000] : memref<200x128xf32, #tpu.memory_space<vmem>> -> memref<96x128xf32, #tpu.memory_space<vmem>>
    %dma_start3A_1002 = arith.constant 2504 : i32
    %dma_start3A_1003 = tpu.memref_slice %arg5[%dma_start3A_1002] : memref<6400xi32, #tpu.memory_space<vmem>> -> memref<96xi32, #tpu.memory_space<vmem>>
    %dma_start3A_1004 = arith.constant 0 : i32
    %dma_start3A_1005 = arith.constant 0 : i32
    %dma_start3A_1006 = tpu.memref_slice %arg3[%dma_start3A_1004, %dma_start3A_1005] : memref<100000x128xf32, #tpu.memory_space<hbm>> -> memref<100000x128xf32, #tpu.memory_space<hbm>>
    tpu.enqueue_indirect_dma source(%dma_start3A_1006 : memref<100000x128xf32, #tpu.memory_space<hbm>>) target(%dma_start3A_1001 : memref<96x128xf32, #tpu.memory_space<vmem>>) offsets(%dma_start3A_1003 : memref<96xi32, #tpu.memory_space<vmem>>) semaphore(%arg7 : memref<!tpu.dma_semaphore, #tpu.memory_space<semaphore_mem>>)
    %dma_wait3A_1007 = arith.constant 3 : i32
    %dma_wait3A_1008 = arith.constant 0 : i32
    %dma_wait3A_1009 = arith.constant 0 : i32
    %dma_wait3A_1010 = tpu.memref_slice %arg6[%dma_wait3A_1007, %dma_wait3A_1008, %dma_wait3A_1009] : memref<4x200x128xf32, #tpu.memory_space<vmem>> -> memref<1x200x128xf32, #tpu.memory_space<vmem>>
    %dma_wait3A_1011 = tpu.memref_squeeze %dma_wait3A_1010 : memref<1x200x128xf32, #tpu.memory_space<vmem>> -> memref<200x128xf32, #tpu.memory_space<vmem>>
    %dma_wait3A_1012 = arith.constant 0 : i32
    %dma_wait3A_1013 = arith.constant 0 : i32
    %dma_wait3A_1014 = tpu.memref_slice %dma_wait3A_1011[%dma_wait3A_1012, %dma_wait3A_1013] : memref<200x128xf32, #tpu.memory_space<vmem>> -> memref<104x128xf32, #tpu.memory_space<vmem>>
    %dma_wait3A_1015 = arith.constant 0 : i32
    %dma_wait3A_1016 = tpu.memref_slice %arg5[%dma_wait3A_1015] : memref<6400xi32, #tpu.memory_space<vmem>> -> memref<104xi32, #tpu.memory_space<vmem>>
    %dma_wait3A_1017 = arith.constant 0 : i32
    %dma_wait3A_1018 = arith.constant 0 : i32
    %dma_wait3A_1019 = tpu.memref_slice %arg3[%dma_wait3A_1017, %dma_wait3A_1018] : memref<100000x128xf32, #tpu.memory_space<hbm>> -> memref<100000x128xf32, #tpu.memory_space<hbm>>
    tpu.wait_indirect_dma semaphore(%arg10 : memref<!tpu.dma_semaphore, #tpu.memory_space<semaphore_mem>>) src(%dma_wait3A_1019 : memref<100000x128xf32, #tpu.memory_space<hbm>>) dst(%dma_wait3A_1014 : memref<104x128xf32, #tpu.memory_space<vmem>>)
    %dma_wait3A_1020 = arith.constant 3 : i32
    %dma_wait3A_1021 = arith.constant 0 : i32
    %dma_wait3A_1022 = arith.constant 0 : i32
    %dma_wait3A_1023 = tpu.memref_slice %arg6[%dma_wait3A_1020, %dma_wait3A_1021, %dma_wait3A_1022] : memref<4x200x128xf32, #tpu.memory_space<vmem>> -> memref<1x200x128xf32, #tpu.memory_space<vmem>>
    %dma_wait3A_1024 = tpu.memref_squeeze %dma_wait3A_1023 : memref<1x200x128xf32, #tpu.memory_space<vmem>> -> memref<200x128xf32, #tpu.memory_space<vmem>>
    %dma_wait3A_1025 = arith.constant 104 : i32
    %dma_wait3A_1026 = arith.constant 0 : i32
    %dma_wait3A_1027 = tpu.memref_slice %dma_wait3A_1024[%dma_wait3A_1025, %dma_wait3A_1026] : memref<200x128xf32, #tpu.memory_space<vmem>> -> memref<96x128xf32, #tpu.memory_space<vmem>>
    %dma_wait3A_1028 = arith.constant 0 : i32
    %dma_wait3A_1029 = tpu.memref_slice %arg5[%dma_wait3A_1028] : memref<6400xi32, #tpu.memory_space<vmem>> -> memref<96xi32, #tpu.memory_space<vmem>>
    %dma_wait3A_1030 = arith.constant 0 : i32
    %dma_wait3A_1031 = arith.constant 0 : i32
    %dma_wait3A_1032 = tpu.memref_slice %arg3[%dma_wait3A_1030, %dma_wait3A_1031] : memref<100000x128xf32, #tpu.memory_space<hbm>> -> memref<100000x128xf32, #tpu.memory_space<hbm>>
    tpu.wait_indirect_dma semaphore(%arg10 : memref<!tpu.dma_semaphore, #tpu.memory_space<semaphore_mem>>) src(%dma_wait3A_1032 : memref<100000x128xf32, #tpu.memory_space<hbm>>) dst(%dma_wait3A_1027 : memref<96x128xf32, #tpu.memory_space<vmem>>)
    %add3A_1033 = arith.constant 44 : i32
    %add3A_1034 = arith.addi %mul3A_2, %add3A_1033 : i32
    %dma_start3A_1035 = arith.constant 3 : i32
    %dma_start3A_1036 = arith.constant 0 : i32
    %dma_start3A_1037 = arith.constant 0 : i32
    %dma_start3A_1038 = tpu.memref_slice %arg6[%dma_start3A_1035, %dma_start3A_1036, %dma_start3A_1037] : memref<4x200x128xf32, #tpu.memory_space<vmem>> -> memref<1x200x128xf32, #tpu.memory_space<vmem>>
    %dma_start3A_1039 = tpu.memref_squeeze %dma_start3A_1038 : memref<1x200x128xf32, #tpu.memory_space<vmem>> -> memref<200x128xf32, #tpu.memory_space<vmem>>
    %dma_start3A_1040 = tpu.memref_reshape %dma_start3A_1039 : memref<200x128xf32, #tpu.memory_space<vmem>> -> memref<4x50x128xf32, #tpu.memory_space<vmem>>
    %dma_start3A_1041 = arith.constant 0 : i32
    %dma_start3A_1042 = arith.constant 0 : i32
    %dma_start3A_1043 = tpu.memref_slice %arg4[%add3A_1034, %dma_start3A_1041, %dma_start3A_1042] : memref<4096x50x128xf32, #tpu.memory_space<hbm>> -> memref<4x50x128xf32, #tpu.memory_space<hbm>>
    %dma_start3A_1044 = arith.constant 0 : i32
    %dma_start3A_1045 = arith.constant 0 : i32
    %dma_start3A_1046 = tpu.memref_slice %arg4[%add3A_1034, %dma_start3A_1044, %dma_start3A_1045] : memref<4096x50x128xf32, #tpu.memory_space<hbm>> -> memref<4x50x128xf32, #tpu.memory_space<hbm>>
    %dma_start3A_1047 = arith.constant 0 : i32
    %dma_start3A_1048 = arith.constant 0 : i32
    %dma_start3A_1049 = tpu.memref_slice %arg6[%dma_start3A_1035, %dma_start3A_1047, %dma_start3A_1048] : memref<4x200x128xf32, #tpu.memory_space<vmem>> -> memref<1x200x128xf32, #tpu.memory_space<vmem>>
    %dma_start3A_1050 = tpu.memref_squeeze %dma_start3A_1049 : memref<1x200x128xf32, #tpu.memory_space<vmem>> -> memref<200x128xf32, #tpu.memory_space<vmem>>
    %dma_start3A_1051 = tpu.memref_reshape %dma_start3A_1050 : memref<200x128xf32, #tpu.memory_space<vmem>> -> memref<4x50x128xf32, #tpu.memory_space<vmem>>
    tpu.enqueue_dma source(%dma_start3A_1051 : memref<4x50x128xf32, #tpu.memory_space<vmem>>) target(%dma_start3A_1046 : memref<4x50x128xf32, #tpu.memory_space<hbm>>) target_semaphore(%arg14 : memref<!tpu.dma_semaphore, #tpu.memory_space<semaphore_mem>>)
    %dma_wait3A_1052 = arith.constant 1 : i32
    %dma_wait3A_1053 = arith.constant 0 : i32
    %dma_wait3A_1054 = arith.constant 0 : i32
    %dma_wait3A_1055 = tpu.memref_slice %arg6[%dma_wait3A_1052, %dma_wait3A_1053, %dma_wait3A_1054] : memref<4x200x128xf32, #tpu.memory_space<vmem>> -> memref<1x200x128xf32, #tpu.memory_space<vmem>>
    %dma_wait3A_1056 = tpu.memref_squeeze %dma_wait3A_1055 : memref<1x200x128xf32, #tpu.memory_space<vmem>> -> memref<200x128xf32, #tpu.memory_space<vmem>>
    %dma_wait3A_1057 = tpu.memref_reshape %dma_wait3A_1056 : memref<200x128xf32, #tpu.memory_space<vmem>> -> memref<4x50x128xf32, #tpu.memory_space<vmem>>
    %dma_wait3A_1058 = arith.constant 0 : i32
    %dma_wait3A_1059 = arith.constant 0 : i32
    %dma_wait3A_1060 = arith.constant 0 : i32
    %dma_wait3A_1061 = tpu.memref_slice %arg4[%dma_wait3A_1058, %dma_wait3A_1059, %dma_wait3A_1060] : memref<4096x50x128xf32, #tpu.memory_space<hbm>> -> memref<4x50x128xf32, #tpu.memory_space<hbm>>
    %dma_wait3A_1062 = arith.constant 0 : i32
    %dma_wait3A_1063 = arith.constant 0 : i32
    %dma_wait3A_1064 = arith.constant 0 : i32
    %dma_wait3A_1065 = tpu.memref_slice %arg4[%dma_wait3A_1062, %dma_wait3A_1063, %dma_wait3A_1064] : memref<4096x50x128xf32, #tpu.memory_space<hbm>> -> memref<4x50x128xf32, #tpu.memory_space<hbm>>
    %dma_wait3A_1066 = arith.constant 0 : i32
    %dma_wait3A_1067 = arith.constant 0 : i32
    %dma_wait3A_1068 = tpu.memref_slice %arg6[%dma_wait3A_1052, %dma_wait3A_1066, %dma_wait3A_1067] : memref<4x200x128xf32, #tpu.memory_space<vmem>> -> memref<1x200x128xf32, #tpu.memory_space<vmem>>
    %dma_wait3A_1069 = tpu.memref_squeeze %dma_wait3A_1068 : memref<1x200x128xf32, #tpu.memory_space<vmem>> -> memref<200x128xf32, #tpu.memory_space<vmem>>
    %dma_wait3A_1070 = tpu.memref_reshape %dma_wait3A_1069 : memref<200x128xf32, #tpu.memory_space<vmem>> -> memref<4x50x128xf32, #tpu.memory_space<vmem>>
    tpu.wait_dma2 semaphore(%arg12 : memref<!tpu.dma_semaphore, #tpu.memory_space<semaphore_mem>>) src(%dma_wait3A_1070 : memref<4x50x128xf32, #tpu.memory_space<vmem>>) dst(%dma_wait3A_1065 : memref<4x50x128xf32, #tpu.memory_space<hbm>>)
    %dma_start3A_1071 = arith.constant 1 : i32
    %dma_start3A_1072 = arith.constant 0 : i32
    %dma_start3A_1073 = arith.constant 0 : i32
    %dma_start3A_1074 = tpu.memref_slice %arg6[%dma_start3A_1071, %dma_start3A_1072, %dma_start3A_1073] : memref<4x200x128xf32, #tpu.memory_space<vmem>> -> memref<1x200x128xf32, #tpu.memory_space<vmem>>
    %dma_start3A_1075 = tpu.memref_squeeze %dma_start3A_1074 : memref<1x200x128xf32, #tpu.memory_space<vmem>> -> memref<200x128xf32, #tpu.memory_space<vmem>>
    %dma_start3A_1076 = arith.constant 0 : i32
    %dma_start3A_1077 = arith.constant 0 : i32
    %dma_start3A_1078 = tpu.memref_slice %dma_start3A_1075[%dma_start3A_1076, %dma_start3A_1077] : memref<200x128xf32, #tpu.memory_space<vmem>> -> memref<104x128xf32, #tpu.memory_space<vmem>>
    %dma_start3A_1079 = arith.constant 2600 : i32
    %dma_start3A_1080 = tpu.memref_slice %arg5[%dma_start3A_1079] : memref<6400xi32, #tpu.memory_space<vmem>> -> memref<104xi32, #tpu.memory_space<vmem>>
    %dma_start3A_1081 = arith.constant 0 : i32
    %dma_start3A_1082 = arith.constant 0 : i32
    %dma_start3A_1083 = tpu.memref_slice %arg3[%dma_start3A_1081, %dma_start3A_1082] : memref<100000x128xf32, #tpu.memory_space<hbm>> -> memref<100000x128xf32, #tpu.memory_space<hbm>>
    tpu.enqueue_indirect_dma source(%dma_start3A_1083 : memref<100000x128xf32, #tpu.memory_space<hbm>>) target(%dma_start3A_1078 : memref<104x128xf32, #tpu.memory_space<vmem>>) offsets(%dma_start3A_1080 : memref<104xi32, #tpu.memory_space<vmem>>) semaphore(%arg8 : memref<!tpu.dma_semaphore, #tpu.memory_space<semaphore_mem>>)
    %dma_start3A_1084 = arith.constant 1 : i32
    %dma_start3A_1085 = arith.constant 0 : i32
    %dma_start3A_1086 = arith.constant 0 : i32
    %dma_start3A_1087 = tpu.memref_slice %arg6[%dma_start3A_1084, %dma_start3A_1085, %dma_start3A_1086] : memref<4x200x128xf32, #tpu.memory_space<vmem>> -> memref<1x200x128xf32, #tpu.memory_space<vmem>>
    %dma_start3A_1088 = tpu.memref_squeeze %dma_start3A_1087 : memref<1x200x128xf32, #tpu.memory_space<vmem>> -> memref<200x128xf32, #tpu.memory_space<vmem>>
    %dma_start3A_1089 = arith.constant 104 : i32
    %dma_start3A_1090 = arith.constant 0 : i32
    %dma_start3A_1091 = tpu.memref_slice %dma_start3A_1088[%dma_start3A_1089, %dma_start3A_1090] : memref<200x128xf32, #tpu.memory_space<vmem>> -> memref<96x128xf32, #tpu.memory_space<vmem>>
    %dma_start3A_1092 = arith.constant 2704 : i32
    %dma_start3A_1093 = tpu.memref_slice %arg5[%dma_start3A_1092] : memref<6400xi32, #tpu.memory_space<vmem>> -> memref<96xi32, #tpu.memory_space<vmem>>
    %dma_start3A_1094 = arith.constant 0 : i32
    %dma_start3A_1095 = arith.constant 0 : i32
    %dma_start3A_1096 = tpu.memref_slice %arg3[%dma_start3A_1094, %dma_start3A_1095] : memref<100000x128xf32, #tpu.memory_space<hbm>> -> memref<100000x128xf32, #tpu.memory_space<hbm>>
    tpu.enqueue_indirect_dma source(%dma_start3A_1096 : memref<100000x128xf32, #tpu.memory_space<hbm>>) target(%dma_start3A_1091 : memref<96x128xf32, #tpu.memory_space<vmem>>) offsets(%dma_start3A_1093 : memref<96xi32, #tpu.memory_space<vmem>>) semaphore(%arg8 : memref<!tpu.dma_semaphore, #tpu.memory_space<semaphore_mem>>)
    %dma_wait3A_1097 = arith.constant 0 : i32
    %dma_wait3A_1098 = arith.constant 0 : i32
    %dma_wait3A_1099 = arith.constant 0 : i32
    %dma_wait3A_1100 = tpu.memref_slice %arg6[%dma_wait3A_1097, %dma_wait3A_1098, %dma_wait3A_1099] : memref<4x200x128xf32, #tpu.memory_space<vmem>> -> memref<1x200x128xf32, #tpu.memory_space<vmem>>
    %dma_wait3A_1101 = tpu.memref_squeeze %dma_wait3A_1100 : memref<1x200x128xf32, #tpu.memory_space<vmem>> -> memref<200x128xf32, #tpu.memory_space<vmem>>
    %dma_wait3A_1102 = arith.constant 0 : i32
    %dma_wait3A_1103 = arith.constant 0 : i32
    %dma_wait3A_1104 = tpu.memref_slice %dma_wait3A_1101[%dma_wait3A_1102, %dma_wait3A_1103] : memref<200x128xf32, #tpu.memory_space<vmem>> -> memref<104x128xf32, #tpu.memory_space<vmem>>
    %dma_wait3A_1105 = arith.constant 0 : i32
    %dma_wait3A_1106 = tpu.memref_slice %arg5[%dma_wait3A_1105] : memref<6400xi32, #tpu.memory_space<vmem>> -> memref<104xi32, #tpu.memory_space<vmem>>
    %dma_wait3A_1107 = arith.constant 0 : i32
    %dma_wait3A_1108 = arith.constant 0 : i32
    %dma_wait3A_1109 = tpu.memref_slice %arg3[%dma_wait3A_1107, %dma_wait3A_1108] : memref<100000x128xf32, #tpu.memory_space<hbm>> -> memref<100000x128xf32, #tpu.memory_space<hbm>>
    tpu.wait_indirect_dma semaphore(%arg7 : memref<!tpu.dma_semaphore, #tpu.memory_space<semaphore_mem>>) src(%dma_wait3A_1109 : memref<100000x128xf32, #tpu.memory_space<hbm>>) dst(%dma_wait3A_1104 : memref<104x128xf32, #tpu.memory_space<vmem>>)
    %dma_wait3A_1110 = arith.constant 0 : i32
    %dma_wait3A_1111 = arith.constant 0 : i32
    %dma_wait3A_1112 = arith.constant 0 : i32
    %dma_wait3A_1113 = tpu.memref_slice %arg6[%dma_wait3A_1110, %dma_wait3A_1111, %dma_wait3A_1112] : memref<4x200x128xf32, #tpu.memory_space<vmem>> -> memref<1x200x128xf32, #tpu.memory_space<vmem>>
    %dma_wait3A_1114 = tpu.memref_squeeze %dma_wait3A_1113 : memref<1x200x128xf32, #tpu.memory_space<vmem>> -> memref<200x128xf32, #tpu.memory_space<vmem>>
    %dma_wait3A_1115 = arith.constant 104 : i32
    %dma_wait3A_1116 = arith.constant 0 : i32
    %dma_wait3A_1117 = tpu.memref_slice %dma_wait3A_1114[%dma_wait3A_1115, %dma_wait3A_1116] : memref<200x128xf32, #tpu.memory_space<vmem>> -> memref<96x128xf32, #tpu.memory_space<vmem>>
    %dma_wait3A_1118 = arith.constant 0 : i32
    %dma_wait3A_1119 = tpu.memref_slice %arg5[%dma_wait3A_1118] : memref<6400xi32, #tpu.memory_space<vmem>> -> memref<96xi32, #tpu.memory_space<vmem>>
    %dma_wait3A_1120 = arith.constant 0 : i32
    %dma_wait3A_1121 = arith.constant 0 : i32
    %dma_wait3A_1122 = tpu.memref_slice %arg3[%dma_wait3A_1120, %dma_wait3A_1121] : memref<100000x128xf32, #tpu.memory_space<hbm>> -> memref<100000x128xf32, #tpu.memory_space<hbm>>
    tpu.wait_indirect_dma semaphore(%arg7 : memref<!tpu.dma_semaphore, #tpu.memory_space<semaphore_mem>>) src(%dma_wait3A_1122 : memref<100000x128xf32, #tpu.memory_space<hbm>>) dst(%dma_wait3A_1117 : memref<96x128xf32, #tpu.memory_space<vmem>>)
    %add3A_1123 = arith.constant 48 : i32
    %add3A_1124 = arith.addi %mul3A_2, %add3A_1123 : i32
    %dma_start3A_1125 = arith.constant 0 : i32
    %dma_start3A_1126 = arith.constant 0 : i32
    %dma_start3A_1127 = arith.constant 0 : i32
    %dma_start3A_1128 = tpu.memref_slice %arg6[%dma_start3A_1125, %dma_start3A_1126, %dma_start3A_1127] : memref<4x200x128xf32, #tpu.memory_space<vmem>> -> memref<1x200x128xf32, #tpu.memory_space<vmem>>
    %dma_start3A_1129 = tpu.memref_squeeze %dma_start3A_1128 : memref<1x200x128xf32, #tpu.memory_space<vmem>> -> memref<200x128xf32, #tpu.memory_space<vmem>>
    %dma_start3A_1130 = tpu.memref_reshape %dma_start3A_1129 : memref<200x128xf32, #tpu.memory_space<vmem>> -> memref<4x50x128xf32, #tpu.memory_space<vmem>>
    %dma_start3A_1131 = arith.constant 0 : i32
    %dma_start3A_1132 = arith.constant 0 : i32
    %dma_start3A_1133 = tpu.memref_slice %arg4[%add3A_1124, %dma_start3A_1131, %dma_start3A_1132] : memref<4096x50x128xf32, #tpu.memory_space<hbm>> -> memref<4x50x128xf32, #tpu.memory_space<hbm>>
    %dma_start3A_1134 = arith.constant 0 : i32
    %dma_start3A_1135 = arith.constant 0 : i32
    %dma_start3A_1136 = tpu.memref_slice %arg4[%add3A_1124, %dma_start3A_1134, %dma_start3A_1135] : memref<4096x50x128xf32, #tpu.memory_space<hbm>> -> memref<4x50x128xf32, #tpu.memory_space<hbm>>
    %dma_start3A_1137 = arith.constant 0 : i32
    %dma_start3A_1138 = arith.constant 0 : i32
    %dma_start3A_1139 = tpu.memref_slice %arg6[%dma_start3A_1125, %dma_start3A_1137, %dma_start3A_1138] : memref<4x200x128xf32, #tpu.memory_space<vmem>> -> memref<1x200x128xf32, #tpu.memory_space<vmem>>
    %dma_start3A_1140 = tpu.memref_squeeze %dma_start3A_1139 : memref<1x200x128xf32, #tpu.memory_space<vmem>> -> memref<200x128xf32, #tpu.memory_space<vmem>>
    %dma_start3A_1141 = tpu.memref_reshape %dma_start3A_1140 : memref<200x128xf32, #tpu.memory_space<vmem>> -> memref<4x50x128xf32, #tpu.memory_space<vmem>>
    tpu.enqueue_dma source(%dma_start3A_1141 : memref<4x50x128xf32, #tpu.memory_space<vmem>>) target(%dma_start3A_1136 : memref<4x50x128xf32, #tpu.memory_space<hbm>>) target_semaphore(%arg11 : memref<!tpu.dma_semaphore, #tpu.memory_space<semaphore_mem>>)
    %dma_wait3A_1142 = arith.constant 2 : i32
    %dma_wait3A_1143 = arith.constant 0 : i32
    %dma_wait3A_1144 = arith.constant 0 : i32
    %dma_wait3A_1145 = tpu.memref_slice %arg6[%dma_wait3A_1142, %dma_wait3A_1143, %dma_wait3A_1144] : memref<4x200x128xf32, #tpu.memory_space<vmem>> -> memref<1x200x128xf32, #tpu.memory_space<vmem>>
    %dma_wait3A_1146 = tpu.memref_squeeze %dma_wait3A_1145 : memref<1x200x128xf32, #tpu.memory_space<vmem>> -> memref<200x128xf32, #tpu.memory_space<vmem>>
    %dma_wait3A_1147 = tpu.memref_reshape %dma_wait3A_1146 : memref<200x128xf32, #tpu.memory_space<vmem>> -> memref<4x50x128xf32, #tpu.memory_space<vmem>>
    %dma_wait3A_1148 = arith.constant 0 : i32
    %dma_wait3A_1149 = arith.constant 0 : i32
    %dma_wait3A_1150 = arith.constant 0 : i32
    %dma_wait3A_1151 = tpu.memref_slice %arg4[%dma_wait3A_1148, %dma_wait3A_1149, %dma_wait3A_1150] : memref<4096x50x128xf32, #tpu.memory_space<hbm>> -> memref<4x50x128xf32, #tpu.memory_space<hbm>>
    %dma_wait3A_1152 = arith.constant 0 : i32
    %dma_wait3A_1153 = arith.constant 0 : i32
    %dma_wait3A_1154 = arith.constant 0 : i32
    %dma_wait3A_1155 = tpu.memref_slice %arg4[%dma_wait3A_1152, %dma_wait3A_1153, %dma_wait3A_1154] : memref<4096x50x128xf32, #tpu.memory_space<hbm>> -> memref<4x50x128xf32, #tpu.memory_space<hbm>>
    %dma_wait3A_1156 = arith.constant 0 : i32
    %dma_wait3A_1157 = arith.constant 0 : i32
    %dma_wait3A_1158 = tpu.memref_slice %arg6[%dma_wait3A_1142, %dma_wait3A_1156, %dma_wait3A_1157] : memref<4x200x128xf32, #tpu.memory_space<vmem>> -> memref<1x200x128xf32, #tpu.memory_space<vmem>>
    %dma_wait3A_1159 = tpu.memref_squeeze %dma_wait3A_1158 : memref<1x200x128xf32, #tpu.memory_space<vmem>> -> memref<200x128xf32, #tpu.memory_space<vmem>>
    %dma_wait3A_1160 = tpu.memref_reshape %dma_wait3A_1159 : memref<200x128xf32, #tpu.memory_space<vmem>> -> memref<4x50x128xf32, #tpu.memory_space<vmem>>
    tpu.wait_dma2 semaphore(%arg13 : memref<!tpu.dma_semaphore, #tpu.memory_space<semaphore_mem>>) src(%dma_wait3A_1160 : memref<4x50x128xf32, #tpu.memory_space<vmem>>) dst(%dma_wait3A_1155 : memref<4x50x128xf32, #tpu.memory_space<hbm>>)
    %dma_start3A_1161 = arith.constant 2 : i32
    %dma_start3A_1162 = arith.constant 0 : i32
    %dma_start3A_1163 = arith.constant 0 : i32
    %dma_start3A_1164 = tpu.memref_slice %arg6[%dma_start3A_1161, %dma_start3A_1162, %dma_start3A_1163] : memref<4x200x128xf32, #tpu.memory_space<vmem>> -> memref<1x200x128xf32, #tpu.memory_space<vmem>>
    %dma_start3A_1165 = tpu.memref_squeeze %dma_start3A_1164 : memref<1x200x128xf32, #tpu.memory_space<vmem>> -> memref<200x128xf32, #tpu.memory_space<vmem>>
    %dma_start3A_1166 = arith.constant 0 : i32
    %dma_start3A_1167 = arith.constant 0 : i32
    %dma_start3A_1168 = tpu.memref_slice %dma_start3A_1165[%dma_start3A_1166, %dma_start3A_1167] : memref<200x128xf32, #tpu.memory_space<vmem>> -> memref<104x128xf32, #tpu.memory_space<vmem>>
    %dma_start3A_1169 = arith.constant 2800 : i32
    %dma_start3A_1170 = tpu.memref_slice %arg5[%dma_start3A_1169] : memref<6400xi32, #tpu.memory_space<vmem>> -> memref<104xi32, #tpu.memory_space<vmem>>
    %dma_start3A_1171 = arith.constant 0 : i32
    %dma_start3A_1172 = arith.constant 0 : i32
    %dma_start3A_1173 = tpu.memref_slice %arg3[%dma_start3A_1171, %dma_start3A_1172] : memref<100000x128xf32, #tpu.memory_space<hbm>> -> memref<100000x128xf32, #tpu.memory_space<hbm>>
    tpu.enqueue_indirect_dma source(%dma_start3A_1173 : memref<100000x128xf32, #tpu.memory_space<hbm>>) target(%dma_start3A_1168 : memref<104x128xf32, #tpu.memory_space<vmem>>) offsets(%dma_start3A_1170 : memref<104xi32, #tpu.memory_space<vmem>>) semaphore(%arg9 : memref<!tpu.dma_semaphore, #tpu.memory_space<semaphore_mem>>)
    %dma_start3A_1174 = arith.constant 2 : i32
    %dma_start3A_1175 = arith.constant 0 : i32
    %dma_start3A_1176 = arith.constant 0 : i32
    %dma_start3A_1177 = tpu.memref_slice %arg6[%dma_start3A_1174, %dma_start3A_1175, %dma_start3A_1176] : memref<4x200x128xf32, #tpu.memory_space<vmem>> -> memref<1x200x128xf32, #tpu.memory_space<vmem>>
    %dma_start3A_1178 = tpu.memref_squeeze %dma_start3A_1177 : memref<1x200x128xf32, #tpu.memory_space<vmem>> -> memref<200x128xf32, #tpu.memory_space<vmem>>
    %dma_start3A_1179 = arith.constant 104 : i32
    %dma_start3A_1180 = arith.constant 0 : i32
    %dma_start3A_1181 = tpu.memref_slice %dma_start3A_1178[%dma_start3A_1179, %dma_start3A_1180] : memref<200x128xf32, #tpu.memory_space<vmem>> -> memref<96x128xf32, #tpu.memory_space<vmem>>
    %dma_start3A_1182 = arith.constant 2904 : i32
    %dma_start3A_1183 = tpu.memref_slice %arg5[%dma_start3A_1182] : memref<6400xi32, #tpu.memory_space<vmem>> -> memref<96xi32, #tpu.memory_space<vmem>>
    %dma_start3A_1184 = arith.constant 0 : i32
    %dma_start3A_1185 = arith.constant 0 : i32
    %dma_start3A_1186 = tpu.memref_slice %arg3[%dma_start3A_1184, %dma_start3A_1185] : memref<100000x128xf32, #tpu.memory_space<hbm>> -> memref<100000x128xf32, #tpu.memory_space<hbm>>
    tpu.enqueue_indirect_dma source(%dma_start3A_1186 : memref<100000x128xf32, #tpu.memory_space<hbm>>) target(%dma_start3A_1181 : memref<96x128xf32, #tpu.memory_space<vmem>>) offsets(%dma_start3A_1183 : memref<96xi32, #tpu.memory_space<vmem>>) semaphore(%arg9 : memref<!tpu.dma_semaphore, #tpu.memory_space<semaphore_mem>>)
    %dma_wait3A_1187 = arith.constant 1 : i32
    %dma_wait3A_1188 = arith.constant 0 : i32
    %dma_wait3A_1189 = arith.constant 0 : i32
    %dma_wait3A_1190 = tpu.memref_slice %arg6[%dma_wait3A_1187, %dma_wait3A_1188, %dma_wait3A_1189] : memref<4x200x128xf32, #tpu.memory_space<vmem>> -> memref<1x200x128xf32, #tpu.memory_space<vmem>>
    %dma_wait3A_1191 = tpu.memref_squeeze %dma_wait3A_1190 : memref<1x200x128xf32, #tpu.memory_space<vmem>> -> memref<200x128xf32, #tpu.memory_space<vmem>>
    %dma_wait3A_1192 = arith.constant 0 : i32
    %dma_wait3A_1193 = arith.constant 0 : i32
    %dma_wait3A_1194 = tpu.memref_slice %dma_wait3A_1191[%dma_wait3A_1192, %dma_wait3A_1193] : memref<200x128xf32, #tpu.memory_space<vmem>> -> memref<104x128xf32, #tpu.memory_space<vmem>>
    %dma_wait3A_1195 = arith.constant 0 : i32
    %dma_wait3A_1196 = tpu.memref_slice %arg5[%dma_wait3A_1195] : memref<6400xi32, #tpu.memory_space<vmem>> -> memref<104xi32, #tpu.memory_space<vmem>>
    %dma_wait3A_1197 = arith.constant 0 : i32
    %dma_wait3A_1198 = arith.constant 0 : i32
    %dma_wait3A_1199 = tpu.memref_slice %arg3[%dma_wait3A_1197, %dma_wait3A_1198] : memref<100000x128xf32, #tpu.memory_space<hbm>> -> memref<100000x128xf32, #tpu.memory_space<hbm>>
    tpu.wait_indirect_dma semaphore(%arg8 : memref<!tpu.dma_semaphore, #tpu.memory_space<semaphore_mem>>) src(%dma_wait3A_1199 : memref<100000x128xf32, #tpu.memory_space<hbm>>) dst(%dma_wait3A_1194 : memref<104x128xf32, #tpu.memory_space<vmem>>)
    %dma_wait3A_1200 = arith.constant 1 : i32
    %dma_wait3A_1201 = arith.constant 0 : i32
    %dma_wait3A_1202 = arith.constant 0 : i32
    %dma_wait3A_1203 = tpu.memref_slice %arg6[%dma_wait3A_1200, %dma_wait3A_1201, %dma_wait3A_1202] : memref<4x200x128xf32, #tpu.memory_space<vmem>> -> memref<1x200x128xf32, #tpu.memory_space<vmem>>
    %dma_wait3A_1204 = tpu.memref_squeeze %dma_wait3A_1203 : memref<1x200x128xf32, #tpu.memory_space<vmem>> -> memref<200x128xf32, #tpu.memory_space<vmem>>
    %dma_wait3A_1205 = arith.constant 104 : i32
    %dma_wait3A_1206 = arith.constant 0 : i32
    %dma_wait3A_1207 = tpu.memref_slice %dma_wait3A_1204[%dma_wait3A_1205, %dma_wait3A_1206] : memref<200x128xf32, #tpu.memory_space<vmem>> -> memref<96x128xf32, #tpu.memory_space<vmem>>
    %dma_wait3A_1208 = arith.constant 0 : i32
    %dma_wait3A_1209 = tpu.memref_slice %arg5[%dma_wait3A_1208] : memref<6400xi32, #tpu.memory_space<vmem>> -> memref<96xi32, #tpu.memory_space<vmem>>
    %dma_wait3A_1210 = arith.constant 0 : i32
    %dma_wait3A_1211 = arith.constant 0 : i32
    %dma_wait3A_1212 = tpu.memref_slice %arg3[%dma_wait3A_1210, %dma_wait3A_1211] : memref<100000x128xf32, #tpu.memory_space<hbm>> -> memref<100000x128xf32, #tpu.memory_space<hbm>>
    tpu.wait_indirect_dma semaphore(%arg8 : memref<!tpu.dma_semaphore, #tpu.memory_space<semaphore_mem>>) src(%dma_wait3A_1212 : memref<100000x128xf32, #tpu.memory_space<hbm>>) dst(%dma_wait3A_1207 : memref<96x128xf32, #tpu.memory_space<vmem>>)
    %add3A_1213 = arith.constant 52 : i32
    %add3A_1214 = arith.addi %mul3A_2, %add3A_1213 : i32
    %dma_start3A_1215 = arith.constant 1 : i32
    %dma_start3A_1216 = arith.constant 0 : i32
    %dma_start3A_1217 = arith.constant 0 : i32
    %dma_start3A_1218 = tpu.memref_slice %arg6[%dma_start3A_1215, %dma_start3A_1216, %dma_start3A_1217] : memref<4x200x128xf32, #tpu.memory_space<vmem>> -> memref<1x200x128xf32, #tpu.memory_space<vmem>>
    %dma_start3A_1219 = tpu.memref_squeeze %dma_start3A_1218 : memref<1x200x128xf32, #tpu.memory_space<vmem>> -> memref<200x128xf32, #tpu.memory_space<vmem>>
    %dma_start3A_1220 = tpu.memref_reshape %dma_start3A_1219 : memref<200x128xf32, #tpu.memory_space<vmem>> -> memref<4x50x128xf32, #tpu.memory_space<vmem>>
    %dma_start3A_1221 = arith.constant 0 : i32
    %dma_start3A_1222 = arith.constant 0 : i32
    %dma_start3A_1223 = tpu.memref_slice %arg4[%add3A_1214, %dma_start3A_1221, %dma_start3A_1222] : memref<4096x50x128xf32, #tpu.memory_space<hbm>> -> memref<4x50x128xf32, #tpu.memory_space<hbm>>
    %dma_start3A_1224 = arith.constant 0 : i32
    %dma_start3A_1225 = arith.constant 0 : i32
    %dma_start3A_1226 = tpu.memref_slice %arg4[%add3A_1214, %dma_start3A_1224, %dma_start3A_1225] : memref<4096x50x128xf32, #tpu.memory_space<hbm>> -> memref<4x50x128xf32, #tpu.memory_space<hbm>>
    %dma_start3A_1227 = arith.constant 0 : i32
    %dma_start3A_1228 = arith.constant 0 : i32
    %dma_start3A_1229 = tpu.memref_slice %arg6[%dma_start3A_1215, %dma_start3A_1227, %dma_start3A_1228] : memref<4x200x128xf32, #tpu.memory_space<vmem>> -> memref<1x200x128xf32, #tpu.memory_space<vmem>>
    %dma_start3A_1230 = tpu.memref_squeeze %dma_start3A_1229 : memref<1x200x128xf32, #tpu.memory_space<vmem>> -> memref<200x128xf32, #tpu.memory_space<vmem>>
    %dma_start3A_1231 = tpu.memref_reshape %dma_start3A_1230 : memref<200x128xf32, #tpu.memory_space<vmem>> -> memref<4x50x128xf32, #tpu.memory_space<vmem>>
    tpu.enqueue_dma source(%dma_start3A_1231 : memref<4x50x128xf32, #tpu.memory_space<vmem>>) target(%dma_start3A_1226 : memref<4x50x128xf32, #tpu.memory_space<hbm>>) target_semaphore(%arg12 : memref<!tpu.dma_semaphore, #tpu.memory_space<semaphore_mem>>)
    %dma_wait3A_1232 = arith.constant 3 : i32
    %dma_wait3A_1233 = arith.constant 0 : i32
    %dma_wait3A_1234 = arith.constant 0 : i32
    %dma_wait3A_1235 = tpu.memref_slice %arg6[%dma_wait3A_1232, %dma_wait3A_1233, %dma_wait3A_1234] : memref<4x200x128xf32, #tpu.memory_space<vmem>> -> memref<1x200x128xf32, #tpu.memory_space<vmem>>
    %dma_wait3A_1236 = tpu.memref_squeeze %dma_wait3A_1235 : memref<1x200x128xf32, #tpu.memory_space<vmem>> -> memref<200x128xf32, #tpu.memory_space<vmem>>
    %dma_wait3A_1237 = tpu.memref_reshape %dma_wait3A_1236 : memref<200x128xf32, #tpu.memory_space<vmem>> -> memref<4x50x128xf32, #tpu.memory_space<vmem>>
    %dma_wait3A_1238 = arith.constant 0 : i32
    %dma_wait3A_1239 = arith.constant 0 : i32
    %dma_wait3A_1240 = arith.constant 0 : i32
    %dma_wait3A_1241 = tpu.memref_slice %arg4[%dma_wait3A_1238, %dma_wait3A_1239, %dma_wait3A_1240] : memref<4096x50x128xf32, #tpu.memory_space<hbm>> -> memref<4x50x128xf32, #tpu.memory_space<hbm>>
    %dma_wait3A_1242 = arith.constant 0 : i32
    %dma_wait3A_1243 = arith.constant 0 : i32
    %dma_wait3A_1244 = arith.constant 0 : i32
    %dma_wait3A_1245 = tpu.memref_slice %arg4[%dma_wait3A_1242, %dma_wait3A_1243, %dma_wait3A_1244] : memref<4096x50x128xf32, #tpu.memory_space<hbm>> -> memref<4x50x128xf32, #tpu.memory_space<hbm>>
    %dma_wait3A_1246 = arith.constant 0 : i32
    %dma_wait3A_1247 = arith.constant 0 : i32
    %dma_wait3A_1248 = tpu.memref_slice %arg6[%dma_wait3A_1232, %dma_wait3A_1246, %dma_wait3A_1247] : memref<4x200x128xf32, #tpu.memory_space<vmem>> -> memref<1x200x128xf32, #tpu.memory_space<vmem>>
    %dma_wait3A_1249 = tpu.memref_squeeze %dma_wait3A_1248 : memref<1x200x128xf32, #tpu.memory_space<vmem>> -> memref<200x128xf32, #tpu.memory_space<vmem>>
    %dma_wait3A_1250 = tpu.memref_reshape %dma_wait3A_1249 : memref<200x128xf32, #tpu.memory_space<vmem>> -> memref<4x50x128xf32, #tpu.memory_space<vmem>>
    tpu.wait_dma2 semaphore(%arg14 : memref<!tpu.dma_semaphore, #tpu.memory_space<semaphore_mem>>) src(%dma_wait3A_1250 : memref<4x50x128xf32, #tpu.memory_space<vmem>>) dst(%dma_wait3A_1245 : memref<4x50x128xf32, #tpu.memory_space<hbm>>)
    %dma_start3A_1251 = arith.constant 3 : i32
    %dma_start3A_1252 = arith.constant 0 : i32
    %dma_start3A_1253 = arith.constant 0 : i32
    %dma_start3A_1254 = tpu.memref_slice %arg6[%dma_start3A_1251, %dma_start3A_1252, %dma_start3A_1253] : memref<4x200x128xf32, #tpu.memory_space<vmem>> -> memref<1x200x128xf32, #tpu.memory_space<vmem>>
    %dma_start3A_1255 = tpu.memref_squeeze %dma_start3A_1254 : memref<1x200x128xf32, #tpu.memory_space<vmem>> -> memref<200x128xf32, #tpu.memory_space<vmem>>
    %dma_start3A_1256 = arith.constant 0 : i32
    %dma_start3A_1257 = arith.constant 0 : i32
    %dma_start3A_1258 = tpu.memref_slice %dma_start3A_1255[%dma_start3A_1256, %dma_start3A_1257] : memref<200x128xf32, #tpu.memory_space<vmem>> -> memref<104x128xf32, #tpu.memory_space<vmem>>
    %dma_start3A_1259 = arith.constant 3000 : i32
    %dma_start3A_1260 = tpu.memref_slice %arg5[%dma_start3A_1259] : memref<6400xi32, #tpu.memory_space<vmem>> -> memref<104xi32, #tpu.memory_space<vmem>>
    %dma_start3A_1261 = arith.constant 0 : i32
    %dma_start3A_1262 = arith.constant 0 : i32
    %dma_start3A_1263 = tpu.memref_slice %arg3[%dma_start3A_1261, %dma_start3A_1262] : memref<100000x128xf32, #tpu.memory_space<hbm>> -> memref<100000x128xf32, #tpu.memory_space<hbm>>
    tpu.enqueue_indirect_dma source(%dma_start3A_1263 : memref<100000x128xf32, #tpu.memory_space<hbm>>) target(%dma_start3A_1258 : memref<104x128xf32, #tpu.memory_space<vmem>>) offsets(%dma_start3A_1260 : memref<104xi32, #tpu.memory_space<vmem>>) semaphore(%arg10 : memref<!tpu.dma_semaphore, #tpu.memory_space<semaphore_mem>>)
    %dma_start3A_1264 = arith.constant 3 : i32
    %dma_start3A_1265 = arith.constant 0 : i32
    %dma_start3A_1266 = arith.constant 0 : i32
    %dma_start3A_1267 = tpu.memref_slice %arg6[%dma_start3A_1264, %dma_start3A_1265, %dma_start3A_1266] : memref<4x200x128xf32, #tpu.memory_space<vmem>> -> memref<1x200x128xf32, #tpu.memory_space<vmem>>
    %dma_start3A_1268 = tpu.memref_squeeze %dma_start3A_1267 : memref<1x200x128xf32, #tpu.memory_space<vmem>> -> memref<200x128xf32, #tpu.memory_space<vmem>>
    %dma_start3A_1269 = arith.constant 104 : i32
    %dma_start3A_1270 = arith.constant 0 : i32
    %dma_start3A_1271 = tpu.memref_slice %dma_start3A_1268[%dma_start3A_1269, %dma_start3A_1270] : memref<200x128xf32, #tpu.memory_space<vmem>> -> memref<96x128xf32, #tpu.memory_space<vmem>>
    %dma_start3A_1272 = arith.constant 3104 : i32
    %dma_start3A_1273 = tpu.memref_slice %arg5[%dma_start3A_1272] : memref<6400xi32, #tpu.memory_space<vmem>> -> memref<96xi32, #tpu.memory_space<vmem>>
    %dma_start3A_1274 = arith.constant 0 : i32
    %dma_start3A_1275 = arith.constant 0 : i32
    %dma_start3A_1276 = tpu.memref_slice %arg3[%dma_start3A_1274, %dma_start3A_1275] : memref<100000x128xf32, #tpu.memory_space<hbm>> -> memref<100000x128xf32, #tpu.memory_space<hbm>>
    tpu.enqueue_indirect_dma source(%dma_start3A_1276 : memref<100000x128xf32, #tpu.memory_space<hbm>>) target(%dma_start3A_1271 : memref<96x128xf32, #tpu.memory_space<vmem>>) offsets(%dma_start3A_1273 : memref<96xi32, #tpu.memory_space<vmem>>) semaphore(%arg10 : memref<!tpu.dma_semaphore, #tpu.memory_space<semaphore_mem>>)
    %dma_wait3A_1277 = arith.constant 2 : i32
    %dma_wait3A_1278 = arith.constant 0 : i32
    %dma_wait3A_1279 = arith.constant 0 : i32
    %dma_wait3A_1280 = tpu.memref_slice %arg6[%dma_wait3A_1277, %dma_wait3A_1278, %dma_wait3A_1279] : memref<4x200x128xf32, #tpu.memory_space<vmem>> -> memref<1x200x128xf32, #tpu.memory_space<vmem>>
    %dma_wait3A_1281 = tpu.memref_squeeze %dma_wait3A_1280 : memref<1x200x128xf32, #tpu.memory_space<vmem>> -> memref<200x128xf32, #tpu.memory_space<vmem>>
    %dma_wait3A_1282 = arith.constant 0 : i32
    %dma_wait3A_1283 = arith.constant 0 : i32
    %dma_wait3A_1284 = tpu.memref_slice %dma_wait3A_1281[%dma_wait3A_1282, %dma_wait3A_1283] : memref<200x128xf32, #tpu.memory_space<vmem>> -> memref<104x128xf32, #tpu.memory_space<vmem>>
    %dma_wait3A_1285 = arith.constant 0 : i32
    %dma_wait3A_1286 = tpu.memref_slice %arg5[%dma_wait3A_1285] : memref<6400xi32, #tpu.memory_space<vmem>> -> memref<104xi32, #tpu.memory_space<vmem>>
    %dma_wait3A_1287 = arith.constant 0 : i32
    %dma_wait3A_1288 = arith.constant 0 : i32
    %dma_wait3A_1289 = tpu.memref_slice %arg3[%dma_wait3A_1287, %dma_wait3A_1288] : memref<100000x128xf32, #tpu.memory_space<hbm>> -> memref<100000x128xf32, #tpu.memory_space<hbm>>
    tpu.wait_indirect_dma semaphore(%arg9 : memref<!tpu.dma_semaphore, #tpu.memory_space<semaphore_mem>>) src(%dma_wait3A_1289 : memref<100000x128xf32, #tpu.memory_space<hbm>>) dst(%dma_wait3A_1284 : memref<104x128xf32, #tpu.memory_space<vmem>>)
    %dma_wait3A_1290 = arith.constant 2 : i32
    %dma_wait3A_1291 = arith.constant 0 : i32
    %dma_wait3A_1292 = arith.constant 0 : i32
    %dma_wait3A_1293 = tpu.memref_slice %arg6[%dma_wait3A_1290, %dma_wait3A_1291, %dma_wait3A_1292] : memref<4x200x128xf32, #tpu.memory_space<vmem>> -> memref<1x200x128xf32, #tpu.memory_space<vmem>>
    %dma_wait3A_1294 = tpu.memref_squeeze %dma_wait3A_1293 : memref<1x200x128xf32, #tpu.memory_space<vmem>> -> memref<200x128xf32, #tpu.memory_space<vmem>>
    %dma_wait3A_1295 = arith.constant 104 : i32
    %dma_wait3A_1296 = arith.constant 0 : i32
    %dma_wait3A_1297 = tpu.memref_slice %dma_wait3A_1294[%dma_wait3A_1295, %dma_wait3A_1296] : memref<200x128xf32, #tpu.memory_space<vmem>> -> memref<96x128xf32, #tpu.memory_space<vmem>>
    %dma_wait3A_1298 = arith.constant 0 : i32
    %dma_wait3A_1299 = tpu.memref_slice %arg5[%dma_wait3A_1298] : memref<6400xi32, #tpu.memory_space<vmem>> -> memref<96xi32, #tpu.memory_space<vmem>>
    %dma_wait3A_1300 = arith.constant 0 : i32
    %dma_wait3A_1301 = arith.constant 0 : i32
    %dma_wait3A_1302 = tpu.memref_slice %arg3[%dma_wait3A_1300, %dma_wait3A_1301] : memref<100000x128xf32, #tpu.memory_space<hbm>> -> memref<100000x128xf32, #tpu.memory_space<hbm>>
    tpu.wait_indirect_dma semaphore(%arg9 : memref<!tpu.dma_semaphore, #tpu.memory_space<semaphore_mem>>) src(%dma_wait3A_1302 : memref<100000x128xf32, #tpu.memory_space<hbm>>) dst(%dma_wait3A_1297 : memref<96x128xf32, #tpu.memory_space<vmem>>)
    %add3A_1303 = arith.constant 56 : i32
    %add3A_1304 = arith.addi %mul3A_2, %add3A_1303 : i32
    %dma_start3A_1305 = arith.constant 2 : i32
    %dma_start3A_1306 = arith.constant 0 : i32
    %dma_start3A_1307 = arith.constant 0 : i32
    %dma_start3A_1308 = tpu.memref_slice %arg6[%dma_start3A_1305, %dma_start3A_1306, %dma_start3A_1307] : memref<4x200x128xf32, #tpu.memory_space<vmem>> -> memref<1x200x128xf32, #tpu.memory_space<vmem>>
    %dma_start3A_1309 = tpu.memref_squeeze %dma_start3A_1308 : memref<1x200x128xf32, #tpu.memory_space<vmem>> -> memref<200x128xf32, #tpu.memory_space<vmem>>
    %dma_start3A_1310 = tpu.memref_reshape %dma_start3A_1309 : memref<200x128xf32, #tpu.memory_space<vmem>> -> memref<4x50x128xf32, #tpu.memory_space<vmem>>
    %dma_start3A_1311 = arith.constant 0 : i32
    %dma_start3A_1312 = arith.constant 0 : i32
    %dma_start3A_1313 = tpu.memref_slice %arg4[%add3A_1304, %dma_start3A_1311, %dma_start3A_1312] : memref<4096x50x128xf32, #tpu.memory_space<hbm>> -> memref<4x50x128xf32, #tpu.memory_space<hbm>>
    %dma_start3A_1314 = arith.constant 0 : i32
    %dma_start3A_1315 = arith.constant 0 : i32
    %dma_start3A_1316 = tpu.memref_slice %arg4[%add3A_1304, %dma_start3A_1314, %dma_start3A_1315] : memref<4096x50x128xf32, #tpu.memory_space<hbm>> -> memref<4x50x128xf32, #tpu.memory_space<hbm>>
    %dma_start3A_1317 = arith.constant 0 : i32
    %dma_start3A_1318 = arith.constant 0 : i32
    %dma_start3A_1319 = tpu.memref_slice %arg6[%dma_start3A_1305, %dma_start3A_1317, %dma_start3A_1318] : memref<4x200x128xf32, #tpu.memory_space<vmem>> -> memref<1x200x128xf32, #tpu.memory_space<vmem>>
    %dma_start3A_1320 = tpu.memref_squeeze %dma_start3A_1319 : memref<1x200x128xf32, #tpu.memory_space<vmem>> -> memref<200x128xf32, #tpu.memory_space<vmem>>
    %dma_start3A_1321 = tpu.memref_reshape %dma_start3A_1320 : memref<200x128xf32, #tpu.memory_space<vmem>> -> memref<4x50x128xf32, #tpu.memory_space<vmem>>
    tpu.enqueue_dma source(%dma_start3A_1321 : memref<4x50x128xf32, #tpu.memory_space<vmem>>) target(%dma_start3A_1316 : memref<4x50x128xf32, #tpu.memory_space<hbm>>) target_semaphore(%arg13 : memref<!tpu.dma_semaphore, #tpu.memory_space<semaphore_mem>>)
    %dma_wait3A_1322 = arith.constant 0 : i32
    %dma_wait3A_1323 = arith.constant 0 : i32
    %dma_wait3A_1324 = arith.constant 0 : i32
    %dma_wait3A_1325 = tpu.memref_slice %arg6[%dma_wait3A_1322, %dma_wait3A_1323, %dma_wait3A_1324] : memref<4x200x128xf32, #tpu.memory_space<vmem>> -> memref<1x200x128xf32, #tpu.memory_space<vmem>>
    %dma_wait3A_1326 = tpu.memref_squeeze %dma_wait3A_1325 : memref<1x200x128xf32, #tpu.memory_space<vmem>> -> memref<200x128xf32, #tpu.memory_space<vmem>>
    %dma_wait3A_1327 = tpu.memref_reshape %dma_wait3A_1326 : memref<200x128xf32, #tpu.memory_space<vmem>> -> memref<4x50x128xf32, #tpu.memory_space<vmem>>
    %dma_wait3A_1328 = arith.constant 0 : i32
    %dma_wait3A_1329 = arith.constant 0 : i32
    %dma_wait3A_1330 = arith.constant 0 : i32
    %dma_wait3A_1331 = tpu.memref_slice %arg4[%dma_wait3A_1328, %dma_wait3A_1329, %dma_wait3A_1330] : memref<4096x50x128xf32, #tpu.memory_space<hbm>> -> memref<4x50x128xf32, #tpu.memory_space<hbm>>
    %dma_wait3A_1332 = arith.constant 0 : i32
    %dma_wait3A_1333 = arith.constant 0 : i32
    %dma_wait3A_1334 = arith.constant 0 : i32
    %dma_wait3A_1335 = tpu.memref_slice %arg4[%dma_wait3A_1332, %dma_wait3A_1333, %dma_wait3A_1334] : memref<4096x50x128xf32, #tpu.memory_space<hbm>> -> memref<4x50x128xf32, #tpu.memory_space<hbm>>
    %dma_wait3A_1336 = arith.constant 0 : i32
    %dma_wait3A_1337 = arith.constant 0 : i32
    %dma_wait3A_1338 = tpu.memref_slice %arg6[%dma_wait3A_1322, %dma_wait3A_1336, %dma_wait3A_1337] : memref<4x200x128xf32, #tpu.memory_space<vmem>> -> memref<1x200x128xf32, #tpu.memory_space<vmem>>
    %dma_wait3A_1339 = tpu.memref_squeeze %dma_wait3A_1338 : memref<1x200x128xf32, #tpu.memory_space<vmem>> -> memref<200x128xf32, #tpu.memory_space<vmem>>
    %dma_wait3A_1340 = tpu.memref_reshape %dma_wait3A_1339 : memref<200x128xf32, #tpu.memory_space<vmem>> -> memref<4x50x128xf32, #tpu.memory_space<vmem>>
    tpu.wait_dma2 semaphore(%arg11 : memref<!tpu.dma_semaphore, #tpu.memory_space<semaphore_mem>>) src(%dma_wait3A_1340 : memref<4x50x128xf32, #tpu.memory_space<vmem>>) dst(%dma_wait3A_1335 : memref<4x50x128xf32, #tpu.memory_space<hbm>>)
    %dma_start3A_1341 = arith.constant 0 : i32
    %dma_start3A_1342 = arith.constant 0 : i32
    %dma_start3A_1343 = arith.constant 0 : i32
    %dma_start3A_1344 = tpu.memref_slice %arg6[%dma_start3A_1341, %dma_start3A_1342, %dma_start3A_1343] : memref<4x200x128xf32, #tpu.memory_space<vmem>> -> memref<1x200x128xf32, #tpu.memory_space<vmem>>
    %dma_start3A_1345 = tpu.memref_squeeze %dma_start3A_1344 : memref<1x200x128xf32, #tpu.memory_space<vmem>> -> memref<200x128xf32, #tpu.memory_space<vmem>>
    %dma_start3A_1346 = arith.constant 0 : i32
    %dma_start3A_1347 = arith.constant 0 : i32
    %dma_start3A_1348 = tpu.memref_slice %dma_start3A_1345[%dma_start3A_1346, %dma_start3A_1347] : memref<200x128xf32, #tpu.memory_space<vmem>> -> memref<104x128xf32, #tpu.memory_space<vmem>>
    %dma_start3A_1349 = arith.constant 3200 : i32
    %dma_start3A_1350 = tpu.memref_slice %arg5[%dma_start3A_1349] : memref<6400xi32, #tpu.memory_space<vmem>> -> memref<104xi32, #tpu.memory_space<vmem>>
    %dma_start3A_1351 = arith.constant 0 : i32
    %dma_start3A_1352 = arith.constant 0 : i32
    %dma_start3A_1353 = tpu.memref_slice %arg3[%dma_start3A_1351, %dma_start3A_1352] : memref<100000x128xf32, #tpu.memory_space<hbm>> -> memref<100000x128xf32, #tpu.memory_space<hbm>>
    tpu.enqueue_indirect_dma source(%dma_start3A_1353 : memref<100000x128xf32, #tpu.memory_space<hbm>>) target(%dma_start3A_1348 : memref<104x128xf32, #tpu.memory_space<vmem>>) offsets(%dma_start3A_1350 : memref<104xi32, #tpu.memory_space<vmem>>) semaphore(%arg7 : memref<!tpu.dma_semaphore, #tpu.memory_space<semaphore_mem>>)
    %dma_start3A_1354 = arith.constant 0 : i32
    %dma_start3A_1355 = arith.constant 0 : i32
    %dma_start3A_1356 = arith.constant 0 : i32
    %dma_start3A_1357 = tpu.memref_slice %arg6[%dma_start3A_1354, %dma_start3A_1355, %dma_start3A_1356] : memref<4x200x128xf32, #tpu.memory_space<vmem>> -> memref<1x200x128xf32, #tpu.memory_space<vmem>>
    %dma_start3A_1358 = tpu.memref_squeeze %dma_start3A_1357 : memref<1x200x128xf32, #tpu.memory_space<vmem>> -> memref<200x128xf32, #tpu.memory_space<vmem>>
    %dma_start3A_1359 = arith.constant 104 : i32
    %dma_start3A_1360 = arith.constant 0 : i32
    %dma_start3A_1361 = tpu.memref_slice %dma_start3A_1358[%dma_start3A_1359, %dma_start3A_1360] : memref<200x128xf32, #tpu.memory_space<vmem>> -> memref<96x128xf32, #tpu.memory_space<vmem>>
    %dma_start3A_1362 = arith.constant 3304 : i32
    %dma_start3A_1363 = tpu.memref_slice %arg5[%dma_start3A_1362] : memref<6400xi32, #tpu.memory_space<vmem>> -> memref<96xi32, #tpu.memory_space<vmem>>
    %dma_start3A_1364 = arith.constant 0 : i32
    %dma_start3A_1365 = arith.constant 0 : i32
    %dma_start3A_1366 = tpu.memref_slice %arg3[%dma_start3A_1364, %dma_start3A_1365] : memref<100000x128xf32, #tpu.memory_space<hbm>> -> memref<100000x128xf32, #tpu.memory_space<hbm>>
    tpu.enqueue_indirect_dma source(%dma_start3A_1366 : memref<100000x128xf32, #tpu.memory_space<hbm>>) target(%dma_start3A_1361 : memref<96x128xf32, #tpu.memory_space<vmem>>) offsets(%dma_start3A_1363 : memref<96xi32, #tpu.memory_space<vmem>>) semaphore(%arg7 : memref<!tpu.dma_semaphore, #tpu.memory_space<semaphore_mem>>)
    %dma_wait3A_1367 = arith.constant 3 : i32
    %dma_wait3A_1368 = arith.constant 0 : i32
    %dma_wait3A_1369 = arith.constant 0 : i32
    %dma_wait3A_1370 = tpu.memref_slice %arg6[%dma_wait3A_1367, %dma_wait3A_1368, %dma_wait3A_1369] : memref<4x200x128xf32, #tpu.memory_space<vmem>> -> memref<1x200x128xf32, #tpu.memory_space<vmem>>
    %dma_wait3A_1371 = tpu.memref_squeeze %dma_wait3A_1370 : memref<1x200x128xf32, #tpu.memory_space<vmem>> -> memref<200x128xf32, #tpu.memory_space<vmem>>
    %dma_wait3A_1372 = arith.constant 0 : i32
    %dma_wait3A_1373 = arith.constant 0 : i32
    %dma_wait3A_1374 = tpu.memref_slice %dma_wait3A_1371[%dma_wait3A_1372, %dma_wait3A_1373] : memref<200x128xf32, #tpu.memory_space<vmem>> -> memref<104x128xf32, #tpu.memory_space<vmem>>
    %dma_wait3A_1375 = arith.constant 0 : i32
    %dma_wait3A_1376 = tpu.memref_slice %arg5[%dma_wait3A_1375] : memref<6400xi32, #tpu.memory_space<vmem>> -> memref<104xi32, #tpu.memory_space<vmem>>
    %dma_wait3A_1377 = arith.constant 0 : i32
    %dma_wait3A_1378 = arith.constant 0 : i32
    %dma_wait3A_1379 = tpu.memref_slice %arg3[%dma_wait3A_1377, %dma_wait3A_1378] : memref<100000x128xf32, #tpu.memory_space<hbm>> -> memref<100000x128xf32, #tpu.memory_space<hbm>>
    tpu.wait_indirect_dma semaphore(%arg10 : memref<!tpu.dma_semaphore, #tpu.memory_space<semaphore_mem>>) src(%dma_wait3A_1379 : memref<100000x128xf32, #tpu.memory_space<hbm>>) dst(%dma_wait3A_1374 : memref<104x128xf32, #tpu.memory_space<vmem>>)
    %dma_wait3A_1380 = arith.constant 3 : i32
    %dma_wait3A_1381 = arith.constant 0 : i32
    %dma_wait3A_1382 = arith.constant 0 : i32
    %dma_wait3A_1383 = tpu.memref_slice %arg6[%dma_wait3A_1380, %dma_wait3A_1381, %dma_wait3A_1382] : memref<4x200x128xf32, #tpu.memory_space<vmem>> -> memref<1x200x128xf32, #tpu.memory_space<vmem>>
    %dma_wait3A_1384 = tpu.memref_squeeze %dma_wait3A_1383 : memref<1x200x128xf32, #tpu.memory_space<vmem>> -> memref<200x128xf32, #tpu.memory_space<vmem>>
    %dma_wait3A_1385 = arith.constant 104 : i32
    %dma_wait3A_1386 = arith.constant 0 : i32
    %dma_wait3A_1387 = tpu.memref_slice %dma_wait3A_1384[%dma_wait3A_1385, %dma_wait3A_1386] : memref<200x128xf32, #tpu.memory_space<vmem>> -> memref<96x128xf32, #tpu.memory_space<vmem>>
    %dma_wait3A_1388 = arith.constant 0 : i32
    %dma_wait3A_1389 = tpu.memref_slice %arg5[%dma_wait3A_1388] : memref<6400xi32, #tpu.memory_space<vmem>> -> memref<96xi32, #tpu.memory_space<vmem>>
    %dma_wait3A_1390 = arith.constant 0 : i32
    %dma_wait3A_1391 = arith.constant 0 : i32
    %dma_wait3A_1392 = tpu.memref_slice %arg3[%dma_wait3A_1390, %dma_wait3A_1391] : memref<100000x128xf32, #tpu.memory_space<hbm>> -> memref<100000x128xf32, #tpu.memory_space<hbm>>
    tpu.wait_indirect_dma semaphore(%arg10 : memref<!tpu.dma_semaphore, #tpu.memory_space<semaphore_mem>>) src(%dma_wait3A_1392 : memref<100000x128xf32, #tpu.memory_space<hbm>>) dst(%dma_wait3A_1387 : memref<96x128xf32, #tpu.memory_space<vmem>>)
    %add3A_1393 = arith.constant 60 : i32
    %add3A_1394 = arith.addi %mul3A_2, %add3A_1393 : i32
    %dma_start3A_1395 = arith.constant 3 : i32
    %dma_start3A_1396 = arith.constant 0 : i32
    %dma_start3A_1397 = arith.constant 0 : i32
    %dma_start3A_1398 = tpu.memref_slice %arg6[%dma_start3A_1395, %dma_start3A_1396, %dma_start3A_1397] : memref<4x200x128xf32, #tpu.memory_space<vmem>> -> memref<1x200x128xf32, #tpu.memory_space<vmem>>
    %dma_start3A_1399 = tpu.memref_squeeze %dma_start3A_1398 : memref<1x200x128xf32, #tpu.memory_space<vmem>> -> memref<200x128xf32, #tpu.memory_space<vmem>>
    %dma_start3A_1400 = tpu.memref_reshape %dma_start3A_1399 : memref<200x128xf32, #tpu.memory_space<vmem>> -> memref<4x50x128xf32, #tpu.memory_space<vmem>>
    %dma_start3A_1401 = arith.constant 0 : i32
    %dma_start3A_1402 = arith.constant 0 : i32
    %dma_start3A_1403 = tpu.memref_slice %arg4[%add3A_1394, %dma_start3A_1401, %dma_start3A_1402] : memref<4096x50x128xf32, #tpu.memory_space<hbm>> -> memref<4x50x128xf32, #tpu.memory_space<hbm>>
    %dma_start3A_1404 = arith.constant 0 : i32
    %dma_start3A_1405 = arith.constant 0 : i32
    %dma_start3A_1406 = tpu.memref_slice %arg4[%add3A_1394, %dma_start3A_1404, %dma_start3A_1405] : memref<4096x50x128xf32, #tpu.memory_space<hbm>> -> memref<4x50x128xf32, #tpu.memory_space<hbm>>
    %dma_start3A_1407 = arith.constant 0 : i32
    %dma_start3A_1408 = arith.constant 0 : i32
    %dma_start3A_1409 = tpu.memref_slice %arg6[%dma_start3A_1395, %dma_start3A_1407, %dma_start3A_1408] : memref<4x200x128xf32, #tpu.memory_space<vmem>> -> memref<1x200x128xf32, #tpu.memory_space<vmem>>
    %dma_start3A_1410 = tpu.memref_squeeze %dma_start3A_1409 : memref<1x200x128xf32, #tpu.memory_space<vmem>> -> memref<200x128xf32, #tpu.memory_space<vmem>>
    %dma_start3A_1411 = tpu.memref_reshape %dma_start3A_1410 : memref<200x128xf32, #tpu.memory_space<vmem>> -> memref<4x50x128xf32, #tpu.memory_space<vmem>>
    tpu.enqueue_dma source(%dma_start3A_1411 : memref<4x50x128xf32, #tpu.memory_space<vmem>>) target(%dma_start3A_1406 : memref<4x50x128xf32, #tpu.memory_space<hbm>>) target_semaphore(%arg14 : memref<!tpu.dma_semaphore, #tpu.memory_space<semaphore_mem>>)
    %dma_wait3A_1412 = arith.constant 1 : i32
    %dma_wait3A_1413 = arith.constant 0 : i32
    %dma_wait3A_1414 = arith.constant 0 : i32
    %dma_wait3A_1415 = tpu.memref_slice %arg6[%dma_wait3A_1412, %dma_wait3A_1413, %dma_wait3A_1414] : memref<4x200x128xf32, #tpu.memory_space<vmem>> -> memref<1x200x128xf32, #tpu.memory_space<vmem>>
    %dma_wait3A_1416 = tpu.memref_squeeze %dma_wait3A_1415 : memref<1x200x128xf32, #tpu.memory_space<vmem>> -> memref<200x128xf32, #tpu.memory_space<vmem>>
    %dma_wait3A_1417 = tpu.memref_reshape %dma_wait3A_1416 : memref<200x128xf32, #tpu.memory_space<vmem>> -> memref<4x50x128xf32, #tpu.memory_space<vmem>>
    %dma_wait3A_1418 = arith.constant 0 : i32
    %dma_wait3A_1419 = arith.constant 0 : i32
    %dma_wait3A_1420 = arith.constant 0 : i32
    %dma_wait3A_1421 = tpu.memref_slice %arg4[%dma_wait3A_1418, %dma_wait3A_1419, %dma_wait3A_1420] : memref<4096x50x128xf32, #tpu.memory_space<hbm>> -> memref<4x50x128xf32, #tpu.memory_space<hbm>>
    %dma_wait3A_1422 = arith.constant 0 : i32
    %dma_wait3A_1423 = arith.constant 0 : i32
    %dma_wait3A_1424 = arith.constant 0 : i32
    %dma_wait3A_1425 = tpu.memref_slice %arg4[%dma_wait3A_1422, %dma_wait3A_1423, %dma_wait3A_1424] : memref<4096x50x128xf32, #tpu.memory_space<hbm>> -> memref<4x50x128xf32, #tpu.memory_space<hbm>>
    %dma_wait3A_1426 = arith.constant 0 : i32
    %dma_wait3A_1427 = arith.constant 0 : i32
    %dma_wait3A_1428 = tpu.memref_slice %arg6[%dma_wait3A_1412, %dma_wait3A_1426, %dma_wait3A_1427] : memref<4x200x128xf32, #tpu.memory_space<vmem>> -> memref<1x200x128xf32, #tpu.memory_space<vmem>>
    %dma_wait3A_1429 = tpu.memref_squeeze %dma_wait3A_1428 : memref<1x200x128xf32, #tpu.memory_space<vmem>> -> memref<200x128xf32, #tpu.memory_space<vmem>>
    %dma_wait3A_1430 = tpu.memref_reshape %dma_wait3A_1429 : memref<200x128xf32, #tpu.memory_space<vmem>> -> memref<4x50x128xf32, #tpu.memory_space<vmem>>
    tpu.wait_dma2 semaphore(%arg12 : memref<!tpu.dma_semaphore, #tpu.memory_space<semaphore_mem>>) src(%dma_wait3A_1430 : memref<4x50x128xf32, #tpu.memory_space<vmem>>) dst(%dma_wait3A_1425 : memref<4x50x128xf32, #tpu.memory_space<hbm>>)
    %dma_start3A_1431 = arith.constant 1 : i32
    %dma_start3A_1432 = arith.constant 0 : i32
    %dma_start3A_1433 = arith.constant 0 : i32
    %dma_start3A_1434 = tpu.memref_slice %arg6[%dma_start3A_1431, %dma_start3A_1432, %dma_start3A_1433] : memref<4x200x128xf32, #tpu.memory_space<vmem>> -> memref<1x200x128xf32, #tpu.memory_space<vmem>>
    %dma_start3A_1435 = tpu.memref_squeeze %dma_start3A_1434 : memref<1x200x128xf32, #tpu.memory_space<vmem>> -> memref<200x128xf32, #tpu.memory_space<vmem>>
    %dma_start3A_1436 = arith.constant 0 : i32
    %dma_start3A_1437 = arith.constant 0 : i32
    %dma_start3A_1438 = tpu.memref_slice %dma_start3A_1435[%dma_start3A_1436, %dma_start3A_1437] : memref<200x128xf32, #tpu.memory_space<vmem>> -> memref<104x128xf32, #tpu.memory_space<vmem>>
    %dma_start3A_1439 = arith.constant 3400 : i32
    %dma_start3A_1440 = tpu.memref_slice %arg5[%dma_start3A_1439] : memref<6400xi32, #tpu.memory_space<vmem>> -> memref<104xi32, #tpu.memory_space<vmem>>
    %dma_start3A_1441 = arith.constant 0 : i32
    %dma_start3A_1442 = arith.constant 0 : i32
    %dma_start3A_1443 = tpu.memref_slice %arg3[%dma_start3A_1441, %dma_start3A_1442] : memref<100000x128xf32, #tpu.memory_space<hbm>> -> memref<100000x128xf32, #tpu.memory_space<hbm>>
    tpu.enqueue_indirect_dma source(%dma_start3A_1443 : memref<100000x128xf32, #tpu.memory_space<hbm>>) target(%dma_start3A_1438 : memref<104x128xf32, #tpu.memory_space<vmem>>) offsets(%dma_start3A_1440 : memref<104xi32, #tpu.memory_space<vmem>>) semaphore(%arg8 : memref<!tpu.dma_semaphore, #tpu.memory_space<semaphore_mem>>)
    %dma_start3A_1444 = arith.constant 1 : i32
    %dma_start3A_1445 = arith.constant 0 : i32
    %dma_start3A_1446 = arith.constant 0 : i32
    %dma_start3A_1447 = tpu.memref_slice %arg6[%dma_start3A_1444, %dma_start3A_1445, %dma_start3A_1446] : memref<4x200x128xf32, #tpu.memory_space<vmem>> -> memref<1x200x128xf32, #tpu.memory_space<vmem>>
    %dma_start3A_1448 = tpu.memref_squeeze %dma_start3A_1447 : memref<1x200x128xf32, #tpu.memory_space<vmem>> -> memref<200x128xf32, #tpu.memory_space<vmem>>
    %dma_start3A_1449 = arith.constant 104 : i32
    %dma_start3A_1450 = arith.constant 0 : i32
    %dma_start3A_1451 = tpu.memref_slice %dma_start3A_1448[%dma_start3A_1449, %dma_start3A_1450] : memref<200x128xf32, #tpu.memory_space<vmem>> -> memref<96x128xf32, #tpu.memory_space<vmem>>
    %dma_start3A_1452 = arith.constant 3504 : i32
    %dma_start3A_1453 = tpu.memref_slice %arg5[%dma_start3A_1452] : memref<6400xi32, #tpu.memory_space<vmem>> -> memref<96xi32, #tpu.memory_space<vmem>>
    %dma_start3A_1454 = arith.constant 0 : i32
    %dma_start3A_1455 = arith.constant 0 : i32
    %dma_start3A_1456 = tpu.memref_slice %arg3[%dma_start3A_1454, %dma_start3A_1455] : memref<100000x128xf32, #tpu.memory_space<hbm>> -> memref<100000x128xf32, #tpu.memory_space<hbm>>
    tpu.enqueue_indirect_dma source(%dma_start3A_1456 : memref<100000x128xf32, #tpu.memory_space<hbm>>) target(%dma_start3A_1451 : memref<96x128xf32, #tpu.memory_space<vmem>>) offsets(%dma_start3A_1453 : memref<96xi32, #tpu.memory_space<vmem>>) semaphore(%arg8 : memref<!tpu.dma_semaphore, #tpu.memory_space<semaphore_mem>>)
    %dma_wait3A_1457 = arith.constant 0 : i32
    %dma_wait3A_1458 = arith.constant 0 : i32
    %dma_wait3A_1459 = arith.constant 0 : i32
    %dma_wait3A_1460 = tpu.memref_slice %arg6[%dma_wait3A_1457, %dma_wait3A_1458, %dma_wait3A_1459] : memref<4x200x128xf32, #tpu.memory_space<vmem>> -> memref<1x200x128xf32, #tpu.memory_space<vmem>>
    %dma_wait3A_1461 = tpu.memref_squeeze %dma_wait3A_1460 : memref<1x200x128xf32, #tpu.memory_space<vmem>> -> memref<200x128xf32, #tpu.memory_space<vmem>>
    %dma_wait3A_1462 = arith.constant 0 : i32
    %dma_wait3A_1463 = arith.constant 0 : i32
    %dma_wait3A_1464 = tpu.memref_slice %dma_wait3A_1461[%dma_wait3A_1462, %dma_wait3A_1463] : memref<200x128xf32, #tpu.memory_space<vmem>> -> memref<104x128xf32, #tpu.memory_space<vmem>>
    %dma_wait3A_1465 = arith.constant 0 : i32
    %dma_wait3A_1466 = tpu.memref_slice %arg5[%dma_wait3A_1465] : memref<6400xi32, #tpu.memory_space<vmem>> -> memref<104xi32, #tpu.memory_space<vmem>>
    %dma_wait3A_1467 = arith.constant 0 : i32
    %dma_wait3A_1468 = arith.constant 0 : i32
    %dma_wait3A_1469 = tpu.memref_slice %arg3[%dma_wait3A_1467, %dma_wait3A_1468] : memref<100000x128xf32, #tpu.memory_space<hbm>> -> memref<100000x128xf32, #tpu.memory_space<hbm>>
    tpu.wait_indirect_dma semaphore(%arg7 : memref<!tpu.dma_semaphore, #tpu.memory_space<semaphore_mem>>) src(%dma_wait3A_1469 : memref<100000x128xf32, #tpu.memory_space<hbm>>) dst(%dma_wait3A_1464 : memref<104x128xf32, #tpu.memory_space<vmem>>)
    %dma_wait3A_1470 = arith.constant 0 : i32
    %dma_wait3A_1471 = arith.constant 0 : i32
    %dma_wait3A_1472 = arith.constant 0 : i32
    %dma_wait3A_1473 = tpu.memref_slice %arg6[%dma_wait3A_1470, %dma_wait3A_1471, %dma_wait3A_1472] : memref<4x200x128xf32, #tpu.memory_space<vmem>> -> memref<1x200x128xf32, #tpu.memory_space<vmem>>
    %dma_wait3A_1474 = tpu.memref_squeeze %dma_wait3A_1473 : memref<1x200x128xf32, #tpu.memory_space<vmem>> -> memref<200x128xf32, #tpu.memory_space<vmem>>
    %dma_wait3A_1475 = arith.constant 104 : i32
    %dma_wait3A_1476 = arith.constant 0 : i32
    %dma_wait3A_1477 = tpu.memref_slice %dma_wait3A_1474[%dma_wait3A_1475, %dma_wait3A_1476] : memref<200x128xf32, #tpu.memory_space<vmem>> -> memref<96x128xf32, #tpu.memory_space<vmem>>
    %dma_wait3A_1478 = arith.constant 0 : i32
    %dma_wait3A_1479 = tpu.memref_slice %arg5[%dma_wait3A_1478] : memref<6400xi32, #tpu.memory_space<vmem>> -> memref<96xi32, #tpu.memory_space<vmem>>
    %dma_wait3A_1480 = arith.constant 0 : i32
    %dma_wait3A_1481 = arith.constant 0 : i32
    %dma_wait3A_1482 = tpu.memref_slice %arg3[%dma_wait3A_1480, %dma_wait3A_1481] : memref<100000x128xf32, #tpu.memory_space<hbm>> -> memref<100000x128xf32, #tpu.memory_space<hbm>>
    tpu.wait_indirect_dma semaphore(%arg7 : memref<!tpu.dma_semaphore, #tpu.memory_space<semaphore_mem>>) src(%dma_wait3A_1482 : memref<100000x128xf32, #tpu.memory_space<hbm>>) dst(%dma_wait3A_1477 : memref<96x128xf32, #tpu.memory_space<vmem>>)
    %add3A_1483 = arith.constant 64 : i32
    %add3A_1484 = arith.addi %mul3A_2, %add3A_1483 : i32
    %dma_start3A_1485 = arith.constant 0 : i32
    %dma_start3A_1486 = arith.constant 0 : i32
    %dma_start3A_1487 = arith.constant 0 : i32
    %dma_start3A_1488 = tpu.memref_slice %arg6[%dma_start3A_1485, %dma_start3A_1486, %dma_start3A_1487] : memref<4x200x128xf32, #tpu.memory_space<vmem>> -> memref<1x200x128xf32, #tpu.memory_space<vmem>>
    %dma_start3A_1489 = tpu.memref_squeeze %dma_start3A_1488 : memref<1x200x128xf32, #tpu.memory_space<vmem>> -> memref<200x128xf32, #tpu.memory_space<vmem>>
    %dma_start3A_1490 = tpu.memref_reshape %dma_start3A_1489 : memref<200x128xf32, #tpu.memory_space<vmem>> -> memref<4x50x128xf32, #tpu.memory_space<vmem>>
    %dma_start3A_1491 = arith.constant 0 : i32
    %dma_start3A_1492 = arith.constant 0 : i32
    %dma_start3A_1493 = tpu.memref_slice %arg4[%add3A_1484, %dma_start3A_1491, %dma_start3A_1492] : memref<4096x50x128xf32, #tpu.memory_space<hbm>> -> memref<4x50x128xf32, #tpu.memory_space<hbm>>
    %dma_start3A_1494 = arith.constant 0 : i32
    %dma_start3A_1495 = arith.constant 0 : i32
    %dma_start3A_1496 = tpu.memref_slice %arg4[%add3A_1484, %dma_start3A_1494, %dma_start3A_1495] : memref<4096x50x128xf32, #tpu.memory_space<hbm>> -> memref<4x50x128xf32, #tpu.memory_space<hbm>>
    %dma_start3A_1497 = arith.constant 0 : i32
    %dma_start3A_1498 = arith.constant 0 : i32
    %dma_start3A_1499 = tpu.memref_slice %arg6[%dma_start3A_1485, %dma_start3A_1497, %dma_start3A_1498] : memref<4x200x128xf32, #tpu.memory_space<vmem>> -> memref<1x200x128xf32, #tpu.memory_space<vmem>>
    %dma_start3A_1500 = tpu.memref_squeeze %dma_start3A_1499 : memref<1x200x128xf32, #tpu.memory_space<vmem>> -> memref<200x128xf32, #tpu.memory_space<vmem>>
    %dma_start3A_1501 = tpu.memref_reshape %dma_start3A_1500 : memref<200x128xf32, #tpu.memory_space<vmem>> -> memref<4x50x128xf32, #tpu.memory_space<vmem>>
    tpu.enqueue_dma source(%dma_start3A_1501 : memref<4x50x128xf32, #tpu.memory_space<vmem>>) target(%dma_start3A_1496 : memref<4x50x128xf32, #tpu.memory_space<hbm>>) target_semaphore(%arg11 : memref<!tpu.dma_semaphore, #tpu.memory_space<semaphore_mem>>)
    %dma_wait3A_1502 = arith.constant 2 : i32
    %dma_wait3A_1503 = arith.constant 0 : i32
    %dma_wait3A_1504 = arith.constant 0 : i32
    %dma_wait3A_1505 = tpu.memref_slice %arg6[%dma_wait3A_1502, %dma_wait3A_1503, %dma_wait3A_1504] : memref<4x200x128xf32, #tpu.memory_space<vmem>> -> memref<1x200x128xf32, #tpu.memory_space<vmem>>
    %dma_wait3A_1506 = tpu.memref_squeeze %dma_wait3A_1505 : memref<1x200x128xf32, #tpu.memory_space<vmem>> -> memref<200x128xf32, #tpu.memory_space<vmem>>
    %dma_wait3A_1507 = tpu.memref_reshape %dma_wait3A_1506 : memref<200x128xf32, #tpu.memory_space<vmem>> -> memref<4x50x128xf32, #tpu.memory_space<vmem>>
    %dma_wait3A_1508 = arith.constant 0 : i32
    %dma_wait3A_1509 = arith.constant 0 : i32
    %dma_wait3A_1510 = arith.constant 0 : i32
    %dma_wait3A_1511 = tpu.memref_slice %arg4[%dma_wait3A_1508, %dma_wait3A_1509, %dma_wait3A_1510] : memref<4096x50x128xf32, #tpu.memory_space<hbm>> -> memref<4x50x128xf32, #tpu.memory_space<hbm>>
    %dma_wait3A_1512 = arith.constant 0 : i32
    %dma_wait3A_1513 = arith.constant 0 : i32
    %dma_wait3A_1514 = arith.constant 0 : i32
    %dma_wait3A_1515 = tpu.memref_slice %arg4[%dma_wait3A_1512, %dma_wait3A_1513, %dma_wait3A_1514] : memref<4096x50x128xf32, #tpu.memory_space<hbm>> -> memref<4x50x128xf32, #tpu.memory_space<hbm>>
    %dma_wait3A_1516 = arith.constant 0 : i32
    %dma_wait3A_1517 = arith.constant 0 : i32
    %dma_wait3A_1518 = tpu.memref_slice %arg6[%dma_wait3A_1502, %dma_wait3A_1516, %dma_wait3A_1517] : memref<4x200x128xf32, #tpu.memory_space<vmem>> -> memref<1x200x128xf32, #tpu.memory_space<vmem>>
    %dma_wait3A_1519 = tpu.memref_squeeze %dma_wait3A_1518 : memref<1x200x128xf32, #tpu.memory_space<vmem>> -> memref<200x128xf32, #tpu.memory_space<vmem>>
    %dma_wait3A_1520 = tpu.memref_reshape %dma_wait3A_1519 : memref<200x128xf32, #tpu.memory_space<vmem>> -> memref<4x50x128xf32, #tpu.memory_space<vmem>>
    tpu.wait_dma2 semaphore(%arg13 : memref<!tpu.dma_semaphore, #tpu.memory_space<semaphore_mem>>) src(%dma_wait3A_1520 : memref<4x50x128xf32, #tpu.memory_space<vmem>>) dst(%dma_wait3A_1515 : memref<4x50x128xf32, #tpu.memory_space<hbm>>)
    %dma_start3A_1521 = arith.constant 2 : i32
    %dma_start3A_1522 = arith.constant 0 : i32
    %dma_start3A_1523 = arith.constant 0 : i32
    %dma_start3A_1524 = tpu.memref_slice %arg6[%dma_start3A_1521, %dma_start3A_1522, %dma_start3A_1523] : memref<4x200x128xf32, #tpu.memory_space<vmem>> -> memref<1x200x128xf32, #tpu.memory_space<vmem>>
    %dma_start3A_1525 = tpu.memref_squeeze %dma_start3A_1524 : memref<1x200x128xf32, #tpu.memory_space<vmem>> -> memref<200x128xf32, #tpu.memory_space<vmem>>
    %dma_start3A_1526 = arith.constant 0 : i32
    %dma_start3A_1527 = arith.constant 0 : i32
    %dma_start3A_1528 = tpu.memref_slice %dma_start3A_1525[%dma_start3A_1526, %dma_start3A_1527] : memref<200x128xf32, #tpu.memory_space<vmem>> -> memref<104x128xf32, #tpu.memory_space<vmem>>
    %dma_start3A_1529 = arith.constant 3600 : i32
    %dma_start3A_1530 = tpu.memref_slice %arg5[%dma_start3A_1529] : memref<6400xi32, #tpu.memory_space<vmem>> -> memref<104xi32, #tpu.memory_space<vmem>>
    %dma_start3A_1531 = arith.constant 0 : i32
    %dma_start3A_1532 = arith.constant 0 : i32
    %dma_start3A_1533 = tpu.memref_slice %arg3[%dma_start3A_1531, %dma_start3A_1532] : memref<100000x128xf32, #tpu.memory_space<hbm>> -> memref<100000x128xf32, #tpu.memory_space<hbm>>
    tpu.enqueue_indirect_dma source(%dma_start3A_1533 : memref<100000x128xf32, #tpu.memory_space<hbm>>) target(%dma_start3A_1528 : memref<104x128xf32, #tpu.memory_space<vmem>>) offsets(%dma_start3A_1530 : memref<104xi32, #tpu.memory_space<vmem>>) semaphore(%arg9 : memref<!tpu.dma_semaphore, #tpu.memory_space<semaphore_mem>>)
    %dma_start3A_1534 = arith.constant 2 : i32
    %dma_start3A_1535 = arith.constant 0 : i32
    %dma_start3A_1536 = arith.constant 0 : i32
    %dma_start3A_1537 = tpu.memref_slice %arg6[%dma_start3A_1534, %dma_start3A_1535, %dma_start3A_1536] : memref<4x200x128xf32, #tpu.memory_space<vmem>> -> memref<1x200x128xf32, #tpu.memory_space<vmem>>
    %dma_start3A_1538 = tpu.memref_squeeze %dma_start3A_1537 : memref<1x200x128xf32, #tpu.memory_space<vmem>> -> memref<200x128xf32, #tpu.memory_space<vmem>>
    %dma_start3A_1539 = arith.constant 104 : i32
    %dma_start3A_1540 = arith.constant 0 : i32
    %dma_start3A_1541 = tpu.memref_slice %dma_start3A_1538[%dma_start3A_1539, %dma_start3A_1540] : memref<200x128xf32, #tpu.memory_space<vmem>> -> memref<96x128xf32, #tpu.memory_space<vmem>>
    %dma_start3A_1542 = arith.constant 3704 : i32
    %dma_start3A_1543 = tpu.memref_slice %arg5[%dma_start3A_1542] : memref<6400xi32, #tpu.memory_space<vmem>> -> memref<96xi32, #tpu.memory_space<vmem>>
    %dma_start3A_1544 = arith.constant 0 : i32
    %dma_start3A_1545 = arith.constant 0 : i32
    %dma_start3A_1546 = tpu.memref_slice %arg3[%dma_start3A_1544, %dma_start3A_1545] : memref<100000x128xf32, #tpu.memory_space<hbm>> -> memref<100000x128xf32, #tpu.memory_space<hbm>>
    tpu.enqueue_indirect_dma source(%dma_start3A_1546 : memref<100000x128xf32, #tpu.memory_space<hbm>>) target(%dma_start3A_1541 : memref<96x128xf32, #tpu.memory_space<vmem>>) offsets(%dma_start3A_1543 : memref<96xi32, #tpu.memory_space<vmem>>) semaphore(%arg9 : memref<!tpu.dma_semaphore, #tpu.memory_space<semaphore_mem>>)
    %dma_wait3A_1547 = arith.constant 1 : i32
    %dma_wait3A_1548 = arith.constant 0 : i32
    %dma_wait3A_1549 = arith.constant 0 : i32
    %dma_wait3A_1550 = tpu.memref_slice %arg6[%dma_wait3A_1547, %dma_wait3A_1548, %dma_wait3A_1549] : memref<4x200x128xf32, #tpu.memory_space<vmem>> -> memref<1x200x128xf32, #tpu.memory_space<vmem>>
    %dma_wait3A_1551 = tpu.memref_squeeze %dma_wait3A_1550 : memref<1x200x128xf32, #tpu.memory_space<vmem>> -> memref<200x128xf32, #tpu.memory_space<vmem>>
    %dma_wait3A_1552 = arith.constant 0 : i32
    %dma_wait3A_1553 = arith.constant 0 : i32
    %dma_wait3A_1554 = tpu.memref_slice %dma_wait3A_1551[%dma_wait3A_1552, %dma_wait3A_1553] : memref<200x128xf32, #tpu.memory_space<vmem>> -> memref<104x128xf32, #tpu.memory_space<vmem>>
    %dma_wait3A_1555 = arith.constant 0 : i32
    %dma_wait3A_1556 = tpu.memref_slice %arg5[%dma_wait3A_1555] : memref<6400xi32, #tpu.memory_space<vmem>> -> memref<104xi32, #tpu.memory_space<vmem>>
    %dma_wait3A_1557 = arith.constant 0 : i32
    %dma_wait3A_1558 = arith.constant 0 : i32
    %dma_wait3A_1559 = tpu.memref_slice %arg3[%dma_wait3A_1557, %dma_wait3A_1558] : memref<100000x128xf32, #tpu.memory_space<hbm>> -> memref<100000x128xf32, #tpu.memory_space<hbm>>
    tpu.wait_indirect_dma semaphore(%arg8 : memref<!tpu.dma_semaphore, #tpu.memory_space<semaphore_mem>>) src(%dma_wait3A_1559 : memref<100000x128xf32, #tpu.memory_space<hbm>>) dst(%dma_wait3A_1554 : memref<104x128xf32, #tpu.memory_space<vmem>>)
    %dma_wait3A_1560 = arith.constant 1 : i32
    %dma_wait3A_1561 = arith.constant 0 : i32
    %dma_wait3A_1562 = arith.constant 0 : i32
    %dma_wait3A_1563 = tpu.memref_slice %arg6[%dma_wait3A_1560, %dma_wait3A_1561, %dma_wait3A_1562] : memref<4x200x128xf32, #tpu.memory_space<vmem>> -> memref<1x200x128xf32, #tpu.memory_space<vmem>>
    %dma_wait3A_1564 = tpu.memref_squeeze %dma_wait3A_1563 : memref<1x200x128xf32, #tpu.memory_space<vmem>> -> memref<200x128xf32, #tpu.memory_space<vmem>>
    %dma_wait3A_1565 = arith.constant 104 : i32
    %dma_wait3A_1566 = arith.constant 0 : i32
    %dma_wait3A_1567 = tpu.memref_slice %dma_wait3A_1564[%dma_wait3A_1565, %dma_wait3A_1566] : memref<200x128xf32, #tpu.memory_space<vmem>> -> memref<96x128xf32, #tpu.memory_space<vmem>>
    %dma_wait3A_1568 = arith.constant 0 : i32
    %dma_wait3A_1569 = tpu.memref_slice %arg5[%dma_wait3A_1568] : memref<6400xi32, #tpu.memory_space<vmem>> -> memref<96xi32, #tpu.memory_space<vmem>>
    %dma_wait3A_1570 = arith.constant 0 : i32
    %dma_wait3A_1571 = arith.constant 0 : i32
    %dma_wait3A_1572 = tpu.memref_slice %arg3[%dma_wait3A_1570, %dma_wait3A_1571] : memref<100000x128xf32, #tpu.memory_space<hbm>> -> memref<100000x128xf32, #tpu.memory_space<hbm>>
    tpu.wait_indirect_dma semaphore(%arg8 : memref<!tpu.dma_semaphore, #tpu.memory_space<semaphore_mem>>) src(%dma_wait3A_1572 : memref<100000x128xf32, #tpu.memory_space<hbm>>) dst(%dma_wait3A_1567 : memref<96x128xf32, #tpu.memory_space<vmem>>)
    %add3A_1573 = arith.constant 68 : i32
    %add3A_1574 = arith.addi %mul3A_2, %add3A_1573 : i32
    %dma_start3A_1575 = arith.constant 1 : i32
    %dma_start3A_1576 = arith.constant 0 : i32
    %dma_start3A_1577 = arith.constant 0 : i32
    %dma_start3A_1578 = tpu.memref_slice %arg6[%dma_start3A_1575, %dma_start3A_1576, %dma_start3A_1577] : memref<4x200x128xf32, #tpu.memory_space<vmem>> -> memref<1x200x128xf32, #tpu.memory_space<vmem>>
    %dma_start3A_1579 = tpu.memref_squeeze %dma_start3A_1578 : memref<1x200x128xf32, #tpu.memory_space<vmem>> -> memref<200x128xf32, #tpu.memory_space<vmem>>
    %dma_start3A_1580 = tpu.memref_reshape %dma_start3A_1579 : memref<200x128xf32, #tpu.memory_space<vmem>> -> memref<4x50x128xf32, #tpu.memory_space<vmem>>
    %dma_start3A_1581 = arith.constant 0 : i32
    %dma_start3A_1582 = arith.constant 0 : i32
    %dma_start3A_1583 = tpu.memref_slice %arg4[%add3A_1574, %dma_start3A_1581, %dma_start3A_1582] : memref<4096x50x128xf32, #tpu.memory_space<hbm>> -> memref<4x50x128xf32, #tpu.memory_space<hbm>>
    %dma_start3A_1584 = arith.constant 0 : i32
    %dma_start3A_1585 = arith.constant 0 : i32
    %dma_start3A_1586 = tpu.memref_slice %arg4[%add3A_1574, %dma_start3A_1584, %dma_start3A_1585] : memref<4096x50x128xf32, #tpu.memory_space<hbm>> -> memref<4x50x128xf32, #tpu.memory_space<hbm>>
    %dma_start3A_1587 = arith.constant 0 : i32
    %dma_start3A_1588 = arith.constant 0 : i32
    %dma_start3A_1589 = tpu.memref_slice %arg6[%dma_start3A_1575, %dma_start3A_1587, %dma_start3A_1588] : memref<4x200x128xf32, #tpu.memory_space<vmem>> -> memref<1x200x128xf32, #tpu.memory_space<vmem>>
    %dma_start3A_1590 = tpu.memref_squeeze %dma_start3A_1589 : memref<1x200x128xf32, #tpu.memory_space<vmem>> -> memref<200x128xf32, #tpu.memory_space<vmem>>
    %dma_start3A_1591 = tpu.memref_reshape %dma_start3A_1590 : memref<200x128xf32, #tpu.memory_space<vmem>> -> memref<4x50x128xf32, #tpu.memory_space<vmem>>
    tpu.enqueue_dma source(%dma_start3A_1591 : memref<4x50x128xf32, #tpu.memory_space<vmem>>) target(%dma_start3A_1586 : memref<4x50x128xf32, #tpu.memory_space<hbm>>) target_semaphore(%arg12 : memref<!tpu.dma_semaphore, #tpu.memory_space<semaphore_mem>>)
    %dma_wait3A_1592 = arith.constant 3 : i32
    %dma_wait3A_1593 = arith.constant 0 : i32
    %dma_wait3A_1594 = arith.constant 0 : i32
    %dma_wait3A_1595 = tpu.memref_slice %arg6[%dma_wait3A_1592, %dma_wait3A_1593, %dma_wait3A_1594] : memref<4x200x128xf32, #tpu.memory_space<vmem>> -> memref<1x200x128xf32, #tpu.memory_space<vmem>>
    %dma_wait3A_1596 = tpu.memref_squeeze %dma_wait3A_1595 : memref<1x200x128xf32, #tpu.memory_space<vmem>> -> memref<200x128xf32, #tpu.memory_space<vmem>>
    %dma_wait3A_1597 = tpu.memref_reshape %dma_wait3A_1596 : memref<200x128xf32, #tpu.memory_space<vmem>> -> memref<4x50x128xf32, #tpu.memory_space<vmem>>
    %dma_wait3A_1598 = arith.constant 0 : i32
    %dma_wait3A_1599 = arith.constant 0 : i32
    %dma_wait3A_1600 = arith.constant 0 : i32
    %dma_wait3A_1601 = tpu.memref_slice %arg4[%dma_wait3A_1598, %dma_wait3A_1599, %dma_wait3A_1600] : memref<4096x50x128xf32, #tpu.memory_space<hbm>> -> memref<4x50x128xf32, #tpu.memory_space<hbm>>
    %dma_wait3A_1602 = arith.constant 0 : i32
    %dma_wait3A_1603 = arith.constant 0 : i32
    %dma_wait3A_1604 = arith.constant 0 : i32
    %dma_wait3A_1605 = tpu.memref_slice %arg4[%dma_wait3A_1602, %dma_wait3A_1603, %dma_wait3A_1604] : memref<4096x50x128xf32, #tpu.memory_space<hbm>> -> memref<4x50x128xf32, #tpu.memory_space<hbm>>
    %dma_wait3A_1606 = arith.constant 0 : i32
    %dma_wait3A_1607 = arith.constant 0 : i32
    %dma_wait3A_1608 = tpu.memref_slice %arg6[%dma_wait3A_1592, %dma_wait3A_1606, %dma_wait3A_1607] : memref<4x200x128xf32, #tpu.memory_space<vmem>> -> memref<1x200x128xf32, #tpu.memory_space<vmem>>
    %dma_wait3A_1609 = tpu.memref_squeeze %dma_wait3A_1608 : memref<1x200x128xf32, #tpu.memory_space<vmem>> -> memref<200x128xf32, #tpu.memory_space<vmem>>
    %dma_wait3A_1610 = tpu.memref_reshape %dma_wait3A_1609 : memref<200x128xf32, #tpu.memory_space<vmem>> -> memref<4x50x128xf32, #tpu.memory_space<vmem>>
    tpu.wait_dma2 semaphore(%arg14 : memref<!tpu.dma_semaphore, #tpu.memory_space<semaphore_mem>>) src(%dma_wait3A_1610 : memref<4x50x128xf32, #tpu.memory_space<vmem>>) dst(%dma_wait3A_1605 : memref<4x50x128xf32, #tpu.memory_space<hbm>>)
    %dma_start3A_1611 = arith.constant 3 : i32
    %dma_start3A_1612 = arith.constant 0 : i32
    %dma_start3A_1613 = arith.constant 0 : i32
    %dma_start3A_1614 = tpu.memref_slice %arg6[%dma_start3A_1611, %dma_start3A_1612, %dma_start3A_1613] : memref<4x200x128xf32, #tpu.memory_space<vmem>> -> memref<1x200x128xf32, #tpu.memory_space<vmem>>
    %dma_start3A_1615 = tpu.memref_squeeze %dma_start3A_1614 : memref<1x200x128xf32, #tpu.memory_space<vmem>> -> memref<200x128xf32, #tpu.memory_space<vmem>>
    %dma_start3A_1616 = arith.constant 0 : i32
    %dma_start3A_1617 = arith.constant 0 : i32
    %dma_start3A_1618 = tpu.memref_slice %dma_start3A_1615[%dma_start3A_1616, %dma_start3A_1617] : memref<200x128xf32, #tpu.memory_space<vmem>> -> memref<104x128xf32, #tpu.memory_space<vmem>>
    %dma_start3A_1619 = arith.constant 3800 : i32
    %dma_start3A_1620 = tpu.memref_slice %arg5[%dma_start3A_1619] : memref<6400xi32, #tpu.memory_space<vmem>> -> memref<104xi32, #tpu.memory_space<vmem>>
    %dma_start3A_1621 = arith.constant 0 : i32
    %dma_start3A_1622 = arith.constant 0 : i32
    %dma_start3A_1623 = tpu.memref_slice %arg3[%dma_start3A_1621, %dma_start3A_1622] : memref<100000x128xf32, #tpu.memory_space<hbm>> -> memref<100000x128xf32, #tpu.memory_space<hbm>>
    tpu.enqueue_indirect_dma source(%dma_start3A_1623 : memref<100000x128xf32, #tpu.memory_space<hbm>>) target(%dma_start3A_1618 : memref<104x128xf32, #tpu.memory_space<vmem>>) offsets(%dma_start3A_1620 : memref<104xi32, #tpu.memory_space<vmem>>) semaphore(%arg10 : memref<!tpu.dma_semaphore, #tpu.memory_space<semaphore_mem>>)
    %dma_start3A_1624 = arith.constant 3 : i32
    %dma_start3A_1625 = arith.constant 0 : i32
    %dma_start3A_1626 = arith.constant 0 : i32
    %dma_start3A_1627 = tpu.memref_slice %arg6[%dma_start3A_1624, %dma_start3A_1625, %dma_start3A_1626] : memref<4x200x128xf32, #tpu.memory_space<vmem>> -> memref<1x200x128xf32, #tpu.memory_space<vmem>>
    %dma_start3A_1628 = tpu.memref_squeeze %dma_start3A_1627 : memref<1x200x128xf32, #tpu.memory_space<vmem>> -> memref<200x128xf32, #tpu.memory_space<vmem>>
    %dma_start3A_1629 = arith.constant 104 : i32
    %dma_start3A_1630 = arith.constant 0 : i32
    %dma_start3A_1631 = tpu.memref_slice %dma_start3A_1628[%dma_start3A_1629, %dma_start3A_1630] : memref<200x128xf32, #tpu.memory_space<vmem>> -> memref<96x128xf32, #tpu.memory_space<vmem>>
    %dma_start3A_1632 = arith.constant 3904 : i32
    %dma_start3A_1633 = tpu.memref_slice %arg5[%dma_start3A_1632] : memref<6400xi32, #tpu.memory_space<vmem>> -> memref<96xi32, #tpu.memory_space<vmem>>
    %dma_start3A_1634 = arith.constant 0 : i32
    %dma_start3A_1635 = arith.constant 0 : i32
    %dma_start3A_1636 = tpu.memref_slice %arg3[%dma_start3A_1634, %dma_start3A_1635] : memref<100000x128xf32, #tpu.memory_space<hbm>> -> memref<100000x128xf32, #tpu.memory_space<hbm>>
    tpu.enqueue_indirect_dma source(%dma_start3A_1636 : memref<100000x128xf32, #tpu.memory_space<hbm>>) target(%dma_start3A_1631 : memref<96x128xf32, #tpu.memory_space<vmem>>) offsets(%dma_start3A_1633 : memref<96xi32, #tpu.memory_space<vmem>>) semaphore(%arg10 : memref<!tpu.dma_semaphore, #tpu.memory_space<semaphore_mem>>)
    %dma_wait3A_1637 = arith.constant 2 : i32
    %dma_wait3A_1638 = arith.constant 0 : i32
    %dma_wait3A_1639 = arith.constant 0 : i32
    %dma_wait3A_1640 = tpu.memref_slice %arg6[%dma_wait3A_1637, %dma_wait3A_1638, %dma_wait3A_1639] : memref<4x200x128xf32, #tpu.memory_space<vmem>> -> memref<1x200x128xf32, #tpu.memory_space<vmem>>
    %dma_wait3A_1641 = tpu.memref_squeeze %dma_wait3A_1640 : memref<1x200x128xf32, #tpu.memory_space<vmem>> -> memref<200x128xf32, #tpu.memory_space<vmem>>
    %dma_wait3A_1642 = arith.constant 0 : i32
    %dma_wait3A_1643 = arith.constant 0 : i32
    %dma_wait3A_1644 = tpu.memref_slice %dma_wait3A_1641[%dma_wait3A_1642, %dma_wait3A_1643] : memref<200x128xf32, #tpu.memory_space<vmem>> -> memref<104x128xf32, #tpu.memory_space<vmem>>
    %dma_wait3A_1645 = arith.constant 0 : i32
    %dma_wait3A_1646 = tpu.memref_slice %arg5[%dma_wait3A_1645] : memref<6400xi32, #tpu.memory_space<vmem>> -> memref<104xi32, #tpu.memory_space<vmem>>
    %dma_wait3A_1647 = arith.constant 0 : i32
    %dma_wait3A_1648 = arith.constant 0 : i32
    %dma_wait3A_1649 = tpu.memref_slice %arg3[%dma_wait3A_1647, %dma_wait3A_1648] : memref<100000x128xf32, #tpu.memory_space<hbm>> -> memref<100000x128xf32, #tpu.memory_space<hbm>>
    tpu.wait_indirect_dma semaphore(%arg9 : memref<!tpu.dma_semaphore, #tpu.memory_space<semaphore_mem>>) src(%dma_wait3A_1649 : memref<100000x128xf32, #tpu.memory_space<hbm>>) dst(%dma_wait3A_1644 : memref<104x128xf32, #tpu.memory_space<vmem>>)
    %dma_wait3A_1650 = arith.constant 2 : i32
    %dma_wait3A_1651 = arith.constant 0 : i32
    %dma_wait3A_1652 = arith.constant 0 : i32
    %dma_wait3A_1653 = tpu.memref_slice %arg6[%dma_wait3A_1650, %dma_wait3A_1651, %dma_wait3A_1652] : memref<4x200x128xf32, #tpu.memory_space<vmem>> -> memref<1x200x128xf32, #tpu.memory_space<vmem>>
    %dma_wait3A_1654 = tpu.memref_squeeze %dma_wait3A_1653 : memref<1x200x128xf32, #tpu.memory_space<vmem>> -> memref<200x128xf32, #tpu.memory_space<vmem>>
    %dma_wait3A_1655 = arith.constant 104 : i32
    %dma_wait3A_1656 = arith.constant 0 : i32
    %dma_wait3A_1657 = tpu.memref_slice %dma_wait3A_1654[%dma_wait3A_1655, %dma_wait3A_1656] : memref<200x128xf32, #tpu.memory_space<vmem>> -> memref<96x128xf32, #tpu.memory_space<vmem>>
    %dma_wait3A_1658 = arith.constant 0 : i32
    %dma_wait3A_1659 = tpu.memref_slice %arg5[%dma_wait3A_1658] : memref<6400xi32, #tpu.memory_space<vmem>> -> memref<96xi32, #tpu.memory_space<vmem>>
    %dma_wait3A_1660 = arith.constant 0 : i32
    %dma_wait3A_1661 = arith.constant 0 : i32
    %dma_wait3A_1662 = tpu.memref_slice %arg3[%dma_wait3A_1660, %dma_wait3A_1661] : memref<100000x128xf32, #tpu.memory_space<hbm>> -> memref<100000x128xf32, #tpu.memory_space<hbm>>
    tpu.wait_indirect_dma semaphore(%arg9 : memref<!tpu.dma_semaphore, #tpu.memory_space<semaphore_mem>>) src(%dma_wait3A_1662 : memref<100000x128xf32, #tpu.memory_space<hbm>>) dst(%dma_wait3A_1657 : memref<96x128xf32, #tpu.memory_space<vmem>>)
    %add3A_1663 = arith.constant 72 : i32
    %add3A_1664 = arith.addi %mul3A_2, %add3A_1663 : i32
    %dma_start3A_1665 = arith.constant 2 : i32
    %dma_start3A_1666 = arith.constant 0 : i32
    %dma_start3A_1667 = arith.constant 0 : i32
    %dma_start3A_1668 = tpu.memref_slice %arg6[%dma_start3A_1665, %dma_start3A_1666, %dma_start3A_1667] : memref<4x200x128xf32, #tpu.memory_space<vmem>> -> memref<1x200x128xf32, #tpu.memory_space<vmem>>
    %dma_start3A_1669 = tpu.memref_squeeze %dma_start3A_1668 : memref<1x200x128xf32, #tpu.memory_space<vmem>> -> memref<200x128xf32, #tpu.memory_space<vmem>>
    %dma_start3A_1670 = tpu.memref_reshape %dma_start3A_1669 : memref<200x128xf32, #tpu.memory_space<vmem>> -> memref<4x50x128xf32, #tpu.memory_space<vmem>>
    %dma_start3A_1671 = arith.constant 0 : i32
    %dma_start3A_1672 = arith.constant 0 : i32
    %dma_start3A_1673 = tpu.memref_slice %arg4[%add3A_1664, %dma_start3A_1671, %dma_start3A_1672] : memref<4096x50x128xf32, #tpu.memory_space<hbm>> -> memref<4x50x128xf32, #tpu.memory_space<hbm>>
    %dma_start3A_1674 = arith.constant 0 : i32
    %dma_start3A_1675 = arith.constant 0 : i32
    %dma_start3A_1676 = tpu.memref_slice %arg4[%add3A_1664, %dma_start3A_1674, %dma_start3A_1675] : memref<4096x50x128xf32, #tpu.memory_space<hbm>> -> memref<4x50x128xf32, #tpu.memory_space<hbm>>
    %dma_start3A_1677 = arith.constant 0 : i32
    %dma_start3A_1678 = arith.constant 0 : i32
    %dma_start3A_1679 = tpu.memref_slice %arg6[%dma_start3A_1665, %dma_start3A_1677, %dma_start3A_1678] : memref<4x200x128xf32, #tpu.memory_space<vmem>> -> memref<1x200x128xf32, #tpu.memory_space<vmem>>
    %dma_start3A_1680 = tpu.memref_squeeze %dma_start3A_1679 : memref<1x200x128xf32, #tpu.memory_space<vmem>> -> memref<200x128xf32, #tpu.memory_space<vmem>>
    %dma_start3A_1681 = tpu.memref_reshape %dma_start3A_1680 : memref<200x128xf32, #tpu.memory_space<vmem>> -> memref<4x50x128xf32, #tpu.memory_space<vmem>>
    tpu.enqueue_dma source(%dma_start3A_1681 : memref<4x50x128xf32, #tpu.memory_space<vmem>>) target(%dma_start3A_1676 : memref<4x50x128xf32, #tpu.memory_space<hbm>>) target_semaphore(%arg13 : memref<!tpu.dma_semaphore, #tpu.memory_space<semaphore_mem>>)
    %dma_wait3A_1682 = arith.constant 0 : i32
    %dma_wait3A_1683 = arith.constant 0 : i32
    %dma_wait3A_1684 = arith.constant 0 : i32
    %dma_wait3A_1685 = tpu.memref_slice %arg6[%dma_wait3A_1682, %dma_wait3A_1683, %dma_wait3A_1684] : memref<4x200x128xf32, #tpu.memory_space<vmem>> -> memref<1x200x128xf32, #tpu.memory_space<vmem>>
    %dma_wait3A_1686 = tpu.memref_squeeze %dma_wait3A_1685 : memref<1x200x128xf32, #tpu.memory_space<vmem>> -> memref<200x128xf32, #tpu.memory_space<vmem>>
    %dma_wait3A_1687 = tpu.memref_reshape %dma_wait3A_1686 : memref<200x128xf32, #tpu.memory_space<vmem>> -> memref<4x50x128xf32, #tpu.memory_space<vmem>>
    %dma_wait3A_1688 = arith.constant 0 : i32
    %dma_wait3A_1689 = arith.constant 0 : i32
    %dma_wait3A_1690 = arith.constant 0 : i32
    %dma_wait3A_1691 = tpu.memref_slice %arg4[%dma_wait3A_1688, %dma_wait3A_1689, %dma_wait3A_1690] : memref<4096x50x128xf32, #tpu.memory_space<hbm>> -> memref<4x50x128xf32, #tpu.memory_space<hbm>>
    %dma_wait3A_1692 = arith.constant 0 : i32
    %dma_wait3A_1693 = arith.constant 0 : i32
    %dma_wait3A_1694 = arith.constant 0 : i32
    %dma_wait3A_1695 = tpu.memref_slice %arg4[%dma_wait3A_1692, %dma_wait3A_1693, %dma_wait3A_1694] : memref<4096x50x128xf32, #tpu.memory_space<hbm>> -> memref<4x50x128xf32, #tpu.memory_space<hbm>>
    %dma_wait3A_1696 = arith.constant 0 : i32
    %dma_wait3A_1697 = arith.constant 0 : i32
    %dma_wait3A_1698 = tpu.memref_slice %arg6[%dma_wait3A_1682, %dma_wait3A_1696, %dma_wait3A_1697] : memref<4x200x128xf32, #tpu.memory_space<vmem>> -> memref<1x200x128xf32, #tpu.memory_space<vmem>>
    %dma_wait3A_1699 = tpu.memref_squeeze %dma_wait3A_1698 : memref<1x200x128xf32, #tpu.memory_space<vmem>> -> memref<200x128xf32, #tpu.memory_space<vmem>>
    %dma_wait3A_1700 = tpu.memref_reshape %dma_wait3A_1699 : memref<200x128xf32, #tpu.memory_space<vmem>> -> memref<4x50x128xf32, #tpu.memory_space<vmem>>
    tpu.wait_dma2 semaphore(%arg11 : memref<!tpu.dma_semaphore, #tpu.memory_space<semaphore_mem>>) src(%dma_wait3A_1700 : memref<4x50x128xf32, #tpu.memory_space<vmem>>) dst(%dma_wait3A_1695 : memref<4x50x128xf32, #tpu.memory_space<hbm>>)
    %dma_start3A_1701 = arith.constant 0 : i32
    %dma_start3A_1702 = arith.constant 0 : i32
    %dma_start3A_1703 = arith.constant 0 : i32
    %dma_start3A_1704 = tpu.memref_slice %arg6[%dma_start3A_1701, %dma_start3A_1702, %dma_start3A_1703] : memref<4x200x128xf32, #tpu.memory_space<vmem>> -> memref<1x200x128xf32, #tpu.memory_space<vmem>>
    %dma_start3A_1705 = tpu.memref_squeeze %dma_start3A_1704 : memref<1x200x128xf32, #tpu.memory_space<vmem>> -> memref<200x128xf32, #tpu.memory_space<vmem>>
    %dma_start3A_1706 = arith.constant 0 : i32
    %dma_start3A_1707 = arith.constant 0 : i32
    %dma_start3A_1708 = tpu.memref_slice %dma_start3A_1705[%dma_start3A_1706, %dma_start3A_1707] : memref<200x128xf32, #tpu.memory_space<vmem>> -> memref<104x128xf32, #tpu.memory_space<vmem>>
    %dma_start3A_1709 = arith.constant 4000 : i32
    %dma_start3A_1710 = tpu.memref_slice %arg5[%dma_start3A_1709] : memref<6400xi32, #tpu.memory_space<vmem>> -> memref<104xi32, #tpu.memory_space<vmem>>
    %dma_start3A_1711 = arith.constant 0 : i32
    %dma_start3A_1712 = arith.constant 0 : i32
    %dma_start3A_1713 = tpu.memref_slice %arg3[%dma_start3A_1711, %dma_start3A_1712] : memref<100000x128xf32, #tpu.memory_space<hbm>> -> memref<100000x128xf32, #tpu.memory_space<hbm>>
    tpu.enqueue_indirect_dma source(%dma_start3A_1713 : memref<100000x128xf32, #tpu.memory_space<hbm>>) target(%dma_start3A_1708 : memref<104x128xf32, #tpu.memory_space<vmem>>) offsets(%dma_start3A_1710 : memref<104xi32, #tpu.memory_space<vmem>>) semaphore(%arg7 : memref<!tpu.dma_semaphore, #tpu.memory_space<semaphore_mem>>)
    %dma_start3A_1714 = arith.constant 0 : i32
    %dma_start3A_1715 = arith.constant 0 : i32
    %dma_start3A_1716 = arith.constant 0 : i32
    %dma_start3A_1717 = tpu.memref_slice %arg6[%dma_start3A_1714, %dma_start3A_1715, %dma_start3A_1716] : memref<4x200x128xf32, #tpu.memory_space<vmem>> -> memref<1x200x128xf32, #tpu.memory_space<vmem>>
    %dma_start3A_1718 = tpu.memref_squeeze %dma_start3A_1717 : memref<1x200x128xf32, #tpu.memory_space<vmem>> -> memref<200x128xf32, #tpu.memory_space<vmem>>
    %dma_start3A_1719 = arith.constant 104 : i32
    %dma_start3A_1720 = arith.constant 0 : i32
    %dma_start3A_1721 = tpu.memref_slice %dma_start3A_1718[%dma_start3A_1719, %dma_start3A_1720] : memref<200x128xf32, #tpu.memory_space<vmem>> -> memref<96x128xf32, #tpu.memory_space<vmem>>
    %dma_start3A_1722 = arith.constant 4104 : i32
    %dma_start3A_1723 = tpu.memref_slice %arg5[%dma_start3A_1722] : memref<6400xi32, #tpu.memory_space<vmem>> -> memref<96xi32, #tpu.memory_space<vmem>>
    %dma_start3A_1724 = arith.constant 0 : i32
    %dma_start3A_1725 = arith.constant 0 : i32
    %dma_start3A_1726 = tpu.memref_slice %arg3[%dma_start3A_1724, %dma_start3A_1725] : memref<100000x128xf32, #tpu.memory_space<hbm>> -> memref<100000x128xf32, #tpu.memory_space<hbm>>
    tpu.enqueue_indirect_dma source(%dma_start3A_1726 : memref<100000x128xf32, #tpu.memory_space<hbm>>) target(%dma_start3A_1721 : memref<96x128xf32, #tpu.memory_space<vmem>>) offsets(%dma_start3A_1723 : memref<96xi32, #tpu.memory_space<vmem>>) semaphore(%arg7 : memref<!tpu.dma_semaphore, #tpu.memory_space<semaphore_mem>>)
    %dma_wait3A_1727 = arith.constant 3 : i32
    %dma_wait3A_1728 = arith.constant 0 : i32
    %dma_wait3A_1729 = arith.constant 0 : i32
    %dma_wait3A_1730 = tpu.memref_slice %arg6[%dma_wait3A_1727, %dma_wait3A_1728, %dma_wait3A_1729] : memref<4x200x128xf32, #tpu.memory_space<vmem>> -> memref<1x200x128xf32, #tpu.memory_space<vmem>>
    %dma_wait3A_1731 = tpu.memref_squeeze %dma_wait3A_1730 : memref<1x200x128xf32, #tpu.memory_space<vmem>> -> memref<200x128xf32, #tpu.memory_space<vmem>>
    %dma_wait3A_1732 = arith.constant 0 : i32
    %dma_wait3A_1733 = arith.constant 0 : i32
    %dma_wait3A_1734 = tpu.memref_slice %dma_wait3A_1731[%dma_wait3A_1732, %dma_wait3A_1733] : memref<200x128xf32, #tpu.memory_space<vmem>> -> memref<104x128xf32, #tpu.memory_space<vmem>>
    %dma_wait3A_1735 = arith.constant 0 : i32
    %dma_wait3A_1736 = tpu.memref_slice %arg5[%dma_wait3A_1735] : memref<6400xi32, #tpu.memory_space<vmem>> -> memref<104xi32, #tpu.memory_space<vmem>>
    %dma_wait3A_1737 = arith.constant 0 : i32
    %dma_wait3A_1738 = arith.constant 0 : i32
    %dma_wait3A_1739 = tpu.memref_slice %arg3[%dma_wait3A_1737, %dma_wait3A_1738] : memref<100000x128xf32, #tpu.memory_space<hbm>> -> memref<100000x128xf32, #tpu.memory_space<hbm>>
    tpu.wait_indirect_dma semaphore(%arg10 : memref<!tpu.dma_semaphore, #tpu.memory_space<semaphore_mem>>) src(%dma_wait3A_1739 : memref<100000x128xf32, #tpu.memory_space<hbm>>) dst(%dma_wait3A_1734 : memref<104x128xf32, #tpu.memory_space<vmem>>)
    %dma_wait3A_1740 = arith.constant 3 : i32
    %dma_wait3A_1741 = arith.constant 0 : i32
    %dma_wait3A_1742 = arith.constant 0 : i32
    %dma_wait3A_1743 = tpu.memref_slice %arg6[%dma_wait3A_1740, %dma_wait3A_1741, %dma_wait3A_1742] : memref<4x200x128xf32, #tpu.memory_space<vmem>> -> memref<1x200x128xf32, #tpu.memory_space<vmem>>
    %dma_wait3A_1744 = tpu.memref_squeeze %dma_wait3A_1743 : memref<1x200x128xf32, #tpu.memory_space<vmem>> -> memref<200x128xf32, #tpu.memory_space<vmem>>
    %dma_wait3A_1745 = arith.constant 104 : i32
    %dma_wait3A_1746 = arith.constant 0 : i32
    %dma_wait3A_1747 = tpu.memref_slice %dma_wait3A_1744[%dma_wait3A_1745, %dma_wait3A_1746] : memref<200x128xf32, #tpu.memory_space<vmem>> -> memref<96x128xf32, #tpu.memory_space<vmem>>
    %dma_wait3A_1748 = arith.constant 0 : i32
    %dma_wait3A_1749 = tpu.memref_slice %arg5[%dma_wait3A_1748] : memref<6400xi32, #tpu.memory_space<vmem>> -> memref<96xi32, #tpu.memory_space<vmem>>
    %dma_wait3A_1750 = arith.constant 0 : i32
    %dma_wait3A_1751 = arith.constant 0 : i32
    %dma_wait3A_1752 = tpu.memref_slice %arg3[%dma_wait3A_1750, %dma_wait3A_1751] : memref<100000x128xf32, #tpu.memory_space<hbm>> -> memref<100000x128xf32, #tpu.memory_space<hbm>>
    tpu.wait_indirect_dma semaphore(%arg10 : memref<!tpu.dma_semaphore, #tpu.memory_space<semaphore_mem>>) src(%dma_wait3A_1752 : memref<100000x128xf32, #tpu.memory_space<hbm>>) dst(%dma_wait3A_1747 : memref<96x128xf32, #tpu.memory_space<vmem>>)
    %add3A_1753 = arith.constant 76 : i32
    %add3A_1754 = arith.addi %mul3A_2, %add3A_1753 : i32
    %dma_start3A_1755 = arith.constant 3 : i32
    %dma_start3A_1756 = arith.constant 0 : i32
    %dma_start3A_1757 = arith.constant 0 : i32
    %dma_start3A_1758 = tpu.memref_slice %arg6[%dma_start3A_1755, %dma_start3A_1756, %dma_start3A_1757] : memref<4x200x128xf32, #tpu.memory_space<vmem>> -> memref<1x200x128xf32, #tpu.memory_space<vmem>>
    %dma_start3A_1759 = tpu.memref_squeeze %dma_start3A_1758 : memref<1x200x128xf32, #tpu.memory_space<vmem>> -> memref<200x128xf32, #tpu.memory_space<vmem>>
    %dma_start3A_1760 = tpu.memref_reshape %dma_start3A_1759 : memref<200x128xf32, #tpu.memory_space<vmem>> -> memref<4x50x128xf32, #tpu.memory_space<vmem>>
    %dma_start3A_1761 = arith.constant 0 : i32
    %dma_start3A_1762 = arith.constant 0 : i32
    %dma_start3A_1763 = tpu.memref_slice %arg4[%add3A_1754, %dma_start3A_1761, %dma_start3A_1762] : memref<4096x50x128xf32, #tpu.memory_space<hbm>> -> memref<4x50x128xf32, #tpu.memory_space<hbm>>
    %dma_start3A_1764 = arith.constant 0 : i32
    %dma_start3A_1765 = arith.constant 0 : i32
    %dma_start3A_1766 = tpu.memref_slice %arg4[%add3A_1754, %dma_start3A_1764, %dma_start3A_1765] : memref<4096x50x128xf32, #tpu.memory_space<hbm>> -> memref<4x50x128xf32, #tpu.memory_space<hbm>>
    %dma_start3A_1767 = arith.constant 0 : i32
    %dma_start3A_1768 = arith.constant 0 : i32
    %dma_start3A_1769 = tpu.memref_slice %arg6[%dma_start3A_1755, %dma_start3A_1767, %dma_start3A_1768] : memref<4x200x128xf32, #tpu.memory_space<vmem>> -> memref<1x200x128xf32, #tpu.memory_space<vmem>>
    %dma_start3A_1770 = tpu.memref_squeeze %dma_start3A_1769 : memref<1x200x128xf32, #tpu.memory_space<vmem>> -> memref<200x128xf32, #tpu.memory_space<vmem>>
    %dma_start3A_1771 = tpu.memref_reshape %dma_start3A_1770 : memref<200x128xf32, #tpu.memory_space<vmem>> -> memref<4x50x128xf32, #tpu.memory_space<vmem>>
    tpu.enqueue_dma source(%dma_start3A_1771 : memref<4x50x128xf32, #tpu.memory_space<vmem>>) target(%dma_start3A_1766 : memref<4x50x128xf32, #tpu.memory_space<hbm>>) target_semaphore(%arg14 : memref<!tpu.dma_semaphore, #tpu.memory_space<semaphore_mem>>)
    %dma_wait3A_1772 = arith.constant 1 : i32
    %dma_wait3A_1773 = arith.constant 0 : i32
    %dma_wait3A_1774 = arith.constant 0 : i32
    %dma_wait3A_1775 = tpu.memref_slice %arg6[%dma_wait3A_1772, %dma_wait3A_1773, %dma_wait3A_1774] : memref<4x200x128xf32, #tpu.memory_space<vmem>> -> memref<1x200x128xf32, #tpu.memory_space<vmem>>
    %dma_wait3A_1776 = tpu.memref_squeeze %dma_wait3A_1775 : memref<1x200x128xf32, #tpu.memory_space<vmem>> -> memref<200x128xf32, #tpu.memory_space<vmem>>
    %dma_wait3A_1777 = tpu.memref_reshape %dma_wait3A_1776 : memref<200x128xf32, #tpu.memory_space<vmem>> -> memref<4x50x128xf32, #tpu.memory_space<vmem>>
    %dma_wait3A_1778 = arith.constant 0 : i32
    %dma_wait3A_1779 = arith.constant 0 : i32
    %dma_wait3A_1780 = arith.constant 0 : i32
    %dma_wait3A_1781 = tpu.memref_slice %arg4[%dma_wait3A_1778, %dma_wait3A_1779, %dma_wait3A_1780] : memref<4096x50x128xf32, #tpu.memory_space<hbm>> -> memref<4x50x128xf32, #tpu.memory_space<hbm>>
    %dma_wait3A_1782 = arith.constant 0 : i32
    %dma_wait3A_1783 = arith.constant 0 : i32
    %dma_wait3A_1784 = arith.constant 0 : i32
    %dma_wait3A_1785 = tpu.memref_slice %arg4[%dma_wait3A_1782, %dma_wait3A_1783, %dma_wait3A_1784] : memref<4096x50x128xf32, #tpu.memory_space<hbm>> -> memref<4x50x128xf32, #tpu.memory_space<hbm>>
    %dma_wait3A_1786 = arith.constant 0 : i32
    %dma_wait3A_1787 = arith.constant 0 : i32
    %dma_wait3A_1788 = tpu.memref_slice %arg6[%dma_wait3A_1772, %dma_wait3A_1786, %dma_wait3A_1787] : memref<4x200x128xf32, #tpu.memory_space<vmem>> -> memref<1x200x128xf32, #tpu.memory_space<vmem>>
    %dma_wait3A_1789 = tpu.memref_squeeze %dma_wait3A_1788 : memref<1x200x128xf32, #tpu.memory_space<vmem>> -> memref<200x128xf32, #tpu.memory_space<vmem>>
    %dma_wait3A_1790 = tpu.memref_reshape %dma_wait3A_1789 : memref<200x128xf32, #tpu.memory_space<vmem>> -> memref<4x50x128xf32, #tpu.memory_space<vmem>>
    tpu.wait_dma2 semaphore(%arg12 : memref<!tpu.dma_semaphore, #tpu.memory_space<semaphore_mem>>) src(%dma_wait3A_1790 : memref<4x50x128xf32, #tpu.memory_space<vmem>>) dst(%dma_wait3A_1785 : memref<4x50x128xf32, #tpu.memory_space<hbm>>)
    %dma_start3A_1791 = arith.constant 1 : i32
    %dma_start3A_1792 = arith.constant 0 : i32
    %dma_start3A_1793 = arith.constant 0 : i32
    %dma_start3A_1794 = tpu.memref_slice %arg6[%dma_start3A_1791, %dma_start3A_1792, %dma_start3A_1793] : memref<4x200x128xf32, #tpu.memory_space<vmem>> -> memref<1x200x128xf32, #tpu.memory_space<vmem>>
    %dma_start3A_1795 = tpu.memref_squeeze %dma_start3A_1794 : memref<1x200x128xf32, #tpu.memory_space<vmem>> -> memref<200x128xf32, #tpu.memory_space<vmem>>
    %dma_start3A_1796 = arith.constant 0 : i32
    %dma_start3A_1797 = arith.constant 0 : i32
    %dma_start3A_1798 = tpu.memref_slice %dma_start3A_1795[%dma_start3A_1796, %dma_start3A_1797] : memref<200x128xf32, #tpu.memory_space<vmem>> -> memref<104x128xf32, #tpu.memory_space<vmem>>
    %dma_start3A_1799 = arith.constant 4200 : i32
    %dma_start3A_1800 = tpu.memref_slice %arg5[%dma_start3A_1799] : memref<6400xi32, #tpu.memory_space<vmem>> -> memref<104xi32, #tpu.memory_space<vmem>>
    %dma_start3A_1801 = arith.constant 0 : i32
    %dma_start3A_1802 = arith.constant 0 : i32
    %dma_start3A_1803 = tpu.memref_slice %arg3[%dma_start3A_1801, %dma_start3A_1802] : memref<100000x128xf32, #tpu.memory_space<hbm>> -> memref<100000x128xf32, #tpu.memory_space<hbm>>
    tpu.enqueue_indirect_dma source(%dma_start3A_1803 : memref<100000x128xf32, #tpu.memory_space<hbm>>) target(%dma_start3A_1798 : memref<104x128xf32, #tpu.memory_space<vmem>>) offsets(%dma_start3A_1800 : memref<104xi32, #tpu.memory_space<vmem>>) semaphore(%arg8 : memref<!tpu.dma_semaphore, #tpu.memory_space<semaphore_mem>>)
    %dma_start3A_1804 = arith.constant 1 : i32
    %dma_start3A_1805 = arith.constant 0 : i32
    %dma_start3A_1806 = arith.constant 0 : i32
    %dma_start3A_1807 = tpu.memref_slice %arg6[%dma_start3A_1804, %dma_start3A_1805, %dma_start3A_1806] : memref<4x200x128xf32, #tpu.memory_space<vmem>> -> memref<1x200x128xf32, #tpu.memory_space<vmem>>
    %dma_start3A_1808 = tpu.memref_squeeze %dma_start3A_1807 : memref<1x200x128xf32, #tpu.memory_space<vmem>> -> memref<200x128xf32, #tpu.memory_space<vmem>>
    %dma_start3A_1809 = arith.constant 104 : i32
    %dma_start3A_1810 = arith.constant 0 : i32
    %dma_start3A_1811 = tpu.memref_slice %dma_start3A_1808[%dma_start3A_1809, %dma_start3A_1810] : memref<200x128xf32, #tpu.memory_space<vmem>> -> memref<96x128xf32, #tpu.memory_space<vmem>>
    %dma_start3A_1812 = arith.constant 4304 : i32
    %dma_start3A_1813 = tpu.memref_slice %arg5[%dma_start3A_1812] : memref<6400xi32, #tpu.memory_space<vmem>> -> memref<96xi32, #tpu.memory_space<vmem>>
    %dma_start3A_1814 = arith.constant 0 : i32
    %dma_start3A_1815 = arith.constant 0 : i32
    %dma_start3A_1816 = tpu.memref_slice %arg3[%dma_start3A_1814, %dma_start3A_1815] : memref<100000x128xf32, #tpu.memory_space<hbm>> -> memref<100000x128xf32, #tpu.memory_space<hbm>>
    tpu.enqueue_indirect_dma source(%dma_start3A_1816 : memref<100000x128xf32, #tpu.memory_space<hbm>>) target(%dma_start3A_1811 : memref<96x128xf32, #tpu.memory_space<vmem>>) offsets(%dma_start3A_1813 : memref<96xi32, #tpu.memory_space<vmem>>) semaphore(%arg8 : memref<!tpu.dma_semaphore, #tpu.memory_space<semaphore_mem>>)
    %dma_wait3A_1817 = arith.constant 0 : i32
    %dma_wait3A_1818 = arith.constant 0 : i32
    %dma_wait3A_1819 = arith.constant 0 : i32
    %dma_wait3A_1820 = tpu.memref_slice %arg6[%dma_wait3A_1817, %dma_wait3A_1818, %dma_wait3A_1819] : memref<4x200x128xf32, #tpu.memory_space<vmem>> -> memref<1x200x128xf32, #tpu.memory_space<vmem>>
    %dma_wait3A_1821 = tpu.memref_squeeze %dma_wait3A_1820 : memref<1x200x128xf32, #tpu.memory_space<vmem>> -> memref<200x128xf32, #tpu.memory_space<vmem>>
    %dma_wait3A_1822 = arith.constant 0 : i32
    %dma_wait3A_1823 = arith.constant 0 : i32
    %dma_wait3A_1824 = tpu.memref_slice %dma_wait3A_1821[%dma_wait3A_1822, %dma_wait3A_1823] : memref<200x128xf32, #tpu.memory_space<vmem>> -> memref<104x128xf32, #tpu.memory_space<vmem>>
    %dma_wait3A_1825 = arith.constant 0 : i32
    %dma_wait3A_1826 = tpu.memref_slice %arg5[%dma_wait3A_1825] : memref<6400xi32, #tpu.memory_space<vmem>> -> memref<104xi32, #tpu.memory_space<vmem>>
    %dma_wait3A_1827 = arith.constant 0 : i32
    %dma_wait3A_1828 = arith.constant 0 : i32
    %dma_wait3A_1829 = tpu.memref_slice %arg3[%dma_wait3A_1827, %dma_wait3A_1828] : memref<100000x128xf32, #tpu.memory_space<hbm>> -> memref<100000x128xf32, #tpu.memory_space<hbm>>
    tpu.wait_indirect_dma semaphore(%arg7 : memref<!tpu.dma_semaphore, #tpu.memory_space<semaphore_mem>>) src(%dma_wait3A_1829 : memref<100000x128xf32, #tpu.memory_space<hbm>>) dst(%dma_wait3A_1824 : memref<104x128xf32, #tpu.memory_space<vmem>>)
    %dma_wait3A_1830 = arith.constant 0 : i32
    %dma_wait3A_1831 = arith.constant 0 : i32
    %dma_wait3A_1832 = arith.constant 0 : i32
    %dma_wait3A_1833 = tpu.memref_slice %arg6[%dma_wait3A_1830, %dma_wait3A_1831, %dma_wait3A_1832] : memref<4x200x128xf32, #tpu.memory_space<vmem>> -> memref<1x200x128xf32, #tpu.memory_space<vmem>>
    %dma_wait3A_1834 = tpu.memref_squeeze %dma_wait3A_1833 : memref<1x200x128xf32, #tpu.memory_space<vmem>> -> memref<200x128xf32, #tpu.memory_space<vmem>>
    %dma_wait3A_1835 = arith.constant 104 : i32
    %dma_wait3A_1836 = arith.constant 0 : i32
    %dma_wait3A_1837 = tpu.memref_slice %dma_wait3A_1834[%dma_wait3A_1835, %dma_wait3A_1836] : memref<200x128xf32, #tpu.memory_space<vmem>> -> memref<96x128xf32, #tpu.memory_space<vmem>>
    %dma_wait3A_1838 = arith.constant 0 : i32
    %dma_wait3A_1839 = tpu.memref_slice %arg5[%dma_wait3A_1838] : memref<6400xi32, #tpu.memory_space<vmem>> -> memref<96xi32, #tpu.memory_space<vmem>>
    %dma_wait3A_1840 = arith.constant 0 : i32
    %dma_wait3A_1841 = arith.constant 0 : i32
    %dma_wait3A_1842 = tpu.memref_slice %arg3[%dma_wait3A_1840, %dma_wait3A_1841] : memref<100000x128xf32, #tpu.memory_space<hbm>> -> memref<100000x128xf32, #tpu.memory_space<hbm>>
    tpu.wait_indirect_dma semaphore(%arg7 : memref<!tpu.dma_semaphore, #tpu.memory_space<semaphore_mem>>) src(%dma_wait3A_1842 : memref<100000x128xf32, #tpu.memory_space<hbm>>) dst(%dma_wait3A_1837 : memref<96x128xf32, #tpu.memory_space<vmem>>)
    %add3A_1843 = arith.constant 80 : i32
    %add3A_1844 = arith.addi %mul3A_2, %add3A_1843 : i32
    %dma_start3A_1845 = arith.constant 0 : i32
    %dma_start3A_1846 = arith.constant 0 : i32
    %dma_start3A_1847 = arith.constant 0 : i32
    %dma_start3A_1848 = tpu.memref_slice %arg6[%dma_start3A_1845, %dma_start3A_1846, %dma_start3A_1847] : memref<4x200x128xf32, #tpu.memory_space<vmem>> -> memref<1x200x128xf32, #tpu.memory_space<vmem>>
    %dma_start3A_1849 = tpu.memref_squeeze %dma_start3A_1848 : memref<1x200x128xf32, #tpu.memory_space<vmem>> -> memref<200x128xf32, #tpu.memory_space<vmem>>
    %dma_start3A_1850 = tpu.memref_reshape %dma_start3A_1849 : memref<200x128xf32, #tpu.memory_space<vmem>> -> memref<4x50x128xf32, #tpu.memory_space<vmem>>
    %dma_start3A_1851 = arith.constant 0 : i32
    %dma_start3A_1852 = arith.constant 0 : i32
    %dma_start3A_1853 = tpu.memref_slice %arg4[%add3A_1844, %dma_start3A_1851, %dma_start3A_1852] : memref<4096x50x128xf32, #tpu.memory_space<hbm>> -> memref<4x50x128xf32, #tpu.memory_space<hbm>>
    %dma_start3A_1854 = arith.constant 0 : i32
    %dma_start3A_1855 = arith.constant 0 : i32
    %dma_start3A_1856 = tpu.memref_slice %arg4[%add3A_1844, %dma_start3A_1854, %dma_start3A_1855] : memref<4096x50x128xf32, #tpu.memory_space<hbm>> -> memref<4x50x128xf32, #tpu.memory_space<hbm>>
    %dma_start3A_1857 = arith.constant 0 : i32
    %dma_start3A_1858 = arith.constant 0 : i32
    %dma_start3A_1859 = tpu.memref_slice %arg6[%dma_start3A_1845, %dma_start3A_1857, %dma_start3A_1858] : memref<4x200x128xf32, #tpu.memory_space<vmem>> -> memref<1x200x128xf32, #tpu.memory_space<vmem>>
    %dma_start3A_1860 = tpu.memref_squeeze %dma_start3A_1859 : memref<1x200x128xf32, #tpu.memory_space<vmem>> -> memref<200x128xf32, #tpu.memory_space<vmem>>
    %dma_start3A_1861 = tpu.memref_reshape %dma_start3A_1860 : memref<200x128xf32, #tpu.memory_space<vmem>> -> memref<4x50x128xf32, #tpu.memory_space<vmem>>
    tpu.enqueue_dma source(%dma_start3A_1861 : memref<4x50x128xf32, #tpu.memory_space<vmem>>) target(%dma_start3A_1856 : memref<4x50x128xf32, #tpu.memory_space<hbm>>) target_semaphore(%arg11 : memref<!tpu.dma_semaphore, #tpu.memory_space<semaphore_mem>>)
    %dma_wait3A_1862 = arith.constant 2 : i32
    %dma_wait3A_1863 = arith.constant 0 : i32
    %dma_wait3A_1864 = arith.constant 0 : i32
    %dma_wait3A_1865 = tpu.memref_slice %arg6[%dma_wait3A_1862, %dma_wait3A_1863, %dma_wait3A_1864] : memref<4x200x128xf32, #tpu.memory_space<vmem>> -> memref<1x200x128xf32, #tpu.memory_space<vmem>>
    %dma_wait3A_1866 = tpu.memref_squeeze %dma_wait3A_1865 : memref<1x200x128xf32, #tpu.memory_space<vmem>> -> memref<200x128xf32, #tpu.memory_space<vmem>>
    %dma_wait3A_1867 = tpu.memref_reshape %dma_wait3A_1866 : memref<200x128xf32, #tpu.memory_space<vmem>> -> memref<4x50x128xf32, #tpu.memory_space<vmem>>
    %dma_wait3A_1868 = arith.constant 0 : i32
    %dma_wait3A_1869 = arith.constant 0 : i32
    %dma_wait3A_1870 = arith.constant 0 : i32
    %dma_wait3A_1871 = tpu.memref_slice %arg4[%dma_wait3A_1868, %dma_wait3A_1869, %dma_wait3A_1870] : memref<4096x50x128xf32, #tpu.memory_space<hbm>> -> memref<4x50x128xf32, #tpu.memory_space<hbm>>
    %dma_wait3A_1872 = arith.constant 0 : i32
    %dma_wait3A_1873 = arith.constant 0 : i32
    %dma_wait3A_1874 = arith.constant 0 : i32
    %dma_wait3A_1875 = tpu.memref_slice %arg4[%dma_wait3A_1872, %dma_wait3A_1873, %dma_wait3A_1874] : memref<4096x50x128xf32, #tpu.memory_space<hbm>> -> memref<4x50x128xf32, #tpu.memory_space<hbm>>
    %dma_wait3A_1876 = arith.constant 0 : i32
    %dma_wait3A_1877 = arith.constant 0 : i32
    %dma_wait3A_1878 = tpu.memref_slice %arg6[%dma_wait3A_1862, %dma_wait3A_1876, %dma_wait3A_1877] : memref<4x200x128xf32, #tpu.memory_space<vmem>> -> memref<1x200x128xf32, #tpu.memory_space<vmem>>
    %dma_wait3A_1879 = tpu.memref_squeeze %dma_wait3A_1878 : memref<1x200x128xf32, #tpu.memory_space<vmem>> -> memref<200x128xf32, #tpu.memory_space<vmem>>
    %dma_wait3A_1880 = tpu.memref_reshape %dma_wait3A_1879 : memref<200x128xf32, #tpu.memory_space<vmem>> -> memref<4x50x128xf32, #tpu.memory_space<vmem>>
    tpu.wait_dma2 semaphore(%arg13 : memref<!tpu.dma_semaphore, #tpu.memory_space<semaphore_mem>>) src(%dma_wait3A_1880 : memref<4x50x128xf32, #tpu.memory_space<vmem>>) dst(%dma_wait3A_1875 : memref<4x50x128xf32, #tpu.memory_space<hbm>>)
    %dma_start3A_1881 = arith.constant 2 : i32
    %dma_start3A_1882 = arith.constant 0 : i32
    %dma_start3A_1883 = arith.constant 0 : i32
    %dma_start3A_1884 = tpu.memref_slice %arg6[%dma_start3A_1881, %dma_start3A_1882, %dma_start3A_1883] : memref<4x200x128xf32, #tpu.memory_space<vmem>> -> memref<1x200x128xf32, #tpu.memory_space<vmem>>
    %dma_start3A_1885 = tpu.memref_squeeze %dma_start3A_1884 : memref<1x200x128xf32, #tpu.memory_space<vmem>> -> memref<200x128xf32, #tpu.memory_space<vmem>>
    %dma_start3A_1886 = arith.constant 0 : i32
    %dma_start3A_1887 = arith.constant 0 : i32
    %dma_start3A_1888 = tpu.memref_slice %dma_start3A_1885[%dma_start3A_1886, %dma_start3A_1887] : memref<200x128xf32, #tpu.memory_space<vmem>> -> memref<104x128xf32, #tpu.memory_space<vmem>>
    %dma_start3A_1889 = arith.constant 4400 : i32
    %dma_start3A_1890 = tpu.memref_slice %arg5[%dma_start3A_1889] : memref<6400xi32, #tpu.memory_space<vmem>> -> memref<104xi32, #tpu.memory_space<vmem>>
    %dma_start3A_1891 = arith.constant 0 : i32
    %dma_start3A_1892 = arith.constant 0 : i32
    %dma_start3A_1893 = tpu.memref_slice %arg3[%dma_start3A_1891, %dma_start3A_1892] : memref<100000x128xf32, #tpu.memory_space<hbm>> -> memref<100000x128xf32, #tpu.memory_space<hbm>>
    tpu.enqueue_indirect_dma source(%dma_start3A_1893 : memref<100000x128xf32, #tpu.memory_space<hbm>>) target(%dma_start3A_1888 : memref<104x128xf32, #tpu.memory_space<vmem>>) offsets(%dma_start3A_1890 : memref<104xi32, #tpu.memory_space<vmem>>) semaphore(%arg9 : memref<!tpu.dma_semaphore, #tpu.memory_space<semaphore_mem>>)
    %dma_start3A_1894 = arith.constant 2 : i32
    %dma_start3A_1895 = arith.constant 0 : i32
    %dma_start3A_1896 = arith.constant 0 : i32
    %dma_start3A_1897 = tpu.memref_slice %arg6[%dma_start3A_1894, %dma_start3A_1895, %dma_start3A_1896] : memref<4x200x128xf32, #tpu.memory_space<vmem>> -> memref<1x200x128xf32, #tpu.memory_space<vmem>>
    %dma_start3A_1898 = tpu.memref_squeeze %dma_start3A_1897 : memref<1x200x128xf32, #tpu.memory_space<vmem>> -> memref<200x128xf32, #tpu.memory_space<vmem>>
    %dma_start3A_1899 = arith.constant 104 : i32
    %dma_start3A_1900 = arith.constant 0 : i32
    %dma_start3A_1901 = tpu.memref_slice %dma_start3A_1898[%dma_start3A_1899, %dma_start3A_1900] : memref<200x128xf32, #tpu.memory_space<vmem>> -> memref<96x128xf32, #tpu.memory_space<vmem>>
    %dma_start3A_1902 = arith.constant 4504 : i32
    %dma_start3A_1903 = tpu.memref_slice %arg5[%dma_start3A_1902] : memref<6400xi32, #tpu.memory_space<vmem>> -> memref<96xi32, #tpu.memory_space<vmem>>
    %dma_start3A_1904 = arith.constant 0 : i32
    %dma_start3A_1905 = arith.constant 0 : i32
    %dma_start3A_1906 = tpu.memref_slice %arg3[%dma_start3A_1904, %dma_start3A_1905] : memref<100000x128xf32, #tpu.memory_space<hbm>> -> memref<100000x128xf32, #tpu.memory_space<hbm>>
    tpu.enqueue_indirect_dma source(%dma_start3A_1906 : memref<100000x128xf32, #tpu.memory_space<hbm>>) target(%dma_start3A_1901 : memref<96x128xf32, #tpu.memory_space<vmem>>) offsets(%dma_start3A_1903 : memref<96xi32, #tpu.memory_space<vmem>>) semaphore(%arg9 : memref<!tpu.dma_semaphore, #tpu.memory_space<semaphore_mem>>)
    %dma_wait3A_1907 = arith.constant 1 : i32
    %dma_wait3A_1908 = arith.constant 0 : i32
    %dma_wait3A_1909 = arith.constant 0 : i32
    %dma_wait3A_1910 = tpu.memref_slice %arg6[%dma_wait3A_1907, %dma_wait3A_1908, %dma_wait3A_1909] : memref<4x200x128xf32, #tpu.memory_space<vmem>> -> memref<1x200x128xf32, #tpu.memory_space<vmem>>
    %dma_wait3A_1911 = tpu.memref_squeeze %dma_wait3A_1910 : memref<1x200x128xf32, #tpu.memory_space<vmem>> -> memref<200x128xf32, #tpu.memory_space<vmem>>
    %dma_wait3A_1912 = arith.constant 0 : i32
    %dma_wait3A_1913 = arith.constant 0 : i32
    %dma_wait3A_1914 = tpu.memref_slice %dma_wait3A_1911[%dma_wait3A_1912, %dma_wait3A_1913] : memref<200x128xf32, #tpu.memory_space<vmem>> -> memref<104x128xf32, #tpu.memory_space<vmem>>
    %dma_wait3A_1915 = arith.constant 0 : i32
    %dma_wait3A_1916 = tpu.memref_slice %arg5[%dma_wait3A_1915] : memref<6400xi32, #tpu.memory_space<vmem>> -> memref<104xi32, #tpu.memory_space<vmem>>
    %dma_wait3A_1917 = arith.constant 0 : i32
    %dma_wait3A_1918 = arith.constant 0 : i32
    %dma_wait3A_1919 = tpu.memref_slice %arg3[%dma_wait3A_1917, %dma_wait3A_1918] : memref<100000x128xf32, #tpu.memory_space<hbm>> -> memref<100000x128xf32, #tpu.memory_space<hbm>>
    tpu.wait_indirect_dma semaphore(%arg8 : memref<!tpu.dma_semaphore, #tpu.memory_space<semaphore_mem>>) src(%dma_wait3A_1919 : memref<100000x128xf32, #tpu.memory_space<hbm>>) dst(%dma_wait3A_1914 : memref<104x128xf32, #tpu.memory_space<vmem>>)
    %dma_wait3A_1920 = arith.constant 1 : i32
    %dma_wait3A_1921 = arith.constant 0 : i32
    %dma_wait3A_1922 = arith.constant 0 : i32
    %dma_wait3A_1923 = tpu.memref_slice %arg6[%dma_wait3A_1920, %dma_wait3A_1921, %dma_wait3A_1922] : memref<4x200x128xf32, #tpu.memory_space<vmem>> -> memref<1x200x128xf32, #tpu.memory_space<vmem>>
    %dma_wait3A_1924 = tpu.memref_squeeze %dma_wait3A_1923 : memref<1x200x128xf32, #tpu.memory_space<vmem>> -> memref<200x128xf32, #tpu.memory_space<vmem>>
    %dma_wait3A_1925 = arith.constant 104 : i32
    %dma_wait3A_1926 = arith.constant 0 : i32
    %dma_wait3A_1927 = tpu.memref_slice %dma_wait3A_1924[%dma_wait3A_1925, %dma_wait3A_1926] : memref<200x128xf32, #tpu.memory_space<vmem>> -> memref<96x128xf32, #tpu.memory_space<vmem>>
    %dma_wait3A_1928 = arith.constant 0 : i32
    %dma_wait3A_1929 = tpu.memref_slice %arg5[%dma_wait3A_1928] : memref<6400xi32, #tpu.memory_space<vmem>> -> memref<96xi32, #tpu.memory_space<vmem>>
    %dma_wait3A_1930 = arith.constant 0 : i32
    %dma_wait3A_1931 = arith.constant 0 : i32
    %dma_wait3A_1932 = tpu.memref_slice %arg3[%dma_wait3A_1930, %dma_wait3A_1931] : memref<100000x128xf32, #tpu.memory_space<hbm>> -> memref<100000x128xf32, #tpu.memory_space<hbm>>
    tpu.wait_indirect_dma semaphore(%arg8 : memref<!tpu.dma_semaphore, #tpu.memory_space<semaphore_mem>>) src(%dma_wait3A_1932 : memref<100000x128xf32, #tpu.memory_space<hbm>>) dst(%dma_wait3A_1927 : memref<96x128xf32, #tpu.memory_space<vmem>>)
    %add3A_1933 = arith.constant 84 : i32
    %add3A_1934 = arith.addi %mul3A_2, %add3A_1933 : i32
    %dma_start3A_1935 = arith.constant 1 : i32
    %dma_start3A_1936 = arith.constant 0 : i32
    %dma_start3A_1937 = arith.constant 0 : i32
    %dma_start3A_1938 = tpu.memref_slice %arg6[%dma_start3A_1935, %dma_start3A_1936, %dma_start3A_1937] : memref<4x200x128xf32, #tpu.memory_space<vmem>> -> memref<1x200x128xf32, #tpu.memory_space<vmem>>
    %dma_start3A_1939 = tpu.memref_squeeze %dma_start3A_1938 : memref<1x200x128xf32, #tpu.memory_space<vmem>> -> memref<200x128xf32, #tpu.memory_space<vmem>>
    %dma_start3A_1940 = tpu.memref_reshape %dma_start3A_1939 : memref<200x128xf32, #tpu.memory_space<vmem>> -> memref<4x50x128xf32, #tpu.memory_space<vmem>>
    %dma_start3A_1941 = arith.constant 0 : i32
    %dma_start3A_1942 = arith.constant 0 : i32
    %dma_start3A_1943 = tpu.memref_slice %arg4[%add3A_1934, %dma_start3A_1941, %dma_start3A_1942] : memref<4096x50x128xf32, #tpu.memory_space<hbm>> -> memref<4x50x128xf32, #tpu.memory_space<hbm>>
    %dma_start3A_1944 = arith.constant 0 : i32
    %dma_start3A_1945 = arith.constant 0 : i32
    %dma_start3A_1946 = tpu.memref_slice %arg4[%add3A_1934, %dma_start3A_1944, %dma_start3A_1945] : memref<4096x50x128xf32, #tpu.memory_space<hbm>> -> memref<4x50x128xf32, #tpu.memory_space<hbm>>
    %dma_start3A_1947 = arith.constant 0 : i32
    %dma_start3A_1948 = arith.constant 0 : i32
    %dma_start3A_1949 = tpu.memref_slice %arg6[%dma_start3A_1935, %dma_start3A_1947, %dma_start3A_1948] : memref<4x200x128xf32, #tpu.memory_space<vmem>> -> memref<1x200x128xf32, #tpu.memory_space<vmem>>
    %dma_start3A_1950 = tpu.memref_squeeze %dma_start3A_1949 : memref<1x200x128xf32, #tpu.memory_space<vmem>> -> memref<200x128xf32, #tpu.memory_space<vmem>>
    %dma_start3A_1951 = tpu.memref_reshape %dma_start3A_1950 : memref<200x128xf32, #tpu.memory_space<vmem>> -> memref<4x50x128xf32, #tpu.memory_space<vmem>>
    tpu.enqueue_dma source(%dma_start3A_1951 : memref<4x50x128xf32, #tpu.memory_space<vmem>>) target(%dma_start3A_1946 : memref<4x50x128xf32, #tpu.memory_space<hbm>>) target_semaphore(%arg12 : memref<!tpu.dma_semaphore, #tpu.memory_space<semaphore_mem>>)
    %dma_wait3A_1952 = arith.constant 3 : i32
    %dma_wait3A_1953 = arith.constant 0 : i32
    %dma_wait3A_1954 = arith.constant 0 : i32
    %dma_wait3A_1955 = tpu.memref_slice %arg6[%dma_wait3A_1952, %dma_wait3A_1953, %dma_wait3A_1954] : memref<4x200x128xf32, #tpu.memory_space<vmem>> -> memref<1x200x128xf32, #tpu.memory_space<vmem>>
    %dma_wait3A_1956 = tpu.memref_squeeze %dma_wait3A_1955 : memref<1x200x128xf32, #tpu.memory_space<vmem>> -> memref<200x128xf32, #tpu.memory_space<vmem>>
    %dma_wait3A_1957 = tpu.memref_reshape %dma_wait3A_1956 : memref<200x128xf32, #tpu.memory_space<vmem>> -> memref<4x50x128xf32, #tpu.memory_space<vmem>>
    %dma_wait3A_1958 = arith.constant 0 : i32
    %dma_wait3A_1959 = arith.constant 0 : i32
    %dma_wait3A_1960 = arith.constant 0 : i32
    %dma_wait3A_1961 = tpu.memref_slice %arg4[%dma_wait3A_1958, %dma_wait3A_1959, %dma_wait3A_1960] : memref<4096x50x128xf32, #tpu.memory_space<hbm>> -> memref<4x50x128xf32, #tpu.memory_space<hbm>>
    %dma_wait3A_1962 = arith.constant 0 : i32
    %dma_wait3A_1963 = arith.constant 0 : i32
    %dma_wait3A_1964 = arith.constant 0 : i32
    %dma_wait3A_1965 = tpu.memref_slice %arg4[%dma_wait3A_1962, %dma_wait3A_1963, %dma_wait3A_1964] : memref<4096x50x128xf32, #tpu.memory_space<hbm>> -> memref<4x50x128xf32, #tpu.memory_space<hbm>>
    %dma_wait3A_1966 = arith.constant 0 : i32
    %dma_wait3A_1967 = arith.constant 0 : i32
    %dma_wait3A_1968 = tpu.memref_slice %arg6[%dma_wait3A_1952, %dma_wait3A_1966, %dma_wait3A_1967] : memref<4x200x128xf32, #tpu.memory_space<vmem>> -> memref<1x200x128xf32, #tpu.memory_space<vmem>>
    %dma_wait3A_1969 = tpu.memref_squeeze %dma_wait3A_1968 : memref<1x200x128xf32, #tpu.memory_space<vmem>> -> memref<200x128xf32, #tpu.memory_space<vmem>>
    %dma_wait3A_1970 = tpu.memref_reshape %dma_wait3A_1969 : memref<200x128xf32, #tpu.memory_space<vmem>> -> memref<4x50x128xf32, #tpu.memory_space<vmem>>
    tpu.wait_dma2 semaphore(%arg14 : memref<!tpu.dma_semaphore, #tpu.memory_space<semaphore_mem>>) src(%dma_wait3A_1970 : memref<4x50x128xf32, #tpu.memory_space<vmem>>) dst(%dma_wait3A_1965 : memref<4x50x128xf32, #tpu.memory_space<hbm>>)
    %dma_start3A_1971 = arith.constant 3 : i32
    %dma_start3A_1972 = arith.constant 0 : i32
    %dma_start3A_1973 = arith.constant 0 : i32
    %dma_start3A_1974 = tpu.memref_slice %arg6[%dma_start3A_1971, %dma_start3A_1972, %dma_start3A_1973] : memref<4x200x128xf32, #tpu.memory_space<vmem>> -> memref<1x200x128xf32, #tpu.memory_space<vmem>>
    %dma_start3A_1975 = tpu.memref_squeeze %dma_start3A_1974 : memref<1x200x128xf32, #tpu.memory_space<vmem>> -> memref<200x128xf32, #tpu.memory_space<vmem>>
    %dma_start3A_1976 = arith.constant 0 : i32
    %dma_start3A_1977 = arith.constant 0 : i32
    %dma_start3A_1978 = tpu.memref_slice %dma_start3A_1975[%dma_start3A_1976, %dma_start3A_1977] : memref<200x128xf32, #tpu.memory_space<vmem>> -> memref<104x128xf32, #tpu.memory_space<vmem>>
    %dma_start3A_1979 = arith.constant 4600 : i32
    %dma_start3A_1980 = tpu.memref_slice %arg5[%dma_start3A_1979] : memref<6400xi32, #tpu.memory_space<vmem>> -> memref<104xi32, #tpu.memory_space<vmem>>
    %dma_start3A_1981 = arith.constant 0 : i32
    %dma_start3A_1982 = arith.constant 0 : i32
    %dma_start3A_1983 = tpu.memref_slice %arg3[%dma_start3A_1981, %dma_start3A_1982] : memref<100000x128xf32, #tpu.memory_space<hbm>> -> memref<100000x128xf32, #tpu.memory_space<hbm>>
    tpu.enqueue_indirect_dma source(%dma_start3A_1983 : memref<100000x128xf32, #tpu.memory_space<hbm>>) target(%dma_start3A_1978 : memref<104x128xf32, #tpu.memory_space<vmem>>) offsets(%dma_start3A_1980 : memref<104xi32, #tpu.memory_space<vmem>>) semaphore(%arg10 : memref<!tpu.dma_semaphore, #tpu.memory_space<semaphore_mem>>)
    %dma_start3A_1984 = arith.constant 3 : i32
    %dma_start3A_1985 = arith.constant 0 : i32
    %dma_start3A_1986 = arith.constant 0 : i32
    %dma_start3A_1987 = tpu.memref_slice %arg6[%dma_start3A_1984, %dma_start3A_1985, %dma_start3A_1986] : memref<4x200x128xf32, #tpu.memory_space<vmem>> -> memref<1x200x128xf32, #tpu.memory_space<vmem>>
    %dma_start3A_1988 = tpu.memref_squeeze %dma_start3A_1987 : memref<1x200x128xf32, #tpu.memory_space<vmem>> -> memref<200x128xf32, #tpu.memory_space<vmem>>
    %dma_start3A_1989 = arith.constant 104 : i32
    %dma_start3A_1990 = arith.constant 0 : i32
    %dma_start3A_1991 = tpu.memref_slice %dma_start3A_1988[%dma_start3A_1989, %dma_start3A_1990] : memref<200x128xf32, #tpu.memory_space<vmem>> -> memref<96x128xf32, #tpu.memory_space<vmem>>
    %dma_start3A_1992 = arith.constant 4704 : i32
    %dma_start3A_1993 = tpu.memref_slice %arg5[%dma_start3A_1992] : memref<6400xi32, #tpu.memory_space<vmem>> -> memref<96xi32, #tpu.memory_space<vmem>>
    %dma_start3A_1994 = arith.constant 0 : i32
    %dma_start3A_1995 = arith.constant 0 : i32
    %dma_start3A_1996 = tpu.memref_slice %arg3[%dma_start3A_1994, %dma_start3A_1995] : memref<100000x128xf32, #tpu.memory_space<hbm>> -> memref<100000x128xf32, #tpu.memory_space<hbm>>
    tpu.enqueue_indirect_dma source(%dma_start3A_1996 : memref<100000x128xf32, #tpu.memory_space<hbm>>) target(%dma_start3A_1991 : memref<96x128xf32, #tpu.memory_space<vmem>>) offsets(%dma_start3A_1993 : memref<96xi32, #tpu.memory_space<vmem>>) semaphore(%arg10 : memref<!tpu.dma_semaphore, #tpu.memory_space<semaphore_mem>>)
    %dma_wait3A_1997 = arith.constant 2 : i32
    %dma_wait3A_1998 = arith.constant 0 : i32
    %dma_wait3A_1999 = arith.constant 0 : i32
    %dma_wait3A_2000 = tpu.memref_slice %arg6[%dma_wait3A_1997, %dma_wait3A_1998, %dma_wait3A_1999] : memref<4x200x128xf32, #tpu.memory_space<vmem>> -> memref<1x200x128xf32, #tpu.memory_space<vmem>>
    %dma_wait3A_2001 = tpu.memref_squeeze %dma_wait3A_2000 : memref<1x200x128xf32, #tpu.memory_space<vmem>> -> memref<200x128xf32, #tpu.memory_space<vmem>>
    %dma_wait3A_2002 = arith.constant 0 : i32
    %dma_wait3A_2003 = arith.constant 0 : i32
    %dma_wait3A_2004 = tpu.memref_slice %dma_wait3A_2001[%dma_wait3A_2002, %dma_wait3A_2003] : memref<200x128xf32, #tpu.memory_space<vmem>> -> memref<104x128xf32, #tpu.memory_space<vmem>>
    %dma_wait3A_2005 = arith.constant 0 : i32
    %dma_wait3A_2006 = tpu.memref_slice %arg5[%dma_wait3A_2005] : memref<6400xi32, #tpu.memory_space<vmem>> -> memref<104xi32, #tpu.memory_space<vmem>>
    %dma_wait3A_2007 = arith.constant 0 : i32
    %dma_wait3A_2008 = arith.constant 0 : i32
    %dma_wait3A_2009 = tpu.memref_slice %arg3[%dma_wait3A_2007, %dma_wait3A_2008] : memref<100000x128xf32, #tpu.memory_space<hbm>> -> memref<100000x128xf32, #tpu.memory_space<hbm>>
    tpu.wait_indirect_dma semaphore(%arg9 : memref<!tpu.dma_semaphore, #tpu.memory_space<semaphore_mem>>) src(%dma_wait3A_2009 : memref<100000x128xf32, #tpu.memory_space<hbm>>) dst(%dma_wait3A_2004 : memref<104x128xf32, #tpu.memory_space<vmem>>)
    %dma_wait3A_2010 = arith.constant 2 : i32
    %dma_wait3A_2011 = arith.constant 0 : i32
    %dma_wait3A_2012 = arith.constant 0 : i32
    %dma_wait3A_2013 = tpu.memref_slice %arg6[%dma_wait3A_2010, %dma_wait3A_2011, %dma_wait3A_2012] : memref<4x200x128xf32, #tpu.memory_space<vmem>> -> memref<1x200x128xf32, #tpu.memory_space<vmem>>
    %dma_wait3A_2014 = tpu.memref_squeeze %dma_wait3A_2013 : memref<1x200x128xf32, #tpu.memory_space<vmem>> -> memref<200x128xf32, #tpu.memory_space<vmem>>
    %dma_wait3A_2015 = arith.constant 104 : i32
    %dma_wait3A_2016 = arith.constant 0 : i32
    %dma_wait3A_2017 = tpu.memref_slice %dma_wait3A_2014[%dma_wait3A_2015, %dma_wait3A_2016] : memref<200x128xf32, #tpu.memory_space<vmem>> -> memref<96x128xf32, #tpu.memory_space<vmem>>
    %dma_wait3A_2018 = arith.constant 0 : i32
    %dma_wait3A_2019 = tpu.memref_slice %arg5[%dma_wait3A_2018] : memref<6400xi32, #tpu.memory_space<vmem>> -> memref<96xi32, #tpu.memory_space<vmem>>
    %dma_wait3A_2020 = arith.constant 0 : i32
    %dma_wait3A_2021 = arith.constant 0 : i32
    %dma_wait3A_2022 = tpu.memref_slice %arg3[%dma_wait3A_2020, %dma_wait3A_2021] : memref<100000x128xf32, #tpu.memory_space<hbm>> -> memref<100000x128xf32, #tpu.memory_space<hbm>>
    tpu.wait_indirect_dma semaphore(%arg9 : memref<!tpu.dma_semaphore, #tpu.memory_space<semaphore_mem>>) src(%dma_wait3A_2022 : memref<100000x128xf32, #tpu.memory_space<hbm>>) dst(%dma_wait3A_2017 : memref<96x128xf32, #tpu.memory_space<vmem>>)
    %add3A_2023 = arith.constant 88 : i32
    %add3A_2024 = arith.addi %mul3A_2, %add3A_2023 : i32
    %dma_start3A_2025 = arith.constant 2 : i32
    %dma_start3A_2026 = arith.constant 0 : i32
    %dma_start3A_2027 = arith.constant 0 : i32
    %dma_start3A_2028 = tpu.memref_slice %arg6[%dma_start3A_2025, %dma_start3A_2026, %dma_start3A_2027] : memref<4x200x128xf32, #tpu.memory_space<vmem>> -> memref<1x200x128xf32, #tpu.memory_space<vmem>>
    %dma_start3A_2029 = tpu.memref_squeeze %dma_start3A_2028 : memref<1x200x128xf32, #tpu.memory_space<vmem>> -> memref<200x128xf32, #tpu.memory_space<vmem>>
    %dma_start3A_2030 = tpu.memref_reshape %dma_start3A_2029 : memref<200x128xf32, #tpu.memory_space<vmem>> -> memref<4x50x128xf32, #tpu.memory_space<vmem>>
    %dma_start3A_2031 = arith.constant 0 : i32
    %dma_start3A_2032 = arith.constant 0 : i32
    %dma_start3A_2033 = tpu.memref_slice %arg4[%add3A_2024, %dma_start3A_2031, %dma_start3A_2032] : memref<4096x50x128xf32, #tpu.memory_space<hbm>> -> memref<4x50x128xf32, #tpu.memory_space<hbm>>
    %dma_start3A_2034 = arith.constant 0 : i32
    %dma_start3A_2035 = arith.constant 0 : i32
    %dma_start3A_2036 = tpu.memref_slice %arg4[%add3A_2024, %dma_start3A_2034, %dma_start3A_2035] : memref<4096x50x128xf32, #tpu.memory_space<hbm>> -> memref<4x50x128xf32, #tpu.memory_space<hbm>>
    %dma_start3A_2037 = arith.constant 0 : i32
    %dma_start3A_2038 = arith.constant 0 : i32
    %dma_start3A_2039 = tpu.memref_slice %arg6[%dma_start3A_2025, %dma_start3A_2037, %dma_start3A_2038] : memref<4x200x128xf32, #tpu.memory_space<vmem>> -> memref<1x200x128xf32, #tpu.memory_space<vmem>>
    %dma_start3A_2040 = tpu.memref_squeeze %dma_start3A_2039 : memref<1x200x128xf32, #tpu.memory_space<vmem>> -> memref<200x128xf32, #tpu.memory_space<vmem>>
    %dma_start3A_2041 = tpu.memref_reshape %dma_start3A_2040 : memref<200x128xf32, #tpu.memory_space<vmem>> -> memref<4x50x128xf32, #tpu.memory_space<vmem>>
    tpu.enqueue_dma source(%dma_start3A_2041 : memref<4x50x128xf32, #tpu.memory_space<vmem>>) target(%dma_start3A_2036 : memref<4x50x128xf32, #tpu.memory_space<hbm>>) target_semaphore(%arg13 : memref<!tpu.dma_semaphore, #tpu.memory_space<semaphore_mem>>)
    %dma_wait3A_2042 = arith.constant 0 : i32
    %dma_wait3A_2043 = arith.constant 0 : i32
    %dma_wait3A_2044 = arith.constant 0 : i32
    %dma_wait3A_2045 = tpu.memref_slice %arg6[%dma_wait3A_2042, %dma_wait3A_2043, %dma_wait3A_2044] : memref<4x200x128xf32, #tpu.memory_space<vmem>> -> memref<1x200x128xf32, #tpu.memory_space<vmem>>
    %dma_wait3A_2046 = tpu.memref_squeeze %dma_wait3A_2045 : memref<1x200x128xf32, #tpu.memory_space<vmem>> -> memref<200x128xf32, #tpu.memory_space<vmem>>
    %dma_wait3A_2047 = tpu.memref_reshape %dma_wait3A_2046 : memref<200x128xf32, #tpu.memory_space<vmem>> -> memref<4x50x128xf32, #tpu.memory_space<vmem>>
    %dma_wait3A_2048 = arith.constant 0 : i32
    %dma_wait3A_2049 = arith.constant 0 : i32
    %dma_wait3A_2050 = arith.constant 0 : i32
    %dma_wait3A_2051 = tpu.memref_slice %arg4[%dma_wait3A_2048, %dma_wait3A_2049, %dma_wait3A_2050] : memref<4096x50x128xf32, #tpu.memory_space<hbm>> -> memref<4x50x128xf32, #tpu.memory_space<hbm>>
    %dma_wait3A_2052 = arith.constant 0 : i32
    %dma_wait3A_2053 = arith.constant 0 : i32
    %dma_wait3A_2054 = arith.constant 0 : i32
    %dma_wait3A_2055 = tpu.memref_slice %arg4[%dma_wait3A_2052, %dma_wait3A_2053, %dma_wait3A_2054] : memref<4096x50x128xf32, #tpu.memory_space<hbm>> -> memref<4x50x128xf32, #tpu.memory_space<hbm>>
    %dma_wait3A_2056 = arith.constant 0 : i32
    %dma_wait3A_2057 = arith.constant 0 : i32
    %dma_wait3A_2058 = tpu.memref_slice %arg6[%dma_wait3A_2042, %dma_wait3A_2056, %dma_wait3A_2057] : memref<4x200x128xf32, #tpu.memory_space<vmem>> -> memref<1x200x128xf32, #tpu.memory_space<vmem>>
    %dma_wait3A_2059 = tpu.memref_squeeze %dma_wait3A_2058 : memref<1x200x128xf32, #tpu.memory_space<vmem>> -> memref<200x128xf32, #tpu.memory_space<vmem>>
    %dma_wait3A_2060 = tpu.memref_reshape %dma_wait3A_2059 : memref<200x128xf32, #tpu.memory_space<vmem>> -> memref<4x50x128xf32, #tpu.memory_space<vmem>>
    tpu.wait_dma2 semaphore(%arg11 : memref<!tpu.dma_semaphore, #tpu.memory_space<semaphore_mem>>) src(%dma_wait3A_2060 : memref<4x50x128xf32, #tpu.memory_space<vmem>>) dst(%dma_wait3A_2055 : memref<4x50x128xf32, #tpu.memory_space<hbm>>)
    %dma_start3A_2061 = arith.constant 0 : i32
    %dma_start3A_2062 = arith.constant 0 : i32
    %dma_start3A_2063 = arith.constant 0 : i32
    %dma_start3A_2064 = tpu.memref_slice %arg6[%dma_start3A_2061, %dma_start3A_2062, %dma_start3A_2063] : memref<4x200x128xf32, #tpu.memory_space<vmem>> -> memref<1x200x128xf32, #tpu.memory_space<vmem>>
    %dma_start3A_2065 = tpu.memref_squeeze %dma_start3A_2064 : memref<1x200x128xf32, #tpu.memory_space<vmem>> -> memref<200x128xf32, #tpu.memory_space<vmem>>
    %dma_start3A_2066 = arith.constant 0 : i32
    %dma_start3A_2067 = arith.constant 0 : i32
    %dma_start3A_2068 = tpu.memref_slice %dma_start3A_2065[%dma_start3A_2066, %dma_start3A_2067] : memref<200x128xf32, #tpu.memory_space<vmem>> -> memref<104x128xf32, #tpu.memory_space<vmem>>
    %dma_start3A_2069 = arith.constant 4800 : i32
    %dma_start3A_2070 = tpu.memref_slice %arg5[%dma_start3A_2069] : memref<6400xi32, #tpu.memory_space<vmem>> -> memref<104xi32, #tpu.memory_space<vmem>>
    %dma_start3A_2071 = arith.constant 0 : i32
    %dma_start3A_2072 = arith.constant 0 : i32
    %dma_start3A_2073 = tpu.memref_slice %arg3[%dma_start3A_2071, %dma_start3A_2072] : memref<100000x128xf32, #tpu.memory_space<hbm>> -> memref<100000x128xf32, #tpu.memory_space<hbm>>
    tpu.enqueue_indirect_dma source(%dma_start3A_2073 : memref<100000x128xf32, #tpu.memory_space<hbm>>) target(%dma_start3A_2068 : memref<104x128xf32, #tpu.memory_space<vmem>>) offsets(%dma_start3A_2070 : memref<104xi32, #tpu.memory_space<vmem>>) semaphore(%arg7 : memref<!tpu.dma_semaphore, #tpu.memory_space<semaphore_mem>>)
    %dma_start3A_2074 = arith.constant 0 : i32
    %dma_start3A_2075 = arith.constant 0 : i32
    %dma_start3A_2076 = arith.constant 0 : i32
    %dma_start3A_2077 = tpu.memref_slice %arg6[%dma_start3A_2074, %dma_start3A_2075, %dma_start3A_2076] : memref<4x200x128xf32, #tpu.memory_space<vmem>> -> memref<1x200x128xf32, #tpu.memory_space<vmem>>
    %dma_start3A_2078 = tpu.memref_squeeze %dma_start3A_2077 : memref<1x200x128xf32, #tpu.memory_space<vmem>> -> memref<200x128xf32, #tpu.memory_space<vmem>>
    %dma_start3A_2079 = arith.constant 104 : i32
    %dma_start3A_2080 = arith.constant 0 : i32
    %dma_start3A_2081 = tpu.memref_slice %dma_start3A_2078[%dma_start3A_2079, %dma_start3A_2080] : memref<200x128xf32, #tpu.memory_space<vmem>> -> memref<96x128xf32, #tpu.memory_space<vmem>>
    %dma_start3A_2082 = arith.constant 4904 : i32
    %dma_start3A_2083 = tpu.memref_slice %arg5[%dma_start3A_2082] : memref<6400xi32, #tpu.memory_space<vmem>> -> memref<96xi32, #tpu.memory_space<vmem>>
    %dma_start3A_2084 = arith.constant 0 : i32
    %dma_start3A_2085 = arith.constant 0 : i32
    %dma_start3A_2086 = tpu.memref_slice %arg3[%dma_start3A_2084, %dma_start3A_2085] : memref<100000x128xf32, #tpu.memory_space<hbm>> -> memref<100000x128xf32, #tpu.memory_space<hbm>>
    tpu.enqueue_indirect_dma source(%dma_start3A_2086 : memref<100000x128xf32, #tpu.memory_space<hbm>>) target(%dma_start3A_2081 : memref<96x128xf32, #tpu.memory_space<vmem>>) offsets(%dma_start3A_2083 : memref<96xi32, #tpu.memory_space<vmem>>) semaphore(%arg7 : memref<!tpu.dma_semaphore, #tpu.memory_space<semaphore_mem>>)
    %dma_wait3A_2087 = arith.constant 3 : i32
    %dma_wait3A_2088 = arith.constant 0 : i32
    %dma_wait3A_2089 = arith.constant 0 : i32
    %dma_wait3A_2090 = tpu.memref_slice %arg6[%dma_wait3A_2087, %dma_wait3A_2088, %dma_wait3A_2089] : memref<4x200x128xf32, #tpu.memory_space<vmem>> -> memref<1x200x128xf32, #tpu.memory_space<vmem>>
    %dma_wait3A_2091 = tpu.memref_squeeze %dma_wait3A_2090 : memref<1x200x128xf32, #tpu.memory_space<vmem>> -> memref<200x128xf32, #tpu.memory_space<vmem>>
    %dma_wait3A_2092 = arith.constant 0 : i32
    %dma_wait3A_2093 = arith.constant 0 : i32
    %dma_wait3A_2094 = tpu.memref_slice %dma_wait3A_2091[%dma_wait3A_2092, %dma_wait3A_2093] : memref<200x128xf32, #tpu.memory_space<vmem>> -> memref<104x128xf32, #tpu.memory_space<vmem>>
    %dma_wait3A_2095 = arith.constant 0 : i32
    %dma_wait3A_2096 = tpu.memref_slice %arg5[%dma_wait3A_2095] : memref<6400xi32, #tpu.memory_space<vmem>> -> memref<104xi32, #tpu.memory_space<vmem>>
    %dma_wait3A_2097 = arith.constant 0 : i32
    %dma_wait3A_2098 = arith.constant 0 : i32
    %dma_wait3A_2099 = tpu.memref_slice %arg3[%dma_wait3A_2097, %dma_wait3A_2098] : memref<100000x128xf32, #tpu.memory_space<hbm>> -> memref<100000x128xf32, #tpu.memory_space<hbm>>
    tpu.wait_indirect_dma semaphore(%arg10 : memref<!tpu.dma_semaphore, #tpu.memory_space<semaphore_mem>>) src(%dma_wait3A_2099 : memref<100000x128xf32, #tpu.memory_space<hbm>>) dst(%dma_wait3A_2094 : memref<104x128xf32, #tpu.memory_space<vmem>>)
    %dma_wait3A_2100 = arith.constant 3 : i32
    %dma_wait3A_2101 = arith.constant 0 : i32
    %dma_wait3A_2102 = arith.constant 0 : i32
    %dma_wait3A_2103 = tpu.memref_slice %arg6[%dma_wait3A_2100, %dma_wait3A_2101, %dma_wait3A_2102] : memref<4x200x128xf32, #tpu.memory_space<vmem>> -> memref<1x200x128xf32, #tpu.memory_space<vmem>>
    %dma_wait3A_2104 = tpu.memref_squeeze %dma_wait3A_2103 : memref<1x200x128xf32, #tpu.memory_space<vmem>> -> memref<200x128xf32, #tpu.memory_space<vmem>>
    %dma_wait3A_2105 = arith.constant 104 : i32
    %dma_wait3A_2106 = arith.constant 0 : i32
    %dma_wait3A_2107 = tpu.memref_slice %dma_wait3A_2104[%dma_wait3A_2105, %dma_wait3A_2106] : memref<200x128xf32, #tpu.memory_space<vmem>> -> memref<96x128xf32, #tpu.memory_space<vmem>>
    %dma_wait3A_2108 = arith.constant 0 : i32
    %dma_wait3A_2109 = tpu.memref_slice %arg5[%dma_wait3A_2108] : memref<6400xi32, #tpu.memory_space<vmem>> -> memref<96xi32, #tpu.memory_space<vmem>>
    %dma_wait3A_2110 = arith.constant 0 : i32
    %dma_wait3A_2111 = arith.constant 0 : i32
    %dma_wait3A_2112 = tpu.memref_slice %arg3[%dma_wait3A_2110, %dma_wait3A_2111] : memref<100000x128xf32, #tpu.memory_space<hbm>> -> memref<100000x128xf32, #tpu.memory_space<hbm>>
    tpu.wait_indirect_dma semaphore(%arg10 : memref<!tpu.dma_semaphore, #tpu.memory_space<semaphore_mem>>) src(%dma_wait3A_2112 : memref<100000x128xf32, #tpu.memory_space<hbm>>) dst(%dma_wait3A_2107 : memref<96x128xf32, #tpu.memory_space<vmem>>)
    %add3A_2113 = arith.constant 92 : i32
    %add3A_2114 = arith.addi %mul3A_2, %add3A_2113 : i32
    %dma_start3A_2115 = arith.constant 3 : i32
    %dma_start3A_2116 = arith.constant 0 : i32
    %dma_start3A_2117 = arith.constant 0 : i32
    %dma_start3A_2118 = tpu.memref_slice %arg6[%dma_start3A_2115, %dma_start3A_2116, %dma_start3A_2117] : memref<4x200x128xf32, #tpu.memory_space<vmem>> -> memref<1x200x128xf32, #tpu.memory_space<vmem>>
    %dma_start3A_2119 = tpu.memref_squeeze %dma_start3A_2118 : memref<1x200x128xf32, #tpu.memory_space<vmem>> -> memref<200x128xf32, #tpu.memory_space<vmem>>
    %dma_start3A_2120 = tpu.memref_reshape %dma_start3A_2119 : memref<200x128xf32, #tpu.memory_space<vmem>> -> memref<4x50x128xf32, #tpu.memory_space<vmem>>
    %dma_start3A_2121 = arith.constant 0 : i32
    %dma_start3A_2122 = arith.constant 0 : i32
    %dma_start3A_2123 = tpu.memref_slice %arg4[%add3A_2114, %dma_start3A_2121, %dma_start3A_2122] : memref<4096x50x128xf32, #tpu.memory_space<hbm>> -> memref<4x50x128xf32, #tpu.memory_space<hbm>>
    %dma_start3A_2124 = arith.constant 0 : i32
    %dma_start3A_2125 = arith.constant 0 : i32
    %dma_start3A_2126 = tpu.memref_slice %arg4[%add3A_2114, %dma_start3A_2124, %dma_start3A_2125] : memref<4096x50x128xf32, #tpu.memory_space<hbm>> -> memref<4x50x128xf32, #tpu.memory_space<hbm>>
    %dma_start3A_2127 = arith.constant 0 : i32
    %dma_start3A_2128 = arith.constant 0 : i32
    %dma_start3A_2129 = tpu.memref_slice %arg6[%dma_start3A_2115, %dma_start3A_2127, %dma_start3A_2128] : memref<4x200x128xf32, #tpu.memory_space<vmem>> -> memref<1x200x128xf32, #tpu.memory_space<vmem>>
    %dma_start3A_2130 = tpu.memref_squeeze %dma_start3A_2129 : memref<1x200x128xf32, #tpu.memory_space<vmem>> -> memref<200x128xf32, #tpu.memory_space<vmem>>
    %dma_start3A_2131 = tpu.memref_reshape %dma_start3A_2130 : memref<200x128xf32, #tpu.memory_space<vmem>> -> memref<4x50x128xf32, #tpu.memory_space<vmem>>
    tpu.enqueue_dma source(%dma_start3A_2131 : memref<4x50x128xf32, #tpu.memory_space<vmem>>) target(%dma_start3A_2126 : memref<4x50x128xf32, #tpu.memory_space<hbm>>) target_semaphore(%arg14 : memref<!tpu.dma_semaphore, #tpu.memory_space<semaphore_mem>>)
    %dma_wait3A_2132 = arith.constant 1 : i32
    %dma_wait3A_2133 = arith.constant 0 : i32
    %dma_wait3A_2134 = arith.constant 0 : i32
    %dma_wait3A_2135 = tpu.memref_slice %arg6[%dma_wait3A_2132, %dma_wait3A_2133, %dma_wait3A_2134] : memref<4x200x128xf32, #tpu.memory_space<vmem>> -> memref<1x200x128xf32, #tpu.memory_space<vmem>>
    %dma_wait3A_2136 = tpu.memref_squeeze %dma_wait3A_2135 : memref<1x200x128xf32, #tpu.memory_space<vmem>> -> memref<200x128xf32, #tpu.memory_space<vmem>>
    %dma_wait3A_2137 = tpu.memref_reshape %dma_wait3A_2136 : memref<200x128xf32, #tpu.memory_space<vmem>> -> memref<4x50x128xf32, #tpu.memory_space<vmem>>
    %dma_wait3A_2138 = arith.constant 0 : i32
    %dma_wait3A_2139 = arith.constant 0 : i32
    %dma_wait3A_2140 = arith.constant 0 : i32
    %dma_wait3A_2141 = tpu.memref_slice %arg4[%dma_wait3A_2138, %dma_wait3A_2139, %dma_wait3A_2140] : memref<4096x50x128xf32, #tpu.memory_space<hbm>> -> memref<4x50x128xf32, #tpu.memory_space<hbm>>
    %dma_wait3A_2142 = arith.constant 0 : i32
    %dma_wait3A_2143 = arith.constant 0 : i32
    %dma_wait3A_2144 = arith.constant 0 : i32
    %dma_wait3A_2145 = tpu.memref_slice %arg4[%dma_wait3A_2142, %dma_wait3A_2143, %dma_wait3A_2144] : memref<4096x50x128xf32, #tpu.memory_space<hbm>> -> memref<4x50x128xf32, #tpu.memory_space<hbm>>
    %dma_wait3A_2146 = arith.constant 0 : i32
    %dma_wait3A_2147 = arith.constant 0 : i32
    %dma_wait3A_2148 = tpu.memref_slice %arg6[%dma_wait3A_2132, %dma_wait3A_2146, %dma_wait3A_2147] : memref<4x200x128xf32, #tpu.memory_space<vmem>> -> memref<1x200x128xf32, #tpu.memory_space<vmem>>
    %dma_wait3A_2149 = tpu.memref_squeeze %dma_wait3A_2148 : memref<1x200x128xf32, #tpu.memory_space<vmem>> -> memref<200x128xf32, #tpu.memory_space<vmem>>
    %dma_wait3A_2150 = tpu.memref_reshape %dma_wait3A_2149 : memref<200x128xf32, #tpu.memory_space<vmem>> -> memref<4x50x128xf32, #tpu.memory_space<vmem>>
    tpu.wait_dma2 semaphore(%arg12 : memref<!tpu.dma_semaphore, #tpu.memory_space<semaphore_mem>>) src(%dma_wait3A_2150 : memref<4x50x128xf32, #tpu.memory_space<vmem>>) dst(%dma_wait3A_2145 : memref<4x50x128xf32, #tpu.memory_space<hbm>>)
    %dma_start3A_2151 = arith.constant 1 : i32
    %dma_start3A_2152 = arith.constant 0 : i32
    %dma_start3A_2153 = arith.constant 0 : i32
    %dma_start3A_2154 = tpu.memref_slice %arg6[%dma_start3A_2151, %dma_start3A_2152, %dma_start3A_2153] : memref<4x200x128xf32, #tpu.memory_space<vmem>> -> memref<1x200x128xf32, #tpu.memory_space<vmem>>
    %dma_start3A_2155 = tpu.memref_squeeze %dma_start3A_2154 : memref<1x200x128xf32, #tpu.memory_space<vmem>> -> memref<200x128xf32, #tpu.memory_space<vmem>>
    %dma_start3A_2156 = arith.constant 0 : i32
    %dma_start3A_2157 = arith.constant 0 : i32
    %dma_start3A_2158 = tpu.memref_slice %dma_start3A_2155[%dma_start3A_2156, %dma_start3A_2157] : memref<200x128xf32, #tpu.memory_space<vmem>> -> memref<104x128xf32, #tpu.memory_space<vmem>>
    %dma_start3A_2159 = arith.constant 5000 : i32
    %dma_start3A_2160 = tpu.memref_slice %arg5[%dma_start3A_2159] : memref<6400xi32, #tpu.memory_space<vmem>> -> memref<104xi32, #tpu.memory_space<vmem>>
    %dma_start3A_2161 = arith.constant 0 : i32
    %dma_start3A_2162 = arith.constant 0 : i32
    %dma_start3A_2163 = tpu.memref_slice %arg3[%dma_start3A_2161, %dma_start3A_2162] : memref<100000x128xf32, #tpu.memory_space<hbm>> -> memref<100000x128xf32, #tpu.memory_space<hbm>>
    tpu.enqueue_indirect_dma source(%dma_start3A_2163 : memref<100000x128xf32, #tpu.memory_space<hbm>>) target(%dma_start3A_2158 : memref<104x128xf32, #tpu.memory_space<vmem>>) offsets(%dma_start3A_2160 : memref<104xi32, #tpu.memory_space<vmem>>) semaphore(%arg8 : memref<!tpu.dma_semaphore, #tpu.memory_space<semaphore_mem>>)
    %dma_start3A_2164 = arith.constant 1 : i32
    %dma_start3A_2165 = arith.constant 0 : i32
    %dma_start3A_2166 = arith.constant 0 : i32
    %dma_start3A_2167 = tpu.memref_slice %arg6[%dma_start3A_2164, %dma_start3A_2165, %dma_start3A_2166] : memref<4x200x128xf32, #tpu.memory_space<vmem>> -> memref<1x200x128xf32, #tpu.memory_space<vmem>>
    %dma_start3A_2168 = tpu.memref_squeeze %dma_start3A_2167 : memref<1x200x128xf32, #tpu.memory_space<vmem>> -> memref<200x128xf32, #tpu.memory_space<vmem>>
    %dma_start3A_2169 = arith.constant 104 : i32
    %dma_start3A_2170 = arith.constant 0 : i32
    %dma_start3A_2171 = tpu.memref_slice %dma_start3A_2168[%dma_start3A_2169, %dma_start3A_2170] : memref<200x128xf32, #tpu.memory_space<vmem>> -> memref<96x128xf32, #tpu.memory_space<vmem>>
    %dma_start3A_2172 = arith.constant 5104 : i32
    %dma_start3A_2173 = tpu.memref_slice %arg5[%dma_start3A_2172] : memref<6400xi32, #tpu.memory_space<vmem>> -> memref<96xi32, #tpu.memory_space<vmem>>
    %dma_start3A_2174 = arith.constant 0 : i32
    %dma_start3A_2175 = arith.constant 0 : i32
    %dma_start3A_2176 = tpu.memref_slice %arg3[%dma_start3A_2174, %dma_start3A_2175] : memref<100000x128xf32, #tpu.memory_space<hbm>> -> memref<100000x128xf32, #tpu.memory_space<hbm>>
    tpu.enqueue_indirect_dma source(%dma_start3A_2176 : memref<100000x128xf32, #tpu.memory_space<hbm>>) target(%dma_start3A_2171 : memref<96x128xf32, #tpu.memory_space<vmem>>) offsets(%dma_start3A_2173 : memref<96xi32, #tpu.memory_space<vmem>>) semaphore(%arg8 : memref<!tpu.dma_semaphore, #tpu.memory_space<semaphore_mem>>)
    %dma_wait3A_2177 = arith.constant 0 : i32
    %dma_wait3A_2178 = arith.constant 0 : i32
    %dma_wait3A_2179 = arith.constant 0 : i32
    %dma_wait3A_2180 = tpu.memref_slice %arg6[%dma_wait3A_2177, %dma_wait3A_2178, %dma_wait3A_2179] : memref<4x200x128xf32, #tpu.memory_space<vmem>> -> memref<1x200x128xf32, #tpu.memory_space<vmem>>
    %dma_wait3A_2181 = tpu.memref_squeeze %dma_wait3A_2180 : memref<1x200x128xf32, #tpu.memory_space<vmem>> -> memref<200x128xf32, #tpu.memory_space<vmem>>
    %dma_wait3A_2182 = arith.constant 0 : i32
    %dma_wait3A_2183 = arith.constant 0 : i32
    %dma_wait3A_2184 = tpu.memref_slice %dma_wait3A_2181[%dma_wait3A_2182, %dma_wait3A_2183] : memref<200x128xf32, #tpu.memory_space<vmem>> -> memref<104x128xf32, #tpu.memory_space<vmem>>
    %dma_wait3A_2185 = arith.constant 0 : i32
    %dma_wait3A_2186 = tpu.memref_slice %arg5[%dma_wait3A_2185] : memref<6400xi32, #tpu.memory_space<vmem>> -> memref<104xi32, #tpu.memory_space<vmem>>
    %dma_wait3A_2187 = arith.constant 0 : i32
    %dma_wait3A_2188 = arith.constant 0 : i32
    %dma_wait3A_2189 = tpu.memref_slice %arg3[%dma_wait3A_2187, %dma_wait3A_2188] : memref<100000x128xf32, #tpu.memory_space<hbm>> -> memref<100000x128xf32, #tpu.memory_space<hbm>>
    tpu.wait_indirect_dma semaphore(%arg7 : memref<!tpu.dma_semaphore, #tpu.memory_space<semaphore_mem>>) src(%dma_wait3A_2189 : memref<100000x128xf32, #tpu.memory_space<hbm>>) dst(%dma_wait3A_2184 : memref<104x128xf32, #tpu.memory_space<vmem>>)
    %dma_wait3A_2190 = arith.constant 0 : i32
    %dma_wait3A_2191 = arith.constant 0 : i32
    %dma_wait3A_2192 = arith.constant 0 : i32
    %dma_wait3A_2193 = tpu.memref_slice %arg6[%dma_wait3A_2190, %dma_wait3A_2191, %dma_wait3A_2192] : memref<4x200x128xf32, #tpu.memory_space<vmem>> -> memref<1x200x128xf32, #tpu.memory_space<vmem>>
    %dma_wait3A_2194 = tpu.memref_squeeze %dma_wait3A_2193 : memref<1x200x128xf32, #tpu.memory_space<vmem>> -> memref<200x128xf32, #tpu.memory_space<vmem>>
    %dma_wait3A_2195 = arith.constant 104 : i32
    %dma_wait3A_2196 = arith.constant 0 : i32
    %dma_wait3A_2197 = tpu.memref_slice %dma_wait3A_2194[%dma_wait3A_2195, %dma_wait3A_2196] : memref<200x128xf32, #tpu.memory_space<vmem>> -> memref<96x128xf32, #tpu.memory_space<vmem>>
    %dma_wait3A_2198 = arith.constant 0 : i32
    %dma_wait3A_2199 = tpu.memref_slice %arg5[%dma_wait3A_2198] : memref<6400xi32, #tpu.memory_space<vmem>> -> memref<96xi32, #tpu.memory_space<vmem>>
    %dma_wait3A_2200 = arith.constant 0 : i32
    %dma_wait3A_2201 = arith.constant 0 : i32
    %dma_wait3A_2202 = tpu.memref_slice %arg3[%dma_wait3A_2200, %dma_wait3A_2201] : memref<100000x128xf32, #tpu.memory_space<hbm>> -> memref<100000x128xf32, #tpu.memory_space<hbm>>
    tpu.wait_indirect_dma semaphore(%arg7 : memref<!tpu.dma_semaphore, #tpu.memory_space<semaphore_mem>>) src(%dma_wait3A_2202 : memref<100000x128xf32, #tpu.memory_space<hbm>>) dst(%dma_wait3A_2197 : memref<96x128xf32, #tpu.memory_space<vmem>>)
    %add3A_2203 = arith.constant 96 : i32
    %add3A_2204 = arith.addi %mul3A_2, %add3A_2203 : i32
    %dma_start3A_2205 = arith.constant 0 : i32
    %dma_start3A_2206 = arith.constant 0 : i32
    %dma_start3A_2207 = arith.constant 0 : i32
    %dma_start3A_2208 = tpu.memref_slice %arg6[%dma_start3A_2205, %dma_start3A_2206, %dma_start3A_2207] : memref<4x200x128xf32, #tpu.memory_space<vmem>> -> memref<1x200x128xf32, #tpu.memory_space<vmem>>
    %dma_start3A_2209 = tpu.memref_squeeze %dma_start3A_2208 : memref<1x200x128xf32, #tpu.memory_space<vmem>> -> memref<200x128xf32, #tpu.memory_space<vmem>>
    %dma_start3A_2210 = tpu.memref_reshape %dma_start3A_2209 : memref<200x128xf32, #tpu.memory_space<vmem>> -> memref<4x50x128xf32, #tpu.memory_space<vmem>>
    %dma_start3A_2211 = arith.constant 0 : i32
    %dma_start3A_2212 = arith.constant 0 : i32
    %dma_start3A_2213 = tpu.memref_slice %arg4[%add3A_2204, %dma_start3A_2211, %dma_start3A_2212] : memref<4096x50x128xf32, #tpu.memory_space<hbm>> -> memref<4x50x128xf32, #tpu.memory_space<hbm>>
    %dma_start3A_2214 = arith.constant 0 : i32
    %dma_start3A_2215 = arith.constant 0 : i32
    %dma_start3A_2216 = tpu.memref_slice %arg4[%add3A_2204, %dma_start3A_2214, %dma_start3A_2215] : memref<4096x50x128xf32, #tpu.memory_space<hbm>> -> memref<4x50x128xf32, #tpu.memory_space<hbm>>
    %dma_start3A_2217 = arith.constant 0 : i32
    %dma_start3A_2218 = arith.constant 0 : i32
    %dma_start3A_2219 = tpu.memref_slice %arg6[%dma_start3A_2205, %dma_start3A_2217, %dma_start3A_2218] : memref<4x200x128xf32, #tpu.memory_space<vmem>> -> memref<1x200x128xf32, #tpu.memory_space<vmem>>
    %dma_start3A_2220 = tpu.memref_squeeze %dma_start3A_2219 : memref<1x200x128xf32, #tpu.memory_space<vmem>> -> memref<200x128xf32, #tpu.memory_space<vmem>>
    %dma_start3A_2221 = tpu.memref_reshape %dma_start3A_2220 : memref<200x128xf32, #tpu.memory_space<vmem>> -> memref<4x50x128xf32, #tpu.memory_space<vmem>>
    tpu.enqueue_dma source(%dma_start3A_2221 : memref<4x50x128xf32, #tpu.memory_space<vmem>>) target(%dma_start3A_2216 : memref<4x50x128xf32, #tpu.memory_space<hbm>>) target_semaphore(%arg11 : memref<!tpu.dma_semaphore, #tpu.memory_space<semaphore_mem>>)
    %dma_wait3A_2222 = arith.constant 2 : i32
    %dma_wait3A_2223 = arith.constant 0 : i32
    %dma_wait3A_2224 = arith.constant 0 : i32
    %dma_wait3A_2225 = tpu.memref_slice %arg6[%dma_wait3A_2222, %dma_wait3A_2223, %dma_wait3A_2224] : memref<4x200x128xf32, #tpu.memory_space<vmem>> -> memref<1x200x128xf32, #tpu.memory_space<vmem>>
    %dma_wait3A_2226 = tpu.memref_squeeze %dma_wait3A_2225 : memref<1x200x128xf32, #tpu.memory_space<vmem>> -> memref<200x128xf32, #tpu.memory_space<vmem>>
    %dma_wait3A_2227 = tpu.memref_reshape %dma_wait3A_2226 : memref<200x128xf32, #tpu.memory_space<vmem>> -> memref<4x50x128xf32, #tpu.memory_space<vmem>>
    %dma_wait3A_2228 = arith.constant 0 : i32
    %dma_wait3A_2229 = arith.constant 0 : i32
    %dma_wait3A_2230 = arith.constant 0 : i32
    %dma_wait3A_2231 = tpu.memref_slice %arg4[%dma_wait3A_2228, %dma_wait3A_2229, %dma_wait3A_2230] : memref<4096x50x128xf32, #tpu.memory_space<hbm>> -> memref<4x50x128xf32, #tpu.memory_space<hbm>>
    %dma_wait3A_2232 = arith.constant 0 : i32
    %dma_wait3A_2233 = arith.constant 0 : i32
    %dma_wait3A_2234 = arith.constant 0 : i32
    %dma_wait3A_2235 = tpu.memref_slice %arg4[%dma_wait3A_2232, %dma_wait3A_2233, %dma_wait3A_2234] : memref<4096x50x128xf32, #tpu.memory_space<hbm>> -> memref<4x50x128xf32, #tpu.memory_space<hbm>>
    %dma_wait3A_2236 = arith.constant 0 : i32
    %dma_wait3A_2237 = arith.constant 0 : i32
    %dma_wait3A_2238 = tpu.memref_slice %arg6[%dma_wait3A_2222, %dma_wait3A_2236, %dma_wait3A_2237] : memref<4x200x128xf32, #tpu.memory_space<vmem>> -> memref<1x200x128xf32, #tpu.memory_space<vmem>>
    %dma_wait3A_2239 = tpu.memref_squeeze %dma_wait3A_2238 : memref<1x200x128xf32, #tpu.memory_space<vmem>> -> memref<200x128xf32, #tpu.memory_space<vmem>>
    %dma_wait3A_2240 = tpu.memref_reshape %dma_wait3A_2239 : memref<200x128xf32, #tpu.memory_space<vmem>> -> memref<4x50x128xf32, #tpu.memory_space<vmem>>
    tpu.wait_dma2 semaphore(%arg13 : memref<!tpu.dma_semaphore, #tpu.memory_space<semaphore_mem>>) src(%dma_wait3A_2240 : memref<4x50x128xf32, #tpu.memory_space<vmem>>) dst(%dma_wait3A_2235 : memref<4x50x128xf32, #tpu.memory_space<hbm>>)
    %dma_start3A_2241 = arith.constant 2 : i32
    %dma_start3A_2242 = arith.constant 0 : i32
    %dma_start3A_2243 = arith.constant 0 : i32
    %dma_start3A_2244 = tpu.memref_slice %arg6[%dma_start3A_2241, %dma_start3A_2242, %dma_start3A_2243] : memref<4x200x128xf32, #tpu.memory_space<vmem>> -> memref<1x200x128xf32, #tpu.memory_space<vmem>>
    %dma_start3A_2245 = tpu.memref_squeeze %dma_start3A_2244 : memref<1x200x128xf32, #tpu.memory_space<vmem>> -> memref<200x128xf32, #tpu.memory_space<vmem>>
    %dma_start3A_2246 = arith.constant 0 : i32
    %dma_start3A_2247 = arith.constant 0 : i32
    %dma_start3A_2248 = tpu.memref_slice %dma_start3A_2245[%dma_start3A_2246, %dma_start3A_2247] : memref<200x128xf32, #tpu.memory_space<vmem>> -> memref<104x128xf32, #tpu.memory_space<vmem>>
    %dma_start3A_2249 = arith.constant 5200 : i32
    %dma_start3A_2250 = tpu.memref_slice %arg5[%dma_start3A_2249] : memref<6400xi32, #tpu.memory_space<vmem>> -> memref<104xi32, #tpu.memory_space<vmem>>
    %dma_start3A_2251 = arith.constant 0 : i32
    %dma_start3A_2252 = arith.constant 0 : i32
    %dma_start3A_2253 = tpu.memref_slice %arg3[%dma_start3A_2251, %dma_start3A_2252] : memref<100000x128xf32, #tpu.memory_space<hbm>> -> memref<100000x128xf32, #tpu.memory_space<hbm>>
    tpu.enqueue_indirect_dma source(%dma_start3A_2253 : memref<100000x128xf32, #tpu.memory_space<hbm>>) target(%dma_start3A_2248 : memref<104x128xf32, #tpu.memory_space<vmem>>) offsets(%dma_start3A_2250 : memref<104xi32, #tpu.memory_space<vmem>>) semaphore(%arg9 : memref<!tpu.dma_semaphore, #tpu.memory_space<semaphore_mem>>)
    %dma_start3A_2254 = arith.constant 2 : i32
    %dma_start3A_2255 = arith.constant 0 : i32
    %dma_start3A_2256 = arith.constant 0 : i32
    %dma_start3A_2257 = tpu.memref_slice %arg6[%dma_start3A_2254, %dma_start3A_2255, %dma_start3A_2256] : memref<4x200x128xf32, #tpu.memory_space<vmem>> -> memref<1x200x128xf32, #tpu.memory_space<vmem>>
    %dma_start3A_2258 = tpu.memref_squeeze %dma_start3A_2257 : memref<1x200x128xf32, #tpu.memory_space<vmem>> -> memref<200x128xf32, #tpu.memory_space<vmem>>
    %dma_start3A_2259 = arith.constant 104 : i32
    %dma_start3A_2260 = arith.constant 0 : i32
    %dma_start3A_2261 = tpu.memref_slice %dma_start3A_2258[%dma_start3A_2259, %dma_start3A_2260] : memref<200x128xf32, #tpu.memory_space<vmem>> -> memref<96x128xf32, #tpu.memory_space<vmem>>
    %dma_start3A_2262 = arith.constant 5304 : i32
    %dma_start3A_2263 = tpu.memref_slice %arg5[%dma_start3A_2262] : memref<6400xi32, #tpu.memory_space<vmem>> -> memref<96xi32, #tpu.memory_space<vmem>>
    %dma_start3A_2264 = arith.constant 0 : i32
    %dma_start3A_2265 = arith.constant 0 : i32
    %dma_start3A_2266 = tpu.memref_slice %arg3[%dma_start3A_2264, %dma_start3A_2265] : memref<100000x128xf32, #tpu.memory_space<hbm>> -> memref<100000x128xf32, #tpu.memory_space<hbm>>
    tpu.enqueue_indirect_dma source(%dma_start3A_2266 : memref<100000x128xf32, #tpu.memory_space<hbm>>) target(%dma_start3A_2261 : memref<96x128xf32, #tpu.memory_space<vmem>>) offsets(%dma_start3A_2263 : memref<96xi32, #tpu.memory_space<vmem>>) semaphore(%arg9 : memref<!tpu.dma_semaphore, #tpu.memory_space<semaphore_mem>>)
    %dma_wait3A_2267 = arith.constant 1 : i32
    %dma_wait3A_2268 = arith.constant 0 : i32
    %dma_wait3A_2269 = arith.constant 0 : i32
    %dma_wait3A_2270 = tpu.memref_slice %arg6[%dma_wait3A_2267, %dma_wait3A_2268, %dma_wait3A_2269] : memref<4x200x128xf32, #tpu.memory_space<vmem>> -> memref<1x200x128xf32, #tpu.memory_space<vmem>>
    %dma_wait3A_2271 = tpu.memref_squeeze %dma_wait3A_2270 : memref<1x200x128xf32, #tpu.memory_space<vmem>> -> memref<200x128xf32, #tpu.memory_space<vmem>>
    %dma_wait3A_2272 = arith.constant 0 : i32
    %dma_wait3A_2273 = arith.constant 0 : i32
    %dma_wait3A_2274 = tpu.memref_slice %dma_wait3A_2271[%dma_wait3A_2272, %dma_wait3A_2273] : memref<200x128xf32, #tpu.memory_space<vmem>> -> memref<104x128xf32, #tpu.memory_space<vmem>>
    %dma_wait3A_2275 = arith.constant 0 : i32
    %dma_wait3A_2276 = tpu.memref_slice %arg5[%dma_wait3A_2275] : memref<6400xi32, #tpu.memory_space<vmem>> -> memref<104xi32, #tpu.memory_space<vmem>>
    %dma_wait3A_2277 = arith.constant 0 : i32
    %dma_wait3A_2278 = arith.constant 0 : i32
    %dma_wait3A_2279 = tpu.memref_slice %arg3[%dma_wait3A_2277, %dma_wait3A_2278] : memref<100000x128xf32, #tpu.memory_space<hbm>> -> memref<100000x128xf32, #tpu.memory_space<hbm>>
    tpu.wait_indirect_dma semaphore(%arg8 : memref<!tpu.dma_semaphore, #tpu.memory_space<semaphore_mem>>) src(%dma_wait3A_2279 : memref<100000x128xf32, #tpu.memory_space<hbm>>) dst(%dma_wait3A_2274 : memref<104x128xf32, #tpu.memory_space<vmem>>)
    %dma_wait3A_2280 = arith.constant 1 : i32
    %dma_wait3A_2281 = arith.constant 0 : i32
    %dma_wait3A_2282 = arith.constant 0 : i32
    %dma_wait3A_2283 = tpu.memref_slice %arg6[%dma_wait3A_2280, %dma_wait3A_2281, %dma_wait3A_2282] : memref<4x200x128xf32, #tpu.memory_space<vmem>> -> memref<1x200x128xf32, #tpu.memory_space<vmem>>
    %dma_wait3A_2284 = tpu.memref_squeeze %dma_wait3A_2283 : memref<1x200x128xf32, #tpu.memory_space<vmem>> -> memref<200x128xf32, #tpu.memory_space<vmem>>
    %dma_wait3A_2285 = arith.constant 104 : i32
    %dma_wait3A_2286 = arith.constant 0 : i32
    %dma_wait3A_2287 = tpu.memref_slice %dma_wait3A_2284[%dma_wait3A_2285, %dma_wait3A_2286] : memref<200x128xf32, #tpu.memory_space<vmem>> -> memref<96x128xf32, #tpu.memory_space<vmem>>
    %dma_wait3A_2288 = arith.constant 0 : i32
    %dma_wait3A_2289 = tpu.memref_slice %arg5[%dma_wait3A_2288] : memref<6400xi32, #tpu.memory_space<vmem>> -> memref<96xi32, #tpu.memory_space<vmem>>
    %dma_wait3A_2290 = arith.constant 0 : i32
    %dma_wait3A_2291 = arith.constant 0 : i32
    %dma_wait3A_2292 = tpu.memref_slice %arg3[%dma_wait3A_2290, %dma_wait3A_2291] : memref<100000x128xf32, #tpu.memory_space<hbm>> -> memref<100000x128xf32, #tpu.memory_space<hbm>>
    tpu.wait_indirect_dma semaphore(%arg8 : memref<!tpu.dma_semaphore, #tpu.memory_space<semaphore_mem>>) src(%dma_wait3A_2292 : memref<100000x128xf32, #tpu.memory_space<hbm>>) dst(%dma_wait3A_2287 : memref<96x128xf32, #tpu.memory_space<vmem>>)
    %add3A_2293 = arith.constant 100 : i32
    %add3A_2294 = arith.addi %mul3A_2, %add3A_2293 : i32
    %dma_start3A_2295 = arith.constant 1 : i32
    %dma_start3A_2296 = arith.constant 0 : i32
    %dma_start3A_2297 = arith.constant 0 : i32
    %dma_start3A_2298 = tpu.memref_slice %arg6[%dma_start3A_2295, %dma_start3A_2296, %dma_start3A_2297] : memref<4x200x128xf32, #tpu.memory_space<vmem>> -> memref<1x200x128xf32, #tpu.memory_space<vmem>>
    %dma_start3A_2299 = tpu.memref_squeeze %dma_start3A_2298 : memref<1x200x128xf32, #tpu.memory_space<vmem>> -> memref<200x128xf32, #tpu.memory_space<vmem>>
    %dma_start3A_2300 = tpu.memref_reshape %dma_start3A_2299 : memref<200x128xf32, #tpu.memory_space<vmem>> -> memref<4x50x128xf32, #tpu.memory_space<vmem>>
    %dma_start3A_2301 = arith.constant 0 : i32
    %dma_start3A_2302 = arith.constant 0 : i32
    %dma_start3A_2303 = tpu.memref_slice %arg4[%add3A_2294, %dma_start3A_2301, %dma_start3A_2302] : memref<4096x50x128xf32, #tpu.memory_space<hbm>> -> memref<4x50x128xf32, #tpu.memory_space<hbm>>
    %dma_start3A_2304 = arith.constant 0 : i32
    %dma_start3A_2305 = arith.constant 0 : i32
    %dma_start3A_2306 = tpu.memref_slice %arg4[%add3A_2294, %dma_start3A_2304, %dma_start3A_2305] : memref<4096x50x128xf32, #tpu.memory_space<hbm>> -> memref<4x50x128xf32, #tpu.memory_space<hbm>>
    %dma_start3A_2307 = arith.constant 0 : i32
    %dma_start3A_2308 = arith.constant 0 : i32
    %dma_start3A_2309 = tpu.memref_slice %arg6[%dma_start3A_2295, %dma_start3A_2307, %dma_start3A_2308] : memref<4x200x128xf32, #tpu.memory_space<vmem>> -> memref<1x200x128xf32, #tpu.memory_space<vmem>>
    %dma_start3A_2310 = tpu.memref_squeeze %dma_start3A_2309 : memref<1x200x128xf32, #tpu.memory_space<vmem>> -> memref<200x128xf32, #tpu.memory_space<vmem>>
    %dma_start3A_2311 = tpu.memref_reshape %dma_start3A_2310 : memref<200x128xf32, #tpu.memory_space<vmem>> -> memref<4x50x128xf32, #tpu.memory_space<vmem>>
    tpu.enqueue_dma source(%dma_start3A_2311 : memref<4x50x128xf32, #tpu.memory_space<vmem>>) target(%dma_start3A_2306 : memref<4x50x128xf32, #tpu.memory_space<hbm>>) target_semaphore(%arg12 : memref<!tpu.dma_semaphore, #tpu.memory_space<semaphore_mem>>)
    %dma_wait3A_2312 = arith.constant 3 : i32
    %dma_wait3A_2313 = arith.constant 0 : i32
    %dma_wait3A_2314 = arith.constant 0 : i32
    %dma_wait3A_2315 = tpu.memref_slice %arg6[%dma_wait3A_2312, %dma_wait3A_2313, %dma_wait3A_2314] : memref<4x200x128xf32, #tpu.memory_space<vmem>> -> memref<1x200x128xf32, #tpu.memory_space<vmem>>
    %dma_wait3A_2316 = tpu.memref_squeeze %dma_wait3A_2315 : memref<1x200x128xf32, #tpu.memory_space<vmem>> -> memref<200x128xf32, #tpu.memory_space<vmem>>
    %dma_wait3A_2317 = tpu.memref_reshape %dma_wait3A_2316 : memref<200x128xf32, #tpu.memory_space<vmem>> -> memref<4x50x128xf32, #tpu.memory_space<vmem>>
    %dma_wait3A_2318 = arith.constant 0 : i32
    %dma_wait3A_2319 = arith.constant 0 : i32
    %dma_wait3A_2320 = arith.constant 0 : i32
    %dma_wait3A_2321 = tpu.memref_slice %arg4[%dma_wait3A_2318, %dma_wait3A_2319, %dma_wait3A_2320] : memref<4096x50x128xf32, #tpu.memory_space<hbm>> -> memref<4x50x128xf32, #tpu.memory_space<hbm>>
    %dma_wait3A_2322 = arith.constant 0 : i32
    %dma_wait3A_2323 = arith.constant 0 : i32
    %dma_wait3A_2324 = arith.constant 0 : i32
    %dma_wait3A_2325 = tpu.memref_slice %arg4[%dma_wait3A_2322, %dma_wait3A_2323, %dma_wait3A_2324] : memref<4096x50x128xf32, #tpu.memory_space<hbm>> -> memref<4x50x128xf32, #tpu.memory_space<hbm>>
    %dma_wait3A_2326 = arith.constant 0 : i32
    %dma_wait3A_2327 = arith.constant 0 : i32
    %dma_wait3A_2328 = tpu.memref_slice %arg6[%dma_wait3A_2312, %dma_wait3A_2326, %dma_wait3A_2327] : memref<4x200x128xf32, #tpu.memory_space<vmem>> -> memref<1x200x128xf32, #tpu.memory_space<vmem>>
    %dma_wait3A_2329 = tpu.memref_squeeze %dma_wait3A_2328 : memref<1x200x128xf32, #tpu.memory_space<vmem>> -> memref<200x128xf32, #tpu.memory_space<vmem>>
    %dma_wait3A_2330 = tpu.memref_reshape %dma_wait3A_2329 : memref<200x128xf32, #tpu.memory_space<vmem>> -> memref<4x50x128xf32, #tpu.memory_space<vmem>>
    tpu.wait_dma2 semaphore(%arg14 : memref<!tpu.dma_semaphore, #tpu.memory_space<semaphore_mem>>) src(%dma_wait3A_2330 : memref<4x50x128xf32, #tpu.memory_space<vmem>>) dst(%dma_wait3A_2325 : memref<4x50x128xf32, #tpu.memory_space<hbm>>)
    %dma_start3A_2331 = arith.constant 3 : i32
    %dma_start3A_2332 = arith.constant 0 : i32
    %dma_start3A_2333 = arith.constant 0 : i32
    %dma_start3A_2334 = tpu.memref_slice %arg6[%dma_start3A_2331, %dma_start3A_2332, %dma_start3A_2333] : memref<4x200x128xf32, #tpu.memory_space<vmem>> -> memref<1x200x128xf32, #tpu.memory_space<vmem>>
    %dma_start3A_2335 = tpu.memref_squeeze %dma_start3A_2334 : memref<1x200x128xf32, #tpu.memory_space<vmem>> -> memref<200x128xf32, #tpu.memory_space<vmem>>
    %dma_start3A_2336 = arith.constant 0 : i32
    %dma_start3A_2337 = arith.constant 0 : i32
    %dma_start3A_2338 = tpu.memref_slice %dma_start3A_2335[%dma_start3A_2336, %dma_start3A_2337] : memref<200x128xf32, #tpu.memory_space<vmem>> -> memref<104x128xf32, #tpu.memory_space<vmem>>
    %dma_start3A_2339 = arith.constant 5400 : i32
    %dma_start3A_2340 = tpu.memref_slice %arg5[%dma_start3A_2339] : memref<6400xi32, #tpu.memory_space<vmem>> -> memref<104xi32, #tpu.memory_space<vmem>>
    %dma_start3A_2341 = arith.constant 0 : i32
    %dma_start3A_2342 = arith.constant 0 : i32
    %dma_start3A_2343 = tpu.memref_slice %arg3[%dma_start3A_2341, %dma_start3A_2342] : memref<100000x128xf32, #tpu.memory_space<hbm>> -> memref<100000x128xf32, #tpu.memory_space<hbm>>
    tpu.enqueue_indirect_dma source(%dma_start3A_2343 : memref<100000x128xf32, #tpu.memory_space<hbm>>) target(%dma_start3A_2338 : memref<104x128xf32, #tpu.memory_space<vmem>>) offsets(%dma_start3A_2340 : memref<104xi32, #tpu.memory_space<vmem>>) semaphore(%arg10 : memref<!tpu.dma_semaphore, #tpu.memory_space<semaphore_mem>>)
    %dma_start3A_2344 = arith.constant 3 : i32
    %dma_start3A_2345 = arith.constant 0 : i32
    %dma_start3A_2346 = arith.constant 0 : i32
    %dma_start3A_2347 = tpu.memref_slice %arg6[%dma_start3A_2344, %dma_start3A_2345, %dma_start3A_2346] : memref<4x200x128xf32, #tpu.memory_space<vmem>> -> memref<1x200x128xf32, #tpu.memory_space<vmem>>
    %dma_start3A_2348 = tpu.memref_squeeze %dma_start3A_2347 : memref<1x200x128xf32, #tpu.memory_space<vmem>> -> memref<200x128xf32, #tpu.memory_space<vmem>>
    %dma_start3A_2349 = arith.constant 104 : i32
    %dma_start3A_2350 = arith.constant 0 : i32
    %dma_start3A_2351 = tpu.memref_slice %dma_start3A_2348[%dma_start3A_2349, %dma_start3A_2350] : memref<200x128xf32, #tpu.memory_space<vmem>> -> memref<96x128xf32, #tpu.memory_space<vmem>>
    %dma_start3A_2352 = arith.constant 5504 : i32
    %dma_start3A_2353 = tpu.memref_slice %arg5[%dma_start3A_2352] : memref<6400xi32, #tpu.memory_space<vmem>> -> memref<96xi32, #tpu.memory_space<vmem>>
    %dma_start3A_2354 = arith.constant 0 : i32
    %dma_start3A_2355 = arith.constant 0 : i32
    %dma_start3A_2356 = tpu.memref_slice %arg3[%dma_start3A_2354, %dma_start3A_2355] : memref<100000x128xf32, #tpu.memory_space<hbm>> -> memref<100000x128xf32, #tpu.memory_space<hbm>>
    tpu.enqueue_indirect_dma source(%dma_start3A_2356 : memref<100000x128xf32, #tpu.memory_space<hbm>>) target(%dma_start3A_2351 : memref<96x128xf32, #tpu.memory_space<vmem>>) offsets(%dma_start3A_2353 : memref<96xi32, #tpu.memory_space<vmem>>) semaphore(%arg10 : memref<!tpu.dma_semaphore, #tpu.memory_space<semaphore_mem>>)
    %dma_wait3A_2357 = arith.constant 2 : i32
    %dma_wait3A_2358 = arith.constant 0 : i32
    %dma_wait3A_2359 = arith.constant 0 : i32
    %dma_wait3A_2360 = tpu.memref_slice %arg6[%dma_wait3A_2357, %dma_wait3A_2358, %dma_wait3A_2359] : memref<4x200x128xf32, #tpu.memory_space<vmem>> -> memref<1x200x128xf32, #tpu.memory_space<vmem>>
    %dma_wait3A_2361 = tpu.memref_squeeze %dma_wait3A_2360 : memref<1x200x128xf32, #tpu.memory_space<vmem>> -> memref<200x128xf32, #tpu.memory_space<vmem>>
    %dma_wait3A_2362 = arith.constant 0 : i32
    %dma_wait3A_2363 = arith.constant 0 : i32
    %dma_wait3A_2364 = tpu.memref_slice %dma_wait3A_2361[%dma_wait3A_2362, %dma_wait3A_2363] : memref<200x128xf32, #tpu.memory_space<vmem>> -> memref<104x128xf32, #tpu.memory_space<vmem>>
    %dma_wait3A_2365 = arith.constant 0 : i32
    %dma_wait3A_2366 = tpu.memref_slice %arg5[%dma_wait3A_2365] : memref<6400xi32, #tpu.memory_space<vmem>> -> memref<104xi32, #tpu.memory_space<vmem>>
    %dma_wait3A_2367 = arith.constant 0 : i32
    %dma_wait3A_2368 = arith.constant 0 : i32
    %dma_wait3A_2369 = tpu.memref_slice %arg3[%dma_wait3A_2367, %dma_wait3A_2368] : memref<100000x128xf32, #tpu.memory_space<hbm>> -> memref<100000x128xf32, #tpu.memory_space<hbm>>
    tpu.wait_indirect_dma semaphore(%arg9 : memref<!tpu.dma_semaphore, #tpu.memory_space<semaphore_mem>>) src(%dma_wait3A_2369 : memref<100000x128xf32, #tpu.memory_space<hbm>>) dst(%dma_wait3A_2364 : memref<104x128xf32, #tpu.memory_space<vmem>>)
    %dma_wait3A_2370 = arith.constant 2 : i32
    %dma_wait3A_2371 = arith.constant 0 : i32
    %dma_wait3A_2372 = arith.constant 0 : i32
    %dma_wait3A_2373 = tpu.memref_slice %arg6[%dma_wait3A_2370, %dma_wait3A_2371, %dma_wait3A_2372] : memref<4x200x128xf32, #tpu.memory_space<vmem>> -> memref<1x200x128xf32, #tpu.memory_space<vmem>>
    %dma_wait3A_2374 = tpu.memref_squeeze %dma_wait3A_2373 : memref<1x200x128xf32, #tpu.memory_space<vmem>> -> memref<200x128xf32, #tpu.memory_space<vmem>>
    %dma_wait3A_2375 = arith.constant 104 : i32
    %dma_wait3A_2376 = arith.constant 0 : i32
    %dma_wait3A_2377 = tpu.memref_slice %dma_wait3A_2374[%dma_wait3A_2375, %dma_wait3A_2376] : memref<200x128xf32, #tpu.memory_space<vmem>> -> memref<96x128xf32, #tpu.memory_space<vmem>>
    %dma_wait3A_2378 = arith.constant 0 : i32
    %dma_wait3A_2379 = tpu.memref_slice %arg5[%dma_wait3A_2378] : memref<6400xi32, #tpu.memory_space<vmem>> -> memref<96xi32, #tpu.memory_space<vmem>>
    %dma_wait3A_2380 = arith.constant 0 : i32
    %dma_wait3A_2381 = arith.constant 0 : i32
    %dma_wait3A_2382 = tpu.memref_slice %arg3[%dma_wait3A_2380, %dma_wait3A_2381] : memref<100000x128xf32, #tpu.memory_space<hbm>> -> memref<100000x128xf32, #tpu.memory_space<hbm>>
    tpu.wait_indirect_dma semaphore(%arg9 : memref<!tpu.dma_semaphore, #tpu.memory_space<semaphore_mem>>) src(%dma_wait3A_2382 : memref<100000x128xf32, #tpu.memory_space<hbm>>) dst(%dma_wait3A_2377 : memref<96x128xf32, #tpu.memory_space<vmem>>)
    %add3A_2383 = arith.constant 104 : i32
    %add3A_2384 = arith.addi %mul3A_2, %add3A_2383 : i32
    %dma_start3A_2385 = arith.constant 2 : i32
    %dma_start3A_2386 = arith.constant 0 : i32
    %dma_start3A_2387 = arith.constant 0 : i32
    %dma_start3A_2388 = tpu.memref_slice %arg6[%dma_start3A_2385, %dma_start3A_2386, %dma_start3A_2387] : memref<4x200x128xf32, #tpu.memory_space<vmem>> -> memref<1x200x128xf32, #tpu.memory_space<vmem>>
    %dma_start3A_2389 = tpu.memref_squeeze %dma_start3A_2388 : memref<1x200x128xf32, #tpu.memory_space<vmem>> -> memref<200x128xf32, #tpu.memory_space<vmem>>
    %dma_start3A_2390 = tpu.memref_reshape %dma_start3A_2389 : memref<200x128xf32, #tpu.memory_space<vmem>> -> memref<4x50x128xf32, #tpu.memory_space<vmem>>
    %dma_start3A_2391 = arith.constant 0 : i32
    %dma_start3A_2392 = arith.constant 0 : i32
    %dma_start3A_2393 = tpu.memref_slice %arg4[%add3A_2384, %dma_start3A_2391, %dma_start3A_2392] : memref<4096x50x128xf32, #tpu.memory_space<hbm>> -> memref<4x50x128xf32, #tpu.memory_space<hbm>>
    %dma_start3A_2394 = arith.constant 0 : i32
    %dma_start3A_2395 = arith.constant 0 : i32
    %dma_start3A_2396 = tpu.memref_slice %arg4[%add3A_2384, %dma_start3A_2394, %dma_start3A_2395] : memref<4096x50x128xf32, #tpu.memory_space<hbm>> -> memref<4x50x128xf32, #tpu.memory_space<hbm>>
    %dma_start3A_2397 = arith.constant 0 : i32
    %dma_start3A_2398 = arith.constant 0 : i32
    %dma_start3A_2399 = tpu.memref_slice %arg6[%dma_start3A_2385, %dma_start3A_2397, %dma_start3A_2398] : memref<4x200x128xf32, #tpu.memory_space<vmem>> -> memref<1x200x128xf32, #tpu.memory_space<vmem>>
    %dma_start3A_2400 = tpu.memref_squeeze %dma_start3A_2399 : memref<1x200x128xf32, #tpu.memory_space<vmem>> -> memref<200x128xf32, #tpu.memory_space<vmem>>
    %dma_start3A_2401 = tpu.memref_reshape %dma_start3A_2400 : memref<200x128xf32, #tpu.memory_space<vmem>> -> memref<4x50x128xf32, #tpu.memory_space<vmem>>
    tpu.enqueue_dma source(%dma_start3A_2401 : memref<4x50x128xf32, #tpu.memory_space<vmem>>) target(%dma_start3A_2396 : memref<4x50x128xf32, #tpu.memory_space<hbm>>) target_semaphore(%arg13 : memref<!tpu.dma_semaphore, #tpu.memory_space<semaphore_mem>>)
    %dma_wait3A_2402 = arith.constant 0 : i32
    %dma_wait3A_2403 = arith.constant 0 : i32
    %dma_wait3A_2404 = arith.constant 0 : i32
    %dma_wait3A_2405 = tpu.memref_slice %arg6[%dma_wait3A_2402, %dma_wait3A_2403, %dma_wait3A_2404] : memref<4x200x128xf32, #tpu.memory_space<vmem>> -> memref<1x200x128xf32, #tpu.memory_space<vmem>>
    %dma_wait3A_2406 = tpu.memref_squeeze %dma_wait3A_2405 : memref<1x200x128xf32, #tpu.memory_space<vmem>> -> memref<200x128xf32, #tpu.memory_space<vmem>>
    %dma_wait3A_2407 = tpu.memref_reshape %dma_wait3A_2406 : memref<200x128xf32, #tpu.memory_space<vmem>> -> memref<4x50x128xf32, #tpu.memory_space<vmem>>
    %dma_wait3A_2408 = arith.constant 0 : i32
    %dma_wait3A_2409 = arith.constant 0 : i32
    %dma_wait3A_2410 = arith.constant 0 : i32
    %dma_wait3A_2411 = tpu.memref_slice %arg4[%dma_wait3A_2408, %dma_wait3A_2409, %dma_wait3A_2410] : memref<4096x50x128xf32, #tpu.memory_space<hbm>> -> memref<4x50x128xf32, #tpu.memory_space<hbm>>
    %dma_wait3A_2412 = arith.constant 0 : i32
    %dma_wait3A_2413 = arith.constant 0 : i32
    %dma_wait3A_2414 = arith.constant 0 : i32
    %dma_wait3A_2415 = tpu.memref_slice %arg4[%dma_wait3A_2412, %dma_wait3A_2413, %dma_wait3A_2414] : memref<4096x50x128xf32, #tpu.memory_space<hbm>> -> memref<4x50x128xf32, #tpu.memory_space<hbm>>
    %dma_wait3A_2416 = arith.constant 0 : i32
    %dma_wait3A_2417 = arith.constant 0 : i32
    %dma_wait3A_2418 = tpu.memref_slice %arg6[%dma_wait3A_2402, %dma_wait3A_2416, %dma_wait3A_2417] : memref<4x200x128xf32, #tpu.memory_space<vmem>> -> memref<1x200x128xf32, #tpu.memory_space<vmem>>
    %dma_wait3A_2419 = tpu.memref_squeeze %dma_wait3A_2418 : memref<1x200x128xf32, #tpu.memory_space<vmem>> -> memref<200x128xf32, #tpu.memory_space<vmem>>
    %dma_wait3A_2420 = tpu.memref_reshape %dma_wait3A_2419 : memref<200x128xf32, #tpu.memory_space<vmem>> -> memref<4x50x128xf32, #tpu.memory_space<vmem>>
    tpu.wait_dma2 semaphore(%arg11 : memref<!tpu.dma_semaphore, #tpu.memory_space<semaphore_mem>>) src(%dma_wait3A_2420 : memref<4x50x128xf32, #tpu.memory_space<vmem>>) dst(%dma_wait3A_2415 : memref<4x50x128xf32, #tpu.memory_space<hbm>>)
    %dma_start3A_2421 = arith.constant 0 : i32
    %dma_start3A_2422 = arith.constant 0 : i32
    %dma_start3A_2423 = arith.constant 0 : i32
    %dma_start3A_2424 = tpu.memref_slice %arg6[%dma_start3A_2421, %dma_start3A_2422, %dma_start3A_2423] : memref<4x200x128xf32, #tpu.memory_space<vmem>> -> memref<1x200x128xf32, #tpu.memory_space<vmem>>
    %dma_start3A_2425 = tpu.memref_squeeze %dma_start3A_2424 : memref<1x200x128xf32, #tpu.memory_space<vmem>> -> memref<200x128xf32, #tpu.memory_space<vmem>>
    %dma_start3A_2426 = arith.constant 0 : i32
    %dma_start3A_2427 = arith.constant 0 : i32
    %dma_start3A_2428 = tpu.memref_slice %dma_start3A_2425[%dma_start3A_2426, %dma_start3A_2427] : memref<200x128xf32, #tpu.memory_space<vmem>> -> memref<104x128xf32, #tpu.memory_space<vmem>>
    %dma_start3A_2429 = arith.constant 5600 : i32
    %dma_start3A_2430 = tpu.memref_slice %arg5[%dma_start3A_2429] : memref<6400xi32, #tpu.memory_space<vmem>> -> memref<104xi32, #tpu.memory_space<vmem>>
    %dma_start3A_2431 = arith.constant 0 : i32
    %dma_start3A_2432 = arith.constant 0 : i32
    %dma_start3A_2433 = tpu.memref_slice %arg3[%dma_start3A_2431, %dma_start3A_2432] : memref<100000x128xf32, #tpu.memory_space<hbm>> -> memref<100000x128xf32, #tpu.memory_space<hbm>>
    tpu.enqueue_indirect_dma source(%dma_start3A_2433 : memref<100000x128xf32, #tpu.memory_space<hbm>>) target(%dma_start3A_2428 : memref<104x128xf32, #tpu.memory_space<vmem>>) offsets(%dma_start3A_2430 : memref<104xi32, #tpu.memory_space<vmem>>) semaphore(%arg7 : memref<!tpu.dma_semaphore, #tpu.memory_space<semaphore_mem>>)
    %dma_start3A_2434 = arith.constant 0 : i32
    %dma_start3A_2435 = arith.constant 0 : i32
    %dma_start3A_2436 = arith.constant 0 : i32
    %dma_start3A_2437 = tpu.memref_slice %arg6[%dma_start3A_2434, %dma_start3A_2435, %dma_start3A_2436] : memref<4x200x128xf32, #tpu.memory_space<vmem>> -> memref<1x200x128xf32, #tpu.memory_space<vmem>>
    %dma_start3A_2438 = tpu.memref_squeeze %dma_start3A_2437 : memref<1x200x128xf32, #tpu.memory_space<vmem>> -> memref<200x128xf32, #tpu.memory_space<vmem>>
    %dma_start3A_2439 = arith.constant 104 : i32
    %dma_start3A_2440 = arith.constant 0 : i32
    %dma_start3A_2441 = tpu.memref_slice %dma_start3A_2438[%dma_start3A_2439, %dma_start3A_2440] : memref<200x128xf32, #tpu.memory_space<vmem>> -> memref<96x128xf32, #tpu.memory_space<vmem>>
    %dma_start3A_2442 = arith.constant 5704 : i32
    %dma_start3A_2443 = tpu.memref_slice %arg5[%dma_start3A_2442] : memref<6400xi32, #tpu.memory_space<vmem>> -> memref<96xi32, #tpu.memory_space<vmem>>
    %dma_start3A_2444 = arith.constant 0 : i32
    %dma_start3A_2445 = arith.constant 0 : i32
    %dma_start3A_2446 = tpu.memref_slice %arg3[%dma_start3A_2444, %dma_start3A_2445] : memref<100000x128xf32, #tpu.memory_space<hbm>> -> memref<100000x128xf32, #tpu.memory_space<hbm>>
    tpu.enqueue_indirect_dma source(%dma_start3A_2446 : memref<100000x128xf32, #tpu.memory_space<hbm>>) target(%dma_start3A_2441 : memref<96x128xf32, #tpu.memory_space<vmem>>) offsets(%dma_start3A_2443 : memref<96xi32, #tpu.memory_space<vmem>>) semaphore(%arg7 : memref<!tpu.dma_semaphore, #tpu.memory_space<semaphore_mem>>)
    %dma_wait3A_2447 = arith.constant 3 : i32
    %dma_wait3A_2448 = arith.constant 0 : i32
    %dma_wait3A_2449 = arith.constant 0 : i32
    %dma_wait3A_2450 = tpu.memref_slice %arg6[%dma_wait3A_2447, %dma_wait3A_2448, %dma_wait3A_2449] : memref<4x200x128xf32, #tpu.memory_space<vmem>> -> memref<1x200x128xf32, #tpu.memory_space<vmem>>
    %dma_wait3A_2451 = tpu.memref_squeeze %dma_wait3A_2450 : memref<1x200x128xf32, #tpu.memory_space<vmem>> -> memref<200x128xf32, #tpu.memory_space<vmem>>
    %dma_wait3A_2452 = arith.constant 0 : i32
    %dma_wait3A_2453 = arith.constant 0 : i32
    %dma_wait3A_2454 = tpu.memref_slice %dma_wait3A_2451[%dma_wait3A_2452, %dma_wait3A_2453] : memref<200x128xf32, #tpu.memory_space<vmem>> -> memref<104x128xf32, #tpu.memory_space<vmem>>
    %dma_wait3A_2455 = arith.constant 0 : i32
    %dma_wait3A_2456 = tpu.memref_slice %arg5[%dma_wait3A_2455] : memref<6400xi32, #tpu.memory_space<vmem>> -> memref<104xi32, #tpu.memory_space<vmem>>
    %dma_wait3A_2457 = arith.constant 0 : i32
    %dma_wait3A_2458 = arith.constant 0 : i32
    %dma_wait3A_2459 = tpu.memref_slice %arg3[%dma_wait3A_2457, %dma_wait3A_2458] : memref<100000x128xf32, #tpu.memory_space<hbm>> -> memref<100000x128xf32, #tpu.memory_space<hbm>>
    tpu.wait_indirect_dma semaphore(%arg10 : memref<!tpu.dma_semaphore, #tpu.memory_space<semaphore_mem>>) src(%dma_wait3A_2459 : memref<100000x128xf32, #tpu.memory_space<hbm>>) dst(%dma_wait3A_2454 : memref<104x128xf32, #tpu.memory_space<vmem>>)
    %dma_wait3A_2460 = arith.constant 3 : i32
    %dma_wait3A_2461 = arith.constant 0 : i32
    %dma_wait3A_2462 = arith.constant 0 : i32
    %dma_wait3A_2463 = tpu.memref_slice %arg6[%dma_wait3A_2460, %dma_wait3A_2461, %dma_wait3A_2462] : memref<4x200x128xf32, #tpu.memory_space<vmem>> -> memref<1x200x128xf32, #tpu.memory_space<vmem>>
    %dma_wait3A_2464 = tpu.memref_squeeze %dma_wait3A_2463 : memref<1x200x128xf32, #tpu.memory_space<vmem>> -> memref<200x128xf32, #tpu.memory_space<vmem>>
    %dma_wait3A_2465 = arith.constant 104 : i32
    %dma_wait3A_2466 = arith.constant 0 : i32
    %dma_wait3A_2467 = tpu.memref_slice %dma_wait3A_2464[%dma_wait3A_2465, %dma_wait3A_2466] : memref<200x128xf32, #tpu.memory_space<vmem>> -> memref<96x128xf32, #tpu.memory_space<vmem>>
    %dma_wait3A_2468 = arith.constant 0 : i32
    %dma_wait3A_2469 = tpu.memref_slice %arg5[%dma_wait3A_2468] : memref<6400xi32, #tpu.memory_space<vmem>> -> memref<96xi32, #tpu.memory_space<vmem>>
    %dma_wait3A_2470 = arith.constant 0 : i32
    %dma_wait3A_2471 = arith.constant 0 : i32
    %dma_wait3A_2472 = tpu.memref_slice %arg3[%dma_wait3A_2470, %dma_wait3A_2471] : memref<100000x128xf32, #tpu.memory_space<hbm>> -> memref<100000x128xf32, #tpu.memory_space<hbm>>
    tpu.wait_indirect_dma semaphore(%arg10 : memref<!tpu.dma_semaphore, #tpu.memory_space<semaphore_mem>>) src(%dma_wait3A_2472 : memref<100000x128xf32, #tpu.memory_space<hbm>>) dst(%dma_wait3A_2467 : memref<96x128xf32, #tpu.memory_space<vmem>>)
    %add3A_2473 = arith.constant 108 : i32
    %add3A_2474 = arith.addi %mul3A_2, %add3A_2473 : i32
    %dma_start3A_2475 = arith.constant 3 : i32
    %dma_start3A_2476 = arith.constant 0 : i32
    %dma_start3A_2477 = arith.constant 0 : i32
    %dma_start3A_2478 = tpu.memref_slice %arg6[%dma_start3A_2475, %dma_start3A_2476, %dma_start3A_2477] : memref<4x200x128xf32, #tpu.memory_space<vmem>> -> memref<1x200x128xf32, #tpu.memory_space<vmem>>
    %dma_start3A_2479 = tpu.memref_squeeze %dma_start3A_2478 : memref<1x200x128xf32, #tpu.memory_space<vmem>> -> memref<200x128xf32, #tpu.memory_space<vmem>>
    %dma_start3A_2480 = tpu.memref_reshape %dma_start3A_2479 : memref<200x128xf32, #tpu.memory_space<vmem>> -> memref<4x50x128xf32, #tpu.memory_space<vmem>>
    %dma_start3A_2481 = arith.constant 0 : i32
    %dma_start3A_2482 = arith.constant 0 : i32
    %dma_start3A_2483 = tpu.memref_slice %arg4[%add3A_2474, %dma_start3A_2481, %dma_start3A_2482] : memref<4096x50x128xf32, #tpu.memory_space<hbm>> -> memref<4x50x128xf32, #tpu.memory_space<hbm>>
    %dma_start3A_2484 = arith.constant 0 : i32
    %dma_start3A_2485 = arith.constant 0 : i32
    %dma_start3A_2486 = tpu.memref_slice %arg4[%add3A_2474, %dma_start3A_2484, %dma_start3A_2485] : memref<4096x50x128xf32, #tpu.memory_space<hbm>> -> memref<4x50x128xf32, #tpu.memory_space<hbm>>
    %dma_start3A_2487 = arith.constant 0 : i32
    %dma_start3A_2488 = arith.constant 0 : i32
    %dma_start3A_2489 = tpu.memref_slice %arg6[%dma_start3A_2475, %dma_start3A_2487, %dma_start3A_2488] : memref<4x200x128xf32, #tpu.memory_space<vmem>> -> memref<1x200x128xf32, #tpu.memory_space<vmem>>
    %dma_start3A_2490 = tpu.memref_squeeze %dma_start3A_2489 : memref<1x200x128xf32, #tpu.memory_space<vmem>> -> memref<200x128xf32, #tpu.memory_space<vmem>>
    %dma_start3A_2491 = tpu.memref_reshape %dma_start3A_2490 : memref<200x128xf32, #tpu.memory_space<vmem>> -> memref<4x50x128xf32, #tpu.memory_space<vmem>>
    tpu.enqueue_dma source(%dma_start3A_2491 : memref<4x50x128xf32, #tpu.memory_space<vmem>>) target(%dma_start3A_2486 : memref<4x50x128xf32, #tpu.memory_space<hbm>>) target_semaphore(%arg14 : memref<!tpu.dma_semaphore, #tpu.memory_space<semaphore_mem>>)
    %dma_wait3A_2492 = arith.constant 1 : i32
    %dma_wait3A_2493 = arith.constant 0 : i32
    %dma_wait3A_2494 = arith.constant 0 : i32
    %dma_wait3A_2495 = tpu.memref_slice %arg6[%dma_wait3A_2492, %dma_wait3A_2493, %dma_wait3A_2494] : memref<4x200x128xf32, #tpu.memory_space<vmem>> -> memref<1x200x128xf32, #tpu.memory_space<vmem>>
    %dma_wait3A_2496 = tpu.memref_squeeze %dma_wait3A_2495 : memref<1x200x128xf32, #tpu.memory_space<vmem>> -> memref<200x128xf32, #tpu.memory_space<vmem>>
    %dma_wait3A_2497 = tpu.memref_reshape %dma_wait3A_2496 : memref<200x128xf32, #tpu.memory_space<vmem>> -> memref<4x50x128xf32, #tpu.memory_space<vmem>>
    %dma_wait3A_2498 = arith.constant 0 : i32
    %dma_wait3A_2499 = arith.constant 0 : i32
    %dma_wait3A_2500 = arith.constant 0 : i32
    %dma_wait3A_2501 = tpu.memref_slice %arg4[%dma_wait3A_2498, %dma_wait3A_2499, %dma_wait3A_2500] : memref<4096x50x128xf32, #tpu.memory_space<hbm>> -> memref<4x50x128xf32, #tpu.memory_space<hbm>>
    %dma_wait3A_2502 = arith.constant 0 : i32
    %dma_wait3A_2503 = arith.constant 0 : i32
    %dma_wait3A_2504 = arith.constant 0 : i32
    %dma_wait3A_2505 = tpu.memref_slice %arg4[%dma_wait3A_2502, %dma_wait3A_2503, %dma_wait3A_2504] : memref<4096x50x128xf32, #tpu.memory_space<hbm>> -> memref<4x50x128xf32, #tpu.memory_space<hbm>>
    %dma_wait3A_2506 = arith.constant 0 : i32
    %dma_wait3A_2507 = arith.constant 0 : i32
    %dma_wait3A_2508 = tpu.memref_slice %arg6[%dma_wait3A_2492, %dma_wait3A_2506, %dma_wait3A_2507] : memref<4x200x128xf32, #tpu.memory_space<vmem>> -> memref<1x200x128xf32, #tpu.memory_space<vmem>>
    %dma_wait3A_2509 = tpu.memref_squeeze %dma_wait3A_2508 : memref<1x200x128xf32, #tpu.memory_space<vmem>> -> memref<200x128xf32, #tpu.memory_space<vmem>>
    %dma_wait3A_2510 = tpu.memref_reshape %dma_wait3A_2509 : memref<200x128xf32, #tpu.memory_space<vmem>> -> memref<4x50x128xf32, #tpu.memory_space<vmem>>
    tpu.wait_dma2 semaphore(%arg12 : memref<!tpu.dma_semaphore, #tpu.memory_space<semaphore_mem>>) src(%dma_wait3A_2510 : memref<4x50x128xf32, #tpu.memory_space<vmem>>) dst(%dma_wait3A_2505 : memref<4x50x128xf32, #tpu.memory_space<hbm>>)
    %dma_start3A_2511 = arith.constant 1 : i32
    %dma_start3A_2512 = arith.constant 0 : i32
    %dma_start3A_2513 = arith.constant 0 : i32
    %dma_start3A_2514 = tpu.memref_slice %arg6[%dma_start3A_2511, %dma_start3A_2512, %dma_start3A_2513] : memref<4x200x128xf32, #tpu.memory_space<vmem>> -> memref<1x200x128xf32, #tpu.memory_space<vmem>>
    %dma_start3A_2515 = tpu.memref_squeeze %dma_start3A_2514 : memref<1x200x128xf32, #tpu.memory_space<vmem>> -> memref<200x128xf32, #tpu.memory_space<vmem>>
    %dma_start3A_2516 = arith.constant 0 : i32
    %dma_start3A_2517 = arith.constant 0 : i32
    %dma_start3A_2518 = tpu.memref_slice %dma_start3A_2515[%dma_start3A_2516, %dma_start3A_2517] : memref<200x128xf32, #tpu.memory_space<vmem>> -> memref<104x128xf32, #tpu.memory_space<vmem>>
    %dma_start3A_2519 = arith.constant 5800 : i32
    %dma_start3A_2520 = tpu.memref_slice %arg5[%dma_start3A_2519] : memref<6400xi32, #tpu.memory_space<vmem>> -> memref<104xi32, #tpu.memory_space<vmem>>
    %dma_start3A_2521 = arith.constant 0 : i32
    %dma_start3A_2522 = arith.constant 0 : i32
    %dma_start3A_2523 = tpu.memref_slice %arg3[%dma_start3A_2521, %dma_start3A_2522] : memref<100000x128xf32, #tpu.memory_space<hbm>> -> memref<100000x128xf32, #tpu.memory_space<hbm>>
    tpu.enqueue_indirect_dma source(%dma_start3A_2523 : memref<100000x128xf32, #tpu.memory_space<hbm>>) target(%dma_start3A_2518 : memref<104x128xf32, #tpu.memory_space<vmem>>) offsets(%dma_start3A_2520 : memref<104xi32, #tpu.memory_space<vmem>>) semaphore(%arg8 : memref<!tpu.dma_semaphore, #tpu.memory_space<semaphore_mem>>)
    %dma_start3A_2524 = arith.constant 1 : i32
    %dma_start3A_2525 = arith.constant 0 : i32
    %dma_start3A_2526 = arith.constant 0 : i32
    %dma_start3A_2527 = tpu.memref_slice %arg6[%dma_start3A_2524, %dma_start3A_2525, %dma_start3A_2526] : memref<4x200x128xf32, #tpu.memory_space<vmem>> -> memref<1x200x128xf32, #tpu.memory_space<vmem>>
    %dma_start3A_2528 = tpu.memref_squeeze %dma_start3A_2527 : memref<1x200x128xf32, #tpu.memory_space<vmem>> -> memref<200x128xf32, #tpu.memory_space<vmem>>
    %dma_start3A_2529 = arith.constant 104 : i32
    %dma_start3A_2530 = arith.constant 0 : i32
    %dma_start3A_2531 = tpu.memref_slice %dma_start3A_2528[%dma_start3A_2529, %dma_start3A_2530] : memref<200x128xf32, #tpu.memory_space<vmem>> -> memref<96x128xf32, #tpu.memory_space<vmem>>
    %dma_start3A_2532 = arith.constant 5904 : i32
    %dma_start3A_2533 = tpu.memref_slice %arg5[%dma_start3A_2532] : memref<6400xi32, #tpu.memory_space<vmem>> -> memref<96xi32, #tpu.memory_space<vmem>>
    %dma_start3A_2534 = arith.constant 0 : i32
    %dma_start3A_2535 = arith.constant 0 : i32
    %dma_start3A_2536 = tpu.memref_slice %arg3[%dma_start3A_2534, %dma_start3A_2535] : memref<100000x128xf32, #tpu.memory_space<hbm>> -> memref<100000x128xf32, #tpu.memory_space<hbm>>
    tpu.enqueue_indirect_dma source(%dma_start3A_2536 : memref<100000x128xf32, #tpu.memory_space<hbm>>) target(%dma_start3A_2531 : memref<96x128xf32, #tpu.memory_space<vmem>>) offsets(%dma_start3A_2533 : memref<96xi32, #tpu.memory_space<vmem>>) semaphore(%arg8 : memref<!tpu.dma_semaphore, #tpu.memory_space<semaphore_mem>>)
    %dma_wait3A_2537 = arith.constant 0 : i32
    %dma_wait3A_2538 = arith.constant 0 : i32
    %dma_wait3A_2539 = arith.constant 0 : i32
    %dma_wait3A_2540 = tpu.memref_slice %arg6[%dma_wait3A_2537, %dma_wait3A_2538, %dma_wait3A_2539] : memref<4x200x128xf32, #tpu.memory_space<vmem>> -> memref<1x200x128xf32, #tpu.memory_space<vmem>>
    %dma_wait3A_2541 = tpu.memref_squeeze %dma_wait3A_2540 : memref<1x200x128xf32, #tpu.memory_space<vmem>> -> memref<200x128xf32, #tpu.memory_space<vmem>>
    %dma_wait3A_2542 = arith.constant 0 : i32
    %dma_wait3A_2543 = arith.constant 0 : i32
    %dma_wait3A_2544 = tpu.memref_slice %dma_wait3A_2541[%dma_wait3A_2542, %dma_wait3A_2543] : memref<200x128xf32, #tpu.memory_space<vmem>> -> memref<104x128xf32, #tpu.memory_space<vmem>>
    %dma_wait3A_2545 = arith.constant 0 : i32
    %dma_wait3A_2546 = tpu.memref_slice %arg5[%dma_wait3A_2545] : memref<6400xi32, #tpu.memory_space<vmem>> -> memref<104xi32, #tpu.memory_space<vmem>>
    %dma_wait3A_2547 = arith.constant 0 : i32
    %dma_wait3A_2548 = arith.constant 0 : i32
    %dma_wait3A_2549 = tpu.memref_slice %arg3[%dma_wait3A_2547, %dma_wait3A_2548] : memref<100000x128xf32, #tpu.memory_space<hbm>> -> memref<100000x128xf32, #tpu.memory_space<hbm>>
    tpu.wait_indirect_dma semaphore(%arg7 : memref<!tpu.dma_semaphore, #tpu.memory_space<semaphore_mem>>) src(%dma_wait3A_2549 : memref<100000x128xf32, #tpu.memory_space<hbm>>) dst(%dma_wait3A_2544 : memref<104x128xf32, #tpu.memory_space<vmem>>)
    %dma_wait3A_2550 = arith.constant 0 : i32
    %dma_wait3A_2551 = arith.constant 0 : i32
    %dma_wait3A_2552 = arith.constant 0 : i32
    %dma_wait3A_2553 = tpu.memref_slice %arg6[%dma_wait3A_2550, %dma_wait3A_2551, %dma_wait3A_2552] : memref<4x200x128xf32, #tpu.memory_space<vmem>> -> memref<1x200x128xf32, #tpu.memory_space<vmem>>
    %dma_wait3A_2554 = tpu.memref_squeeze %dma_wait3A_2553 : memref<1x200x128xf32, #tpu.memory_space<vmem>> -> memref<200x128xf32, #tpu.memory_space<vmem>>
    %dma_wait3A_2555 = arith.constant 104 : i32
    %dma_wait3A_2556 = arith.constant 0 : i32
    %dma_wait3A_2557 = tpu.memref_slice %dma_wait3A_2554[%dma_wait3A_2555, %dma_wait3A_2556] : memref<200x128xf32, #tpu.memory_space<vmem>> -> memref<96x128xf32, #tpu.memory_space<vmem>>
    %dma_wait3A_2558 = arith.constant 0 : i32
    %dma_wait3A_2559 = tpu.memref_slice %arg5[%dma_wait3A_2558] : memref<6400xi32, #tpu.memory_space<vmem>> -> memref<96xi32, #tpu.memory_space<vmem>>
    %dma_wait3A_2560 = arith.constant 0 : i32
    %dma_wait3A_2561 = arith.constant 0 : i32
    %dma_wait3A_2562 = tpu.memref_slice %arg3[%dma_wait3A_2560, %dma_wait3A_2561] : memref<100000x128xf32, #tpu.memory_space<hbm>> -> memref<100000x128xf32, #tpu.memory_space<hbm>>
    tpu.wait_indirect_dma semaphore(%arg7 : memref<!tpu.dma_semaphore, #tpu.memory_space<semaphore_mem>>) src(%dma_wait3A_2562 : memref<100000x128xf32, #tpu.memory_space<hbm>>) dst(%dma_wait3A_2557 : memref<96x128xf32, #tpu.memory_space<vmem>>)
    %add3A_2563 = arith.constant 112 : i32
    %add3A_2564 = arith.addi %mul3A_2, %add3A_2563 : i32
    %dma_start3A_2565 = arith.constant 0 : i32
    %dma_start3A_2566 = arith.constant 0 : i32
    %dma_start3A_2567 = arith.constant 0 : i32
    %dma_start3A_2568 = tpu.memref_slice %arg6[%dma_start3A_2565, %dma_start3A_2566, %dma_start3A_2567] : memref<4x200x128xf32, #tpu.memory_space<vmem>> -> memref<1x200x128xf32, #tpu.memory_space<vmem>>
    %dma_start3A_2569 = tpu.memref_squeeze %dma_start3A_2568 : memref<1x200x128xf32, #tpu.memory_space<vmem>> -> memref<200x128xf32, #tpu.memory_space<vmem>>
    %dma_start3A_2570 = tpu.memref_reshape %dma_start3A_2569 : memref<200x128xf32, #tpu.memory_space<vmem>> -> memref<4x50x128xf32, #tpu.memory_space<vmem>>
    %dma_start3A_2571 = arith.constant 0 : i32
    %dma_start3A_2572 = arith.constant 0 : i32
    %dma_start3A_2573 = tpu.memref_slice %arg4[%add3A_2564, %dma_start3A_2571, %dma_start3A_2572] : memref<4096x50x128xf32, #tpu.memory_space<hbm>> -> memref<4x50x128xf32, #tpu.memory_space<hbm>>
    %dma_start3A_2574 = arith.constant 0 : i32
    %dma_start3A_2575 = arith.constant 0 : i32
    %dma_start3A_2576 = tpu.memref_slice %arg4[%add3A_2564, %dma_start3A_2574, %dma_start3A_2575] : memref<4096x50x128xf32, #tpu.memory_space<hbm>> -> memref<4x50x128xf32, #tpu.memory_space<hbm>>
    %dma_start3A_2577 = arith.constant 0 : i32
    %dma_start3A_2578 = arith.constant 0 : i32
    %dma_start3A_2579 = tpu.memref_slice %arg6[%dma_start3A_2565, %dma_start3A_2577, %dma_start3A_2578] : memref<4x200x128xf32, #tpu.memory_space<vmem>> -> memref<1x200x128xf32, #tpu.memory_space<vmem>>
    %dma_start3A_2580 = tpu.memref_squeeze %dma_start3A_2579 : memref<1x200x128xf32, #tpu.memory_space<vmem>> -> memref<200x128xf32, #tpu.memory_space<vmem>>
    %dma_start3A_2581 = tpu.memref_reshape %dma_start3A_2580 : memref<200x128xf32, #tpu.memory_space<vmem>> -> memref<4x50x128xf32, #tpu.memory_space<vmem>>
    tpu.enqueue_dma source(%dma_start3A_2581 : memref<4x50x128xf32, #tpu.memory_space<vmem>>) target(%dma_start3A_2576 : memref<4x50x128xf32, #tpu.memory_space<hbm>>) target_semaphore(%arg11 : memref<!tpu.dma_semaphore, #tpu.memory_space<semaphore_mem>>)
    %dma_wait3A_2582 = arith.constant 2 : i32
    %dma_wait3A_2583 = arith.constant 0 : i32
    %dma_wait3A_2584 = arith.constant 0 : i32
    %dma_wait3A_2585 = tpu.memref_slice %arg6[%dma_wait3A_2582, %dma_wait3A_2583, %dma_wait3A_2584] : memref<4x200x128xf32, #tpu.memory_space<vmem>> -> memref<1x200x128xf32, #tpu.memory_space<vmem>>
    %dma_wait3A_2586 = tpu.memref_squeeze %dma_wait3A_2585 : memref<1x200x128xf32, #tpu.memory_space<vmem>> -> memref<200x128xf32, #tpu.memory_space<vmem>>
    %dma_wait3A_2587 = tpu.memref_reshape %dma_wait3A_2586 : memref<200x128xf32, #tpu.memory_space<vmem>> -> memref<4x50x128xf32, #tpu.memory_space<vmem>>
    %dma_wait3A_2588 = arith.constant 0 : i32
    %dma_wait3A_2589 = arith.constant 0 : i32
    %dma_wait3A_2590 = arith.constant 0 : i32
    %dma_wait3A_2591 = tpu.memref_slice %arg4[%dma_wait3A_2588, %dma_wait3A_2589, %dma_wait3A_2590] : memref<4096x50x128xf32, #tpu.memory_space<hbm>> -> memref<4x50x128xf32, #tpu.memory_space<hbm>>
    %dma_wait3A_2592 = arith.constant 0 : i32
    %dma_wait3A_2593 = arith.constant 0 : i32
    %dma_wait3A_2594 = arith.constant 0 : i32
    %dma_wait3A_2595 = tpu.memref_slice %arg4[%dma_wait3A_2592, %dma_wait3A_2593, %dma_wait3A_2594] : memref<4096x50x128xf32, #tpu.memory_space<hbm>> -> memref<4x50x128xf32, #tpu.memory_space<hbm>>
    %dma_wait3A_2596 = arith.constant 0 : i32
    %dma_wait3A_2597 = arith.constant 0 : i32
    %dma_wait3A_2598 = tpu.memref_slice %arg6[%dma_wait3A_2582, %dma_wait3A_2596, %dma_wait3A_2597] : memref<4x200x128xf32, #tpu.memory_space<vmem>> -> memref<1x200x128xf32, #tpu.memory_space<vmem>>
    %dma_wait3A_2599 = tpu.memref_squeeze %dma_wait3A_2598 : memref<1x200x128xf32, #tpu.memory_space<vmem>> -> memref<200x128xf32, #tpu.memory_space<vmem>>
    %dma_wait3A_2600 = tpu.memref_reshape %dma_wait3A_2599 : memref<200x128xf32, #tpu.memory_space<vmem>> -> memref<4x50x128xf32, #tpu.memory_space<vmem>>
    tpu.wait_dma2 semaphore(%arg13 : memref<!tpu.dma_semaphore, #tpu.memory_space<semaphore_mem>>) src(%dma_wait3A_2600 : memref<4x50x128xf32, #tpu.memory_space<vmem>>) dst(%dma_wait3A_2595 : memref<4x50x128xf32, #tpu.memory_space<hbm>>)
    %dma_start3A_2601 = arith.constant 2 : i32
    %dma_start3A_2602 = arith.constant 0 : i32
    %dma_start3A_2603 = arith.constant 0 : i32
    %dma_start3A_2604 = tpu.memref_slice %arg6[%dma_start3A_2601, %dma_start3A_2602, %dma_start3A_2603] : memref<4x200x128xf32, #tpu.memory_space<vmem>> -> memref<1x200x128xf32, #tpu.memory_space<vmem>>
    %dma_start3A_2605 = tpu.memref_squeeze %dma_start3A_2604 : memref<1x200x128xf32, #tpu.memory_space<vmem>> -> memref<200x128xf32, #tpu.memory_space<vmem>>
    %dma_start3A_2606 = arith.constant 0 : i32
    %dma_start3A_2607 = arith.constant 0 : i32
    %dma_start3A_2608 = tpu.memref_slice %dma_start3A_2605[%dma_start3A_2606, %dma_start3A_2607] : memref<200x128xf32, #tpu.memory_space<vmem>> -> memref<104x128xf32, #tpu.memory_space<vmem>>
    %dma_start3A_2609 = arith.constant 6000 : i32
    %dma_start3A_2610 = tpu.memref_slice %arg5[%dma_start3A_2609] : memref<6400xi32, #tpu.memory_space<vmem>> -> memref<104xi32, #tpu.memory_space<vmem>>
    %dma_start3A_2611 = arith.constant 0 : i32
    %dma_start3A_2612 = arith.constant 0 : i32
    %dma_start3A_2613 = tpu.memref_slice %arg3[%dma_start3A_2611, %dma_start3A_2612] : memref<100000x128xf32, #tpu.memory_space<hbm>> -> memref<100000x128xf32, #tpu.memory_space<hbm>>
    tpu.enqueue_indirect_dma source(%dma_start3A_2613 : memref<100000x128xf32, #tpu.memory_space<hbm>>) target(%dma_start3A_2608 : memref<104x128xf32, #tpu.memory_space<vmem>>) offsets(%dma_start3A_2610 : memref<104xi32, #tpu.memory_space<vmem>>) semaphore(%arg9 : memref<!tpu.dma_semaphore, #tpu.memory_space<semaphore_mem>>)
    %dma_start3A_2614 = arith.constant 2 : i32
    %dma_start3A_2615 = arith.constant 0 : i32
    %dma_start3A_2616 = arith.constant 0 : i32
    %dma_start3A_2617 = tpu.memref_slice %arg6[%dma_start3A_2614, %dma_start3A_2615, %dma_start3A_2616] : memref<4x200x128xf32, #tpu.memory_space<vmem>> -> memref<1x200x128xf32, #tpu.memory_space<vmem>>
    %dma_start3A_2618 = tpu.memref_squeeze %dma_start3A_2617 : memref<1x200x128xf32, #tpu.memory_space<vmem>> -> memref<200x128xf32, #tpu.memory_space<vmem>>
    %dma_start3A_2619 = arith.constant 104 : i32
    %dma_start3A_2620 = arith.constant 0 : i32
    %dma_start3A_2621 = tpu.memref_slice %dma_start3A_2618[%dma_start3A_2619, %dma_start3A_2620] : memref<200x128xf32, #tpu.memory_space<vmem>> -> memref<96x128xf32, #tpu.memory_space<vmem>>
    %dma_start3A_2622 = arith.constant 6104 : i32
    %dma_start3A_2623 = tpu.memref_slice %arg5[%dma_start3A_2622] : memref<6400xi32, #tpu.memory_space<vmem>> -> memref<96xi32, #tpu.memory_space<vmem>>
    %dma_start3A_2624 = arith.constant 0 : i32
    %dma_start3A_2625 = arith.constant 0 : i32
    %dma_start3A_2626 = tpu.memref_slice %arg3[%dma_start3A_2624, %dma_start3A_2625] : memref<100000x128xf32, #tpu.memory_space<hbm>> -> memref<100000x128xf32, #tpu.memory_space<hbm>>
    tpu.enqueue_indirect_dma source(%dma_start3A_2626 : memref<100000x128xf32, #tpu.memory_space<hbm>>) target(%dma_start3A_2621 : memref<96x128xf32, #tpu.memory_space<vmem>>) offsets(%dma_start3A_2623 : memref<96xi32, #tpu.memory_space<vmem>>) semaphore(%arg9 : memref<!tpu.dma_semaphore, #tpu.memory_space<semaphore_mem>>)
    %dma_wait3A_2627 = arith.constant 1 : i32
    %dma_wait3A_2628 = arith.constant 0 : i32
    %dma_wait3A_2629 = arith.constant 0 : i32
    %dma_wait3A_2630 = tpu.memref_slice %arg6[%dma_wait3A_2627, %dma_wait3A_2628, %dma_wait3A_2629] : memref<4x200x128xf32, #tpu.memory_space<vmem>> -> memref<1x200x128xf32, #tpu.memory_space<vmem>>
    %dma_wait3A_2631 = tpu.memref_squeeze %dma_wait3A_2630 : memref<1x200x128xf32, #tpu.memory_space<vmem>> -> memref<200x128xf32, #tpu.memory_space<vmem>>
    %dma_wait3A_2632 = arith.constant 0 : i32
    %dma_wait3A_2633 = arith.constant 0 : i32
    %dma_wait3A_2634 = tpu.memref_slice %dma_wait3A_2631[%dma_wait3A_2632, %dma_wait3A_2633] : memref<200x128xf32, #tpu.memory_space<vmem>> -> memref<104x128xf32, #tpu.memory_space<vmem>>
    %dma_wait3A_2635 = arith.constant 0 : i32
    %dma_wait3A_2636 = tpu.memref_slice %arg5[%dma_wait3A_2635] : memref<6400xi32, #tpu.memory_space<vmem>> -> memref<104xi32, #tpu.memory_space<vmem>>
    %dma_wait3A_2637 = arith.constant 0 : i32
    %dma_wait3A_2638 = arith.constant 0 : i32
    %dma_wait3A_2639 = tpu.memref_slice %arg3[%dma_wait3A_2637, %dma_wait3A_2638] : memref<100000x128xf32, #tpu.memory_space<hbm>> -> memref<100000x128xf32, #tpu.memory_space<hbm>>
    tpu.wait_indirect_dma semaphore(%arg8 : memref<!tpu.dma_semaphore, #tpu.memory_space<semaphore_mem>>) src(%dma_wait3A_2639 : memref<100000x128xf32, #tpu.memory_space<hbm>>) dst(%dma_wait3A_2634 : memref<104x128xf32, #tpu.memory_space<vmem>>)
    %dma_wait3A_2640 = arith.constant 1 : i32
    %dma_wait3A_2641 = arith.constant 0 : i32
    %dma_wait3A_2642 = arith.constant 0 : i32
    %dma_wait3A_2643 = tpu.memref_slice %arg6[%dma_wait3A_2640, %dma_wait3A_2641, %dma_wait3A_2642] : memref<4x200x128xf32, #tpu.memory_space<vmem>> -> memref<1x200x128xf32, #tpu.memory_space<vmem>>
    %dma_wait3A_2644 = tpu.memref_squeeze %dma_wait3A_2643 : memref<1x200x128xf32, #tpu.memory_space<vmem>> -> memref<200x128xf32, #tpu.memory_space<vmem>>
    %dma_wait3A_2645 = arith.constant 104 : i32
    %dma_wait3A_2646 = arith.constant 0 : i32
    %dma_wait3A_2647 = tpu.memref_slice %dma_wait3A_2644[%dma_wait3A_2645, %dma_wait3A_2646] : memref<200x128xf32, #tpu.memory_space<vmem>> -> memref<96x128xf32, #tpu.memory_space<vmem>>
    %dma_wait3A_2648 = arith.constant 0 : i32
    %dma_wait3A_2649 = tpu.memref_slice %arg5[%dma_wait3A_2648] : memref<6400xi32, #tpu.memory_space<vmem>> -> memref<96xi32, #tpu.memory_space<vmem>>
    %dma_wait3A_2650 = arith.constant 0 : i32
    %dma_wait3A_2651 = arith.constant 0 : i32
    %dma_wait3A_2652 = tpu.memref_slice %arg3[%dma_wait3A_2650, %dma_wait3A_2651] : memref<100000x128xf32, #tpu.memory_space<hbm>> -> memref<100000x128xf32, #tpu.memory_space<hbm>>
    tpu.wait_indirect_dma semaphore(%arg8 : memref<!tpu.dma_semaphore, #tpu.memory_space<semaphore_mem>>) src(%dma_wait3A_2652 : memref<100000x128xf32, #tpu.memory_space<hbm>>) dst(%dma_wait3A_2647 : memref<96x128xf32, #tpu.memory_space<vmem>>)
    %add3A_2653 = arith.constant 116 : i32
    %add3A_2654 = arith.addi %mul3A_2, %add3A_2653 : i32
    %dma_start3A_2655 = arith.constant 1 : i32
    %dma_start3A_2656 = arith.constant 0 : i32
    %dma_start3A_2657 = arith.constant 0 : i32
    %dma_start3A_2658 = tpu.memref_slice %arg6[%dma_start3A_2655, %dma_start3A_2656, %dma_start3A_2657] : memref<4x200x128xf32, #tpu.memory_space<vmem>> -> memref<1x200x128xf32, #tpu.memory_space<vmem>>
    %dma_start3A_2659 = tpu.memref_squeeze %dma_start3A_2658 : memref<1x200x128xf32, #tpu.memory_space<vmem>> -> memref<200x128xf32, #tpu.memory_space<vmem>>
    %dma_start3A_2660 = tpu.memref_reshape %dma_start3A_2659 : memref<200x128xf32, #tpu.memory_space<vmem>> -> memref<4x50x128xf32, #tpu.memory_space<vmem>>
    %dma_start3A_2661 = arith.constant 0 : i32
    %dma_start3A_2662 = arith.constant 0 : i32
    %dma_start3A_2663 = tpu.memref_slice %arg4[%add3A_2654, %dma_start3A_2661, %dma_start3A_2662] : memref<4096x50x128xf32, #tpu.memory_space<hbm>> -> memref<4x50x128xf32, #tpu.memory_space<hbm>>
    %dma_start3A_2664 = arith.constant 0 : i32
    %dma_start3A_2665 = arith.constant 0 : i32
    %dma_start3A_2666 = tpu.memref_slice %arg4[%add3A_2654, %dma_start3A_2664, %dma_start3A_2665] : memref<4096x50x128xf32, #tpu.memory_space<hbm>> -> memref<4x50x128xf32, #tpu.memory_space<hbm>>
    %dma_start3A_2667 = arith.constant 0 : i32
    %dma_start3A_2668 = arith.constant 0 : i32
    %dma_start3A_2669 = tpu.memref_slice %arg6[%dma_start3A_2655, %dma_start3A_2667, %dma_start3A_2668] : memref<4x200x128xf32, #tpu.memory_space<vmem>> -> memref<1x200x128xf32, #tpu.memory_space<vmem>>
    %dma_start3A_2670 = tpu.memref_squeeze %dma_start3A_2669 : memref<1x200x128xf32, #tpu.memory_space<vmem>> -> memref<200x128xf32, #tpu.memory_space<vmem>>
    %dma_start3A_2671 = tpu.memref_reshape %dma_start3A_2670 : memref<200x128xf32, #tpu.memory_space<vmem>> -> memref<4x50x128xf32, #tpu.memory_space<vmem>>
    tpu.enqueue_dma source(%dma_start3A_2671 : memref<4x50x128xf32, #tpu.memory_space<vmem>>) target(%dma_start3A_2666 : memref<4x50x128xf32, #tpu.memory_space<hbm>>) target_semaphore(%arg12 : memref<!tpu.dma_semaphore, #tpu.memory_space<semaphore_mem>>)
    %dma_wait3A_2672 = arith.constant 3 : i32
    %dma_wait3A_2673 = arith.constant 0 : i32
    %dma_wait3A_2674 = arith.constant 0 : i32
    %dma_wait3A_2675 = tpu.memref_slice %arg6[%dma_wait3A_2672, %dma_wait3A_2673, %dma_wait3A_2674] : memref<4x200x128xf32, #tpu.memory_space<vmem>> -> memref<1x200x128xf32, #tpu.memory_space<vmem>>
    %dma_wait3A_2676 = tpu.memref_squeeze %dma_wait3A_2675 : memref<1x200x128xf32, #tpu.memory_space<vmem>> -> memref<200x128xf32, #tpu.memory_space<vmem>>
    %dma_wait3A_2677 = tpu.memref_reshape %dma_wait3A_2676 : memref<200x128xf32, #tpu.memory_space<vmem>> -> memref<4x50x128xf32, #tpu.memory_space<vmem>>
    %dma_wait3A_2678 = arith.constant 0 : i32
    %dma_wait3A_2679 = arith.constant 0 : i32
    %dma_wait3A_2680 = arith.constant 0 : i32
    %dma_wait3A_2681 = tpu.memref_slice %arg4[%dma_wait3A_2678, %dma_wait3A_2679, %dma_wait3A_2680] : memref<4096x50x128xf32, #tpu.memory_space<hbm>> -> memref<4x50x128xf32, #tpu.memory_space<hbm>>
    %dma_wait3A_2682 = arith.constant 0 : i32
    %dma_wait3A_2683 = arith.constant 0 : i32
    %dma_wait3A_2684 = arith.constant 0 : i32
    %dma_wait3A_2685 = tpu.memref_slice %arg4[%dma_wait3A_2682, %dma_wait3A_2683, %dma_wait3A_2684] : memref<4096x50x128xf32, #tpu.memory_space<hbm>> -> memref<4x50x128xf32, #tpu.memory_space<hbm>>
    %dma_wait3A_2686 = arith.constant 0 : i32
    %dma_wait3A_2687 = arith.constant 0 : i32
    %dma_wait3A_2688 = tpu.memref_slice %arg6[%dma_wait3A_2672, %dma_wait3A_2686, %dma_wait3A_2687] : memref<4x200x128xf32, #tpu.memory_space<vmem>> -> memref<1x200x128xf32, #tpu.memory_space<vmem>>
    %dma_wait3A_2689 = tpu.memref_squeeze %dma_wait3A_2688 : memref<1x200x128xf32, #tpu.memory_space<vmem>> -> memref<200x128xf32, #tpu.memory_space<vmem>>
    %dma_wait3A_2690 = tpu.memref_reshape %dma_wait3A_2689 : memref<200x128xf32, #tpu.memory_space<vmem>> -> memref<4x50x128xf32, #tpu.memory_space<vmem>>
    tpu.wait_dma2 semaphore(%arg14 : memref<!tpu.dma_semaphore, #tpu.memory_space<semaphore_mem>>) src(%dma_wait3A_2690 : memref<4x50x128xf32, #tpu.memory_space<vmem>>) dst(%dma_wait3A_2685 : memref<4x50x128xf32, #tpu.memory_space<hbm>>)
    %dma_start3A_2691 = arith.constant 3 : i32
    %dma_start3A_2692 = arith.constant 0 : i32
    %dma_start3A_2693 = arith.constant 0 : i32
    %dma_start3A_2694 = tpu.memref_slice %arg6[%dma_start3A_2691, %dma_start3A_2692, %dma_start3A_2693] : memref<4x200x128xf32, #tpu.memory_space<vmem>> -> memref<1x200x128xf32, #tpu.memory_space<vmem>>
    %dma_start3A_2695 = tpu.memref_squeeze %dma_start3A_2694 : memref<1x200x128xf32, #tpu.memory_space<vmem>> -> memref<200x128xf32, #tpu.memory_space<vmem>>
    %dma_start3A_2696 = arith.constant 0 : i32
    %dma_start3A_2697 = arith.constant 0 : i32
    %dma_start3A_2698 = tpu.memref_slice %dma_start3A_2695[%dma_start3A_2696, %dma_start3A_2697] : memref<200x128xf32, #tpu.memory_space<vmem>> -> memref<104x128xf32, #tpu.memory_space<vmem>>
    %dma_start3A_2699 = arith.constant 6200 : i32
    %dma_start3A_2700 = tpu.memref_slice %arg5[%dma_start3A_2699] : memref<6400xi32, #tpu.memory_space<vmem>> -> memref<104xi32, #tpu.memory_space<vmem>>
    %dma_start3A_2701 = arith.constant 0 : i32
    %dma_start3A_2702 = arith.constant 0 : i32
    %dma_start3A_2703 = tpu.memref_slice %arg3[%dma_start3A_2701, %dma_start3A_2702] : memref<100000x128xf32, #tpu.memory_space<hbm>> -> memref<100000x128xf32, #tpu.memory_space<hbm>>
    tpu.enqueue_indirect_dma source(%dma_start3A_2703 : memref<100000x128xf32, #tpu.memory_space<hbm>>) target(%dma_start3A_2698 : memref<104x128xf32, #tpu.memory_space<vmem>>) offsets(%dma_start3A_2700 : memref<104xi32, #tpu.memory_space<vmem>>) semaphore(%arg10 : memref<!tpu.dma_semaphore, #tpu.memory_space<semaphore_mem>>)
    %dma_start3A_2704 = arith.constant 3 : i32
    %dma_start3A_2705 = arith.constant 0 : i32
    %dma_start3A_2706 = arith.constant 0 : i32
    %dma_start3A_2707 = tpu.memref_slice %arg6[%dma_start3A_2704, %dma_start3A_2705, %dma_start3A_2706] : memref<4x200x128xf32, #tpu.memory_space<vmem>> -> memref<1x200x128xf32, #tpu.memory_space<vmem>>
    %dma_start3A_2708 = tpu.memref_squeeze %dma_start3A_2707 : memref<1x200x128xf32, #tpu.memory_space<vmem>> -> memref<200x128xf32, #tpu.memory_space<vmem>>
    %dma_start3A_2709 = arith.constant 104 : i32
    %dma_start3A_2710 = arith.constant 0 : i32
    %dma_start3A_2711 = tpu.memref_slice %dma_start3A_2708[%dma_start3A_2709, %dma_start3A_2710] : memref<200x128xf32, #tpu.memory_space<vmem>> -> memref<96x128xf32, #tpu.memory_space<vmem>>
    %dma_start3A_2712 = arith.constant 6304 : i32
    %dma_start3A_2713 = tpu.memref_slice %arg5[%dma_start3A_2712] : memref<6400xi32, #tpu.memory_space<vmem>> -> memref<96xi32, #tpu.memory_space<vmem>>
    %dma_start3A_2714 = arith.constant 0 : i32
    %dma_start3A_2715 = arith.constant 0 : i32
    %dma_start3A_2716 = tpu.memref_slice %arg3[%dma_start3A_2714, %dma_start3A_2715] : memref<100000x128xf32, #tpu.memory_space<hbm>> -> memref<100000x128xf32, #tpu.memory_space<hbm>>
    tpu.enqueue_indirect_dma source(%dma_start3A_2716 : memref<100000x128xf32, #tpu.memory_space<hbm>>) target(%dma_start3A_2711 : memref<96x128xf32, #tpu.memory_space<vmem>>) offsets(%dma_start3A_2713 : memref<96xi32, #tpu.memory_space<vmem>>) semaphore(%arg10 : memref<!tpu.dma_semaphore, #tpu.memory_space<semaphore_mem>>)
    %dma_wait3A_2717 = arith.constant 2 : i32
    %dma_wait3A_2718 = arith.constant 0 : i32
    %dma_wait3A_2719 = arith.constant 0 : i32
    %dma_wait3A_2720 = tpu.memref_slice %arg6[%dma_wait3A_2717, %dma_wait3A_2718, %dma_wait3A_2719] : memref<4x200x128xf32, #tpu.memory_space<vmem>> -> memref<1x200x128xf32, #tpu.memory_space<vmem>>
    %dma_wait3A_2721 = tpu.memref_squeeze %dma_wait3A_2720 : memref<1x200x128xf32, #tpu.memory_space<vmem>> -> memref<200x128xf32, #tpu.memory_space<vmem>>
    %dma_wait3A_2722 = arith.constant 0 : i32
    %dma_wait3A_2723 = arith.constant 0 : i32
    %dma_wait3A_2724 = tpu.memref_slice %dma_wait3A_2721[%dma_wait3A_2722, %dma_wait3A_2723] : memref<200x128xf32, #tpu.memory_space<vmem>> -> memref<104x128xf32, #tpu.memory_space<vmem>>
    %dma_wait3A_2725 = arith.constant 0 : i32
    %dma_wait3A_2726 = tpu.memref_slice %arg5[%dma_wait3A_2725] : memref<6400xi32, #tpu.memory_space<vmem>> -> memref<104xi32, #tpu.memory_space<vmem>>
    %dma_wait3A_2727 = arith.constant 0 : i32
    %dma_wait3A_2728 = arith.constant 0 : i32
    %dma_wait3A_2729 = tpu.memref_slice %arg3[%dma_wait3A_2727, %dma_wait3A_2728] : memref<100000x128xf32, #tpu.memory_space<hbm>> -> memref<100000x128xf32, #tpu.memory_space<hbm>>
    tpu.wait_indirect_dma semaphore(%arg9 : memref<!tpu.dma_semaphore, #tpu.memory_space<semaphore_mem>>) src(%dma_wait3A_2729 : memref<100000x128xf32, #tpu.memory_space<hbm>>) dst(%dma_wait3A_2724 : memref<104x128xf32, #tpu.memory_space<vmem>>)
    %dma_wait3A_2730 = arith.constant 2 : i32
    %dma_wait3A_2731 = arith.constant 0 : i32
    %dma_wait3A_2732 = arith.constant 0 : i32
    %dma_wait3A_2733 = tpu.memref_slice %arg6[%dma_wait3A_2730, %dma_wait3A_2731, %dma_wait3A_2732] : memref<4x200x128xf32, #tpu.memory_space<vmem>> -> memref<1x200x128xf32, #tpu.memory_space<vmem>>
    %dma_wait3A_2734 = tpu.memref_squeeze %dma_wait3A_2733 : memref<1x200x128xf32, #tpu.memory_space<vmem>> -> memref<200x128xf32, #tpu.memory_space<vmem>>
    %dma_wait3A_2735 = arith.constant 104 : i32
    %dma_wait3A_2736 = arith.constant 0 : i32
    %dma_wait3A_2737 = tpu.memref_slice %dma_wait3A_2734[%dma_wait3A_2735, %dma_wait3A_2736] : memref<200x128xf32, #tpu.memory_space<vmem>> -> memref<96x128xf32, #tpu.memory_space<vmem>>
    %dma_wait3A_2738 = arith.constant 0 : i32
    %dma_wait3A_2739 = tpu.memref_slice %arg5[%dma_wait3A_2738] : memref<6400xi32, #tpu.memory_space<vmem>> -> memref<96xi32, #tpu.memory_space<vmem>>
    %dma_wait3A_2740 = arith.constant 0 : i32
    %dma_wait3A_2741 = arith.constant 0 : i32
    %dma_wait3A_2742 = tpu.memref_slice %arg3[%dma_wait3A_2740, %dma_wait3A_2741] : memref<100000x128xf32, #tpu.memory_space<hbm>> -> memref<100000x128xf32, #tpu.memory_space<hbm>>
    tpu.wait_indirect_dma semaphore(%arg9 : memref<!tpu.dma_semaphore, #tpu.memory_space<semaphore_mem>>) src(%dma_wait3A_2742 : memref<100000x128xf32, #tpu.memory_space<hbm>>) dst(%dma_wait3A_2737 : memref<96x128xf32, #tpu.memory_space<vmem>>)
    %add3A_2743 = arith.constant 120 : i32
    %add3A_2744 = arith.addi %mul3A_2, %add3A_2743 : i32
    %dma_start3A_2745 = arith.constant 2 : i32
    %dma_start3A_2746 = arith.constant 0 : i32
    %dma_start3A_2747 = arith.constant 0 : i32
    %dma_start3A_2748 = tpu.memref_slice %arg6[%dma_start3A_2745, %dma_start3A_2746, %dma_start3A_2747] : memref<4x200x128xf32, #tpu.memory_space<vmem>> -> memref<1x200x128xf32, #tpu.memory_space<vmem>>
    %dma_start3A_2749 = tpu.memref_squeeze %dma_start3A_2748 : memref<1x200x128xf32, #tpu.memory_space<vmem>> -> memref<200x128xf32, #tpu.memory_space<vmem>>
    %dma_start3A_2750 = tpu.memref_reshape %dma_start3A_2749 : memref<200x128xf32, #tpu.memory_space<vmem>> -> memref<4x50x128xf32, #tpu.memory_space<vmem>>
    %dma_start3A_2751 = arith.constant 0 : i32
    %dma_start3A_2752 = arith.constant 0 : i32
    %dma_start3A_2753 = tpu.memref_slice %arg4[%add3A_2744, %dma_start3A_2751, %dma_start3A_2752] : memref<4096x50x128xf32, #tpu.memory_space<hbm>> -> memref<4x50x128xf32, #tpu.memory_space<hbm>>
    %dma_start3A_2754 = arith.constant 0 : i32
    %dma_start3A_2755 = arith.constant 0 : i32
    %dma_start3A_2756 = tpu.memref_slice %arg4[%add3A_2744, %dma_start3A_2754, %dma_start3A_2755] : memref<4096x50x128xf32, #tpu.memory_space<hbm>> -> memref<4x50x128xf32, #tpu.memory_space<hbm>>
    %dma_start3A_2757 = arith.constant 0 : i32
    %dma_start3A_2758 = arith.constant 0 : i32
    %dma_start3A_2759 = tpu.memref_slice %arg6[%dma_start3A_2745, %dma_start3A_2757, %dma_start3A_2758] : memref<4x200x128xf32, #tpu.memory_space<vmem>> -> memref<1x200x128xf32, #tpu.memory_space<vmem>>
    %dma_start3A_2760 = tpu.memref_squeeze %dma_start3A_2759 : memref<1x200x128xf32, #tpu.memory_space<vmem>> -> memref<200x128xf32, #tpu.memory_space<vmem>>
    %dma_start3A_2761 = tpu.memref_reshape %dma_start3A_2760 : memref<200x128xf32, #tpu.memory_space<vmem>> -> memref<4x50x128xf32, #tpu.memory_space<vmem>>
    tpu.enqueue_dma source(%dma_start3A_2761 : memref<4x50x128xf32, #tpu.memory_space<vmem>>) target(%dma_start3A_2756 : memref<4x50x128xf32, #tpu.memory_space<hbm>>) target_semaphore(%arg13 : memref<!tpu.dma_semaphore, #tpu.memory_space<semaphore_mem>>)
    %dma_wait3A_2762 = arith.constant 3 : i32
    %dma_wait3A_2763 = arith.constant 0 : i32
    %dma_wait3A_2764 = arith.constant 0 : i32
    %dma_wait3A_2765 = tpu.memref_slice %arg6[%dma_wait3A_2762, %dma_wait3A_2763, %dma_wait3A_2764] : memref<4x200x128xf32, #tpu.memory_space<vmem>> -> memref<1x200x128xf32, #tpu.memory_space<vmem>>
    %dma_wait3A_2766 = tpu.memref_squeeze %dma_wait3A_2765 : memref<1x200x128xf32, #tpu.memory_space<vmem>> -> memref<200x128xf32, #tpu.memory_space<vmem>>
    %dma_wait3A_2767 = arith.constant 0 : i32
    %dma_wait3A_2768 = arith.constant 0 : i32
    %dma_wait3A_2769 = tpu.memref_slice %dma_wait3A_2766[%dma_wait3A_2767, %dma_wait3A_2768] : memref<200x128xf32, #tpu.memory_space<vmem>> -> memref<104x128xf32, #tpu.memory_space<vmem>>
    %dma_wait3A_2770 = arith.constant 0 : i32
    %dma_wait3A_2771 = tpu.memref_slice %arg5[%dma_wait3A_2770] : memref<6400xi32, #tpu.memory_space<vmem>> -> memref<104xi32, #tpu.memory_space<vmem>>
    %dma_wait3A_2772 = arith.constant 0 : i32
    %dma_wait3A_2773 = arith.constant 0 : i32
    %dma_wait3A_2774 = tpu.memref_slice %arg3[%dma_wait3A_2772, %dma_wait3A_2773] : memref<100000x128xf32, #tpu.memory_space<hbm>> -> memref<100000x128xf32, #tpu.memory_space<hbm>>
    tpu.wait_indirect_dma semaphore(%arg10 : memref<!tpu.dma_semaphore, #tpu.memory_space<semaphore_mem>>) src(%dma_wait3A_2774 : memref<100000x128xf32, #tpu.memory_space<hbm>>) dst(%dma_wait3A_2769 : memref<104x128xf32, #tpu.memory_space<vmem>>)
    %dma_wait3A_2775 = arith.constant 3 : i32
    %dma_wait3A_2776 = arith.constant 0 : i32
    %dma_wait3A_2777 = arith.constant 0 : i32
    %dma_wait3A_2778 = tpu.memref_slice %arg6[%dma_wait3A_2775, %dma_wait3A_2776, %dma_wait3A_2777] : memref<4x200x128xf32, #tpu.memory_space<vmem>> -> memref<1x200x128xf32, #tpu.memory_space<vmem>>
    %dma_wait3A_2779 = tpu.memref_squeeze %dma_wait3A_2778 : memref<1x200x128xf32, #tpu.memory_space<vmem>> -> memref<200x128xf32, #tpu.memory_space<vmem>>
    %dma_wait3A_2780 = arith.constant 104 : i32
    %dma_wait3A_2781 = arith.constant 0 : i32
    %dma_wait3A_2782 = tpu.memref_slice %dma_wait3A_2779[%dma_wait3A_2780, %dma_wait3A_2781] : memref<200x128xf32, #tpu.memory_space<vmem>> -> memref<96x128xf32, #tpu.memory_space<vmem>>
    %dma_wait3A_2783 = arith.constant 0 : i32
    %dma_wait3A_2784 = tpu.memref_slice %arg5[%dma_wait3A_2783] : memref<6400xi32, #tpu.memory_space<vmem>> -> memref<96xi32, #tpu.memory_space<vmem>>
    %dma_wait3A_2785 = arith.constant 0 : i32
    %dma_wait3A_2786 = arith.constant 0 : i32
    %dma_wait3A_2787 = tpu.memref_slice %arg3[%dma_wait3A_2785, %dma_wait3A_2786] : memref<100000x128xf32, #tpu.memory_space<hbm>> -> memref<100000x128xf32, #tpu.memory_space<hbm>>
    tpu.wait_indirect_dma semaphore(%arg10 : memref<!tpu.dma_semaphore, #tpu.memory_space<semaphore_mem>>) src(%dma_wait3A_2787 : memref<100000x128xf32, #tpu.memory_space<hbm>>) dst(%dma_wait3A_2782 : memref<96x128xf32, #tpu.memory_space<vmem>>)
    %add3A_2788 = arith.constant 124 : i32
    %add3A_2789 = arith.addi %mul3A_2, %add3A_2788 : i32
    %dma_start3A_2790 = arith.constant 3 : i32
    %dma_start3A_2791 = arith.constant 0 : i32
    %dma_start3A_2792 = arith.constant 0 : i32
    %dma_start3A_2793 = tpu.memref_slice %arg6[%dma_start3A_2790, %dma_start3A_2791, %dma_start3A_2792] : memref<4x200x128xf32, #tpu.memory_space<vmem>> -> memref<1x200x128xf32, #tpu.memory_space<vmem>>
    %dma_start3A_2794 = tpu.memref_squeeze %dma_start3A_2793 : memref<1x200x128xf32, #tpu.memory_space<vmem>> -> memref<200x128xf32, #tpu.memory_space<vmem>>
    %dma_start3A_2795 = tpu.memref_reshape %dma_start3A_2794 : memref<200x128xf32, #tpu.memory_space<vmem>> -> memref<4x50x128xf32, #tpu.memory_space<vmem>>
    %dma_start3A_2796 = arith.constant 0 : i32
    %dma_start3A_2797 = arith.constant 0 : i32
    %dma_start3A_2798 = tpu.memref_slice %arg4[%add3A_2789, %dma_start3A_2796, %dma_start3A_2797] : memref<4096x50x128xf32, #tpu.memory_space<hbm>> -> memref<4x50x128xf32, #tpu.memory_space<hbm>>
    %dma_start3A_2799 = arith.constant 0 : i32
    %dma_start3A_2800 = arith.constant 0 : i32
    %dma_start3A_2801 = tpu.memref_slice %arg4[%add3A_2789, %dma_start3A_2799, %dma_start3A_2800] : memref<4096x50x128xf32, #tpu.memory_space<hbm>> -> memref<4x50x128xf32, #tpu.memory_space<hbm>>
    %dma_start3A_2802 = arith.constant 0 : i32
    %dma_start3A_2803 = arith.constant 0 : i32
    %dma_start3A_2804 = tpu.memref_slice %arg6[%dma_start3A_2790, %dma_start3A_2802, %dma_start3A_2803] : memref<4x200x128xf32, #tpu.memory_space<vmem>> -> memref<1x200x128xf32, #tpu.memory_space<vmem>>
    %dma_start3A_2805 = tpu.memref_squeeze %dma_start3A_2804 : memref<1x200x128xf32, #tpu.memory_space<vmem>> -> memref<200x128xf32, #tpu.memory_space<vmem>>
    %dma_start3A_2806 = tpu.memref_reshape %dma_start3A_2805 : memref<200x128xf32, #tpu.memory_space<vmem>> -> memref<4x50x128xf32, #tpu.memory_space<vmem>>
    tpu.enqueue_dma source(%dma_start3A_2806 : memref<4x50x128xf32, #tpu.memory_space<vmem>>) target(%dma_start3A_2801 : memref<4x50x128xf32, #tpu.memory_space<hbm>>) target_semaphore(%arg14 : memref<!tpu.dma_semaphore, #tpu.memory_space<semaphore_mem>>)
    %dma_wait3A_2807 = arith.constant 3 : i32
    %dma_wait3A_2808 = arith.constant 0 : i32
    %dma_wait3A_2809 = arith.constant 0 : i32
    %dma_wait3A_2810 = tpu.memref_slice %arg6[%dma_wait3A_2807, %dma_wait3A_2808, %dma_wait3A_2809] : memref<4x200x128xf32, #tpu.memory_space<vmem>> -> memref<1x200x128xf32, #tpu.memory_space<vmem>>
    %dma_wait3A_2811 = tpu.memref_squeeze %dma_wait3A_2810 : memref<1x200x128xf32, #tpu.memory_space<vmem>> -> memref<200x128xf32, #tpu.memory_space<vmem>>
    %dma_wait3A_2812 = tpu.memref_reshape %dma_wait3A_2811 : memref<200x128xf32, #tpu.memory_space<vmem>> -> memref<4x50x128xf32, #tpu.memory_space<vmem>>
    %dma_wait3A_2813 = arith.constant 0 : i32
    %dma_wait3A_2814 = arith.constant 0 : i32
    %dma_wait3A_2815 = arith.constant 0 : i32
    %dma_wait3A_2816 = tpu.memref_slice %arg4[%dma_wait3A_2813, %dma_wait3A_2814, %dma_wait3A_2815] : memref<4096x50x128xf32, #tpu.memory_space<hbm>> -> memref<4x50x128xf32, #tpu.memory_space<hbm>>
    %dma_wait3A_2817 = arith.constant 0 : i32
    %dma_wait3A_2818 = arith.constant 0 : i32
    %dma_wait3A_2819 = arith.constant 0 : i32
    %dma_wait3A_2820 = tpu.memref_slice %arg4[%dma_wait3A_2817, %dma_wait3A_2818, %dma_wait3A_2819] : memref<4096x50x128xf32, #tpu.memory_space<hbm>> -> memref<4x50x128xf32, #tpu.memory_space<hbm>>
    %dma_wait3A_2821 = arith.constant 0 : i32
    %dma_wait3A_2822 = arith.constant 0 : i32
    %dma_wait3A_2823 = tpu.memref_slice %arg6[%dma_wait3A_2807, %dma_wait3A_2821, %dma_wait3A_2822] : memref<4x200x128xf32, #tpu.memory_space<vmem>> -> memref<1x200x128xf32, #tpu.memory_space<vmem>>
    %dma_wait3A_2824 = tpu.memref_squeeze %dma_wait3A_2823 : memref<1x200x128xf32, #tpu.memory_space<vmem>> -> memref<200x128xf32, #tpu.memory_space<vmem>>
    %dma_wait3A_2825 = tpu.memref_reshape %dma_wait3A_2824 : memref<200x128xf32, #tpu.memory_space<vmem>> -> memref<4x50x128xf32, #tpu.memory_space<vmem>>
    tpu.wait_dma2 semaphore(%arg14 : memref<!tpu.dma_semaphore, #tpu.memory_space<semaphore_mem>>) src(%dma_wait3A_2825 : memref<4x50x128xf32, #tpu.memory_space<vmem>>) dst(%dma_wait3A_2820 : memref<4x50x128xf32, #tpu.memory_space<hbm>>)
    return
  }
}

</mosaic_0001>

<sc_bundles>
// kernel: kernel.3.cloned.1.call-start
scs
__scs_entry_jumppad:
0x0: {  	(pc) =	sbr.rel $0x88, $3  }
0x1: {  	(tag) =	ssettag $0x0;
	lr =	simm.s32 $0x1  }
0x2: {  	[smem:$0x3F9F] =	sst lr;
	_ =	strace $0xD0000000  }
0x3: {  	_ = 	snop  }
0x4: {  	_ = 	snop  }
0x5: {  	_ = 	snop  }
0x6: {  	_ = 	snop  }
0x7: {  	_ = 	snop  }
__scs_overlays_trampoline_lowered:
0x8: {  	[smem:$0x3FAE] =	sst s0  }
0x9: {  	[smem:$0x3FAF] =	sst s1  }
0xa: {  	[smem:$0x3FB0] =	sst s2  }
0xb: {  	[smem:$0x3FB1] =	sst s3  }
0xc: {  	[smem:$0x3FB2] =	sst s4  }
0xd: {  	[smem:$0x3FB3] =	sst s5  }
0xe: {  	[smem:$0x3FB4] =	sst s6  }
0xf: {  	[smem:$0x3FB5] =	sst s7  }
0x10: {  	[smem:$0x3FB6] =	sst s8  }
0x11: {  	[smem:$0x3FB7] =	sst s9;
	s0 =	simm.s32 @!p0 $0x0  }
0x12: {  	s1 =	sld [smem:$0x3F9D];
	s0 =	simm.s32 @p0 $0x1  }
0x13: {  	[smem:$0x3FB8] =	sst s0;
	s0 =	simm.s32 @!p1 $0x0  }
0x14: {  	s2 =	sld [smem:$0x3F9C];
	s0 =	simm.s32 @p1 $0x1  }
0x15: {  	[smem:$0x3FB9] =	sst s0;
	s0 =	simm.s32 @!p2 $0x0  }
0x16: {  	s3 =	sld [smem:$0x3FDB];
	s0 =	simm.s32 @p2 $0x1  }
0x17: {  	s4 =	simm.s32 $0x1BF5;
	[smem:$0x3FBB] =	sst s0  }
0x18: {  	s0 =	sld [smem:$0x3F9E];
	_ =	swait.ge [sflag:s4], $0x0  }
0x19: {  	s7 =	sld [smem:$0x3F9F]  }
0x1a: {  	s8 =	sadd.s32 $0xFFFFE003, lr  }
0x1b: {  	s9 =	sadd.s32 $0xFFFFFEF7, lr;
	s5 =	simm.s32 $0xFFFFFFFF;
	p2 =	slt.u32 s8, $0xFFFFF086  }
0x1c: {  	p1 =	slt.u32 s9, $0xF7A;
	s5 =	simm.s32 @!p2 $0x0  }
0x1d: {  	s5 =	simm.s32 @p1 $0x1;
	p0 =	seq.s32 s7, s2  }
0x1e: {  	s7 =	smul.u32 @!p0 $0xF7A, s2;
	p2 =	seq.s32 @!p0 s5, $0x0  }
0x1f: {  	s9 =	smul.u32 $0xF7A, s1;
	s8 =	simm.s32 @!p0 $0x1BF5;
	p2 =	por !p2, p0  }
0x20: {  	[sflag:s8] =	ssyncset.s32 @!p0 $0xFFFFF086;
	s6 =	sadd.s32 @!p0 s3, s7;
	s7 =	simm.s32 @!p0 $0x108  }
0x21: {  	s3 =	sadd.s32 s3, s9;
	s6 =	sadd.s32 @!p0 $0x88, s6;
	s7 =	simm.s32 @p2 $0x1082  }
0x22: {  	[simem:s7], [sflag:s8] =	dma.local @!p0 [hbm:s6], $0xF7A  }
0x23: {  	s9 =	sor.u32 $0xD0000000, s2;
	s6 =	simm.s32 $0x108;
	_ =	swait.ge @!p0 [sflag:s8], $0x0  }
0x24: {  	s3 =	sadd.s32 $0x88, s3;
	s6 =	simm.s32 @!p1 $0x1082;
	[sflag:s4] =	ssyncset.s32 $0xFFFFF086  }
0x25: {  	[simem:s6], [sflag:s4] =	dma.local [hbm:s3], $0xF7A  }
0x26: {  	[smem:$0x3F9F] =	sst s1;
	(tag) =	ssettag s2;
	_ =	strace s9  }
0x27: {  	s1 =	sld [smem:$0x3FAF]  }
0x28: {  	s2 =	sld [smem:$0x3FB0]  }
0x29: {  	s4 =	sld [smem:$0x3FB2]  }
0x2a: {  	p0 =	seq.s32 s5, $0x0;
	s5 =	sld [smem:$0x3FB3]  }
0x2b: {  	s6 =	sld [smem:$0x3FB4]  }
0x2c: {  	s7 =	sld [smem:$0x3FB5]  }
0x2d: {  	s3 =	simm.s32 $0x108;
	s8 =	sld [smem:$0x3FB6]  }
0x2e: {  	s3 =	simm.s32 @!p0 $0x1082;
	s9 =	sld [smem:$0x3FB7]  }
0x2f: {  	lr =	sadd.s32 s0, s3;
	s0 =	sld [smem:$0x3FAE]  }
0x30: {  	s3 =	sld [smem:$0x3FB1]  }
0x31: {  	[smem:$0x3FBA] =	sst s10  }
0x32: {  	s10 =	sld [smem:$0x3FB8];
	_ =	sdelay $0x3  }
0x33: {  	p0 =	seq.s32 s10, $0x1;
	s10 =	sld [smem:$0x3FBA];
	_ =	sdelay $0x3  }
0x34: {  	[smem:$0x3FBA] =	sst s10  }
0x35: {  	s10 =	sld [smem:$0x3FB9];
	_ =	sdelay $0x3  }
0x36: {  	p1 =	seq.s32 s10, $0x1;
	s10 =	sld [smem:$0x3FBA];
	_ =	sdelay $0x3  }
0x37: {  	[smem:$0x3FBA] =	sst s10  }
0x38: {  	s10 =	sld [smem:$0x3FBB]  }
0x39: {  	_ = 	snop;
	(pc) =	sbr.ind lr, $3  }
0x3a: {  	_ = 	snop  }
0x3b: {  	_ = 	snop  }
0x3c: {  	p2 =	seq.s32 s10, $0x1;
	s10 =	sld [smem:$0x3FBA]  }
0x3d: {  	_ =	shalt  }
0x3e: {  	_ =	shalt  }
0x3f: {  	_ =	shalt  }
0x40: {  	_ =	shalt  }
0x41: {  	_ =	shalt  }
0x42: {  	_ =	shalt  }
0x43: {  	_ =	shalt  }
0x44: {  	_ =	shalt  }
0x45: {  	_ =	shalt  }
0x46: {  	_ =	shalt  }
0x47: {  	_ =	shalt  }
0x48: {  	_ =	shalt  }
0x49: {  	_ =	shalt  }
0x4a: {  	_ =	shalt  }
0x4b: {  	_ =	shalt  }
0x4c: {  	_ =	shalt  }
0x4d: {  	_ =	shalt  }
0x4e: {  	_ =	shalt  }
0x4f: {  	_ =	shalt  }
0x50: {  	_ =	shalt  }
0x51: {  	_ =	shalt  }
0x52: {  	_ =	shalt  }
0x53: {  	_ =	shalt  }
0x54: {  	_ =	shalt  }
0x55: {  	_ =	shalt  }
0x56: {  	_ =	shalt  }
0x57: {  	_ =	shalt  }
0x58: {  	_ =	shalt  }
0x59: {  	_ =	shalt  }
0x5a: {  	_ =	shalt  }
0x5b: {  	_ =	shalt  }
0x5c: {  	_ =	shalt  }
0x5d: {  	_ =	shalt  }
0x5e: {  	_ =	shalt  }
0x5f: {  	_ =	shalt  }
0x60: {  	_ =	shalt  }
0x61: {  	_ =	shalt  }
0x62: {  	_ =	shalt  }
0x63: {  	_ =	shalt  }
0x64: {  	_ =	shalt  }
0x65: {  	_ =	shalt  }
0x66: {  	_ =	shalt  }
0x67: {  	_ =	shalt  }
0x68: {  	_ =	shalt  }
0x69: {  	_ =	shalt  }
0x6a: {  	_ =	shalt  }
0x6b: {  	_ =	shalt  }
0x6c: {  	_ =	shalt  }
0x6d: {  	_ =	shalt  }
0x6e: {  	_ =	shalt  }
0x6f: {  	_ =	shalt  }
0x70: {  	_ =	shalt  }
0x71: {  	_ =	shalt  }
0x72: {  	_ =	shalt  }
0x73: {  	_ =	shalt  }
0x74: {  	_ =	shalt  }
0x75: {  	_ =	shalt  }
0x76: {  	_ =	shalt  }
0x77: {  	_ =	shalt  }
0x78: {  	_ =	shalt  }
0x79: {  	_ =	shalt  }
0x7a: {  	_ =	shalt  }
0x7b: {  	_ =	shalt  }
0x7c: {  	_ =	shalt  }
0x7d: {  	_ =	shalt  }
0x7e: {  	_ =	shalt  }
0x7f: {  	_ =	shalt  }
0x80: {  	_ =	shalt  }
0x81: {  	_ =	shalt  }
0x82: {  	_ =	shalt  }
0x83: {  	_ =	shalt  }
0x84: {  	_ =	shalt  }
0x85: {  	_ =	shalt  }
0x86: {  	_ =	shalt  }
0x87: {  	_ =	shalt  }
.Lfunc_end0:
.L_simem_size_0:
called_computation_lowered:
.L_overlay_start_0:
0x88: {  	s2 =	sld [smem:$0x3FD9]  }
0x89: {  	s3 =	sld [smem:$0x3FFE];
	_ =	sdelay $0x1  }
0x8a: {  	s1 =	srdreg.scid  }
0x8b: {  	s0 =	sand.u32 $0x1, s1  }
0x8c: {  	s17 =	sshll.u32 s0, $0xA;
	s2 =	sadd.s32 s3, s2  }
0x8d: {  	s2 =	sadd.s32 s2, s17  }
0x8e: {  	[smem:$0x3FC6] =	sst s2  }
0x8f: {  	_ = 	snop  }
0x90: {  	s2 =	sld [smem:$0x3FC8]  }
0x91: {  	s18 =	sld [smem:$0x3FD0];
	(tm) =	ssettm $0x1  }
0x92: {  	s4 =	sld [smem:$0x3FFB];
	_ =	sdelay $0x3  }
0x93: {  	_ =	strace s4  }
0x94: {  	s4 =	sld [smem:$0x3FFC];
	_ =	sdelay $0x3  }
0x95: {  	_ =	strace s4  }
0x96: {  	s4 =	sld [smem:$0x3FFD];
	_ =	sdelay $0x3  }
0x97: {  	_ =	strace s4  }
0x98: {  	_ =	strace $0x8FFFFFFF  }
0x99: {  	s19 =	sld [smem:$0x3FDB];
	_ =	sdelay $0x1  }
0x9a: {  	s5 =	simm.s32 $_scs_section_size  }
0x9b: {  	s6 =	simm.s32 $_size__tile_overlayer_lowered;
	s7 =	simm.s32 $_tile_overlayer_lowered  }
0x9c: {  	s22 =	simm.s32 $0x1BFF;
	s21 =	sshll.u32 s7, $0x1;
	s4 =	sadd.s32 s5, s19  }
0x9d: {  	s8 =	simm.s32 $0x0;
	s20 =	sshll.u32 s6, $0x1;
	s6 =	sadd.s32 s21, s4  }
0x9e: {  	[timem:s8], [sflag:s22] =	dma.local [hbm:s6], s20  }
0x9f: {  	_ =	swait.ge [sflag:s22], s20  }
0xa0: {  	s5 =	ssub.s32 $0x0, s20;
	[sflag:s22] =	ssyncset.done $0x0  }
0xa1: {  	[sflag:s22] =	ssyncadd.s32 s5;
	_ =	sdelay $0x1  }
0xa2: {  	s23 =	simm.s32 $0x1B8B  }
0xa3: {  	_ =	swait.ge [sflag:s23], $0x1  }
0xa4: {  	[sflag:s23] =	ssyncset.done $0x0  }
0xa5: {  	s25 =	simm.s32 $0x1B8E;
	s24 =	sld [smem:$0x3FFE];
	[sflag:s23] =	ssyncadd.s32 $0xFFFFFFFF  }
0xa6: {  	s26 =	simm.s32 $execute0_lowered;
	[smem:$0x3FD2] =	sst s25  }
0xa7: {  	s6 =	sshll.u32 s26, $0x1;
	_ =	strace $0x80000046;
	[dreg:$0x1] =	wrdreg $0xFFFFFFFF  }
0xa8: {  	s28 =	simm.s32 $_size_execute0_lowered;
	s4 =	sadd.s32 s4, s6;
	[dreg:$0x0] =	wrdreg $0x0  }
0xa9: {  	s6 =	sshll.u32 s28, $0x1;
	[dreg:$0x2] =	wrdreg s4  }
0xaa: {  	[dreg:$0x3] =	wrdreg s6  }
0xab: {  	[dreg:$0x4] =	wrdreg $0xC0  }
0xac: {  	_ =	task [dreg:s8], $0x5FFFF  }
0xad: {  	[dreg:$0x1] =	wrdreg $0xFFFFFFFF  }
0xae: {  	[dreg:$0x0] =	wrdreg $0x60  }
0xaf: {  	[dreg:$0x2] =	wrdreg s18  }
0xb0: {  	[dreg:$0x3] =	wrdreg s2  }
0xb1: {  	[dreg:$0x4] =	wrdreg s24  }
0xb2: {  	[dreg:$0x5] =	wrdreg $0x9  }
0xb3: {  	_ =	task.clear_ibuf [dreg:s8], $0x6FFFF;
	_ =	strace $0x90000046  }
0xb4: {  	s29 =	simm.s32 $0x9;
	_ =	strace $0x80000048  }
0xb5: {  	_ =	swait.ge [sflag:s29], $0x1  }
0xb6: {  	[sflag:s29] =	ssyncadd.s32 $0xFFFFFFFF  }
0xb7: {  	_ =	strace $0x90000048  }
0xb8: {  	_ =	sfence  }
0xb9: {  	s30 =	sld [smem:$0x0];
	_ =	sdelay $0x2  }
0xba: {  	s31 =	sshll.u32 s1, $0xD;
	s1 =	sshrl.u32 s1, $0x2  }
0xbb: {  	s3 =	sand.u32 $0x4000, s31;
	s1 =	sadd.s32 s1, s30  }
0xbc: {  	s0 =	sor.u32 s3, s0;
	s1 =	sshll.u32 s1, $0x11  }
0xbd: {  	s0 =	sor.u32 s1, s0  }
0xbe: {  	s0 =	sadd.s32 $0x8F2B, s0  }
0xbf: {  	[sflag:s0] =	ssyncadd.remote.s32 $0x1  }
0xc0: {  	_ =	sfence.sel $0xFFFF  }
0xc1: {  	[dreg:$0x0] =	wrdreg $0xFFFFFFFF;
	(pc) =	sbr.abs _section_cstart, $3  }
0xc2: {  	[dreg:$0x1] =	wrdreg $0xFFFFFFFF  }
0xc3: {  	_ =	task.clear_ibuf [dreg:s8], $0x2FFFF;
	_ =	strace $0x9FFFFFFF  }
0xc4: {  	(tm) =	ssettm $0x7FFFFFFF  }
0xc5: {  	_ =	shalt  }
tec
execute0_lowered:
.L_overlay_start_1:
0x0: {  	(tag) =	ssettag $0x1  }
0x1: {  	s0 =	srdreg.scid;
	s19 =	stileid.u32  }
0x2: {  	s1 =	sand.u32 $0x1, s0;
	s15 =	sshll.u32 s19, $0x1  }
0x3: {  	s0 =	sor.u32 s1, s15  }
0x4: {  	s3 =	rddreg [dreg:$0x0];
	s5 =	smul.u32 $0x320, s0  }
0x5: {  	s4 =	rddreg [dreg:$0x2];
	s6 =	smul.u32 $0x1C000, s0  }
0x6: {  	s2 =	rddreg [dreg:$0x1];
	s30 =	simm.s32 $0x0;
	s4 =	sadd.s32 $0x400, s4  }
0x7: {  	[smem:$0x7FF] =	sst s30;
	s3 =	sadd.s32 s3, s5;
	s29 =	sadd.s32 s4, s6  }
0x8: {  	_ =	strace $0x80000047;
	[dreg:$0x4] =	wrdreg s3;
	s16 =	sadd.s32 $0xE00, s29  }
0x9: {  	s0 =	smul.u32 $0xE0000, s0;
	s17 =	sadd.s32 $0x1C00, s29;
	[dreg:$0x5] =	wrdreg s16  }
0xa: {  	s18 =	sadd.s32 $0x2A00, s29;
	[dreg:$0x6] =	wrdreg s17  }
0xb: {  	s0 =	sshrl.u32 s0, $0x3;
	s20 =	sadd.s32 $0x3800, s29;
	[dreg:$0x7] =	wrdreg s18  }
0xc: {  	s0 =	sadd.s32 s4, s0;
	s3 =	simm.s32 $0x190;
	[dreg:$0x8] =	wrdreg s20  }
0xd: {  	s21 =	sadd.s32 $0x4600, s0;
	[smem:$0x7C8] =	sst s3  }
0xe: {  	s22 =	sadd.s32 $0x5400, s0;
	[dreg:$0x9] =	wrdreg s21  }
0xf: {  	s23 =	sadd.s32 $0x6200, s0;
	[dreg:$0xa] =	wrdreg s22  }
0x10: {  	s24 =	sadd.s32 $0x7000, s0;
	[dreg:$0xb] =	wrdreg s23  }
0x11: {  	s25 =	sadd.s32 $0x7E00, s0;
	[dreg:$0xc] =	wrdreg s24  }
0x12: {  	s26 =	sadd.s32 $0x8C00, s0;
	[dreg:$0xd] =	wrdreg s25  }
0x13: {  	s4 =	sadd.s32 $0x9A00, s0;
	[dreg:$0xe] =	wrdreg s26  }
0x14: {  	s5 =	sadd.s32 $0xA800, s0;
	[dreg:$0xf] =	wrdreg s4  }
0x15: {  	s6 =	sadd.s32 $0xB600, s0;
	[dreg:$0x10] =	wrdreg s5  }
0x16: {  	s7 =	sadd.s32 $0xC400, s0;
	[dreg:$0x11] =	wrdreg s6  }
0x17: {  	s8 =	sadd.s32 $0xD200, s0;
	[dreg:$0x12] =	wrdreg s7  }
0x18: {  	s9 =	sadd.s32 $0xE000, s0;
	[dreg:$0x13] =	wrdreg s8  }
0x19: {  	s10 =	sadd.s32 $0xEE00, s0;
	[dreg:$0x14] =	wrdreg s9  }
0x1a: {  	s11 =	sadd.s32 $0xFC00, s0;
	[dreg:$0x15] =	wrdreg s10  }
0x1b: {  	s12 =	sadd.s32 $0x10A00, s0;
	[dreg:$0x16] =	wrdreg s11  }
0x1c: {  	s13 =	sadd.s32 $0x11800, s0;
	[dreg:$0x17] =	wrdreg s12  }
0x1d: {  	s14 =	sadd.s32 $0x12600, s0;
	[dreg:$0x18] =	wrdreg s13  }
0x1e: {  	s15 =	sadd.s32 $0x13400, s0;
	[dreg:$0x19] =	wrdreg s14  }
0x1f: {  	s16 =	sadd.s32 $0x14200, s0;
	[dreg:$0x1a] =	wrdreg s15  }
0x20: {  	s17 =	sadd.s32 $0x15000, s0;
	[dreg:$0x1b] =	wrdreg s16  }
0x21: {  	s18 =	sadd.s32 $0x15E00, s0;
	[dreg:$0x1c] =	wrdreg s17  }
0x22: {  	s20 =	sadd.s32 $0x16C00, s0;
	[dreg:$0x1d] =	wrdreg s18  }
0x23: {  	s3 =	simm.s32 $0xA90;
	[dreg:$0x1e] =	wrdreg s20  }
0x24: {  	s21 =	sadd.s32 $0x17A00, s0;
	[smem:$0x7DF] =	sst s3  }
0x25: {  	s22 =	sadd.s32 $0x18800, s0;
	[dreg:$0x1f] =	wrdreg s21  }
0x26: {  	s23 =	sadd.s32 $0x19600, s0;
	[smem:$0x7C2] =	sst s22  }
0x27: {  	s24 =	sadd.s32 $0x1A400, s0;
	[smem:$0x7C3] =	sst s23  }
0x28: {  	s0 =	sadd.s32 $0x1B200, s0;
	[smem:$0x7C4] =	sst s24  }
0x29: {  	s25 =	simm.s32 $0xC8;
	[smem:$0x7C5] =	sst s0  }
0x2a: {  	s26 =	simm.s32 $0x130;
	[smem:$0x7C6] =	sst s25  }
0x2b: {  	s4 =	simm.s32 $0x1F8;
	[smem:$0x7C7] =	sst s26  }
0x2c: {  	s5 =	simm.s32 $0x258;
	[smem:$0x7C9] =	sst s4  }
0x2d: {  	s6 =	simm.s32 $0x2C0;
	[smem:$0x7CA] =	sst s5  }
0x2e: {  	s7 =	simm.s32 $0x320;
	[smem:$0x7CB] =	sst s6  }
0x2f: {  	s8 =	simm.s32 $0x388;
	[smem:$0x7CC] =	sst s7  }
0x30: {  	s9 =	simm.s32 $0x3E8;
	[smem:$0x7CD] =	sst s8  }
0x31: {  	s10 =	simm.s32 $0x450;
	[smem:$0x7CE] =	sst s9  }
0x32: {  	s11 =	simm.s32 $0x4B0;
	[smem:$0x7CF] =	sst s10  }
0x33: {  	s12 =	simm.s32 $0x518;
	[smem:$0x7D0] =	sst s11  }
0x34: {  	s13 =	simm.s32 $0x578;
	[smem:$0x7D1] =	sst s12  }
0x35: {  	s14 =	simm.s32 $0x5E0;
	[smem:$0x7D2] =	sst s13  }
0x36: {  	s15 =	simm.s32 $0x640;
	[smem:$0x7D3] =	sst s14  }
0x37: {  	s16 =	simm.s32 $0x6A8;
	[smem:$0x7D4] =	sst s15  }
0x38: {  	s17 =	simm.s32 $0x708;
	[smem:$0x7D5] =	sst s16  }
0x39: {  	s18 =	simm.s32 $0x770;
	[smem:$0x7D6] =	sst s17  }
0x3a: {  	s20 =	simm.s32 $0x7D0;
	[smem:$0x7D7] =	sst s18  }
0x3b: {  	[smem:$0x7D8] =	sst s20  }
0x3c: {  	s21 =	simm.s32 $0x838;
	s0 =	rddreg [dreg:$0x4]  }
0x3d: {  	s22 =	simm.s32 $0x898;
	[smem:$0x7D9] =	sst s21  }
0x3e: {  	s23 =	simm.s32 $0x900;
	[smem:$0x7DA] =	sst s22  }
0x3f: {  	s24 =	simm.s32 $0x960;
	[smem:$0x7DB] =	sst s23  }
0x40: {  	s25 =	simm.s32 $0x9C8;
	[smem:$0x7DC] =	sst s24  }
0x41: {  	s26 =	simm.s32 $0xA28;
	[smem:$0x7DD] =	sst s25  }
0x42: {  	s4 =	simm.s32 $0xAF0;
	[smem:$0x7DE] =	sst s26  }
0x43: {  	s5 =	simm.s32 $0xB58;
	[smem:$0x7E0] =	sst s4  }
0x44: {  	s6 =	simm.s32 $0xBB8;
	[smem:$0x7E1] =	sst s5  }
0x45: {  	s7 =	simm.s32 $0xC20;
	[smem:$0x7E2] =	sst s6  }
0x46: {  	s8 =	simm.s32 $0xC80;
	[smem:$0x7E3] =	sst s7  }
0x47: {  	s31 =	simm.s32 $0x9;
	s9 =	simm.s32 $0xCE8;
	[smem:$0x7E4] =	sst s8  }
0x48: {  	p0 =	por $0x0, $0x0;
	s10 =	simm.s32 $0xD48;
	[smem:$0x7E5] =	sst s9  }
0x49: {  	s28 =	simm.s32 $0x16A8;
	s11 =	simm.s32 $0xDB0;
	[smem:$0x7E6] =	sst s10  }
0x4a: {  	s1 =	ssub.s32 $0x2, s1;
	s13 =	simm.s32 $0xE10;
	[smem:$0x7E7] =	sst s11  }
0x4b: {  	s3 =	simm.s32 $0x1900;
	s14 =	simm.s32 $0xE78;
	[smem:$0x7E8] =	sst s13  }
0x4c: {  	s12 =	sshrl.u32 s1, $0x1;
	s15 =	simm.s32 $0xED8;
	[smem:$0x7E9] =	sst s14  }
0x4d: {  	s16 =	simm.s32 $0xF40;
	s17 =	simm.s32 $0xFA0;
	[smem:$0x7EA] =	sst s15  }
0x4e: {  	s18 =	simm.s32 $0x1008;
	s20 =	simm.s32 $0x1068;
	[smem:$0x7EB] =	sst s16  }
0x4f: {  	s1 =	ssub.s32 s1, s12;
	s4 =	simm.s32 $0x68;
	[smem:$0x7EC] =	sst s17  }
0x50: {  	s6 =	simm.s32 $0x60;
	[smem:$0x7ED] =	sst s18;
	s18 =	simm.s32 $0x4D00  }
0x51: {  	[smem:$0x7EE] =	sst s20;
	s21 =	simm.s32 $0x10D0;
	s8 =	simm.s32 $0x7D00  }
0x52: {  	s22 =	simm.s32 $0x1130;
	s17 =	simm.s32 $0xB100;
	[smem:$0x7EF] =	sst s21  }
0x53: {  	s23 =	simm.s32 $0x1198;
	s15 =	simm.s32 $0x1;
	[smem:$0x7F0] =	sst s22  }
0x54: {  	s24 =	simm.s32 $0x11F8;
	s5 =	simm.s32 $0x1C00;
	[smem:$0x7F1] =	sst s23  }
0x55: {  	s25 =	simm.s32 $0x1260;
	s7 =	simm.s32 $0xE100;
	[smem:$0x7F2] =	sst s24  }
0x56: {  	s26 =	simm.s32 $0x12C0;
	s16 =	simm.s32 $0x11500;
	[smem:$0x7F3] =	sst s25  }
0x57: {  	s9 =	simm.s32 $0x1328;
	s12 =	simm.s32 $0x2;
	[smem:$0x7F4] =	sst s26  }
0x58: {  	s10 =	simm.s32 $0x1388;
	s11 =	simm.s32 $0x13F0;
	[smem:$0x7F5] =	sst s9  }
0x59: {  	s13 =	simm.s32 $0x17900;
	s14 =	simm.s32 $0x1450;
	[smem:$0x7F6] =	sst s10  }
0x5a: {  	s20 =	simm.s32 $0x14B8;
	s1 =	smax.u32 s1, $0x1;
	[smem:$0x7F7] =	sst s11  }
0x5b: {  	s9 =	simm.s32 $0x14500;
	s11 =	simm.s32 $0x3;
	[smem:$0x7F8] =	sst s14  }
0x5c: {  	s25 =	simm.s32 $0x5;
	[smem:$0x7F9] =	sst s20;
	s21 =	simm.s32 $0x1518  }
0x5d: {  	s10 =	simm.s32 $0x4;
	s22 =	simm.s32 $0x1580;
	p1 =	sne.s32 s1, $0x1  }
.Ltmp0:
0x5e: {  	s24 =	simm.s32 $0x6;
	[smem:$0x7FA] =	sst s21;
	(pc) =	sbr.rel @!p1 .LBB2_1-.Ltmp0, $4  }
0x5f: {  	s23 =	simm.s32 $0x15E0;
	s26 =	simm.s32 $0x1648;
	[smem:$0x7FB] =	sst s22  }
0x60: {  	s14 =	simm.s32 $0x8;
	s20 =	simm.s32 $0x1838;
	[smem:$0x7FC] =	sst s23  }
0x61: {  	s21 =	simm.s32 $0x7;
	[smem:$0x7FD] =	sst s26;
	s1 =	sadd.s32 $0xFFFFFFFF, s1  }
0x62: {  	s23 =	simm.s32 $0x1710;
	s26 =	simm.s32 $0x17D8;
	s22 =	simm.s32 $0x18A0  }
0x63: {  	[tilespmem:s30], [sflag:$0x9] =	stream.linear.gather [hbm4b:s0+s30], $0x1900, $0x38;
	[tilespmem:$0x1A900] =	vst v63  }
0x64: {  	_ =	swait.ge [sflag:s31], $0x1900  }
0x65: {  	[sflag:s31] =	ssyncset.done $0x0  }
0x66: {  	[sflag:s31] =	ssyncadd.s32 $0xFFFFE700  }
0x67: {  	[tilespmem:s3], [sflag:$0x1] =	stream.indirect.gather [hbm4b:s2+s4], $0x80, s30, s4, $0xb8;
	[tilespmem:$0x1A900] =	vst v63  }
0x68: {  	s0 =	sld [smem:$0x7C6]  }
0x69: {  	[tilespmem:s18], [sflag:$0x1] =	stream.indirect.gather [hbm4b:s2+s6], $0x80, s4, s6, $0xb8;
	[tilespmem:$0x1A900] =	vst v63  }
0x6a: {  	s19 =	smov.u32 s1;
	s1 =	sld [smem:$0x7C7]  }
0x6b: {  	[tilespmem:s8], [sflag:$0x2] =	stream.indirect.gather [hbm4b:s2+s4], $0x80, s0, s4, $0xb8;
	[tilespmem:$0x1A900] =	vst v63  }
0x6c: {  	_ = 	snop  }
0x6d: {  	[tilespmem:s17], [sflag:$0x2] =	stream.indirect.gather [hbm4b:s2+s6], $0x80, s1, s6, $0xb8;
	[tilespmem:$0x1A900] =	vst v63  }
0x6e: {  	_ =	swait.ge [sflag:s15], $0x3400  }
0x6f: {  	[sflag:s15] =	ssyncset.done $0x0  }
0x70: {  	[sflag:s15] =	ssyncadd.s32 $0xFFFFCC00  }
0x71: {  	_ =	swait.ge [sflag:s15], $0x3000  }
0x72: {  	[sflag:s15] =	ssyncset.done $0x0  }
0x73: {  	s0 =	sld [smem:$0x7C8];
	[sflag:s15] =	ssyncadd.s32 $0xFFFFD000  }
0x74: {  	[hbm4b:s29+s3] =	stream.strided.scatter [tilespmem:s3], [sflag:$0x5], $0x6400, s5, s3, $0x38;
	[tilespmem:$0x1A900] =	vst v63  }
0x75: {  	s1 =	sld [smem:$0x7C9]  }
0x76: {  	[tilespmem:s7], [sflag:$0x3] =	stream.indirect.gather [hbm4b:s2+s4], $0x80, s0, s4, $0xb8;
	[tilespmem:$0x1A900] =	vst v63  }
0x77: {  	_ = 	snop  }
0x78: {  	[tilespmem:s16], [sflag:$0x3] =	stream.indirect.gather [hbm4b:s2+s6], $0x80, s1, s6, $0xb8;
	[tilespmem:$0x1A900] =	vst v63  }
0x79: {  	_ =	swait.ge [sflag:s12], $0x3400  }
0x7a: {  	[sflag:s12] =	ssyncset.done $0x0  }
0x7b: {  	[sflag:s12] =	ssyncadd.s32 $0xFFFFCC00  }
0x7c: {  	_ =	swait.ge [sflag:s12], $0x3000  }
0x7d: {  	s0 =	rddreg [dreg:$0x5];
	[sflag:s12] =	ssyncset.done $0x0  }
0x7e: {  	s1 =	sld [smem:$0x7CA];
	[sflag:s12] =	ssyncadd.s32 $0xFFFFD000  }
0x7f: {  	[hbm4b:s0+s3] =	stream.strided.scatter [tilespmem:s8], [sflag:$0x6], $0x6400, s5, s3, $0x38;
	[tilespmem:$0x1A900] =	vst v63  }
0x80: {  	s0 =	sld [smem:$0x7CB]  }
0x81: {  	[tilespmem:s9], [sflag:$0x4] =	stream.indirect.gather [hbm4b:s2+s4], $0x80, s1, s4, $0xb8;
	[tilespmem:$0x1A900] =	vst v63  }
0x82: {  	_ = 	snop  }
0x83: {  	[tilespmem:s13], [sflag:$0x4] =	stream.indirect.gather [hbm4b:s2+s6], $0x80, s0, s6, $0xb8;
	[tilespmem:$0x1A900] =	vst v63  }
0x84: {  	_ =	swait.ge [sflag:s11], $0x3400  }
0x85: {  	[sflag:s11] =	ssyncset.done $0x0  }
0x86: {  	[sflag:s11] =	ssyncadd.s32 $0xFFFFCC00  }
0x87: {  	_ =	swait.ge [sflag:s11], $0x3000  }
0x88: {  	[sflag:s11] =	ssyncset.done $0x0  }
0x89: {  	s1 =	rddreg [dreg:$0x6];
	[sflag:s11] =	ssyncadd.s32 $0xFFFFD000  }
0x8a: {  	[hbm4b:s1+s3] =	stream.strided.scatter [tilespmem:s7], [sflag:$0x7], $0x6400, s5, s3, $0x38;
	[tilespmem:$0x1A900] =	vst v63  }
0x8b: {  	_ =	swait.ge [sflag:s25], $0x6400  }
0x8c: {  	s0 =	sld [smem:$0x7CC]  }
0x8d: {  	[sflag:s25] =	ssyncset.done $0x0  }
0x8e: {  	s1 =	sld [smem:$0x7CD];
	[sflag:s25] =	ssyncadd.s32 $0xFFFF9C00  }
0x8f: {  	[tilespmem:s3], [sflag:$0x1] =	stream.indirect.gather [hbm4b:s2+s4], $0x80, s0, s4, $0xb8;
	[tilespmem:$0x1A900] =	vst v63  }
0x90: {  	_ = 	snop  }
0x91: {  	[tilespmem:s18], [sflag:$0x1] =	stream.indirect.gather [hbm4b:s2+s6], $0x80, s1, s6, $0xb8;
	[tilespmem:$0x1A900] =	vst v63  }
0x92: {  	_ =	swait.ge [sflag:s10], $0x3400  }
0x93: {  	[sflag:s10] =	ssyncset.done $0x0  }
0x94: {  	[sflag:s10] =	ssyncadd.s32 $0xFFFFCC00  }
0x95: {  	_ =	swait.ge [sflag:s10], $0x3000  }
0x96: {  	[sflag:s10] =	ssyncset.done $0x0  }
0x97: {  	s1 =	rddreg [dreg:$0x7];
	[sflag:s10] =	ssyncadd.s32 $0xFFFFD000  }
0x98: {  	[hbm4b:s1+s3] =	stream.strided.scatter [tilespmem:s9], [sflag:$0x8], $0x6400, s5, s3, $0x38;
	[tilespmem:$0x1A900] =	vst v63  }
0x99: {  	_ =	swait.ge [sflag:s24], $0x6400  }
0x9a: {  	s0 =	sld [smem:$0x7CE]  }
0x9b: {  	[sflag:s24] =	ssyncset.done $0x0  }
0x9c: {  	s1 =	sld [smem:$0x7CF];
	[sflag:s24] =	ssyncadd.s32 $0xFFFF9C00  }
0x9d: {  	[tilespmem:s8], [sflag:$0x2] =	stream.indirect.gather [hbm4b:s2+s4], $0x80, s0, s4, $0xb8;
	[tilespmem:$0x1A900] =	vst v63  }
0x9e: {  	_ = 	snop  }
0x9f: {  	[tilespmem:s17], [sflag:$0x2] =	stream.indirect.gather [hbm4b:s2+s6], $0x80, s1, s6, $0xb8;
	[tilespmem:$0x1A900] =	vst v63  }
0xa0: {  	_ =	swait.ge [sflag:s15], $0x3400  }
0xa1: {  	[sflag:s15] =	ssyncset.done $0x0  }
0xa2: {  	[sflag:s15] =	ssyncadd.s32 $0xFFFFCC00  }
0xa3: {  	_ =	swait.ge [sflag:s15], $0x3000  }
0xa4: {  	[sflag:s15] =	ssyncset.done $0x0  }
0xa5: {  	s1 =	rddreg [dreg:$0x8];
	[sflag:s15] =	ssyncadd.s32 $0xFFFFD000  }
0xa6: {  	[hbm4b:s1+s3] =	stream.strided.scatter [tilespmem:s3], [sflag:$0x5], $0x6400, s5, s3, $0x38;
	[tilespmem:$0x1A900] =	vst v63  }
0xa7: {  	_ =	swait.ge [sflag:s21], $0x6400  }
0xa8: {  	s0 =	sld [smem:$0x7D0]  }
0xa9: {  	[sflag:s21] =	ssyncset.done $0x0  }
0xaa: {  	s1 =	sld [smem:$0x7D1];
	[sflag:s21] =	ssyncadd.s32 $0xFFFF9C00  }
0xab: {  	[tilespmem:s7], [sflag:$0x3] =	stream.indirect.gather [hbm4b:s2+s4], $0x80, s0, s4, $0xb8;
	[tilespmem:$0x1A900] =	vst v63  }
0xac: {  	_ = 	snop  }
0xad: {  	[tilespmem:s16], [sflag:$0x3] =	stream.indirect.gather [hbm4b:s2+s6], $0x80, s1, s6, $0xb8;
	[tilespmem:$0x1A900] =	vst v63  }
0xae: {  	_ =	swait.ge [sflag:s12], $0x3400  }
0xaf: {  	[sflag:s12] =	ssyncset.done $0x0  }
0xb0: {  	[sflag:s12] =	ssyncadd.s32 $0xFFFFCC00  }
0xb1: {  	_ =	swait.ge [sflag:s12], $0x3000  }
0xb2: {  	[sflag:s12] =	ssyncset.done $0x0  }
0xb3: {  	s1 =	rddreg [dreg:$0x9];
	[sflag:s12] =	ssyncadd.s32 $0xFFFFD000  }
0xb4: {  	[hbm4b:s1+s3] =	stream.strided.scatter [tilespmem:s8], [sflag:$0x6], $0x6400, s5, s3, $0x38;
	[tilespmem:$0x1A900] =	vst v63  }
0xb5: {  	_ =	swait.ge [sflag:s14], $0x6400  }
0xb6: {  	s0 =	sld [smem:$0x7D2]  }
0xb7: {  	[sflag:s14] =	ssyncset.done $0x0  }
0xb8: {  	s1 =	sld [smem:$0x7D3];
	[sflag:s14] =	ssyncadd.s32 $0xFFFF9C00  }
0xb9: {  	[tilespmem:s9], [sflag:$0x4] =	stream.indirect.gather [hbm4b:s2+s4], $0x80, s0, s4, $0xb8;
	[tilespmem:$0x1A900] =	vst v63  }
0xba: {  	_ = 	snop  }
0xbb: {  	[tilespmem:s13], [sflag:$0x4] =	stream.indirect.gather [hbm4b:s2+s6], $0x80, s1, s6, $0xb8;
	[tilespmem:$0x1A900] =	vst v63  }
0xbc: {  	_ =	swait.ge [sflag:s11], $0x3400  }
0xbd: {  	[sflag:s11] =	ssyncset.done $0x0  }
0xbe: {  	[sflag:s11] =	ssyncadd.s32 $0xFFFFCC00  }
0xbf: {  	_ =	swait.ge [sflag:s11], $0x3000  }
0xc0: {  	[sflag:s11] =	ssyncset.done $0x0  }
0xc1: {  	s1 =	rddreg [dreg:$0xa];
	[sflag:s11] =	ssyncadd.s32 $0xFFFFD000  }
0xc2: {  	[hbm4b:s1+s3] =	stream.strided.scatter [tilespmem:s7], [sflag:$0x7], $0x6400, s5, s3, $0x38;
	[tilespmem:$0x1A900] =	vst v63  }
0xc3: {  	_ =	swait.ge [sflag:s25], $0x6400  }
0xc4: {  	s0 =	sld [smem:$0x7D4]  }
0xc5: {  	[sflag:s25] =	ssyncset.done $0x0  }
0xc6: {  	s1 =	sld [smem:$0x7D5];
	[sflag:s25] =	ssyncadd.s32 $0xFFFF9C00  }
0xc7: {  	[tilespmem:s3], [sflag:$0x1] =	stream.indirect.gather [hbm4b:s2+s4], $0x80, s0, s4, $0xb8;
	[tilespmem:$0x1A900] =	vst v63  }
0xc8: {  	_ = 	snop  }
0xc9: {  	[tilespmem:s18], [sflag:$0x1] =	stream.indirect.gather [hbm4b:s2+s6], $0x80, s1, s6, $0xb8;
	[tilespmem:$0x1A900] =	vst v63  }
0xca: {  	_ =	swait.ge [sflag:s10], $0x3400  }
0xcb: {  	[sflag:s10] =	ssyncset.done $0x0  }
0xcc: {  	[sflag:s10] =	ssyncadd.s32 $0xFFFFCC00  }
0xcd: {  	_ =	swait.ge [sflag:s10], $0x3000  }
0xce: {  	[sflag:s10] =	ssyncset.done $0x0  }
0xcf: {  	s1 =	rddreg [dreg:$0xb];
	[sflag:s10] =	ssyncadd.s32 $0xFFFFD000  }
0xd0: {  	[hbm4b:s1+s3] =	stream.strided.scatter [tilespmem:s9], [sflag:$0x8], $0x6400, s5, s3, $0x38;
	[tilespmem:$0x1A900] =	vst v63  }
0xd1: {  	_ =	swait.ge [sflag:s24], $0x6400  }
0xd2: {  	s0 =	sld [smem:$0x7D6]  }
0xd3: {  	[sflag:s24] =	ssyncset.done $0x0  }
0xd4: {  	s1 =	sld [smem:$0x7D7];
	[sflag:s24] =	ssyncadd.s32 $0xFFFF9C00  }
0xd5: {  	[tilespmem:s8], [sflag:$0x2] =	stream.indirect.gather [hbm4b:s2+s4], $0x80, s0, s4, $0xb8;
	[tilespmem:$0x1A900] =	vst v63  }
0xd6: {  	_ = 	snop  }
0xd7: {  	[tilespmem:s17], [sflag:$0x2] =	stream.indirect.gather [hbm4b:s2+s6], $0x80, s1, s6, $0xb8;
	[tilespmem:$0x1A900] =	vst v63  }
0xd8: {  	_ =	swait.ge [sflag:s15], $0x3400  }
0xd9: {  	[sflag:s15] =	ssyncset.done $0x0  }
0xda: {  	[sflag:s15] =	ssyncadd.s32 $0xFFFFCC00  }
0xdb: {  	_ =	swait.ge [sflag:s15], $0x3000  }
0xdc: {  	[sflag:s15] =	ssyncset.done $0x0  }
0xdd: {  	s1 =	rddreg [dreg:$0xc];
	[sflag:s15] =	ssyncadd.s32 $0xFFFFD000  }
0xde: {  	[hbm4b:s1+s3] =	stream.strided.scatter [tilespmem:s3], [sflag:$0x5], $0x6400, s5, s3, $0x38;
	[tilespmem:$0x1A900] =	vst v63  }
0xdf: {  	_ =	swait.ge [sflag:s21], $0x6400  }
0xe0: {  	s0 =	sld [smem:$0x7D8]  }
0xe1: {  	[sflag:s21] =	ssyncset.done $0x0  }
0xe2: {  	s1 =	sld [smem:$0x7D9];
	[sflag:s21] =	ssyncadd.s32 $0xFFFF9C00  }
0xe3: {  	[tilespmem:s7], [sflag:$0x3] =	stream.indirect.gather [hbm4b:s2+s4], $0x80, s0, s4, $0xb8;
	[tilespmem:$0x1A900] =	vst v63  }
0xe4: {  	_ = 	snop  }
0xe5: {  	[tilespmem:s16], [sflag:$0x3] =	stream.indirect.gather [hbm4b:s2+s6], $0x80, s1, s6, $0xb8;
	[tilespmem:$0x1A900] =	vst v63  }
0xe6: {  	_ =	swait.ge [sflag:s12], $0x3400  }
0xe7: {  	[sflag:s12] =	ssyncset.done $0x0  }
0xe8: {  	[sflag:s12] =	ssyncadd.s32 $0xFFFFCC00  }
0xe9: {  	_ =	swait.ge [sflag:s12], $0x3000  }
0xea: {  	[sflag:s12] =	ssyncset.done $0x0  }
0xeb: {  	s1 =	rddreg [dreg:$0xd];
	[sflag:s12] =	ssyncadd.s32 $0xFFFFD000  }
0xec: {  	[hbm4b:s1+s3] =	stream.strided.scatter [tilespmem:s8], [sflag:$0x6], $0x6400, s5, s3, $0x38;
	[tilespmem:$0x1A900] =	vst v63  }
0xed: {  	_ =	swait.ge [sflag:s14], $0x6400  }
0xee: {  	s0 =	sld [smem:$0x7DA]  }
0xef: {  	[sflag:s14] =	ssyncset.done $0x0  }
0xf0: {  	s1 =	sld [smem:$0x7DB];
	[sflag:s14] =	ssyncadd.s32 $0xFFFF9C00  }
0xf1: {  	[tilespmem:s9], [sflag:$0x4] =	stream.indirect.gather [hbm4b:s2+s4], $0x80, s0, s4, $0xb8;
	[tilespmem:$0x1A900] =	vst v63  }
0xf2: {  	_ = 	snop  }
0xf3: {  	[tilespmem:s13], [sflag:$0x4] =	stream.indirect.gather [hbm4b:s2+s6], $0x80, s1, s6, $0xb8;
	[tilespmem:$0x1A900] =	vst v63  }
0xf4: {  	_ =	swait.ge [sflag:s11], $0x3400  }
0xf5: {  	[sflag:s11] =	ssyncset.done $0x0  }
0xf6: {  	[sflag:s11] =	ssyncadd.s32 $0xFFFFCC00  }
0xf7: {  	_ =	swait.ge [sflag:s11], $0x3000  }
0xf8: {  	[sflag:s11] =	ssyncset.done $0x0  }
0xf9: {  	s1 =	rddreg [dreg:$0xe];
	[sflag:s11] =	ssyncadd.s32 $0xFFFFD000  }
0xfa: {  	[hbm4b:s1+s3] =	stream.strided.scatter [tilespmem:s7], [sflag:$0x7], $0x6400, s5, s3, $0x38;
	[tilespmem:$0x1A900] =	vst v63  }
0xfb: {  	_ =	swait.ge [sflag:s25], $0x6400  }
0xfc: {  	s0 =	sld [smem:$0x7DC]  }
0xfd: {  	[sflag:s25] =	ssyncset.done $0x0  }
0xfe: {  	s1 =	sld [smem:$0x7DD];
	[sflag:s25] =	ssyncadd.s32 $0xFFFF9C00  }
0xff: {  	[tilespmem:s3], [sflag:$0x1] =	stream.indirect.gather [hbm4b:s2+s4], $0x80, s0, s4, $0xb8;
	[tilespmem:$0x1A900] =	vst v63  }
0x100: {  	_ = 	snop  }
0x101: {  	[tilespmem:s18], [sflag:$0x1] =	stream.indirect.gather [hbm4b:s2+s6], $0x80, s1, s6, $0xb8;
	[tilespmem:$0x1A900] =	vst v63  }
0x102: {  	_ =	swait.ge [sflag:s10], $0x3400  }
0x103: {  	[sflag:s10] =	ssyncset.done $0x0  }
0x104: {  	[sflag:s10] =	ssyncadd.s32 $0xFFFFCC00  }
0x105: {  	_ =	swait.ge [sflag:s10], $0x3000  }
0x106: {  	[sflag:s10] =	ssyncset.done $0x0  }
0x107: {  	s1 =	rddreg [dreg:$0xf];
	[sflag:s10] =	ssyncadd.s32 $0xFFFFD000  }
0x108: {  	[hbm4b:s1+s3] =	stream.strided.scatter [tilespmem:s9], [sflag:$0x8], $0x6400, s5, s3, $0x38;
	[tilespmem:$0x1A900] =	vst v63  }
0x109: {  	_ =	swait.ge [sflag:s24], $0x6400  }
0x10a: {  	s0 =	sld [smem:$0x7DE]  }
0x10b: {  	[sflag:s24] =	ssyncset.done $0x0  }
0x10c: {  	s1 =	sld [smem:$0x7DF];
	[sflag:s24] =	ssyncadd.s32 $0xFFFF9C00  }
0x10d: {  	[tilespmem:s8], [sflag:$0x2] =	stream.indirect.gather [hbm4b:s2+s4], $0x80, s0, s4, $0xb8;
	[tilespmem:$0x1A900] =	vst v63  }
0x10e: {  	_ = 	snop  }
0x10f: {  	[tilespmem:s17], [sflag:$0x2] =	stream.indirect.gather [hbm4b:s2+s6], $0x80, s1, s6, $0xb8;
	[tilespmem:$0x1A900] =	vst v63  }
0x110: {  	_ =	swait.ge [sflag:s15], $0x3400  }
0x111: {  	[sflag:s15] =	ssyncset.done $0x0  }
0x112: {  	[sflag:s15] =	ssyncadd.s32 $0xFFFFCC00  }
0x113: {  	_ =	swait.ge [sflag:s15], $0x3000  }
0x114: {  	[sflag:s15] =	ssyncset.done $0x0  }
0x115: {  	s1 =	rddreg [dreg:$0x10];
	[sflag:s15] =	ssyncadd.s32 $0xFFFFD000  }
0x116: {  	[hbm4b:s1+s3] =	stream.strided.scatter [tilespmem:s3], [sflag:$0x5], $0x6400, s5, s3, $0x38;
	[tilespmem:$0x1A900] =	vst v63  }
0x117: {  	_ =	swait.ge [sflag:s21], $0x6400  }
0x118: {  	s0 =	sld [smem:$0x7E0]  }
0x119: {  	[sflag:s21] =	ssyncset.done $0x0  }
0x11a: {  	s1 =	sld [smem:$0x7E1];
	[sflag:s21] =	ssyncadd.s32 $0xFFFF9C00  }
0x11b: {  	[tilespmem:s7], [sflag:$0x3] =	stream.indirect.gather [hbm4b:s2+s4], $0x80, s0, s4, $0xb8;
	[tilespmem:$0x1A900] =	vst v63  }
0x11c: {  	_ = 	snop  }
0x11d: {  	[tilespmem:s16], [sflag:$0x3] =	stream.indirect.gather [hbm4b:s2+s6], $0x80, s1, s6, $0xb8;
	[tilespmem:$0x1A900] =	vst v63  }
0x11e: {  	_ =	swait.ge [sflag:s12], $0x3400  }
0x11f: {  	[sflag:s12] =	ssyncset.done $0x0  }
0x120: {  	[sflag:s12] =	ssyncadd.s32 $0xFFFFCC00  }
0x121: {  	_ =	swait.ge [sflag:s12], $0x3000  }
0x122: {  	[sflag:s12] =	ssyncset.done $0x0  }
0x123: {  	s1 =	rddreg [dreg:$0x11];
	[sflag:s12] =	ssyncadd.s32 $0xFFFFD000  }
0x124: {  	[hbm4b:s1+s3] =	stream.strided.scatter [tilespmem:s8], [sflag:$0x6], $0x6400, s5, s3, $0x38;
	[tilespmem:$0x1A900] =	vst v63  }
0x125: {  	_ =	swait.ge [sflag:s14], $0x6400  }
0x126: {  	s0 =	sld [smem:$0x7E2]  }
0x127: {  	[sflag:s14] =	ssyncset.done $0x0  }
0x128: {  	s1 =	sld [smem:$0x7E3];
	[sflag:s14] =	ssyncadd.s32 $0xFFFF9C00  }
0x129: {  	[tilespmem:s9], [sflag:$0x4] =	stream.indirect.gather [hbm4b:s2+s4], $0x80, s0, s4, $0xb8;
	[tilespmem:$0x1A900] =	vst v63  }
0x12a: {  	_ = 	snop  }
0x12b: {  	[tilespmem:s13], [sflag:$0x4] =	stream.indirect.gather [hbm4b:s2+s6], $0x80, s1, s6, $0xb8;
	[tilespmem:$0x1A900] =	vst v63  }
0x12c: {  	_ =	swait.ge [sflag:s11], $0x3400  }
0x12d: {  	[sflag:s11] =	ssyncset.done $0x0  }
0x12e: {  	[sflag:s11] =	ssyncadd.s32 $0xFFFFCC00  }
0x12f: {  	_ =	swait.ge [sflag:s11], $0x3000  }
0x130: {  	[sflag:s11] =	ssyncset.done $0x0  }
0x131: {  	s1 =	rddreg [dreg:$0x12];
	[sflag:s11] =	ssyncadd.s32 $0xFFFFD000  }
0x132: {  	[hbm4b:s1+s3] =	stream.strided.scatter [tilespmem:s7], [sflag:$0x7], $0x6400, s5, s3, $0x38;
	[tilespmem:$0x1A900] =	vst v63  }
0x133: {  	_ =	swait.ge [sflag:s25], $0x6400  }
0x134: {  	s0 =	sld [smem:$0x7E4]  }
0x135: {  	[sflag:s25] =	ssyncset.done $0x0  }
0x136: {  	s1 =	sld [smem:$0x7E5];
	[sflag:s25] =	ssyncadd.s32 $0xFFFF9C00  }
0x137: {  	[tilespmem:s3], [sflag:$0x1] =	stream.indirect.gather [hbm4b:s2+s4], $0x80, s0, s4, $0xb8;
	[tilespmem:$0x1A900] =	vst v63  }
0x138: {  	_ = 	snop  }
0x139: {  	[tilespmem:s18], [sflag:$0x1] =	stream.indirect.gather [hbm4b:s2+s6], $0x80, s1, s6, $0xb8;
	[tilespmem:$0x1A900] =	vst v63  }
0x13a: {  	_ =	swait.ge [sflag:s10], $0x3400  }
0x13b: {  	[sflag:s10] =	ssyncset.done $0x0  }
0x13c: {  	[sflag:s10] =	ssyncadd.s32 $0xFFFFCC00  }
0x13d: {  	_ =	swait.ge [sflag:s10], $0x3000  }
0x13e: {  	[sflag:s10] =	ssyncset.done $0x0  }
0x13f: {  	s1 =	rddreg [dreg:$0x13];
	[sflag:s10] =	ssyncadd.s32 $0xFFFFD000  }
0x140: {  	[hbm4b:s1+s3] =	stream.strided.scatter [tilespmem:s9], [sflag:$0x8], $0x6400, s5, s3, $0x38;
	[tilespmem:$0x1A900] =	vst v63  }
0x141: {  	_ =	swait.ge [sflag:s24], $0x6400  }
0x142: {  	s0 =	sld [smem:$0x7E6]  }
0x143: {  	[sflag:s24] =	ssyncset.done $0x0  }
0x144: {  	s1 =	sld [smem:$0x7E7];
	[sflag:s24] =	ssyncadd.s32 $0xFFFF9C00  }
0x145: {  	[tilespmem:s8], [sflag:$0x2] =	stream.indirect.gather [hbm4b:s2+s4], $0x80, s0, s4, $0xb8;
	[tilespmem:$0x1A900] =	vst v63  }
0x146: {  	_ = 	snop  }
0x147: {  	[tilespmem:s17], [sflag:$0x2] =	stream.indirect.gather [hbm4b:s2+s6], $0x80, s1, s6, $0xb8;
	[tilespmem:$0x1A900] =	vst v63  }
0x148: {  	_ =	swait.ge [sflag:s15], $0x3400  }
0x149: {  	[sflag:s15] =	ssyncset.done $0x0  }
0x14a: {  	[sflag:s15] =	ssyncadd.s32 $0xFFFFCC00  }
0x14b: {  	_ =	swait.ge [sflag:s15], $0x3000  }
0x14c: {  	[sflag:s15] =	ssyncset.done $0x0  }
0x14d: {  	s1 =	rddreg [dreg:$0x14];
	[sflag:s15] =	ssyncadd.s32 $0xFFFFD000  }
0x14e: {  	[hbm4b:s1+s3] =	stream.strided.scatter [tilespmem:s3], [sflag:$0x5], $0x6400, s5, s3, $0x38;
	[tilespmem:$0x1A900] =	vst v63  }
0x14f: {  	_ =	swait.ge [sflag:s21], $0x6400  }
0x150: {  	s0 =	sld [smem:$0x7E8]  }
0x151: {  	[sflag:s21] =	ssyncset.done $0x0  }
0x152: {  	s1 =	sld [smem:$0x7E9];
	[sflag:s21] =	ssyncadd.s32 $0xFFFF9C00  }
0x153: {  	[tilespmem:s7], [sflag:$0x3] =	stream.indirect.gather [hbm4b:s2+s4], $0x80, s0, s4, $0xb8;
	[tilespmem:$0x1A900] =	vst v63  }
0x154: {  	_ = 	snop  }
0x155: {  	[tilespmem:s16], [sflag:$0x3] =	stream.indirect.gather [hbm4b:s2+s6], $0x80, s1, s6, $0xb8;
	[tilespmem:$0x1A900] =	vst v63  }
0x156: {  	_ =	swait.ge [sflag:s12], $0x3400  }
0x157: {  	[sflag:s12] =	ssyncset.done $0x0  }
0x158: {  	[sflag:s12] =	ssyncadd.s32 $0xFFFFCC00  }
0x159: {  	_ =	swait.ge [sflag:s12], $0x3000  }
0x15a: {  	[sflag:s12] =	ssyncset.done $0x0  }
0x15b: {  	s1 =	rddreg [dreg:$0x15];
	[sflag:s12] =	ssyncadd.s32 $0xFFFFD000  }
0x15c: {  	[hbm4b:s1+s3] =	stream.strided.scatter [tilespmem:s8], [sflag:$0x6], $0x6400, s5, s3, $0x38;
	[tilespmem:$0x1A900] =	vst v63  }
0x15d: {  	_ =	swait.ge [sflag:s14], $0x6400  }
0x15e: {  	s0 =	sld [smem:$0x7EA]  }
0x15f: {  	[sflag:s14] =	ssyncset.done $0x0  }
0x160: {  	s1 =	sld [smem:$0x7EB];
	[sflag:s14] =	ssyncadd.s32 $0xFFFF9C00  }
0x161: {  	[tilespmem:s9], [sflag:$0x4] =	stream.indirect.gather [hbm4b:s2+s4], $0x80, s0, s4, $0xb8;
	[tilespmem:$0x1A900] =	vst v63  }
0x162: {  	_ = 	snop  }
0x163: {  	[tilespmem:s13], [sflag:$0x4] =	stream.indirect.gather [hbm4b:s2+s6], $0x80, s1, s6, $0xb8;
	[tilespmem:$0x1A900] =	vst v63  }
0x164: {  	_ =	swait.ge [sflag:s11], $0x3400  }
0x165: {  	[sflag:s11] =	ssyncset.done $0x0  }
0x166: {  	[sflag:s11] =	ssyncadd.s32 $0xFFFFCC00  }
0x167: {  	_ =	swait.ge [sflag:s11], $0x3000  }
0x168: {  	[sflag:s11] =	ssyncset.done $0x0  }
0x169: {  	s1 =	rddreg [dreg:$0x16];
	[sflag:s11] =	ssyncadd.s32 $0xFFFFD000  }
0x16a: {  	[hbm4b:s1+s3] =	stream.strided.scatter [tilespmem:s7], [sflag:$0x7], $0x6400, s5, s3, $0x38;
	[tilespmem:$0x1A900] =	vst v63  }
0x16b: {  	_ =	swait.ge [sflag:s25], $0x6400  }
0x16c: {  	s0 =	sld [smem:$0x7EC]  }
0x16d: {  	[sflag:s25] =	ssyncset.done $0x0  }
0x16e: {  	s1 =	sld [smem:$0x7ED];
	[sflag:s25] =	ssyncadd.s32 $0xFFFF9C00  }
0x16f: {  	[tilespmem:s3], [sflag:$0x1] =	stream.indirect.gather [hbm4b:s2+s4], $0x80, s0, s4, $0xb8;
	[tilespmem:$0x1A900] =	vst v63  }
0x170: {  	_ = 	snop  }
0x171: {  	[tilespmem:s18], [sflag:$0x1] =	stream.indirect.gather [hbm4b:s2+s6], $0x80, s1, s6, $0xb8;
	[tilespmem:$0x1A900] =	vst v63  }
0x172: {  	_ =	swait.ge [sflag:s10], $0x3400  }
0x173: {  	[sflag:s10] =	ssyncset.done $0x0  }
0x174: {  	[sflag:s10] =	ssyncadd.s32 $0xFFFFCC00  }
0x175: {  	_ =	swait.ge [sflag:s10], $0x3000  }
0x176: {  	[sflag:s10] =	ssyncset.done $0x0  }
0x177: {  	s1 =	rddreg [dreg:$0x17];
	[sflag:s10] =	ssyncadd.s32 $0xFFFFD000  }
0x178: {  	[hbm4b:s1+s3] =	stream.strided.scatter [tilespmem:s9], [sflag:$0x8], $0x6400, s5, s3, $0x38;
	[tilespmem:$0x1A900] =	vst v63  }
0x179: {  	_ =	swait.ge [sflag:s24], $0x6400  }
0x17a: {  	s0 =	sld [smem:$0x7EE]  }
0x17b: {  	[sflag:s24] =	ssyncset.done $0x0  }
0x17c: {  	s1 =	sld [smem:$0x7EF];
	[sflag:s24] =	ssyncadd.s32 $0xFFFF9C00  }
0x17d: {  	[tilespmem:s8], [sflag:$0x2] =	stream.indirect.gather [hbm4b:s2+s4], $0x80, s0, s4, $0xb8;
	[tilespmem:$0x1A900] =	vst v63  }
0x17e: {  	_ = 	snop  }
0x17f: {  	[tilespmem:s17], [sflag:$0x2] =	stream.indirect.gather [hbm4b:s2+s6], $0x80, s1, s6, $0xb8;
	[tilespmem:$0x1A900] =	vst v63  }
0x180: {  	_ =	swait.ge [sflag:s15], $0x3400  }
0x181: {  	[sflag:s15] =	ssyncset.done $0x0  }
0x182: {  	[sflag:s15] =	ssyncadd.s32 $0xFFFFCC00  }
0x183: {  	_ =	swait.ge [sflag:s15], $0x3000  }
0x184: {  	[sflag:s15] =	ssyncset.done $0x0  }
0x185: {  	s1 =	rddreg [dreg:$0x18];
	[sflag:s15] =	ssyncadd.s32 $0xFFFFD000  }
0x186: {  	[hbm4b:s1+s3] =	stream.strided.scatter [tilespmem:s3], [sflag:$0x5], $0x6400, s5, s3, $0x38;
	[tilespmem:$0x1A900] =	vst v63  }
0x187: {  	_ =	swait.ge [sflag:s21], $0x6400  }
0x188: {  	s0 =	sld [smem:$0x7F0]  }
0x189: {  	[sflag:s21] =	ssyncset.done $0x0  }
0x18a: {  	s1 =	sld [smem:$0x7F1];
	[sflag:s21] =	ssyncadd.s32 $0xFFFF9C00  }
0x18b: {  	[tilespmem:s7], [sflag:$0x3] =	stream.indirect.gather [hbm4b:s2+s4], $0x80, s0, s4, $0xb8;
	[tilespmem:$0x1A900] =	vst v63  }
0x18c: {  	_ = 	snop  }
0x18d: {  	[tilespmem:s16], [sflag:$0x3] =	stream.indirect.gather [hbm4b:s2+s6], $0x80, s1, s6, $0xb8;
	[tilespmem:$0x1A900] =	vst v63  }
0x18e: {  	_ =	swait.ge [sflag:s12], $0x3400  }
0x18f: {  	[sflag:s12] =	ssyncset.done $0x0  }
0x190: {  	[sflag:s12] =	ssyncadd.s32 $0xFFFFCC00  }
0x191: {  	_ =	swait.ge [sflag:s12], $0x3000  }
0x192: {  	[sflag:s12] =	ssyncset.done $0x0  }
0x193: {  	s1 =	rddreg [dreg:$0x19];
	[sflag:s12] =	ssyncadd.s32 $0xFFFFD000  }
0x194: {  	[hbm4b:s1+s3] =	stream.strided.scatter [tilespmem:s8], [sflag:$0x6], $0x6400, s5, s3, $0x38;
	[tilespmem:$0x1A900] =	vst v63  }
0x195: {  	_ =	swait.ge [sflag:s14], $0x6400  }
0x196: {  	s0 =	sld [smem:$0x7F2]  }
0x197: {  	[sflag:s14] =	ssyncset.done $0x0  }
0x198: {  	s1 =	sld [smem:$0x7F3];
	[sflag:s14] =	ssyncadd.s32 $0xFFFF9C00  }
0x199: {  	[tilespmem:s9], [sflag:$0x4] =	stream.indirect.gather [hbm4b:s2+s4], $0x80, s0, s4, $0xb8;
	[tilespmem:$0x1A900] =	vst v63  }
0x19a: {  	_ = 	snop  }
0x19b: {  	[tilespmem:s13], [sflag:$0x4] =	stream.indirect.gather [hbm4b:s2+s6], $0x80, s1, s6, $0xb8;
	[tilespmem:$0x1A900] =	vst v63  }
0x19c: {  	_ =	swait.ge [sflag:s11], $0x3400  }
0x19d: {  	[sflag:s11] =	ssyncset.done $0x0  }
0x19e: {  	[sflag:s11] =	ssyncadd.s32 $0xFFFFCC00  }
0x19f: {  	_ =	swait.ge [sflag:s11], $0x3000  }
0x1a0: {  	[sflag:s11] =	ssyncset.done $0x0  }
0x1a1: {  	s1 =	rddreg [dreg:$0x1a];
	[sflag:s11] =	ssyncadd.s32 $0xFFFFD000  }
0x1a2: {  	[hbm4b:s1+s3] =	stream.strided.scatter [tilespmem:s7], [sflag:$0x7], $0x6400, s5, s3, $0x38;
	[tilespmem:$0x1A900] =	vst v63  }
0x1a3: {  	_ =	swait.ge [sflag:s25], $0x6400  }
0x1a4: {  	s0 =	sld [smem:$0x7F4]  }
0x1a5: {  	[sflag:s25] =	ssyncset.done $0x0  }
0x1a6: {  	s1 =	sld [smem:$0x7F5];
	[sflag:s25] =	ssyncadd.s32 $0xFFFF9C00  }
0x1a7: {  	[tilespmem:s3], [sflag:$0x1] =	stream.indirect.gather [hbm4b:s2+s4], $0x80, s0, s4, $0xb8;
	[tilespmem:$0x1A900] =	vst v63  }
0x1a8: {  	_ = 	snop  }
0x1a9: {  	[tilespmem:s18], [sflag:$0x1] =	stream.indirect.gather [hbm4b:s2+s6], $0x80, s1, s6, $0xb8;
	[tilespmem:$0x1A900] =	vst v63  }
0x1aa: {  	_ =	swait.ge [sflag:s10], $0x3400  }
0x1ab: {  	[sflag:s10] =	ssyncset.done $0x0  }
0x1ac: {  	[sflag:s10] =	ssyncadd.s32 $0xFFFFCC00  }
0x1ad: {  	_ =	swait.ge [sflag:s10], $0x3000  }
0x1ae: {  	[sflag:s10] =	ssyncset.done $0x0  }
0x1af: {  	s1 =	rddreg [dreg:$0x1b];
	[sflag:s10] =	ssyncadd.s32 $0xFFFFD000  }
0x1b0: {  	[hbm4b:s1+s3] =	stream.strided.scatter [tilespmem:s9], [sflag:$0x8], $0x6400, s5, s3, $0x38;
	[tilespmem:$0x1A900] =	vst v63  }
0x1b1: {  	_ =	swait.ge [sflag:s24], $0x6400  }
0x1b2: {  	s0 =	sld [smem:$0x7F6]  }
0x1b3: {  	[sflag:s24] =	ssyncset.done $0x0  }
0x1b4: {  	s1 =	sld [smem:$0x7F7];
	[sflag:s24] =	ssyncadd.s32 $0xFFFF9C00  }
0x1b5: {  	[tilespmem:s8], [sflag:$0x2] =	stream.indirect.gather [hbm4b:s2+s4], $0x80, s0, s4, $0xb8;
	[tilespmem:$0x1A900] =	vst v63  }
0x1b6: {  	_ = 	snop  }
0x1b7: {  	[tilespmem:s17], [sflag:$0x2] =	stream.indirect.gather [hbm4b:s2+s6], $0x80, s1, s6, $0xb8;
	[tilespmem:$0x1A900] =	vst v63  }
0x1b8: {  	_ =	swait.ge [sflag:s15], $0x3400  }
0x1b9: {  	[sflag:s15] =	ssyncset.done $0x0  }
0x1ba: {  	[sflag:s15] =	ssyncadd.s32 $0xFFFFCC00  }
0x1bb: {  	_ =	swait.ge [sflag:s15], $0x3000  }
0x1bc: {  	[sflag:s15] =	ssyncset.done $0x0  }
0x1bd: {  	s1 =	rddreg [dreg:$0x1c];
	[sflag:s15] =	ssyncadd.s32 $0xFFFFD000  }
0x1be: {  	[hbm4b:s1+s3] =	stream.strided.scatter [tilespmem:s3], [sflag:$0x5], $0x6400, s5, s3, $0x38;
	[tilespmem:$0x1A900] =	vst v63  }
0x1bf: {  	_ =	swait.ge [sflag:s21], $0x6400  }
0x1c0: {  	s0 =	sld [smem:$0x7F8]  }
0x1c1: {  	[sflag:s21] =	ssyncset.done $0x0  }
0x1c2: {  	s1 =	sld [smem:$0x7F9];
	[sflag:s21] =	ssyncadd.s32 $0xFFFF9C00  }
0x1c3: {  	[tilespmem:s7], [sflag:$0x3] =	stream.indirect.gather [hbm4b:s2+s4], $0x80, s0, s4, $0xb8;
	[tilespmem:$0x1A900] =	vst v63  }
0x1c4: {  	_ = 	snop  }
0x1c5: {  	[tilespmem:s16], [sflag:$0x3] =	stream.indirect.gather [hbm4b:s2+s6], $0x80, s1, s6, $0xb8;
	[tilespmem:$0x1A900] =	vst v63  }
0x1c6: {  	_ =	swait.ge [sflag:s12], $0x3400  }
0x1c7: {  	[sflag:s12] =	ssyncset.done $0x0  }
0x1c8: {  	[sflag:s12] =	ssyncadd.s32 $0xFFFFCC00  }
0x1c9: {  	_ =	swait.ge [sflag:s12], $0x3000  }
0x1ca: {  	[sflag:s12] =	ssyncset.done $0x0  }
0x1cb: {  	s1 =	rddreg [dreg:$0x1d];
	[sflag:s12] =	ssyncadd.s32 $0xFFFFD000  }
0x1cc: {  	[hbm4b:s1+s3] =	stream.strided.scatter [tilespmem:s8], [sflag:$0x6], $0x6400, s5, s3, $0x38;
	[tilespmem:$0x1A900] =	vst v63  }
0x1cd: {  	_ =	swait.ge [sflag:s14], $0x6400  }
0x1ce: {  	s0 =	sld [smem:$0x7FA]  }
0x1cf: {  	[sflag:s14] =	ssyncset.done $0x0  }
0x1d0: {  	s1 =	sld [smem:$0x7FB];
	[sflag:s14] =	ssyncadd.s32 $0xFFFF9C00  }
0x1d1: {  	[tilespmem:s9], [sflag:$0x4] =	stream.indirect.gather [hbm4b:s2+s4], $0x80, s0, s4, $0xb8;
	[tilespmem:$0x1A900] =	vst v63  }
0x1d2: {  	_ = 	snop  }
0x1d3: {  	[tilespmem:s13], [sflag:$0x4] =	stream.indirect.gather [hbm4b:s2+s6], $0x80, s1, s6, $0xb8;
	[tilespmem:$0x1A900] =	vst v63  }
0x1d4: {  	_ =	swait.ge [sflag:s11], $0x3400  }
0x1d5: {  	[sflag:s11] =	ssyncset.done $0x0  }
0x1d6: {  	[sflag:s11] =	ssyncadd.s32 $0xFFFFCC00  }
0x1d7: {  	_ =	swait.ge [sflag:s11], $0x3000  }
0x1d8: {  	[sflag:s11] =	ssyncset.done $0x0  }
0x1d9: {  	s1 =	rddreg [dreg:$0x1e];
	[sflag:s11] =	ssyncadd.s32 $0xFFFFD000  }
0x1da: {  	[hbm4b:s1+s3] =	stream.strided.scatter [tilespmem:s7], [sflag:$0x7], $0x6400, s5, s3, $0x38;
	[tilespmem:$0x1A900] =	vst v63  }
0x1db: {  	_ =	swait.ge [sflag:s25], $0x6400  }
0x1dc: {  	s0 =	sld [smem:$0x7FC]  }
0x1dd: {  	[sflag:s25] =	ssyncset.done $0x0  }
0x1de: {  	s1 =	sld [smem:$0x7FD];
	[sflag:s25] =	ssyncadd.s32 $0xFFFF9C00  }
0x1df: {  	[tilespmem:s3], [sflag:$0x1] =	stream.indirect.gather [hbm4b:s2+s4], $0x80, s0, s4, $0xb8;
	[tilespmem:$0x1A900] =	vst v63  }
0x1e0: {  	_ = 	snop  }
0x1e1: {  	[tilespmem:s18], [sflag:$0x1] =	stream.indirect.gather [hbm4b:s2+s6], $0x80, s1, s6, $0xb8;
	[tilespmem:$0x1A900] =	vst v63  }
0x1e2: {  	_ =	swait.ge [sflag:s10], $0x3400  }
0x1e3: {  	[sflag:s10] =	ssyncset.done $0x0  }
0x1e4: {  	[sflag:s10] =	ssyncadd.s32 $0xFFFFCC00  }
0x1e5: {  	_ =	swait.ge [sflag:s10], $0x3000  }
0x1e6: {  	[sflag:s10] =	ssyncset.done $0x0  }
0x1e7: {  	s1 =	rddreg [dreg:$0x1f];
	[sflag:s10] =	ssyncadd.s32 $0xFFFFD000  }
0x1e8: {  	[hbm4b:s1+s3] =	stream.strided.scatter [tilespmem:s9], [sflag:$0x8], $0x6400, s5, s3, $0x38;
	[tilespmem:$0x1A900] =	vst v63  }
0x1e9: {  	_ =	swait.ge [sflag:s24], $0x6400  }
0x1ea: {  	[sflag:s24] =	ssyncset.done $0x0  }
0x1eb: {  	[sflag:s24] =	ssyncadd.s32 $0xFFFF9C00  }
0x1ec: {  	[tilespmem:s8], [sflag:$0x2] =	stream.indirect.gather [hbm4b:s2+s4], $0x80, s28, s4, $0xb8;
	[tilespmem:$0x1A900] =	vst v63  }
0x1ed: {  	_ = 	snop  }
0x1ee: {  	[tilespmem:s17], [sflag:$0x2] =	stream.indirect.gather [hbm4b:s2+s6], $0x80, s23, s6, $0xb8;
	[tilespmem:$0x1A900] =	vst v63  }
0x1ef: {  	_ =	swait.ge [sflag:s15], $0x3400  }
0x1f0: {  	[sflag:s15] =	ssyncset.done $0x0  }
0x1f1: {  	[sflag:s15] =	ssyncadd.s32 $0xFFFFCC00  }
0x1f2: {  	_ =	swait.ge [sflag:s15], $0x3000  }
0x1f3: {  	s1 =	sld [smem:$0x7C2]  }
0x1f4: {  	[sflag:s15] =	ssyncset.done $0x0  }
0x1f5: {  	[sflag:s15] =	ssyncadd.s32 $0xFFFFD000  }
0x1f6: {  	[hbm4b:s1+s3] =	stream.strided.scatter [tilespmem:s3], [sflag:$0x5], $0x6400, s5, s3, $0x38;
	[tilespmem:$0x1A900] =	vst v63  }
0x1f7: {  	_ =	swait.ge [sflag:s21], $0x6400  }
0x1f8: {  	[sflag:s21] =	ssyncset.done $0x0  }
0x1f9: {  	s1 =	simm.s32 $0x1770;
	[sflag:s21] =	ssyncadd.s32 $0xFFFF9C00  }
0x1fa: {  	[tilespmem:s7], [sflag:$0x3] =	stream.indirect.gather [hbm4b:s2+s4], $0x80, s1, s4, $0xb8;
	[tilespmem:$0x1A900] =	vst v63  }
0x1fb: {  	_ = 	snop  }
0x1fc: {  	[tilespmem:s16], [sflag:$0x3] =	stream.indirect.gather [hbm4b:s2+s6], $0x80, s26, s6, $0xb8;
	[tilespmem:$0x1A900] =	vst v63  }
0x1fd: {  	_ =	swait.ge [sflag:s12], $0x3400  }
0x1fe: {  	[sflag:s12] =	ssyncset.done $0x0  }
0x1ff: {  	[sflag:s12] =	ssyncadd.s32 $0xFFFFCC00  }
0x200: {  	_ =	swait.ge [sflag:s12], $0x3000  }
0x201: {  	s1 =	sld [smem:$0x7C3]  }
0x202: {  	[sflag:s12] =	ssyncset.done $0x0  }
0x203: {  	[sflag:s12] =	ssyncadd.s32 $0xFFFFD000  }
0x204: {  	[hbm4b:s1+s3] =	stream.strided.scatter [tilespmem:s8], [sflag:$0x6], $0x6400, s5, s3, $0x38;
	[tilespmem:$0x1A900] =	vst v63  }
0x205: {  	_ =	swait.ge [sflag:s14], $0x6400  }
0x206: {  	[sflag:s14] =	ssyncset.done $0x0  }
0x207: {  	[sflag:s14] =	ssyncadd.s32 $0xFFFF9C00  }
0x208: {  	[tilespmem:s9], [sflag:$0x4] =	stream.indirect.gather [hbm4b:s2+s4], $0x80, s20, s4, $0xb8;
	[tilespmem:$0x1A900] =	vst v63  }
0x209: {  	_ = 	snop  }
0x20a: {  	[tilespmem:s13], [sflag:$0x4] =	stream.indirect.gather [hbm4b:s2+s6], $0x80, s22, s6, $0xb8;
	[tilespmem:$0x1A900] =	vst v63  }
0x20b: {  	_ =	swait.ge [sflag:s11], $0x3400  }
0x20c: {  	[sflag:s11] =	ssyncset.done $0x0  }
0x20d: {  	[sflag:s11] =	ssyncadd.s32 $0xFFFFCC00  }
0x20e: {  	_ =	swait.ge [sflag:s11], $0x3000  }
0x20f: {  	s1 =	sld [smem:$0x7C4]  }
0x210: {  	[sflag:s11] =	ssyncset.done $0x0  }
0x211: {  	[sflag:s11] =	ssyncadd.s32 $0xFFFFD000  }
0x212: {  	[hbm4b:s1+s3] =	stream.strided.scatter [tilespmem:s7], [sflag:$0x7], $0x6400, s5, s3, $0x38;
	[tilespmem:$0x1A900] =	vst v63  }
0x213: {  	_ =	swait.ge [sflag:s10], $0x3400  }
0x214: {  	[sflag:s10] =	ssyncset.done $0x0  }
0x215: {  	[sflag:s10] =	ssyncadd.s32 $0xFFFFCC00  }
0x216: {  	_ =	swait.ge [sflag:s10], $0x3000  }
0x217: {  	p1 =	sne.s32 s19, $0x1;
	s1 =	sld [smem:$0x7C5]  }
.Ltmp1:
0x218: {  	[sflag:s10] =	ssyncset.done $0x0;
	(pc) =	sbr.rel @!p1 .LBB2_3-.Ltmp1, $4  }
0x219: {  	[sflag:s10] =	ssyncadd.s32 $0xFFFFD000  }
0x21a: {  	[hbm4b:s1+s3] =	stream.strided.scatter [tilespmem:s9], [sflag:$0x8], $0x6400, s5, s3, $0x38;
	[tilespmem:$0x1A900] =	vst v63  }
0x21b: {  	p0 =	por $0x1, $0x1;
	_ =	swait.ge [sflag:s14], $0x6400  }
0x21c: {  	s1 =	sadd.s32 $0xFFFFFFFF, s19;
	s0 =	rddreg [dreg:$0x4];
	[sflag:s14] =	ssyncset.done $0x0  }
.LBB2_4:
0x21d: {  	[sflag:s14] =	ssyncadd.s32 $0xFFFF9C00  }
0x21e: {  	[tilespmem:s30], [sflag:$0x9] =	stream.linear.gather [hbm4b:s0+s30], $0x1900, $0x38;
	[tilespmem:$0x1A900] =	vst v63  }
0x21f: {  	_ =	swait.ge [sflag:s31], $0x1900  }
0x220: {  	[sflag:s31] =	ssyncset.done $0x0  }
0x221: {  	[sflag:s31] =	ssyncadd.s32 $0xFFFFE700  }
0x222: {  	[tilespmem:s3], [sflag:$0x1] =	stream.indirect.gather [hbm4b:s2+s4], $0x80, s30, s4, $0xb8;
	[tilespmem:$0x1A900] =	vst v63  }
0x223: {  	s0 =	sld [smem:$0x7C6]  }
0x224: {  	[tilespmem:s18], [sflag:$0x1] =	stream.indirect.gather [hbm4b:s2+s6], $0x80, s4, s6, $0xb8;
	[tilespmem:$0x1A900] =	vst v63  }
0x225: {  	s19 =	sld [smem:$0x7C7]  }
0x226: {  	[tilespmem:s8], [sflag:$0x2] =	stream.indirect.gather [hbm4b:s2+s4], $0x80, s0, s4, $0xb8;
	[tilespmem:$0x1A900] =	vst v63  }
0x227: {  	_ = 	snop  }
0x228: {  	[tilespmem:s17], [sflag:$0x2] =	stream.indirect.gather [hbm4b:s2+s6], $0x80, s19, s6, $0xb8;
	[tilespmem:$0x1A900] =	vst v63  }
0x229: {  	_ =	swait.ge [sflag:s15], $0x3400  }
0x22a: {  	[sflag:s15] =	ssyncset.done $0x0  }
0x22b: {  	[sflag:s15] =	ssyncadd.s32 $0xFFFFCC00  }
0x22c: {  	_ =	swait.ge [sflag:s15], $0x3000  }
0x22d: {  	[sflag:s15] =	ssyncset.done $0x0  }
0x22e: {  	s0 =	sld [smem:$0x7C8];
	[sflag:s15] =	ssyncadd.s32 $0xFFFFD000  }
0x22f: {  	[hbm4b:s29+s3] =	stream.strided.scatter [tilespmem:s3], [sflag:$0x5], $0x6400, s5, s3, $0x38;
	[tilespmem:$0x1A900] =	vst v63  }
0x230: {  	s19 =	sld [smem:$0x7C9]  }
0x231: {  	[tilespmem:s7], [sflag:$0x3] =	stream.indirect.gather [hbm4b:s2+s4], $0x80, s0, s4, $0xb8;
	[tilespmem:$0x1A900] =	vst v63  }
0x232: {  	_ = 	snop  }
0x233: {  	[tilespmem:s16], [sflag:$0x3] =	stream.indirect.gather [hbm4b:s2+s6], $0x80, s19, s6, $0xb8;
	[tilespmem:$0x1A900] =	vst v63  }
0x234: {  	_ =	swait.ge [sflag:s12], $0x3400  }
0x235: {  	[sflag:s12] =	ssyncset.done $0x0  }
0x236: {  	[sflag:s12] =	ssyncadd.s32 $0xFFFFCC00  }
0x237: {  	_ =	swait.ge [sflag:s12], $0x3000  }
0x238: {  	s0 =	rddreg [dreg:$0x5];
	[sflag:s12] =	ssyncset.done $0x0  }
0x239: {  	s19 =	sld [smem:$0x7CA];
	[sflag:s12] =	ssyncadd.s32 $0xFFFFD000  }
0x23a: {  	[hbm4b:s0+s3] =	stream.strided.scatter [tilespmem:s8], [sflag:$0x6], $0x6400, s5, s3, $0x38;
	[tilespmem:$0x1A900] =	vst v63  }
0x23b: {  	s0 =	sld [smem:$0x7CB]  }
0x23c: {  	[tilespmem:s9], [sflag:$0x4] =	stream.indirect.gather [hbm4b:s2+s4], $0x80, s19, s4, $0xb8;
	[tilespmem:$0x1A900] =	vst v63  }
0x23d: {  	_ = 	snop  }
0x23e: {  	[tilespmem:s13], [sflag:$0x4] =	stream.indirect.gather [hbm4b:s2+s6], $0x80, s0, s6, $0xb8;
	[tilespmem:$0x1A900] =	vst v63  }
0x23f: {  	_ =	swait.ge [sflag:s11], $0x3400  }
0x240: {  	[sflag:s11] =	ssyncset.done $0x0  }
0x241: {  	[sflag:s11] =	ssyncadd.s32 $0xFFFFCC00  }
0x242: {  	_ =	swait.ge [sflag:s11], $0x3000  }
0x243: {  	[sflag:s11] =	ssyncset.done $0x0  }
0x244: {  	s19 =	rddreg [dreg:$0x6];
	[sflag:s11] =	ssyncadd.s32 $0xFFFFD000  }
0x245: {  	[hbm4b:s19+s3] =	stream.strided.scatter [tilespmem:s7], [sflag:$0x7], $0x6400, s5, s3, $0x38;
	[tilespmem:$0x1A900] =	vst v63  }
0x246: {  	_ =	swait.ge [sflag:s25], $0x6400  }
0x247: {  	s0 =	sld [smem:$0x7CC]  }
0x248: {  	[sflag:s25] =	ssyncset.done $0x0  }
0x249: {  	s19 =	sld [smem:$0x7CD];
	[sflag:s25] =	ssyncadd.s32 $0xFFFF9C00  }
0x24a: {  	[tilespmem:s3], [sflag:$0x1] =	stream.indirect.gather [hbm4b:s2+s4], $0x80, s0, s4, $0xb8;
	[tilespmem:$0x1A900] =	vst v63  }
0x24b: {  	_ = 	snop  }
0x24c: {  	[tilespmem:s18], [sflag:$0x1] =	stream.indirect.gather [hbm4b:s2+s6], $0x80, s19, s6, $0xb8;
	[tilespmem:$0x1A900] =	vst v63  }
0x24d: {  	_ =	swait.ge [sflag:s10], $0x3400  }
0x24e: {  	[sflag:s10] =	ssyncset.done $0x0  }
0x24f: {  	[sflag:s10] =	ssyncadd.s32 $0xFFFFCC00  }
0x250: {  	_ =	swait.ge [sflag:s10], $0x3000  }
0x251: {  	[sflag:s10] =	ssyncset.done $0x0  }
0x252: {  	s19 =	rddreg [dreg:$0x7];
	[sflag:s10] =	ssyncadd.s32 $0xFFFFD000  }
0x253: {  	[hbm4b:s19+s3] =	stream.strided.scatter [tilespmem:s9], [sflag:$0x8], $0x6400, s5, s3, $0x38;
	[tilespmem:$0x1A900] =	vst v63  }
0x254: {  	_ =	swait.ge [sflag:s24], $0x6400  }
0x255: {  	s0 =	sld [smem:$0x7CE]  }
0x256: {  	[sflag:s24] =	ssyncset.done $0x0  }
0x257: {  	s19 =	sld [smem:$0x7CF];
	[sflag:s24] =	ssyncadd.s32 $0xFFFF9C00  }
0x258: {  	[tilespmem:s8], [sflag:$0x2] =	stream.indirect.gather [hbm4b:s2+s4], $0x80, s0, s4, $0xb8;
	[tilespmem:$0x1A900] =	vst v63  }
0x259: {  	_ = 	snop  }
0x25a: {  	[tilespmem:s17], [sflag:$0x2] =	stream.indirect.gather [hbm4b:s2+s6], $0x80, s19, s6, $0xb8;
	[tilespmem:$0x1A900] =	vst v63  }
0x25b: {  	_ =	swait.ge [sflag:s15], $0x3400  }
0x25c: {  	[sflag:s15] =	ssyncset.done $0x0  }
0x25d: {  	[sflag:s15] =	ssyncadd.s32 $0xFFFFCC00  }
0x25e: {  	_ =	swait.ge [sflag:s15], $0x3000  }
0x25f: {  	[sflag:s15] =	ssyncset.done $0x0  }
0x260: {  	s19 =	rddreg [dreg:$0x8];
	[sflag:s15] =	ssyncadd.s32 $0xFFFFD000  }
0x261: {  	[hbm4b:s19+s3] =	stream.strided.scatter [tilespmem:s3], [sflag:$0x5], $0x6400, s5, s3, $0x38;
	[tilespmem:$0x1A900] =	vst v63  }
0x262: {  	_ =	swait.ge [sflag:s21], $0x6400  }
0x263: {  	s0 =	sld [smem:$0x7D0]  }
0x264: {  	[sflag:s21] =	ssyncset.done $0x0  }
0x265: {  	s19 =	sld [smem:$0x7D1];
	[sflag:s21] =	ssyncadd.s32 $0xFFFF9C00  }
0x266: {  	[tilespmem:s7], [sflag:$0x3] =	stream.indirect.gather [hbm4b:s2+s4], $0x80, s0, s4, $0xb8;
	[tilespmem:$0x1A900] =	vst v63  }
0x267: {  	_ = 	snop  }
0x268: {  	[tilespmem:s16], [sflag:$0x3] =	stream.indirect.gather [hbm4b:s2+s6], $0x80, s19, s6, $0xb8;
	[tilespmem:$0x1A900] =	vst v63  }
0x269: {  	_ =	swait.ge [sflag:s12], $0x3400  }
0x26a: {  	[sflag:s12] =	ssyncset.done $0x0  }
0x26b: {  	[sflag:s12] =	ssyncadd.s32 $0xFFFFCC00  }
0x26c: {  	_ =	swait.ge [sflag:s12], $0x3000  }
0x26d: {  	[sflag:s12] =	ssyncset.done $0x0  }
0x26e: {  	s19 =	rddreg [dreg:$0x9];
	[sflag:s12] =	ssyncadd.s32 $0xFFFFD000  }
0x26f: {  	[hbm4b:s19+s3] =	stream.strided.scatter [tilespmem:s8], [sflag:$0x6], $0x6400, s5, s3, $0x38;
	[tilespmem:$0x1A900] =	vst v63  }
0x270: {  	_ =	swait.ge [sflag:s14], $0x6400  }
0x271: {  	s0 =	sld [smem:$0x7D2]  }
0x272: {  	[sflag:s14] =	ssyncset.done $0x0  }
0x273: {  	s19 =	sld [smem:$0x7D3];
	[sflag:s14] =	ssyncadd.s32 $0xFFFF9C00  }
0x274: {  	[tilespmem:s9], [sflag:$0x4] =	stream.indirect.gather [hbm4b:s2+s4], $0x80, s0, s4, $0xb8;
	[tilespmem:$0x1A900] =	vst v63  }
0x275: {  	_ = 	snop  }
0x276: {  	[tilespmem:s13], [sflag:$0x4] =	stream.indirect.gather [hbm4b:s2+s6], $0x80, s19, s6, $0xb8;
	[tilespmem:$0x1A900] =	vst v63  }
0x277: {  	_ =	swait.ge [sflag:s11], $0x3400  }
0x278: {  	[sflag:s11] =	ssyncset.done $0x0  }
0x279: {  	[sflag:s11] =	ssyncadd.s32 $0xFFFFCC00  }
0x27a: {  	_ =	swait.ge [sflag:s11], $0x3000  }
0x27b: {  	[sflag:s11] =	ssyncset.done $0x0  }
0x27c: {  	s19 =	rddreg [dreg:$0xa];
	[sflag:s11] =	ssyncadd.s32 $0xFFFFD000  }
0x27d: {  	[hbm4b:s19+s3] =	stream.strided.scatter [tilespmem:s7], [sflag:$0x7], $0x6400, s5, s3, $0x38;
	[tilespmem:$0x1A900] =	vst v63  }
0x27e: {  	_ =	swait.ge [sflag:s25], $0x6400  }
0x27f: {  	s0 =	sld [smem:$0x7D4]  }
0x280: {  	[sflag:s25] =	ssyncset.done $0x0  }
0x281: {  	s19 =	sld [smem:$0x7D5];
	[sflag:s25] =	ssyncadd.s32 $0xFFFF9C00  }
0x282: {  	[tilespmem:s3], [sflag:$0x1] =	stream.indirect.gather [hbm4b:s2+s4], $0x80, s0, s4, $0xb8;
	[tilespmem:$0x1A900] =	vst v63  }
0x283: {  	_ = 	snop  }
0x284: {  	[tilespmem:s18], [sflag:$0x1] =	stream.indirect.gather [hbm4b:s2+s6], $0x80, s19, s6, $0xb8;
	[tilespmem:$0x1A900] =	vst v63  }
0x285: {  	_ =	swait.ge [sflag:s10], $0x3400  }
0x286: {  	[sflag:s10] =	ssyncset.done $0x0  }
0x287: {  	[sflag:s10] =	ssyncadd.s32 $0xFFFFCC00  }
0x288: {  	_ =	swait.ge [sflag:s10], $0x3000  }
0x289: {  	[sflag:s10] =	ssyncset.done $0x0  }
0x28a: {  	s19 =	rddreg [dreg:$0xb];
	[sflag:s10] =	ssyncadd.s32 $0xFFFFD000  }
0x28b: {  	[hbm4b:s19+s3] =	stream.strided.scatter [tilespmem:s9], [sflag:$0x8], $0x6400, s5, s3, $0x38;
	[tilespmem:$0x1A900] =	vst v63  }
0x28c: {  	_ =	swait.ge [sflag:s24], $0x6400  }
0x28d: {  	s0 =	sld [smem:$0x7D6]  }
0x28e: {  	[sflag:s24] =	ssyncset.done $0x0  }
0x28f: {  	s19 =	sld [smem:$0x7D7];
	[sflag:s24] =	ssyncadd.s32 $0xFFFF9C00  }
0x290: {  	[tilespmem:s8], [sflag:$0x2] =	stream.indirect.gather [hbm4b:s2+s4], $0x80, s0, s4, $0xb8;
	[tilespmem:$0x1A900] =	vst v63  }
0x291: {  	_ = 	snop  }
0x292: {  	[tilespmem:s17], [sflag:$0x2] =	stream.indirect.gather [hbm4b:s2+s6], $0x80, s19, s6, $0xb8;
	[tilespmem:$0x1A900] =	vst v63  }
0x293: {  	_ =	swait.ge [sflag:s15], $0x3400  }
0x294: {  	[sflag:s15] =	ssyncset.done $0x0  }
0x295: {  	[sflag:s15] =	ssyncadd.s32 $0xFFFFCC00  }
0x296: {  	_ =	swait.ge [sflag:s15], $0x3000  }
0x297: {  	[sflag:s15] =	ssyncset.done $0x0  }
0x298: {  	s19 =	rddreg [dreg:$0xc];
	[sflag:s15] =	ssyncadd.s32 $0xFFFFD000  }
0x299: {  	[hbm4b:s19+s3] =	stream.strided.scatter [tilespmem:s3], [sflag:$0x5], $0x6400, s5, s3, $0x38;
	[tilespmem:$0x1A900] =	vst v63  }
0x29a: {  	_ =	swait.ge [sflag:s21], $0x6400  }
0x29b: {  	s0 =	sld [smem:$0x7D8]  }
0x29c: {  	[sflag:s21] =	ssyncset.done $0x0  }
0x29d: {  	s19 =	sld [smem:$0x7D9];
	[sflag:s21] =	ssyncadd.s32 $0xFFFF9C00  }
0x29e: {  	[tilespmem:s7], [sflag:$0x3] =	stream.indirect.gather [hbm4b:s2+s4], $0x80, s0, s4, $0xb8;
	[tilespmem:$0x1A900] =	vst v63  }
0x29f: {  	_ = 	snop  }
0x2a0: {  	[tilespmem:s16], [sflag:$0x3] =	stream.indirect.gather [hbm4b:s2+s6], $0x80, s19, s6, $0xb8;
	[tilespmem:$0x1A900] =	vst v63  }
0x2a1: {  	_ =	swait.ge [sflag:s12], $0x3400  }
0x2a2: {  	[sflag:s12] =	ssyncset.done $0x0  }
0x2a3: {  	[sflag:s12] =	ssyncadd.s32 $0xFFFFCC00  }
0x2a4: {  	_ =	swait.ge [sflag:s12], $0x3000  }
0x2a5: {  	[sflag:s12] =	ssyncset.done $0x0  }
0x2a6: {  	s19 =	rddreg [dreg:$0xd];
	[sflag:s12] =	ssyncadd.s32 $0xFFFFD000  }
0x2a7: {  	[hbm4b:s19+s3] =	stream.strided.scatter [tilespmem:s8], [sflag:$0x6], $0x6400, s5, s3, $0x38;
	[tilespmem:$0x1A900] =	vst v63  }
0x2a8: {  	_ =	swait.ge [sflag:s14], $0x6400  }
0x2a9: {  	s0 =	sld [smem:$0x7DA]  }
0x2aa: {  	[sflag:s14] =	ssyncset.done $0x0  }
0x2ab: {  	s19 =	sld [smem:$0x7DB];
	[sflag:s14] =	ssyncadd.s32 $0xFFFF9C00  }
0x2ac: {  	[tilespmem:s9], [sflag:$0x4] =	stream.indirect.gather [hbm4b:s2+s4], $0x80, s0, s4, $0xb8;
	[tilespmem:$0x1A900] =	vst v63  }
0x2ad: {  	_ = 	snop  }
0x2ae: {  	[tilespmem:s13], [sflag:$0x4] =	stream.indirect.gather [hbm4b:s2+s6], $0x80, s19, s6, $0xb8;
	[tilespmem:$0x1A900] =	vst v63  }
0x2af: {  	_ =	swait.ge [sflag:s11], $0x3400  }
0x2b0: {  	[sflag:s11] =	ssyncset.done $0x0  }
0x2b1: {  	[sflag:s11] =	ssyncadd.s32 $0xFFFFCC00  }
0x2b2: {  	_ =	swait.ge [sflag:s11], $0x3000  }
0x2b3: {  	[sflag:s11] =	ssyncset.done $0x0  }
0x2b4: {  	s19 =	rddreg [dreg:$0xe];
	[sflag:s11] =	ssyncadd.s32 $0xFFFFD000  }
0x2b5: {  	[hbm4b:s19+s3] =	stream.strided.scatter [tilespmem:s7], [sflag:$0x7], $0x6400, s5, s3, $0x38;
	[tilespmem:$0x1A900] =	vst v63  }
0x2b6: {  	_ =	swait.ge [sflag:s25], $0x6400  }
0x2b7: {  	s0 =	sld [smem:$0x7DC]  }
0x2b8: {  	[sflag:s25] =	ssyncset.done $0x0  }
0x2b9: {  	s19 =	sld [smem:$0x7DD];
	[sflag:s25] =	ssyncadd.s32 $0xFFFF9C00  }
0x2ba: {  	[tilespmem:s3], [sflag:$0x1] =	stream.indirect.gather [hbm4b:s2+s4], $0x80, s0, s4, $0xb8;
	[tilespmem:$0x1A900] =	vst v63  }
0x2bb: {  	_ = 	snop  }
0x2bc: {  	[tilespmem:s18], [sflag:$0x1] =	stream.indirect.gather [hbm4b:s2+s6], $0x80, s19, s6, $0xb8;
	[tilespmem:$0x1A900] =	vst v63  }
0x2bd: {  	_ =	swait.ge [sflag:s10], $0x3400  }
0x2be: {  	[sflag:s10] =	ssyncset.done $0x0  }
0x2bf: {  	[sflag:s10] =	ssyncadd.s32 $0xFFFFCC00  }
0x2c0: {  	_ =	swait.ge [sflag:s10], $0x3000  }
0x2c1: {  	[sflag:s10] =	ssyncset.done $0x0  }
0x2c2: {  	s19 =	rddreg [dreg:$0xf];
	[sflag:s10] =	ssyncadd.s32 $0xFFFFD000  }
0x2c3: {  	[hbm4b:s19+s3] =	stream.strided.scatter [tilespmem:s9], [sflag:$0x8], $0x6400, s5, s3, $0x38;
	[tilespmem:$0x1A900] =	vst v63  }
0x2c4: {  	_ =	swait.ge [sflag:s24], $0x6400  }
0x2c5: {  	s0 =	sld [smem:$0x7DE]  }
0x2c6: {  	[sflag:s24] =	ssyncset.done $0x0  }
0x2c7: {  	s19 =	sld [smem:$0x7DF];
	[sflag:s24] =	ssyncadd.s32 $0xFFFF9C00  }
0x2c8: {  	[tilespmem:s8], [sflag:$0x2] =	stream.indirect.gather [hbm4b:s2+s4], $0x80, s0, s4, $0xb8;
	[tilespmem:$0x1A900] =	vst v63  }
0x2c9: {  	_ = 	snop  }
0x2ca: {  	[tilespmem:s17], [sflag:$0x2] =	stream.indirect.gather [hbm4b:s2+s6], $0x80, s19, s6, $0xb8;
	[tilespmem:$0x1A900] =	vst v63  }
0x2cb: {  	_ =	swait.ge [sflag:s15], $0x3400  }
0x2cc: {  	[sflag:s15] =	ssyncset.done $0x0  }
0x2cd: {  	[sflag:s15] =	ssyncadd.s32 $0xFFFFCC00  }
0x2ce: {  	_ =	swait.ge [sflag:s15], $0x3000  }
0x2cf: {  	[sflag:s15] =	ssyncset.done $0x0  }
0x2d0: {  	s19 =	rddreg [dreg:$0x10];
	[sflag:s15] =	ssyncadd.s32 $0xFFFFD000  }
0x2d1: {  	[hbm4b:s19+s3] =	stream.strided.scatter [tilespmem:s3], [sflag:$0x5], $0x6400, s5, s3, $0x38;
	[tilespmem:$0x1A900] =	vst v63  }
0x2d2: {  	_ =	swait.ge [sflag:s21], $0x6400  }
0x2d3: {  	s0 =	sld [smem:$0x7E0]  }
0x2d4: {  	[sflag:s21] =	ssyncset.done $0x0  }
0x2d5: {  	s19 =	sld [smem:$0x7E1];
	[sflag:s21] =	ssyncadd.s32 $0xFFFF9C00  }
0x2d6: {  	[tilespmem:s7], [sflag:$0x3] =	stream.indirect.gather [hbm4b:s2+s4], $0x80, s0, s4, $0xb8;
	[tilespmem:$0x1A900] =	vst v63  }
0x2d7: {  	_ = 	snop  }
0x2d8: {  	[tilespmem:s16], [sflag:$0x3] =	stream.indirect.gather [hbm4b:s2+s6], $0x80, s19, s6, $0xb8;
	[tilespmem:$0x1A900] =	vst v63  }
0x2d9: {  	_ =	swait.ge [sflag:s12], $0x3400  }
0x2da: {  	[sflag:s12] =	ssyncset.done $0x0  }
0x2db: {  	[sflag:s12] =	ssyncadd.s32 $0xFFFFCC00  }
0x2dc: {  	_ =	swait.ge [sflag:s12], $0x3000  }
0x2dd: {  	[sflag:s12] =	ssyncset.done $0x0  }
0x2de: {  	s19 =	rddreg [dreg:$0x11];
	[sflag:s12] =	ssyncadd.s32 $0xFFFFD000  }
0x2df: {  	[hbm4b:s19+s3] =	stream.strided.scatter [tilespmem:s8], [sflag:$0x6], $0x6400, s5, s3, $0x38;
	[tilespmem:$0x1A900] =	vst v63  }
0x2e0: {  	_ =	swait.ge [sflag:s14], $0x6400  }
0x2e1: {  	s0 =	sld [smem:$0x7E2]  }
0x2e2: {  	[sflag:s14] =	ssyncset.done $0x0  }
0x2e3: {  	s19 =	sld [smem:$0x7E3];
	[sflag:s14] =	ssyncadd.s32 $0xFFFF9C00  }
0x2e4: {  	[tilespmem:s9], [sflag:$0x4] =	stream.indirect.gather [hbm4b:s2+s4], $0x80, s0, s4, $0xb8;
	[tilespmem:$0x1A900] =	vst v63  }
0x2e5: {  	_ = 	snop  }
0x2e6: {  	[tilespmem:s13], [sflag:$0x4] =	stream.indirect.gather [hbm4b:s2+s6], $0x80, s19, s6, $0xb8;
	[tilespmem:$0x1A900] =	vst v63  }
0x2e7: {  	_ =	swait.ge [sflag:s11], $0x3400  }
0x2e8: {  	[sflag:s11] =	ssyncset.done $0x0  }
0x2e9: {  	[sflag:s11] =	ssyncadd.s32 $0xFFFFCC00  }
0x2ea: {  	_ =	swait.ge [sflag:s11], $0x3000  }
0x2eb: {  	[sflag:s11] =	ssyncset.done $0x0  }
0x2ec: {  	s19 =	rddreg [dreg:$0x12];
	[sflag:s11] =	ssyncadd.s32 $0xFFFFD000  }
0x2ed: {  	[hbm4b:s19+s3] =	stream.strided.scatter [tilespmem:s7], [sflag:$0x7], $0x6400, s5, s3, $0x38;
	[tilespmem:$0x1A900] =	vst v63  }
0x2ee: {  	_ =	swait.ge [sflag:s25], $0x6400  }
0x2ef: {  	s0 =	sld [smem:$0x7E4]  }
0x2f0: {  	[sflag:s25] =	ssyncset.done $0x0  }
0x2f1: {  	s19 =	sld [smem:$0x7E5];
	[sflag:s25] =	ssyncadd.s32 $0xFFFF9C00  }
0x2f2: {  	[tilespmem:s3], [sflag:$0x1] =	stream.indirect.gather [hbm4b:s2+s4], $0x80, s0, s4, $0xb8;
	[tilespmem:$0x1A900] =	vst v63  }
0x2f3: {  	_ = 	snop  }
0x2f4: {  	[tilespmem:s18], [sflag:$0x1] =	stream.indirect.gather [hbm4b:s2+s6], $0x80, s19, s6, $0xb8;
	[tilespmem:$0x1A900] =	vst v63  }
0x2f5: {  	_ =	swait.ge [sflag:s10], $0x3400  }
0x2f6: {  	[sflag:s10] =	ssyncset.done $0x0  }
0x2f7: {  	[sflag:s10] =	ssyncadd.s32 $0xFFFFCC00  }
0x2f8: {  	_ =	swait.ge [sflag:s10], $0x3000  }
0x2f9: {  	[sflag:s10] =	ssyncset.done $0x0  }
0x2fa: {  	s19 =	rddreg [dreg:$0x13];
	[sflag:s10] =	ssyncadd.s32 $0xFFFFD000  }
0x2fb: {  	[hbm4b:s19+s3] =	stream.strided.scatter [tilespmem:s9], [sflag:$0x8], $0x6400, s5, s3, $0x38;
	[tilespmem:$0x1A900] =	vst v63  }
0x2fc: {  	_ =	swait.ge [sflag:s24], $0x6400  }
0x2fd: {  	s0 =	sld [smem:$0x7E6]  }
0x2fe: {  	[sflag:s24] =	ssyncset.done $0x0  }
0x2ff: {  	s19 =	sld [smem:$0x7E7];
	[sflag:s24] =	ssyncadd.s32 $0xFFFF9C00  }
0x300: {  	[tilespmem:s8], [sflag:$0x2] =	stream.indirect.gather [hbm4b:s2+s4], $0x80, s0, s4, $0xb8;
	[tilespmem:$0x1A900] =	vst v63  }
0x301: {  	_ = 	snop  }
0x302: {  	[tilespmem:s17], [sflag:$0x2] =	stream.indirect.gather [hbm4b:s2+s6], $0x80, s19, s6, $0xb8;
	[tilespmem:$0x1A900] =	vst v63  }
0x303: {  	_ =	swait.ge [sflag:s15], $0x3400  }
0x304: {  	[sflag:s15] =	ssyncset.done $0x0  }
0x305: {  	[sflag:s15] =	ssyncadd.s32 $0xFFFFCC00  }
0x306: {  	_ =	swait.ge [sflag:s15], $0x3000  }
0x307: {  	[sflag:s15] =	ssyncset.done $0x0  }
0x308: {  	s19 =	rddreg [dreg:$0x14];
	[sflag:s15] =	ssyncadd.s32 $0xFFFFD000  }
0x309: {  	[hbm4b:s19+s3] =	stream.strided.scatter [tilespmem:s3], [sflag:$0x5], $0x6400, s5, s3, $0x38;
	[tilespmem:$0x1A900] =	vst v63  }
0x30a: {  	_ =	swait.ge [sflag:s21], $0x6400  }
0x30b: {  	s0 =	sld [smem:$0x7E8]  }
0x30c: {  	[sflag:s21] =	ssyncset.done $0x0  }
0x30d: {  	s19 =	sld [smem:$0x7E9];
	[sflag:s21] =	ssyncadd.s32 $0xFFFF9C00  }
0x30e: {  	[tilespmem:s7], [sflag:$0x3] =	stream.indirect.gather [hbm4b:s2+s4], $0x80, s0, s4, $0xb8;
	[tilespmem:$0x1A900] =	vst v63  }
0x30f: {  	_ = 	snop  }
0x310: {  	[tilespmem:s16], [sflag:$0x3] =	stream.indirect.gather [hbm4b:s2+s6], $0x80, s19, s6, $0xb8;
	[tilespmem:$0x1A900] =	vst v63  }
0x311: {  	_ =	swait.ge [sflag:s12], $0x3400  }
0x312: {  	[sflag:s12] =	ssyncset.done $0x0  }
0x313: {  	[sflag:s12] =	ssyncadd.s32 $0xFFFFCC00  }
0x314: {  	_ =	swait.ge [sflag:s12], $0x3000  }
0x315: {  	[sflag:s12] =	ssyncset.done $0x0  }
0x316: {  	s19 =	rddreg [dreg:$0x15];
	[sflag:s12] =	ssyncadd.s32 $0xFFFFD000  }
0x317: {  	[hbm4b:s19+s3] =	stream.strided.scatter [tilespmem:s8], [sflag:$0x6], $0x6400, s5, s3, $0x38;
	[tilespmem:$0x1A900] =	vst v63  }
0x318: {  	_ =	swait.ge [sflag:s14], $0x6400  }
0x319: {  	s0 =	sld [smem:$0x7EA]  }
0x31a: {  	[sflag:s14] =	ssyncset.done $0x0  }
0x31b: {  	s19 =	sld [smem:$0x7EB];
	[sflag:s14] =	ssyncadd.s32 $0xFFFF9C00  }
0x31c: {  	[tilespmem:s9], [sflag:$0x4] =	stream.indirect.gather [hbm4b:s2+s4], $0x80, s0, s4, $0xb8;
	[tilespmem:$0x1A900] =	vst v63  }
0x31d: {  	_ = 	snop  }
0x31e: {  	[tilespmem:s13], [sflag:$0x4] =	stream.indirect.gather [hbm4b:s2+s6], $0x80, s19, s6, $0xb8;
	[tilespmem:$0x1A900] =	vst v63  }
0x31f: {  	_ =	swait.ge [sflag:s11], $0x3400  }
0x320: {  	[sflag:s11] =	ssyncset.done $0x0  }
0x321: {  	[sflag:s11] =	ssyncadd.s32 $0xFFFFCC00  }
0x322: {  	_ =	swait.ge [sflag:s11], $0x3000  }
0x323: {  	[sflag:s11] =	ssyncset.done $0x0  }
0x324: {  	s19 =	rddreg [dreg:$0x16];
	[sflag:s11] =	ssyncadd.s32 $0xFFFFD000  }
0x325: {  	[hbm4b:s19+s3] =	stream.strided.scatter [tilespmem:s7], [sflag:$0x7], $0x6400, s5, s3, $0x38;
	[tilespmem:$0x1A900] =	vst v63  }
0x326: {  	_ =	swait.ge [sflag:s25], $0x6400  }
0x327: {  	s0 =	sld [smem:$0x7EC]  }
0x328: {  	[sflag:s25] =	ssyncset.done $0x0  }
0x329: {  	s19 =	sld [smem:$0x7ED];
	[sflag:s25] =	ssyncadd.s32 $0xFFFF9C00  }
0x32a: {  	[tilespmem:s3], [sflag:$0x1] =	stream.indirect.gather [hbm4b:s2+s4], $0x80, s0, s4, $0xb8;
	[tilespmem:$0x1A900] =	vst v63  }
0x32b: {  	_ = 	snop  }
0x32c: {  	[tilespmem:s18], [sflag:$0x1] =	stream.indirect.gather [hbm4b:s2+s6], $0x80, s19, s6, $0xb8;
	[tilespmem:$0x1A900] =	vst v63  }
0x32d: {  	_ =	swait.ge [sflag:s10], $0x3400  }
0x32e: {  	[sflag:s10] =	ssyncset.done $0x0  }
0x32f: {  	[sflag:s10] =	ssyncadd.s32 $0xFFFFCC00  }
0x330: {  	_ =	swait.ge [sflag:s10], $0x3000  }
0x331: {  	[sflag:s10] =	ssyncset.done $0x0  }
0x332: {  	s19 =	rddreg [dreg:$0x17];
	[sflag:s10] =	ssyncadd.s32 $0xFFFFD000  }
0x333: {  	[hbm4b:s19+s3] =	stream.strided.scatter [tilespmem:s9], [sflag:$0x8], $0x6400, s5, s3, $0x38;
	[tilespmem:$0x1A900] =	vst v63  }
0x334: {  	_ =	swait.ge [sflag:s24], $0x6400  }
0x335: {  	s0 =	sld [smem:$0x7EE]  }
0x336: {  	[sflag:s24] =	ssyncset.done $0x0  }
0x337: {  	s19 =	sld [smem:$0x7EF];
	[sflag:s24] =	ssyncadd.s32 $0xFFFF9C00  }
0x338: {  	[tilespmem:s8], [sflag:$0x2] =	stream.indirect.gather [hbm4b:s2+s4], $0x80, s0, s4, $0xb8;
	[tilespmem:$0x1A900] =	vst v63  }
0x339: {  	_ = 	snop  }
0x33a: {  	[tilespmem:s17], [sflag:$0x2] =	stream.indirect.gather [hbm4b:s2+s6], $0x80, s19, s6, $0xb8;
	[tilespmem:$0x1A900] =	vst v63  }
0x33b: {  	_ =	swait.ge [sflag:s15], $0x3400  }
0x33c: {  	[sflag:s15] =	ssyncset.done $0x0  }
0x33d: {  	[sflag:s15] =	ssyncadd.s32 $0xFFFFCC00  }
0x33e: {  	_ =	swait.ge [sflag:s15], $0x3000  }
0x33f: {  	[sflag:s15] =	ssyncset.done $0x0  }
0x340: {  	s19 =	rddreg [dreg:$0x18];
	[sflag:s15] =	ssyncadd.s32 $0xFFFFD000  }
0x341: {  	[hbm4b:s19+s3] =	stream.strided.scatter [tilespmem:s3], [sflag:$0x5], $0x6400, s5, s3, $0x38;
	[tilespmem:$0x1A900] =	vst v63  }
0x342: {  	_ =	swait.ge [sflag:s21], $0x6400  }
0x343: {  	s0 =	sld [smem:$0x7F0]  }
0x344: {  	[sflag:s21] =	ssyncset.done $0x0  }
0x345: {  	s19 =	sld [smem:$0x7F1];
	[sflag:s21] =	ssyncadd.s32 $0xFFFF9C00  }
0x346: {  	[tilespmem:s7], [sflag:$0x3] =	stream.indirect.gather [hbm4b:s2+s4], $0x80, s0, s4, $0xb8;
	[tilespmem:$0x1A900] =	vst v63  }
0x347: {  	_ = 	snop  }
0x348: {  	[tilespmem:s16], [sflag:$0x3] =	stream.indirect.gather [hbm4b:s2+s6], $0x80, s19, s6, $0xb8;
	[tilespmem:$0x1A900] =	vst v63  }
0x349: {  	_ =	swait.ge [sflag:s12], $0x3400  }
0x34a: {  	[sflag:s12] =	ssyncset.done $0x0  }
0x34b: {  	[sflag:s12] =	ssyncadd.s32 $0xFFFFCC00  }
0x34c: {  	_ =	swait.ge [sflag:s12], $0x3000  }
0x34d: {  	[sflag:s12] =	ssyncset.done $0x0  }
0x34e: {  	s19 =	rddreg [dreg:$0x19];
	[sflag:s12] =	ssyncadd.s32 $0xFFFFD000  }
0x34f: {  	[hbm4b:s19+s3] =	stream.strided.scatter [tilespmem:s8], [sflag:$0x6], $0x6400, s5, s3, $0x38;
	[tilespmem:$0x1A900] =	vst v63  }
0x350: {  	_ =	swait.ge [sflag:s14], $0x6400  }
0x351: {  	s0 =	sld [smem:$0x7F2]  }
0x352: {  	[sflag:s14] =	ssyncset.done $0x0  }
0x353: {  	s19 =	sld [smem:$0x7F3];
	[sflag:s14] =	ssyncadd.s32 $0xFFFF9C00  }
0x354: {  	[tilespmem:s9], [sflag:$0x4] =	stream.indirect.gather [hbm4b:s2+s4], $0x80, s0, s4, $0xb8;
	[tilespmem:$0x1A900] =	vst v63  }
0x355: {  	_ = 	snop  }
0x356: {  	[tilespmem:s13], [sflag:$0x4] =	stream.indirect.gather [hbm4b:s2+s6], $0x80, s19, s6, $0xb8;
	[tilespmem:$0x1A900] =	vst v63  }
0x357: {  	_ =	swait.ge [sflag:s11], $0x3400  }
0x358: {  	[sflag:s11] =	ssyncset.done $0x0  }
0x359: {  	[sflag:s11] =	ssyncadd.s32 $0xFFFFCC00  }
0x35a: {  	_ =	swait.ge [sflag:s11], $0x3000  }
0x35b: {  	[sflag:s11] =	ssyncset.done $0x0  }
0x35c: {  	s19 =	rddreg [dreg:$0x1a];
	[sflag:s11] =	ssyncadd.s32 $0xFFFFD000  }
0x35d: {  	[hbm4b:s19+s3] =	stream.strided.scatter [tilespmem:s7], [sflag:$0x7], $0x6400, s5, s3, $0x38;
	[tilespmem:$0x1A900] =	vst v63  }
0x35e: {  	_ =	swait.ge [sflag:s25], $0x6400  }
0x35f: {  	s0 =	sld [smem:$0x7F4]  }
0x360: {  	[sflag:s25] =	ssyncset.done $0x0  }
0x361: {  	s19 =	sld [smem:$0x7F5];
	[sflag:s25] =	ssyncadd.s32 $0xFFFF9C00  }
0x362: {  	[tilespmem:s3], [sflag:$0x1] =	stream.indirect.gather [hbm4b:s2+s4], $0x80, s0, s4, $0xb8;
	[tilespmem:$0x1A900] =	vst v63  }
0x363: {  	_ = 	snop  }
0x364: {  	[tilespmem:s18], [sflag:$0x1] =	stream.indirect.gather [hbm4b:s2+s6], $0x80, s19, s6, $0xb8;
	[tilespmem:$0x1A900] =	vst v63  }
0x365: {  	_ =	swait.ge [sflag:s10], $0x3400  }
0x366: {  	[sflag:s10] =	ssyncset.done $0x0  }
0x367: {  	[sflag:s10] =	ssyncadd.s32 $0xFFFFCC00  }
0x368: {  	_ =	swait.ge [sflag:s10], $0x3000  }
0x369: {  	[sflag:s10] =	ssyncset.done $0x0  }
0x36a: {  	s19 =	rddreg [dreg:$0x1b];
	[sflag:s10] =	ssyncadd.s32 $0xFFFFD000  }
0x36b: {  	[hbm4b:s19+s3] =	stream.strided.scatter [tilespmem:s9], [sflag:$0x8], $0x6400, s5, s3, $0x38;
	[tilespmem:$0x1A900] =	vst v63  }
0x36c: {  	_ =	swait.ge [sflag:s24], $0x6400  }
0x36d: {  	s0 =	sld [smem:$0x7F6]  }
0x36e: {  	[sflag:s24] =	ssyncset.done $0x0  }
0x36f: {  	s19 =	sld [smem:$0x7F7];
	[sflag:s24] =	ssyncadd.s32 $0xFFFF9C00  }
0x370: {  	[tilespmem:s8], [sflag:$0x2] =	stream.indirect.gather [hbm4b:s2+s4], $0x80, s0, s4, $0xb8;
	[tilespmem:$0x1A900] =	vst v63  }
0x371: {  	_ = 	snop  }
0x372: {  	[tilespmem:s17], [sflag:$0x2] =	stream.indirect.gather [hbm4b:s2+s6], $0x80, s19, s6, $0xb8;
	[tilespmem:$0x1A900] =	vst v63  }
0x373: {  	_ =	swait.ge [sflag:s15], $0x3400  }
0x374: {  	[sflag:s15] =	ssyncset.done $0x0  }
0x375: {  	[sflag:s15] =	ssyncadd.s32 $0xFFFFCC00  }
0x376: {  	_ =	swait.ge [sflag:s15], $0x3000  }
0x377: {  	[sflag:s15] =	ssyncset.done $0x0  }
0x378: {  	s19 =	rddreg [dreg:$0x1c];
	[sflag:s15] =	ssyncadd.s32 $0xFFFFD000  }
0x379: {  	[hbm4b:s19+s3] =	stream.strided.scatter [tilespmem:s3], [sflag:$0x5], $0x6400, s5, s3, $0x38;
	[tilespmem:$0x1A900] =	vst v63  }
0x37a: {  	_ =	swait.ge [sflag:s21], $0x6400  }
0x37b: {  	s0 =	sld [smem:$0x7F8]  }
0x37c: {  	[sflag:s21] =	ssyncset.done $0x0  }
0x37d: {  	s19 =	sld [smem:$0x7F9];
	[sflag:s21] =	ssyncadd.s32 $0xFFFF9C00  }
0x37e: {  	[tilespmem:s7], [sflag:$0x3] =	stream.indirect.gather [hbm4b:s2+s4], $0x80, s0, s4, $0xb8;
	[tilespmem:$0x1A900] =	vst v63  }
0x37f: {  	_ = 	snop  }
0x380: {  	[tilespmem:s16], [sflag:$0x3] =	stream.indirect.gather [hbm4b:s2+s6], $0x80, s19, s6, $0xb8;
	[tilespmem:$0x1A900] =	vst v63  }
0x381: {  	_ =	swait.ge [sflag:s12], $0x3400  }
0x382: {  	[sflag:s12] =	ssyncset.done $0x0  }
0x383: {  	[sflag:s12] =	ssyncadd.s32 $0xFFFFCC00  }
0x384: {  	_ =	swait.ge [sflag:s12], $0x3000  }
0x385: {  	[sflag:s12] =	ssyncset.done $0x0  }
0x386: {  	s19 =	rddreg [dreg:$0x1d];
	[sflag:s12] =	ssyncadd.s32 $0xFFFFD000  }
0x387: {  	[hbm4b:s19+s3] =	stream.strided.scatter [tilespmem:s8], [sflag:$0x6], $0x6400, s5, s3, $0x38;
	[tilespmem:$0x1A900] =	vst v63  }
0x388: {  	_ =	swait.ge [sflag:s14], $0x6400  }
0x389: {  	s0 =	sld [smem:$0x7FA]  }
0x38a: {  	[sflag:s14] =	ssyncset.done $0x0  }
0x38b: {  	s19 =	sld [smem:$0x7FB];
	[sflag:s14] =	ssyncadd.s32 $0xFFFF9C00  }
0x38c: {  	[tilespmem:s9], [sflag:$0x4] =	stream.indirect.gather [hbm4b:s2+s4], $0x80, s0, s4, $0xb8;
	[tilespmem:$0x1A900] =	vst v63  }
0x38d: {  	_ = 	snop  }
0x38e: {  	[tilespmem:s13], [sflag:$0x4] =	stream.indirect.gather [hbm4b:s2+s6], $0x80, s19, s6, $0xb8;
	[tilespmem:$0x1A900] =	vst v63  }
0x38f: {  	_ =	swait.ge [sflag:s11], $0x3400  }
0x390: {  	[sflag:s11] =	ssyncset.done $0x0  }
0x391: {  	[sflag:s11] =	ssyncadd.s32 $0xFFFFCC00  }
0x392: {  	_ =	swait.ge [sflag:s11], $0x3000  }
0x393: {  	[sflag:s11] =	ssyncset.done $0x0  }
0x394: {  	s19 =	rddreg [dreg:$0x1e];
	[sflag:s11] =	ssyncadd.s32 $0xFFFFD000  }
0x395: {  	[hbm4b:s19+s3] =	stream.strided.scatter [tilespmem:s7], [sflag:$0x7], $0x6400, s5, s3, $0x38;
	[tilespmem:$0x1A900] =	vst v63  }
0x396: {  	_ =	swait.ge [sflag:s25], $0x6400  }
0x397: {  	s0 =	sld [smem:$0x7FC]  }
0x398: {  	[sflag:s25] =	ssyncset.done $0x0  }
0x399: {  	s19 =	sld [smem:$0x7FD];
	[sflag:s25] =	ssyncadd.s32 $0xFFFF9C00  }
0x39a: {  	[tilespmem:s3], [sflag:$0x1] =	stream.indirect.gather [hbm4b:s2+s4], $0x80, s0, s4, $0xb8;
	[tilespmem:$0x1A900] =	vst v63  }
0x39b: {  	_ = 	snop  }
0x39c: {  	[tilespmem:s18], [sflag:$0x1] =	stream.indirect.gather [hbm4b:s2+s6], $0x80, s19, s6, $0xb8;
	[tilespmem:$0x1A900] =	vst v63  }
0x39d: {  	_ =	swait.ge [sflag:s10], $0x3400  }
0x39e: {  	[sflag:s10] =	ssyncset.done $0x0  }
0x39f: {  	[sflag:s10] =	ssyncadd.s32 $0xFFFFCC00  }
0x3a0: {  	_ =	swait.ge [sflag:s10], $0x3000  }
0x3a1: {  	[sflag:s10] =	ssyncset.done $0x0  }
0x3a2: {  	s19 =	rddreg [dreg:$0x1f];
	[sflag:s10] =	ssyncadd.s32 $0xFFFFD000  }
0x3a3: {  	[hbm4b:s19+s3] =	stream.strided.scatter [tilespmem:s9], [sflag:$0x8], $0x6400, s5, s3, $0x38;
	[tilespmem:$0x1A900] =	vst v63  }
0x3a4: {  	_ =	swait.ge [sflag:s24], $0x6400  }
0x3a5: {  	[sflag:s24] =	ssyncset.done $0x0  }
0x3a6: {  	[sflag:s24] =	ssyncadd.s32 $0xFFFF9C00  }
0x3a7: {  	[tilespmem:s8], [sflag:$0x2] =	stream.indirect.gather [hbm4b:s2+s4], $0x80, s28, s4, $0xb8;
	[tilespmem:$0x1A900] =	vst v63  }
0x3a8: {  	_ = 	snop  }
0x3a9: {  	[tilespmem:s17], [sflag:$0x2] =	stream.indirect.gather [hbm4b:s2+s6], $0x80, s23, s6, $0xb8;
	[tilespmem:$0x1A900] =	vst v63  }
0x3aa: {  	_ =	swait.ge [sflag:s15], $0x3400  }
0x3ab: {  	[sflag:s15] =	ssyncset.done $0x0  }
0x3ac: {  	[sflag:s15] =	ssyncadd.s32 $0xFFFFCC00  }
0x3ad: {  	_ =	swait.ge [sflag:s15], $0x3000  }
0x3ae: {  	s19 =	sld [smem:$0x7C2]  }
0x3af: {  	[sflag:s15] =	ssyncset.done $0x0  }
0x3b0: {  	[sflag:s15] =	ssyncadd.s32 $0xFFFFD000  }
0x3b1: {  	[hbm4b:s19+s3] =	stream.strided.scatter [tilespmem:s3], [sflag:$0x5], $0x6400, s5, s3, $0x38;
	[tilespmem:$0x1A900] =	vst v63  }
0x3b2: {  	_ =	swait.ge [sflag:s21], $0x6400  }
0x3b3: {  	[sflag:s21] =	ssyncset.done $0x0  }
0x3b4: {  	s19 =	simm.s32 $0x1770;
	[sflag:s21] =	ssyncadd.s32 $0xFFFF9C00  }
0x3b5: {  	[tilespmem:s7], [sflag:$0x3] =	stream.indirect.gather [hbm4b:s2+s4], $0x80, s19, s4, $0xb8;
	[tilespmem:$0x1A900] =	vst v63  }
0x3b6: {  	_ = 	snop  }
0x3b7: {  	[tilespmem:s16], [sflag:$0x3] =	stream.indirect.gather [hbm4b:s2+s6], $0x80, s26, s6, $0xb8;
	[tilespmem:$0x1A900] =	vst v63  }
0x3b8: {  	_ =	swait.ge [sflag:s12], $0x3400  }
0x3b9: {  	[sflag:s12] =	ssyncset.done $0x0  }
0x3ba: {  	[sflag:s12] =	ssyncadd.s32 $0xFFFFCC00  }
0x3bb: {  	_ =	swait.ge [sflag:s12], $0x3000  }
0x3bc: {  	s19 =	sld [smem:$0x7C3]  }
0x3bd: {  	[sflag:s12] =	ssyncset.done $0x0  }
0x3be: {  	[sflag:s12] =	ssyncadd.s32 $0xFFFFD000  }
0x3bf: {  	[hbm4b:s19+s3] =	stream.strided.scatter [tilespmem:s8], [sflag:$0x6], $0x6400, s5, s3, $0x38;
	[tilespmem:$0x1A900] =	vst v63  }
0x3c0: {  	_ =	swait.ge [sflag:s14], $0x6400  }
0x3c1: {  	[sflag:s14] =	ssyncset.done $0x0  }
0x3c2: {  	[sflag:s14] =	ssyncadd.s32 $0xFFFF9C00  }
0x3c3: {  	[tilespmem:s9], [sflag:$0x4] =	stream.indirect.gather [hbm4b:s2+s4], $0x80, s20, s4, $0xb8;
	[tilespmem:$0x1A900] =	vst v63  }
0x3c4: {  	_ = 	snop  }
0x3c5: {  	[tilespmem:s13], [sflag:$0x4] =	stream.indirect.gather [hbm4b:s2+s6], $0x80, s22, s6, $0xb8;
	[tilespmem:$0x1A900] =	vst v63  }
0x3c6: {  	_ =	swait.ge [sflag:s11], $0x3400  }
0x3c7: {  	[sflag:s11] =	ssyncset.done $0x0  }
0x3c8: {  	[sflag:s11] =	ssyncadd.s32 $0xFFFFCC00  }
0x3c9: {  	_ =	swait.ge [sflag:s11], $0x3000  }
0x3ca: {  	s19 =	sld [smem:$0x7C4]  }
0x3cb: {  	[sflag:s11] =	ssyncset.done $0x0  }
0x3cc: {  	[sflag:s11] =	ssyncadd.s32 $0xFFFFD000  }
0x3cd: {  	[hbm4b:s19+s3] =	stream.strided.scatter [tilespmem:s7], [sflag:$0x7], $0x6400, s5, s3, $0x38;
	[tilespmem:$0x1A900] =	vst v63  }
0x3ce: {  	_ =	swait.ge [sflag:s10], $0x3400  }
0x3cf: {  	[sflag:s10] =	ssyncset.done $0x0  }
0x3d0: {  	[sflag:s10] =	ssyncadd.s32 $0xFFFFCC00  }
0x3d1: {  	_ =	swait.ge [sflag:s10], $0x3000  }
0x3d2: {  	p1 =	sne.s32 s1, $0x1;
	s19 =	sld [smem:$0x7C5]  }
.Ltmp2:
0x3d3: {  	[sflag:s10] =	ssyncset.done $0x0;
	(pc) =	sbr.rel @p1 .LBB2_4-.Ltmp2, $4  }
0x3d4: {  	[sflag:s10] =	ssyncadd.s32 $0xFFFFD000  }
0x3d5: {  	[hbm4b:s19+s3] =	stream.strided.scatter [tilespmem:s9], [sflag:$0x8], $0x6400, s5, s3, $0x38;
	[tilespmem:$0x1A900] =	vst v63  }
0x3d6: {  	_ =	swait.ge [sflag:s14], $0x6400  }
0x3d7: {  	s1 =	sadd.s32 $0xFFFFFFFF, s1;
	s0 =	rddreg [dreg:$0x4];
	[sflag:s14] =	ssyncset.done $0x0  }
0x3d8: {  	s22 =	simm.s32 $0x1710;
	s28 =	simm.s32 $0x16A8;
	s26 =	simm.s32 $0x17D8  }
0x3d9: {  	s23 =	simm.s32 $0x1770;
	s20 =	simm.s32 $0x1838;
	s19 =	stileid.u32  }
.LBB2_6:
0x3da: {  	[sflag:s14] =	ssyncadd.s32 @p0 $0xFFFF9C00  }
0x3db: {  	[tilespmem:s30], [sflag:$0x9] =	stream.linear.gather [hbm4b:s0+s30], $0x1900, $0x38;
	[tilespmem:$0x1A900] =	vst v63  }
0x3dc: {  	_ =	swait.ge [sflag:s31], $0x1900  }
0x3dd: {  	[sflag:s31] =	ssyncset.done $0x0  }
0x3de: {  	[sflag:s31] =	ssyncadd.s32 $0xFFFFE700  }
0x3df: {  	[tilespmem:s3], [sflag:$0x1] =	stream.indirect.gather [hbm4b:s2+s4], $0x80, s30, s4, $0xb8;
	[tilespmem:$0x1A900] =	vst v63  }
0x3e0: {  	s31 =	sld [smem:$0x7C6]  }
0x3e1: {  	[tilespmem:s18], [sflag:$0x1] =	stream.indirect.gather [hbm4b:s2+s6], $0x80, s4, s6, $0xb8;
	[tilespmem:$0x1A900] =	vst v63  }
0x3e2: {  	s1 =	sld [smem:$0x7C7]  }
0x3e3: {  	[tilespmem:s8], [sflag:$0x2] =	stream.indirect.gather [hbm4b:s2+s4], $0x80, s31, s4, $0xb8;
	[tilespmem:$0x1A900] =	vst v63  }
0x3e4: {  	_ = 	snop  }
0x3e5: {  	[tilespmem:s17], [sflag:$0x2] =	stream.indirect.gather [hbm4b:s2+s6], $0x80, s1, s6, $0xb8;
	[tilespmem:$0x1A900] =	vst v63  }
0x3e6: {  	_ =	swait.ge [sflag:s15], $0x3400  }
0x3e7: {  	[sflag:s15] =	ssyncset.done $0x0  }
0x3e8: {  	[sflag:s15] =	ssyncadd.s32 $0xFFFFCC00  }
0x3e9: {  	_ =	swait.ge [sflag:s15], $0x3000  }
0x3ea: {  	[sflag:s15] =	ssyncset.done $0x0  }
0x3eb: {  	s30 =	sld [smem:$0x7C8];
	[sflag:s15] =	ssyncadd.s32 $0xFFFFD000  }
0x3ec: {  	[hbm4b:s29+s3] =	stream.strided.scatter [tilespmem:s3], [sflag:$0x5], $0x6400, s5, s3, $0x38;
	[tilespmem:$0x1A900] =	vst v63  }
0x3ed: {  	s31 =	sld [smem:$0x7C9]  }
0x3ee: {  	[tilespmem:s7], [sflag:$0x3] =	stream.indirect.gather [hbm4b:s2+s4], $0x80, s30, s4, $0xb8;
	[tilespmem:$0x1A900] =	vst v63  }
0x3ef: {  	_ = 	snop  }
0x3f0: {  	[tilespmem:s16], [sflag:$0x3] =	stream.indirect.gather [hbm4b:s2+s6], $0x80, s31, s6, $0xb8;
	[tilespmem:$0x1A900] =	vst v63  }
0x3f1: {  	_ =	swait.ge [sflag:s12], $0x3400  }
0x3f2: {  	[sflag:s12] =	ssyncset.done $0x0  }
0x3f3: {  	[sflag:s12] =	ssyncadd.s32 $0xFFFFCC00  }
0x3f4: {  	_ =	swait.ge [sflag:s12], $0x3000  }
0x3f5: {  	s29 =	rddreg [dreg:$0x5];
	[sflag:s12] =	ssyncset.done $0x0  }
0x3f6: {  	s30 =	sld [smem:$0x7CA];
	[sflag:s12] =	ssyncadd.s32 $0xFFFFD000  }
0x3f7: {  	[hbm4b:s29+s3] =	stream.strided.scatter [tilespmem:s8], [sflag:$0x6], $0x6400, s5, s3, $0x38;
	[tilespmem:$0x1A900] =	vst v63  }
0x3f8: {  	s31 =	sld [smem:$0x7CB]  }
0x3f9: {  	[tilespmem:s9], [sflag:$0x4] =	stream.indirect.gather [hbm4b:s2+s4], $0x80, s30, s4, $0xb8;
	[tilespmem:$0x1A900] =	vst v63  }
0x3fa: {  	_ = 	snop  }
0x3fb: {  	[tilespmem:s13], [sflag:$0x4] =	stream.indirect.gather [hbm4b:s2+s6], $0x80, s31, s6, $0xb8;
	[tilespmem:$0x1A900] =	vst v63  }
0x3fc: {  	_ =	swait.ge [sflag:s11], $0x3400  }
0x3fd: {  	[sflag:s11] =	ssyncset.done $0x0  }
0x3fe: {  	[sflag:s11] =	ssyncadd.s32 $0xFFFFCC00  }
0x3ff: {  	_ =	swait.ge [sflag:s11], $0x3000  }
0x400: {  	[sflag:s11] =	ssyncset.done $0x0  }
0x401: {  	s29 =	rddreg [dreg:$0x6];
	[sflag:s11] =	ssyncadd.s32 $0xFFFFD000  }
0x402: {  	[hbm4b:s29+s3] =	stream.strided.scatter [tilespmem:s7], [sflag:$0x7], $0x6400, s5, s3, $0x38;
	[tilespmem:$0x1A900] =	vst v63  }
0x403: {  	_ =	swait.ge [sflag:s25], $0x6400  }
0x404: {  	s30 =	sld [smem:$0x7CC]  }
0x405: {  	[sflag:s25] =	ssyncset.done $0x0  }
0x406: {  	s31 =	sld [smem:$0x7CD];
	[sflag:s25] =	ssyncadd.s32 $0xFFFF9C00  }
0x407: {  	[tilespmem:s3], [sflag:$0x1] =	stream.indirect.gather [hbm4b:s2+s4], $0x80, s30, s4, $0xb8;
	[tilespmem:$0x1A900] =	vst v63  }
0x408: {  	_ = 	snop  }
0x409: {  	[tilespmem:s18], [sflag:$0x1] =	stream.indirect.gather [hbm4b:s2+s6], $0x80, s31, s6, $0xb8;
	[tilespmem:$0x1A900] =	vst v63  }
0x40a: {  	_ =	swait.ge [sflag:s10], $0x3400  }
0x40b: {  	[sflag:s10] =	ssyncset.done $0x0  }
0x40c: {  	[sflag:s10] =	ssyncadd.s32 $0xFFFFCC00  }
0x40d: {  	_ =	swait.ge [sflag:s10], $0x3000  }
0x40e: {  	[sflag:s10] =	ssyncset.done $0x0  }
0x40f: {  	s29 =	rddreg [dreg:$0x7];
	[sflag:s10] =	ssyncadd.s32 $0xFFFFD000  }
0x410: {  	[hbm4b:s29+s3] =	stream.strided.scatter [tilespmem:s9], [sflag:$0x8], $0x6400, s5, s3, $0x38;
	[tilespmem:$0x1A900] =	vst v63  }
0x411: {  	_ =	swait.ge [sflag:s24], $0x6400  }
0x412: {  	s30 =	sld [smem:$0x7CE]  }
0x413: {  	[sflag:s24] =	ssyncset.done $0x0  }
0x414: {  	s31 =	sld [smem:$0x7CF];
	[sflag:s24] =	ssyncadd.s32 $0xFFFF9C00  }
0x415: {  	[tilespmem:s8], [sflag:$0x2] =	stream.indirect.gather [hbm4b:s2+s4], $0x80, s30, s4, $0xb8;
	[tilespmem:$0x1A900] =	vst v63  }
0x416: {  	_ = 	snop  }
0x417: {  	[tilespmem:s17], [sflag:$0x2] =	stream.indirect.gather [hbm4b:s2+s6], $0x80, s31, s6, $0xb8;
	[tilespmem:$0x1A900] =	vst v63  }
0x418: {  	_ =	swait.ge [sflag:s15], $0x3400  }
0x419: {  	[sflag:s15] =	ssyncset.done $0x0  }
0x41a: {  	[sflag:s15] =	ssyncadd.s32 $0xFFFFCC00  }
0x41b: {  	_ =	swait.ge [sflag:s15], $0x3000  }
0x41c: {  	[sflag:s15] =	ssyncset.done $0x0  }
0x41d: {  	s29 =	rddreg [dreg:$0x8];
	[sflag:s15] =	ssyncadd.s32 $0xFFFFD000  }
0x41e: {  	[hbm4b:s29+s3] =	stream.strided.scatter [tilespmem:s3], [sflag:$0x5], $0x6400, s5, s3, $0x38;
	[tilespmem:$0x1A900] =	vst v63  }
0x41f: {  	_ =	swait.ge [sflag:s21], $0x6400  }
0x420: {  	s30 =	sld [smem:$0x7D0]  }
0x421: {  	[sflag:s21] =	ssyncset.done $0x0  }
0x422: {  	s31 =	sld [smem:$0x7D1];
	[sflag:s21] =	ssyncadd.s32 $0xFFFF9C00  }
0x423: {  	[tilespmem:s7], [sflag:$0x3] =	stream.indirect.gather [hbm4b:s2+s4], $0x80, s30, s4, $0xb8;
	[tilespmem:$0x1A900] =	vst v63  }
0x424: {  	_ = 	snop  }
0x425: {  	[tilespmem:s16], [sflag:$0x3] =	stream.indirect.gather [hbm4b:s2+s6], $0x80, s31, s6, $0xb8;
	[tilespmem:$0x1A900] =	vst v63  }
0x426: {  	_ =	swait.ge [sflag:s12], $0x3400  }
0x427: {  	[sflag:s12] =	ssyncset.done $0x0  }
0x428: {  	[sflag:s12] =	ssyncadd.s32 $0xFFFFCC00  }
0x429: {  	_ =	swait.ge [sflag:s12], $0x3000  }
0x42a: {  	[sflag:s12] =	ssyncset.done $0x0  }
0x42b: {  	s29 =	rddreg [dreg:$0x9];
	[sflag:s12] =	ssyncadd.s32 $0xFFFFD000  }
0x42c: {  	[hbm4b:s29+s3] =	stream.strided.scatter [tilespmem:s8], [sflag:$0x6], $0x6400, s5, s3, $0x38;
	[tilespmem:$0x1A900] =	vst v63  }
0x42d: {  	_ =	swait.ge [sflag:s14], $0x6400  }
0x42e: {  	s30 =	sld [smem:$0x7D2]  }
0x42f: {  	[sflag:s14] =	ssyncset.done $0x0  }
0x430: {  	s31 =	sld [smem:$0x7D3];
	[sflag:s14] =	ssyncadd.s32 $0xFFFF9C00  }
0x431: {  	[tilespmem:s9], [sflag:$0x4] =	stream.indirect.gather [hbm4b:s2+s4], $0x80, s30, s4, $0xb8;
	[tilespmem:$0x1A900] =	vst v63  }
0x432: {  	_ = 	snop  }
0x433: {  	[tilespmem:s13], [sflag:$0x4] =	stream.indirect.gather [hbm4b:s2+s6], $0x80, s31, s6, $0xb8;
	[tilespmem:$0x1A900] =	vst v63  }
0x434: {  	_ =	swait.ge [sflag:s11], $0x3400  }
0x435: {  	[sflag:s11] =	ssyncset.done $0x0  }
0x436: {  	[sflag:s11] =	ssyncadd.s32 $0xFFFFCC00  }
0x437: {  	_ =	swait.ge [sflag:s11], $0x3000  }
0x438: {  	[sflag:s11] =	ssyncset.done $0x0  }
0x439: {  	s29 =	rddreg [dreg:$0xa];
	[sflag:s11] =	ssyncadd.s32 $0xFFFFD000  }
0x43a: {  	[hbm4b:s29+s3] =	stream.strided.scatter [tilespmem:s7], [sflag:$0x7], $0x6400, s5, s3, $0x38;
	[tilespmem:$0x1A900] =	vst v63  }
0x43b: {  	_ =	swait.ge [sflag:s25], $0x6400  }
0x43c: {  	s30 =	sld [smem:$0x7D4]  }
0x43d: {  	[sflag:s25] =	ssyncset.done $0x0  }
0x43e: {  	s31 =	sld [smem:$0x7D5];
	[sflag:s25] =	ssyncadd.s32 $0xFFFF9C00  }
0x43f: {  	[tilespmem:s3], [sflag:$0x1] =	stream.indirect.gather [hbm4b:s2+s4], $0x80, s30, s4, $0xb8;
	[tilespmem:$0x1A900] =	vst v63  }
0x440: {  	_ = 	snop  }
0x441: {  	[tilespmem:s18], [sflag:$0x1] =	stream.indirect.gather [hbm4b:s2+s6], $0x80, s31, s6, $0xb8;
	[tilespmem:$0x1A900] =	vst v63  }
0x442: {  	_ =	swait.ge [sflag:s10], $0x3400  }
0x443: {  	[sflag:s10] =	ssyncset.done $0x0  }
0x444: {  	[sflag:s10] =	ssyncadd.s32 $0xFFFFCC00  }
0x445: {  	_ =	swait.ge [sflag:s10], $0x3000  }
0x446: {  	[sflag:s10] =	ssyncset.done $0x0  }
0x447: {  	s29 =	rddreg [dreg:$0xb];
	[sflag:s10] =	ssyncadd.s32 $0xFFFFD000  }
0x448: {  	[hbm4b:s29+s3] =	stream.strided.scatter [tilespmem:s9], [sflag:$0x8], $0x6400, s5, s3, $0x38;
	[tilespmem:$0x1A900] =	vst v63  }
0x449: {  	_ =	swait.ge [sflag:s24], $0x6400  }
0x44a: {  	s30 =	sld [smem:$0x7D6]  }
0x44b: {  	[sflag:s24] =	ssyncset.done $0x0  }
0x44c: {  	s31 =	sld [smem:$0x7D7];
	[sflag:s24] =	ssyncadd.s32 $0xFFFF9C00  }
0x44d: {  	[tilespmem:s8], [sflag:$0x2] =	stream.indirect.gather [hbm4b:s2+s4], $0x80, s30, s4, $0xb8;
	[tilespmem:$0x1A900] =	vst v63  }
0x44e: {  	_ = 	snop  }
0x44f: {  	[tilespmem:s17], [sflag:$0x2] =	stream.indirect.gather [hbm4b:s2+s6], $0x80, s31, s6, $0xb8;
	[tilespmem:$0x1A900] =	vst v63  }
0x450: {  	_ =	swait.ge [sflag:s15], $0x3400  }
0x451: {  	[sflag:s15] =	ssyncset.done $0x0  }
0x452: {  	[sflag:s15] =	ssyncadd.s32 $0xFFFFCC00  }
0x453: {  	_ =	swait.ge [sflag:s15], $0x3000  }
0x454: {  	[sflag:s15] =	ssyncset.done $0x0  }
0x455: {  	s29 =	rddreg [dreg:$0xc];
	[sflag:s15] =	ssyncadd.s32 $0xFFFFD000  }
0x456: {  	[hbm4b:s29+s3] =	stream.strided.scatter [tilespmem:s3], [sflag:$0x5], $0x6400, s5, s3, $0x38;
	[tilespmem:$0x1A900] =	vst v63  }
0x457: {  	_ =	swait.ge [sflag:s21], $0x6400  }
0x458: {  	s30 =	sld [smem:$0x7D8]  }
0x459: {  	[sflag:s21] =	ssyncset.done $0x0  }
0x45a: {  	s31 =	sld [smem:$0x7D9];
	[sflag:s21] =	ssyncadd.s32 $0xFFFF9C00  }
0x45b: {  	[tilespmem:s7], [sflag:$0x3] =	stream.indirect.gather [hbm4b:s2+s4], $0x80, s30, s4, $0xb8;
	[tilespmem:$0x1A900] =	vst v63  }
0x45c: {  	_ = 	snop  }
0x45d: {  	[tilespmem:s16], [sflag:$0x3] =	stream.indirect.gather [hbm4b:s2+s6], $0x80, s31, s6, $0xb8;
	[tilespmem:$0x1A900] =	vst v63  }
0x45e: {  	_ =	swait.ge [sflag:s12], $0x3400  }
0x45f: {  	[sflag:s12] =	ssyncset.done $0x0  }
0x460: {  	[sflag:s12] =	ssyncadd.s32 $0xFFFFCC00  }
0x461: {  	_ =	swait.ge [sflag:s12], $0x3000  }
0x462: {  	[sflag:s12] =	ssyncset.done $0x0  }
0x463: {  	s29 =	rddreg [dreg:$0xd];
	[sflag:s12] =	ssyncadd.s32 $0xFFFFD000  }
0x464: {  	[hbm4b:s29+s3] =	stream.strided.scatter [tilespmem:s8], [sflag:$0x6], $0x6400, s5, s3, $0x38;
	[tilespmem:$0x1A900] =	vst v63  }
0x465: {  	_ =	swait.ge [sflag:s14], $0x6400  }
0x466: {  	s30 =	sld [smem:$0x7DA]  }
0x467: {  	[sflag:s14] =	ssyncset.done $0x0  }
0x468: {  	s31 =	sld [smem:$0x7DB];
	[sflag:s14] =	ssyncadd.s32 $0xFFFF9C00  }
0x469: {  	[tilespmem:s9], [sflag:$0x4] =	stream.indirect.gather [hbm4b:s2+s4], $0x80, s30, s4, $0xb8;
	[tilespmem:$0x1A900] =	vst v63  }
0x46a: {  	_ = 	snop  }
0x46b: {  	[tilespmem:s13], [sflag:$0x4] =	stream.indirect.gather [hbm4b:s2+s6], $0x80, s31, s6, $0xb8;
	[tilespmem:$0x1A900] =	vst v63  }
0x46c: {  	_ =	swait.ge [sflag:s11], $0x3400  }
0x46d: {  	[sflag:s11] =	ssyncset.done $0x0  }
0x46e: {  	[sflag:s11] =	ssyncadd.s32 $0xFFFFCC00  }
0x46f: {  	_ =	swait.ge [sflag:s11], $0x3000  }
0x470: {  	[sflag:s11] =	ssyncset.done $0x0  }
0x471: {  	s29 =	rddreg [dreg:$0xe];
	[sflag:s11] =	ssyncadd.s32 $0xFFFFD000  }
0x472: {  	[hbm4b:s29+s3] =	stream.strided.scatter [tilespmem:s7], [sflag:$0x7], $0x6400, s5, s3, $0x38;
	[tilespmem:$0x1A900] =	vst v63  }
0x473: {  	_ =	swait.ge [sflag:s25], $0x6400  }
0x474: {  	s30 =	sld [smem:$0x7DC]  }
0x475: {  	[sflag:s25] =	ssyncset.done $0x0  }
0x476: {  	s31 =	sld [smem:$0x7DD];
	[sflag:s25] =	ssyncadd.s32 $0xFFFF9C00  }
0x477: {  	[tilespmem:s3], [sflag:$0x1] =	stream.indirect.gather [hbm4b:s2+s4], $0x80, s30, s4, $0xb8;
	[tilespmem:$0x1A900] =	vst v63  }
0x478: {  	_ = 	snop  }
0x479: {  	[tilespmem:s18], [sflag:$0x1] =	stream.indirect.gather [hbm4b:s2+s6], $0x80, s31, s6, $0xb8;
	[tilespmem:$0x1A900] =	vst v63  }
0x47a: {  	_ =	swait.ge [sflag:s10], $0x3400  }
0x47b: {  	[sflag:s10] =	ssyncset.done $0x0  }
0x47c: {  	[sflag:s10] =	ssyncadd.s32 $0xFFFFCC00  }
0x47d: {  	_ =	swait.ge [sflag:s10], $0x3000  }
0x47e: {  	[sflag:s10] =	ssyncset.done $0x0  }
0x47f: {  	s29 =	rddreg [dreg:$0xf];
	[sflag:s10] =	ssyncadd.s32 $0xFFFFD000  }
0x480: {  	[hbm4b:s29+s3] =	stream.strided.scatter [tilespmem:s9], [sflag:$0x8], $0x6400, s5, s3, $0x38;
	[tilespmem:$0x1A900] =	vst v63  }
0x481: {  	_ =	swait.ge [sflag:s24], $0x6400  }
0x482: {  	s30 =	sld [smem:$0x7DE]  }
0x483: {  	[sflag:s24] =	ssyncset.done $0x0  }
0x484: {  	s31 =	sld [smem:$0x7DF];
	[sflag:s24] =	ssyncadd.s32 $0xFFFF9C00  }
0x485: {  	[tilespmem:s8], [sflag:$0x2] =	stream.indirect.gather [hbm4b:s2+s4], $0x80, s30, s4, $0xb8;
	[tilespmem:$0x1A900] =	vst v63  }
0x486: {  	_ = 	snop  }
0x487: {  	[tilespmem:s17], [sflag:$0x2] =	stream.indirect.gather [hbm4b:s2+s6], $0x80, s31, s6, $0xb8;
	[tilespmem:$0x1A900] =	vst v63  }
0x488: {  	_ =	swait.ge [sflag:s15], $0x3400  }
0x489: {  	[sflag:s15] =	ssyncset.done $0x0  }
0x48a: {  	[sflag:s15] =	ssyncadd.s32 $0xFFFFCC00  }
0x48b: {  	_ =	swait.ge [sflag:s15], $0x3000  }
0x48c: {  	[sflag:s15] =	ssyncset.done $0x0  }
0x48d: {  	s29 =	rddreg [dreg:$0x10];
	[sflag:s15] =	ssyncadd.s32 $0xFFFFD000  }
0x48e: {  	[hbm4b:s29+s3] =	stream.strided.scatter [tilespmem:s3], [sflag:$0x5], $0x6400, s5, s3, $0x38;
	[tilespmem:$0x1A900] =	vst v63  }
0x48f: {  	_ =	swait.ge [sflag:s21], $0x6400  }
0x490: {  	s30 =	sld [smem:$0x7E0]  }
0x491: {  	[sflag:s21] =	ssyncset.done $0x0  }
0x492: {  	s31 =	sld [smem:$0x7E1];
	[sflag:s21] =	ssyncadd.s32 $0xFFFF9C00  }
0x493: {  	[tilespmem:s7], [sflag:$0x3] =	stream.indirect.gather [hbm4b:s2+s4], $0x80, s30, s4, $0xb8;
	[tilespmem:$0x1A900] =	vst v63  }
0x494: {  	_ = 	snop  }
0x495: {  	[tilespmem:s16], [sflag:$0x3] =	stream.indirect.gather [hbm4b:s2+s6], $0x80, s31, s6, $0xb8;
	[tilespmem:$0x1A900] =	vst v63  }
0x496: {  	_ =	swait.ge [sflag:s12], $0x3400  }
0x497: {  	[sflag:s12] =	ssyncset.done $0x0  }
0x498: {  	[sflag:s12] =	ssyncadd.s32 $0xFFFFCC00  }
0x499: {  	_ =	swait.ge [sflag:s12], $0x3000  }
0x49a: {  	[sflag:s12] =	ssyncset.done $0x0  }
0x49b: {  	s29 =	rddreg [dreg:$0x11];
	[sflag:s12] =	ssyncadd.s32 $0xFFFFD000  }
0x49c: {  	[hbm4b:s29+s3] =	stream.strided.scatter [tilespmem:s8], [sflag:$0x6], $0x6400, s5, s3, $0x38;
	[tilespmem:$0x1A900] =	vst v63  }
0x49d: {  	_ =	swait.ge [sflag:s14], $0x6400  }
0x49e: {  	s30 =	sld [smem:$0x7E2]  }
0x49f: {  	[sflag:s14] =	ssyncset.done $0x0  }
0x4a0: {  	s31 =	sld [smem:$0x7E3];
	[sflag:s14] =	ssyncadd.s32 $0xFFFF9C00  }
0x4a1: {  	[tilespmem:s9], [sflag:$0x4] =	stream.indirect.gather [hbm4b:s2+s4], $0x80, s30, s4, $0xb8;
	[tilespmem:$0x1A900] =	vst v63  }
0x4a2: {  	_ = 	snop  }
0x4a3: {  	[tilespmem:s13], [sflag:$0x4] =	stream.indirect.gather [hbm4b:s2+s6], $0x80, s31, s6, $0xb8;
	[tilespmem:$0x1A900] =	vst v63  }
0x4a4: {  	_ =	swait.ge [sflag:s11], $0x3400  }
0x4a5: {  	[sflag:s11] =	ssyncset.done $0x0  }
0x4a6: {  	[sflag:s11] =	ssyncadd.s32 $0xFFFFCC00  }
0x4a7: {  	_ =	swait.ge [sflag:s11], $0x3000  }
0x4a8: {  	[sflag:s11] =	ssyncset.done $0x0  }
0x4a9: {  	s29 =	rddreg [dreg:$0x12];
	[sflag:s11] =	ssyncadd.s32 $0xFFFFD000  }
0x4aa: {  	[hbm4b:s29+s3] =	stream.strided.scatter [tilespmem:s7], [sflag:$0x7], $0x6400, s5, s3, $0x38;
	[tilespmem:$0x1A900] =	vst v63  }
0x4ab: {  	_ =	swait.ge [sflag:s25], $0x6400  }
0x4ac: {  	s30 =	sld [smem:$0x7E4]  }
0x4ad: {  	[sflag:s25] =	ssyncset.done $0x0  }
0x4ae: {  	s31 =	sld [smem:$0x7E5];
	[sflag:s25] =	ssyncadd.s32 $0xFFFF9C00  }
0x4af: {  	[tilespmem:s3], [sflag:$0x1] =	stream.indirect.gather [hbm4b:s2+s4], $0x80, s30, s4, $0xb8;
	[tilespmem:$0x1A900] =	vst v63  }
0x4b0: {  	_ = 	snop  }
0x4b1: {  	[tilespmem:s18], [sflag:$0x1] =	stream.indirect.gather [hbm4b:s2+s6], $0x80, s31, s6, $0xb8;
	[tilespmem:$0x1A900] =	vst v63  }
0x4b2: {  	_ =	swait.ge [sflag:s10], $0x3400  }
0x4b3: {  	[sflag:s10] =	ssyncset.done $0x0  }
0x4b4: {  	[sflag:s10] =	ssyncadd.s32 $0xFFFFCC00  }
0x4b5: {  	_ =	swait.ge [sflag:s10], $0x3000  }
0x4b6: {  	[sflag:s10] =	ssyncset.done $0x0  }
0x4b7: {  	s29 =	rddreg [dreg:$0x13];
	[sflag:s10] =	ssyncadd.s32 $0xFFFFD000  }
0x4b8: {  	[hbm4b:s29+s3] =	stream.strided.scatter [tilespmem:s9], [sflag:$0x8], $0x6400, s5, s3, $0x38;
	[tilespmem:$0x1A900] =	vst v63  }
0x4b9: {  	_ =	swait.ge [sflag:s24], $0x6400  }
0x4ba: {  	s30 =	sld [smem:$0x7E6]  }
0x4bb: {  	[sflag:s24] =	ssyncset.done $0x0  }
0x4bc: {  	s31 =	sld [smem:$0x7E7];
	[sflag:s24] =	ssyncadd.s32 $0xFFFF9C00  }
0x4bd: {  	[tilespmem:s8], [sflag:$0x2] =	stream.indirect.gather [hbm4b:s2+s4], $0x80, s30, s4, $0xb8;
	[tilespmem:$0x1A900] =	vst v63  }
0x4be: {  	_ = 	snop  }
0x4bf: {  	[tilespmem:s17], [sflag:$0x2] =	stream.indirect.gather [hbm4b:s2+s6], $0x80, s31, s6, $0xb8;
	[tilespmem:$0x1A900] =	vst v63  }
0x4c0: {  	_ =	swait.ge [sflag:s15], $0x3400  }
0x4c1: {  	[sflag:s15] =	ssyncset.done $0x0  }
0x4c2: {  	[sflag:s15] =	ssyncadd.s32 $0xFFFFCC00  }
0x4c3: {  	_ =	swait.ge [sflag:s15], $0x3000  }
0x4c4: {  	[sflag:s15] =	ssyncset.done $0x0  }
0x4c5: {  	s29 =	rddreg [dreg:$0x14];
	[sflag:s15] =	ssyncadd.s32 $0xFFFFD000  }
0x4c6: {  	[hbm4b:s29+s3] =	stream.strided.scatter [tilespmem:s3], [sflag:$0x5], $0x6400, s5, s3, $0x38;
	[tilespmem:$0x1A900] =	vst v63  }
0x4c7: {  	_ =	swait.ge [sflag:s21], $0x6400  }
0x4c8: {  	s30 =	sld [smem:$0x7E8]  }
0x4c9: {  	[sflag:s21] =	ssyncset.done $0x0  }
0x4ca: {  	s31 =	sld [smem:$0x7E9];
	[sflag:s21] =	ssyncadd.s32 $0xFFFF9C00  }
0x4cb: {  	[tilespmem:s7], [sflag:$0x3] =	stream.indirect.gather [hbm4b:s2+s4], $0x80, s30, s4, $0xb8;
	[tilespmem:$0x1A900] =	vst v63  }
0x4cc: {  	_ = 	snop  }
0x4cd: {  	[tilespmem:s16], [sflag:$0x3] =	stream.indirect.gather [hbm4b:s2+s6], $0x80, s31, s6, $0xb8;
	[tilespmem:$0x1A900] =	vst v63  }
0x4ce: {  	_ =	swait.ge [sflag:s12], $0x3400  }
0x4cf: {  	[sflag:s12] =	ssyncset.done $0x0  }
0x4d0: {  	[sflag:s12] =	ssyncadd.s32 $0xFFFFCC00  }
0x4d1: {  	_ =	swait.ge [sflag:s12], $0x3000  }
0x4d2: {  	[sflag:s12] =	ssyncset.done $0x0  }
0x4d3: {  	s29 =	rddreg [dreg:$0x15];
	[sflag:s12] =	ssyncadd.s32 $0xFFFFD000  }
0x4d4: {  	[hbm4b:s29+s3] =	stream.strided.scatter [tilespmem:s8], [sflag:$0x6], $0x6400, s5, s3, $0x38;
	[tilespmem:$0x1A900] =	vst v63  }
0x4d5: {  	_ =	swait.ge [sflag:s14], $0x6400  }
0x4d6: {  	s30 =	sld [smem:$0x7EA]  }
0x4d7: {  	[sflag:s14] =	ssyncset.done $0x0  }
0x4d8: {  	s31 =	sld [smem:$0x7EB];
	[sflag:s14] =	ssyncadd.s32 $0xFFFF9C00  }
0x4d9: {  	[tilespmem:s9], [sflag:$0x4] =	stream.indirect.gather [hbm4b:s2+s4], $0x80, s30, s4, $0xb8;
	[tilespmem:$0x1A900] =	vst v63  }
0x4da: {  	_ = 	snop  }
0x4db: {  	[tilespmem:s13], [sflag:$0x4] =	stream.indirect.gather [hbm4b:s2+s6], $0x80, s31, s6, $0xb8;
	[tilespmem:$0x1A900] =	vst v63  }
0x4dc: {  	_ =	swait.ge [sflag:s11], $0x3400  }
0x4dd: {  	[sflag:s11] =	ssyncset.done $0x0  }
0x4de: {  	[sflag:s11] =	ssyncadd.s32 $0xFFFFCC00  }
0x4df: {  	_ =	swait.ge [sflag:s11], $0x3000  }
0x4e0: {  	[sflag:s11] =	ssyncset.done $0x0  }
0x4e1: {  	s29 =	rddreg [dreg:$0x16];
	[sflag:s11] =	ssyncadd.s32 $0xFFFFD000  }
0x4e2: {  	[hbm4b:s29+s3] =	stream.strided.scatter [tilespmem:s7], [sflag:$0x7], $0x6400, s5, s3, $0x38;
	[tilespmem:$0x1A900] =	vst v63  }
0x4e3: {  	_ =	swait.ge [sflag:s25], $0x6400  }
0x4e4: {  	s30 =	sld [smem:$0x7EC]  }
0x4e5: {  	[sflag:s25] =	ssyncset.done $0x0  }
0x4e6: {  	s31 =	sld [smem:$0x7ED];
	[sflag:s25] =	ssyncadd.s32 $0xFFFF9C00  }
0x4e7: {  	[tilespmem:s3], [sflag:$0x1] =	stream.indirect.gather [hbm4b:s2+s4], $0x80, s30, s4, $0xb8;
	[tilespmem:$0x1A900] =	vst v63  }
0x4e8: {  	_ = 	snop  }
0x4e9: {  	[tilespmem:s18], [sflag:$0x1] =	stream.indirect.gather [hbm4b:s2+s6], $0x80, s31, s6, $0xb8;
	[tilespmem:$0x1A900] =	vst v63  }
0x4ea: {  	_ =	swait.ge [sflag:s10], $0x3400  }
0x4eb: {  	[sflag:s10] =	ssyncset.done $0x0  }
0x4ec: {  	[sflag:s10] =	ssyncadd.s32 $0xFFFFCC00  }
0x4ed: {  	_ =	swait.ge [sflag:s10], $0x3000  }
0x4ee: {  	[sflag:s10] =	ssyncset.done $0x0  }
0x4ef: {  	s29 =	rddreg [dreg:$0x17];
	[sflag:s10] =	ssyncadd.s32 $0xFFFFD000  }
0x4f0: {  	[hbm4b:s29+s3] =	stream.strided.scatter [tilespmem:s9], [sflag:$0x8], $0x6400, s5, s3, $0x38;
	[tilespmem:$0x1A900] =	vst v63  }
0x4f1: {  	_ =	swait.ge [sflag:s24], $0x6400  }
0x4f2: {  	s30 =	sld [smem:$0x7EE]  }
0x4f3: {  	[sflag:s24] =	ssyncset.done $0x0  }
0x4f4: {  	s31 =	sld [smem:$0x7EF];
	[sflag:s24] =	ssyncadd.s32 $0xFFFF9C00  }
0x4f5: {  	[tilespmem:s8], [sflag:$0x2] =	stream.indirect.gather [hbm4b:s2+s4], $0x80, s30, s4, $0xb8;
	[tilespmem:$0x1A900] =	vst v63  }
0x4f6: {  	_ = 	snop  }
0x4f7: {  	[tilespmem:s17], [sflag:$0x2] =	stream.indirect.gather [hbm4b:s2+s6], $0x80, s31, s6, $0xb8;
	[tilespmem:$0x1A900] =	vst v63  }
0x4f8: {  	_ =	swait.ge [sflag:s15], $0x3400  }
0x4f9: {  	[sflag:s15] =	ssyncset.done $0x0  }
0x4fa: {  	[sflag:s15] =	ssyncadd.s32 $0xFFFFCC00  }
0x4fb: {  	_ =	swait.ge [sflag:s15], $0x3000  }
0x4fc: {  	[sflag:s15] =	ssyncset.done $0x0  }
0x4fd: {  	s29 =	rddreg [dreg:$0x18];
	[sflag:s15] =	ssyncadd.s32 $0xFFFFD000  }
0x4fe: {  	[hbm4b:s29+s3] =	stream.strided.scatter [tilespmem:s3], [sflag:$0x5], $0x6400, s5, s3, $0x38;
	[tilespmem:$0x1A900] =	vst v63  }
0x4ff: {  	_ =	swait.ge [sflag:s21], $0x6400  }
0x500: {  	s30 =	sld [smem:$0x7F0]  }
0x501: {  	[sflag:s21] =	ssyncset.done $0x0  }
0x502: {  	s31 =	sld [smem:$0x7F1];
	[sflag:s21] =	ssyncadd.s32 $0xFFFF9C00  }
0x503: {  	[tilespmem:s7], [sflag:$0x3] =	stream.indirect.gather [hbm4b:s2+s4], $0x80, s30, s4, $0xb8;
	[tilespmem:$0x1A900] =	vst v63  }
0x504: {  	_ = 	snop  }
0x505: {  	[tilespmem:s16], [sflag:$0x3] =	stream.indirect.gather [hbm4b:s2+s6], $0x80, s31, s6, $0xb8;
	[tilespmem:$0x1A900] =	vst v63  }
0x506: {  	_ =	swait.ge [sflag:s12], $0x3400  }
0x507: {  	[sflag:s12] =	ssyncset.done $0x0  }
0x508: {  	[sflag:s12] =	ssyncadd.s32 $0xFFFFCC00  }
0x509: {  	_ =	swait.ge [sflag:s12], $0x3000  }
0x50a: {  	[sflag:s12] =	ssyncset.done $0x0  }
0x50b: {  	s29 =	rddreg [dreg:$0x19];
	[sflag:s12] =	ssyncadd.s32 $0xFFFFD000  }
0x50c: {  	[hbm4b:s29+s3] =	stream.strided.scatter [tilespmem:s8], [sflag:$0x6], $0x6400, s5, s3, $0x38;
	[tilespmem:$0x1A900] =	vst v63  }
0x50d: {  	_ =	swait.ge [sflag:s14], $0x6400  }
0x50e: {  	s30 =	sld [smem:$0x7F2]  }
0x50f: {  	[sflag:s14] =	ssyncset.done $0x0  }
0x510: {  	s31 =	sld [smem:$0x7F3];
	[sflag:s14] =	ssyncadd.s32 $0xFFFF9C00  }
0x511: {  	[tilespmem:s9], [sflag:$0x4] =	stream.indirect.gather [hbm4b:s2+s4], $0x80, s30, s4, $0xb8;
	[tilespmem:$0x1A900] =	vst v63  }
0x512: {  	_ = 	snop  }
0x513: {  	[tilespmem:s13], [sflag:$0x4] =	stream.indirect.gather [hbm4b:s2+s6], $0x80, s31, s6, $0xb8;
	[tilespmem:$0x1A900] =	vst v63  }
0x514: {  	_ =	swait.ge [sflag:s11], $0x3400  }
0x515: {  	[sflag:s11] =	ssyncset.done $0x0  }
0x516: {  	[sflag:s11] =	ssyncadd.s32 $0xFFFFCC00  }
0x517: {  	_ =	swait.ge [sflag:s11], $0x3000  }
0x518: {  	[sflag:s11] =	ssyncset.done $0x0  }
0x519: {  	s29 =	rddreg [dreg:$0x1a];
	[sflag:s11] =	ssyncadd.s32 $0xFFFFD000  }
0x51a: {  	[hbm4b:s29+s3] =	stream.strided.scatter [tilespmem:s7], [sflag:$0x7], $0x6400, s5, s3, $0x38;
	[tilespmem:$0x1A900] =	vst v63  }
0x51b: {  	_ =	swait.ge [sflag:s25], $0x6400  }
0x51c: {  	s30 =	sld [smem:$0x7F4]  }
0x51d: {  	[sflag:s25] =	ssyncset.done $0x0  }
0x51e: {  	s31 =	sld [smem:$0x7F5];
	[sflag:s25] =	ssyncadd.s32 $0xFFFF9C00  }
0x51f: {  	[tilespmem:s3], [sflag:$0x1] =	stream.indirect.gather [hbm4b:s2+s4], $0x80, s30, s4, $0xb8;
	[tilespmem:$0x1A900] =	vst v63  }
0x520: {  	_ = 	snop  }
0x521: {  	[tilespmem:s18], [sflag:$0x1] =	stream.indirect.gather [hbm4b:s2+s6], $0x80, s31, s6, $0xb8;
	[tilespmem:$0x1A900] =	vst v63  }
0x522: {  	_ =	swait.ge [sflag:s10], $0x3400  }
0x523: {  	[sflag:s10] =	ssyncset.done $0x0  }
0x524: {  	[sflag:s10] =	ssyncadd.s32 $0xFFFFCC00  }
0x525: {  	_ =	swait.ge [sflag:s10], $0x3000  }
0x526: {  	[sflag:s10] =	ssyncset.done $0x0  }
0x527: {  	s29 =	rddreg [dreg:$0x1b];
	[sflag:s10] =	ssyncadd.s32 $0xFFFFD000  }
0x528: {  	[hbm4b:s29+s3] =	stream.strided.scatter [tilespmem:s9], [sflag:$0x8], $0x6400, s5, s3, $0x38;
	[tilespmem:$0x1A900] =	vst v63  }
0x529: {  	_ =	swait.ge [sflag:s24], $0x6400  }
0x52a: {  	s30 =	sld [smem:$0x7F6]  }
0x52b: {  	[sflag:s24] =	ssyncset.done $0x0  }
0x52c: {  	s31 =	sld [smem:$0x7F7];
	[sflag:s24] =	ssyncadd.s32 $0xFFFF9C00  }
0x52d: {  	[tilespmem:s8], [sflag:$0x2] =	stream.indirect.gather [hbm4b:s2+s4], $0x80, s30, s4, $0xb8;
	[tilespmem:$0x1A900] =	vst v63  }
0x52e: {  	_ = 	snop  }
0x52f: {  	[tilespmem:s17], [sflag:$0x2] =	stream.indirect.gather [hbm4b:s2+s6], $0x80, s31, s6, $0xb8;
	[tilespmem:$0x1A900] =	vst v63  }
0x530: {  	_ =	swait.ge [sflag:s15], $0x3400  }
0x531: {  	[sflag:s15] =	ssyncset.done $0x0  }
0x532: {  	[sflag:s15] =	ssyncadd.s32 $0xFFFFCC00  }
0x533: {  	_ =	swait.ge [sflag:s15], $0x3000  }
0x534: {  	[sflag:s15] =	ssyncset.done $0x0  }
0x535: {  	s29 =	rddreg [dreg:$0x1c];
	[sflag:s15] =	ssyncadd.s32 $0xFFFFD000  }
0x536: {  	[hbm4b:s29+s3] =	stream.strided.scatter [tilespmem:s3], [sflag:$0x5], $0x6400, s5, s3, $0x38;
	[tilespmem:$0x1A900] =	vst v63  }
0x537: {  	_ =	swait.ge [sflag:s21], $0x6400  }
0x538: {  	s30 =	sld [smem:$0x7F8]  }
0x539: {  	[sflag:s21] =	ssyncset.done $0x0  }
0x53a: {  	s31 =	sld [smem:$0x7F9];
	[sflag:s21] =	ssyncadd.s32 $0xFFFF9C00  }
0x53b: {  	[tilespmem:s7], [sflag:$0x3] =	stream.indirect.gather [hbm4b:s2+s4], $0x80, s30, s4, $0xb8;
	[tilespmem:$0x1A900] =	vst v63  }
0x53c: {  	_ = 	snop  }
0x53d: {  	[tilespmem:s16], [sflag:$0x3] =	stream.indirect.gather [hbm4b:s2+s6], $0x80, s31, s6, $0xb8;
	[tilespmem:$0x1A900] =	vst v63  }
0x53e: {  	_ =	swait.ge [sflag:s12], $0x3400  }
0x53f: {  	[sflag:s12] =	ssyncset.done $0x0  }
0x540: {  	[sflag:s12] =	ssyncadd.s32 $0xFFFFCC00  }
0x541: {  	_ =	swait.ge [sflag:s12], $0x3000  }
0x542: {  	[sflag:s12] =	ssyncset.done $0x0  }
0x543: {  	s29 =	rddreg [dreg:$0x1d];
	[sflag:s12] =	ssyncadd.s32 $0xFFFFD000  }
0x544: {  	[hbm4b:s29+s3] =	stream.strided.scatter [tilespmem:s8], [sflag:$0x6], $0x6400, s5, s3, $0x38;
	[tilespmem:$0x1A900] =	vst v63  }
0x545: {  	_ =	swait.ge [sflag:s14], $0x6400  }
0x546: {  	s30 =	sld [smem:$0x7FA]  }
0x547: {  	[sflag:s14] =	ssyncset.done $0x0  }
0x548: {  	s31 =	sld [smem:$0x7FB];
	[sflag:s14] =	ssyncadd.s32 $0xFFFF9C00  }
0x549: {  	[tilespmem:s9], [sflag:$0x4] =	stream.indirect.gather [hbm4b:s2+s4], $0x80, s30, s4, $0xb8;
	[tilespmem:$0x1A900] =	vst v63  }
0x54a: {  	_ = 	snop  }
0x54b: {  	[tilespmem:s13], [sflag:$0x4] =	stream.indirect.gather [hbm4b:s2+s6], $0x80, s31, s6, $0xb8;
	[tilespmem:$0x1A900] =	vst v63  }
0x54c: {  	_ =	swait.ge [sflag:s11], $0x3400  }
0x54d: {  	[sflag:s11] =	ssyncset.done $0x0  }
0x54e: {  	[sflag:s11] =	ssyncadd.s32 $0xFFFFCC00  }
0x54f: {  	_ =	swait.ge [sflag:s11], $0x3000  }
0x550: {  	[sflag:s11] =	ssyncset.done $0x0  }
0x551: {  	s29 =	rddreg [dreg:$0x1e];
	[sflag:s11] =	ssyncadd.s32 $0xFFFFD000  }
0x552: {  	[hbm4b:s29+s3] =	stream.strided.scatter [tilespmem:s7], [sflag:$0x7], $0x6400, s5, s3, $0x38;
	[tilespmem:$0x1A900] =	vst v63  }
0x553: {  	_ =	swait.ge [sflag:s25], $0x6400  }
0x554: {  	s30 =	sld [smem:$0x7FC]  }
0x555: {  	[sflag:s25] =	ssyncset.done $0x0  }
0x556: {  	s31 =	sld [smem:$0x7FD];
	[sflag:s25] =	ssyncadd.s32 $0xFFFF9C00  }
0x557: {  	[tilespmem:s3], [sflag:$0x1] =	stream.indirect.gather [hbm4b:s2+s4], $0x80, s30, s4, $0xb8;
	[tilespmem:$0x1A900] =	vst v63  }
0x558: {  	_ = 	snop  }
0x559: {  	[tilespmem:s18], [sflag:$0x1] =	stream.indirect.gather [hbm4b:s2+s6], $0x80, s31, s6, $0xb8;
	[tilespmem:$0x1A900] =	vst v63  }
0x55a: {  	_ =	swait.ge [sflag:s10], $0x3400  }
0x55b: {  	[sflag:s10] =	ssyncset.done $0x0  }
0x55c: {  	[sflag:s10] =	ssyncadd.s32 $0xFFFFCC00  }
0x55d: {  	_ =	swait.ge [sflag:s10], $0x3000  }
0x55e: {  	[sflag:s10] =	ssyncset.done $0x0  }
0x55f: {  	s18 =	rddreg [dreg:$0x1f];
	[sflag:s10] =	ssyncadd.s32 $0xFFFFD000  }
0x560: {  	[hbm4b:s18+s3] =	stream.strided.scatter [tilespmem:s9], [sflag:$0x8], $0x6400, s5, s3, $0x38;
	[tilespmem:$0x1A900] =	vst v63  }
0x561: {  	_ =	swait.ge [sflag:s24], $0x6400  }
0x562: {  	[sflag:s24] =	ssyncset.done $0x0  }
0x563: {  	[sflag:s24] =	ssyncadd.s32 $0xFFFF9C00  }
0x564: {  	[tilespmem:s8], [sflag:$0x2] =	stream.indirect.gather [hbm4b:s2+s4], $0x80, s28, s4, $0xb8;
	[tilespmem:$0x1A900] =	vst v63  }
0x565: {  	_ = 	snop  }
0x566: {  	[tilespmem:s17], [sflag:$0x2] =	stream.indirect.gather [hbm4b:s2+s6], $0x80, s22, s6, $0xb8;
	[tilespmem:$0x1A900] =	vst v63  }
0x567: {  	_ =	swait.ge [sflag:s15], $0x3400  }
0x568: {  	[sflag:s15] =	ssyncset.done $0x0  }
0x569: {  	[sflag:s15] =	ssyncadd.s32 $0xFFFFCC00  }
0x56a: {  	_ =	swait.ge [sflag:s15], $0x3000  }
0x56b: {  	s25 =	sld [smem:$0x7C2]  }
0x56c: {  	[sflag:s15] =	ssyncset.done $0x0  }
0x56d: {  	[sflag:s15] =	ssyncadd.s32 $0xFFFFD000  }
0x56e: {  	[hbm4b:s25+s3] =	stream.strided.scatter [tilespmem:s3], [sflag:$0x5], $0x6400, s5, s3, $0x38;
	[tilespmem:$0x1A900] =	vst v63  }
0x56f: {  	_ =	swait.ge [sflag:s21], $0x6400  }
0x570: {  	[sflag:s21] =	ssyncset.done $0x0  }
0x571: {  	[sflag:s21] =	ssyncadd.s32 $0xFFFF9C00  }
0x572: {  	[tilespmem:s7], [sflag:$0x3] =	stream.indirect.gather [hbm4b:s2+s4], $0x80, s23, s4, $0xb8;
	[tilespmem:$0x1A900] =	vst v63  }
0x573: {  	_ = 	snop  }
0x574: {  	[tilespmem:s16], [sflag:$0x3] =	stream.indirect.gather [hbm4b:s2+s6], $0x80, s26, s6, $0xb8;
	[tilespmem:$0x1A900] =	vst v63  }
0x575: {  	_ =	swait.ge [sflag:s12], $0x3400  }
0x576: {  	[sflag:s12] =	ssyncset.done $0x0  }
0x577: {  	[sflag:s12] =	ssyncadd.s32 $0xFFFFCC00  }
0x578: {  	_ =	swait.ge [sflag:s12], $0x3000  }
0x579: {  	s28 =	sld [smem:$0x7C3]  }
0x57a: {  	[sflag:s12] =	ssyncset.done $0x0  }
0x57b: {  	[sflag:s12] =	ssyncadd.s32 $0xFFFFD000  }
0x57c: {  	[hbm4b:s28+s3] =	stream.strided.scatter [tilespmem:s8], [sflag:$0x6], $0x6400, s5, s3, $0x38;
	[tilespmem:$0x1A900] =	vst v63  }
0x57d: {  	_ =	swait.ge [sflag:s14], $0x6400  }
0x57e: {  	[sflag:s14] =	ssyncset.done $0x0  }
0x57f: {  	[sflag:s14] =	ssyncadd.s32 $0xFFFF9C00  }
0x580: {  	[tilespmem:s9], [sflag:$0x4] =	stream.indirect.gather [hbm4b:s2+s4], $0x80, s20, s4, $0xb8;
	[tilespmem:$0x1A900] =	vst v63  }
0x581: {  	s29 =	simm.s32 $0x18A0  }
0x582: {  	[tilespmem:s13], [sflag:$0x4] =	stream.indirect.gather [hbm4b:s2+s6], $0x80, s29, s6, $0xb8;
	[tilespmem:$0x1A900] =	vst v63  }
0x583: {  	_ =	swait.ge [sflag:s11], $0x3400  }
0x584: {  	[sflag:s11] =	ssyncset.done $0x0  }
0x585: {  	[sflag:s11] =	ssyncadd.s32 $0xFFFFCC00  }
0x586: {  	_ =	swait.ge [sflag:s11], $0x3000  }
0x587: {  	s30 =	sld [smem:$0x7C4]  }
0x588: {  	[sflag:s11] =	ssyncset.done $0x0  }
0x589: {  	[sflag:s11] =	ssyncadd.s32 $0xFFFFD000  }
0x58a: {  	[hbm4b:s30+s3] =	stream.strided.scatter [tilespmem:s7], [sflag:$0x7], $0x6400, s5, s3, $0x38;
	[tilespmem:$0x1A900] =	vst v63  }
0x58b: {  	_ =	swait.ge [sflag:s10], $0x3400  }
0x58c: {  	[sflag:s10] =	ssyncset.done $0x0  }
0x58d: {  	[sflag:s10] =	ssyncadd.s32 $0xFFFFCC00  }
0x58e: {  	_ =	swait.ge [sflag:s10], $0x3000  }
0x58f: {  	s31 =	sld [smem:$0x7C5]  }
0x590: {  	[sflag:s10] =	ssyncset.done $0x0  }
0x591: {  	[sflag:s10] =	ssyncadd.s32 $0xFFFFD000  }
0x592: {  	[hbm4b:s31+s3] =	stream.strided.scatter [tilespmem:s9], [sflag:$0x8], $0x6400, s5, s3, $0x38;
	[tilespmem:$0x1A900] =	vst v63  }
0x593: {  	_ =	swait.ge [sflag:s14], $0x6400  }
0x594: {  	[sflag:s14] =	ssyncset.done $0x0  }
0x595: {  	[sflag:s14] =	ssyncadd.s32 $0xFFFF9C00  }
0x596: {  	_ =	sfence.sel $0x180000  }
0x597: {  	[bflag:$0x0] =	sbarrier.arrive $0xFFFF  }
0x598: {  	_ =	strace $0x90000047  }
0x599: {  	[bflag:$0x2] =	sbarrier.arrive $0xFFFF  }
0x59a: {  	p0 =	sne.s32 s19, $0x0;
	s0 =	rddreg [dreg:$0x3]  }
0x59b: {  	s0 =	sadd.s32 @!p0 $0x100000, s0  }
0x59c: {  	[sflag:s0] =	ssyncadd.tile.s32 @!p0 $0x1;
	_ =	shalt  }
.LBB2_1:
.Ltmp3:
0x59d: {  	(pc) =	sbr.rel .LBB2_6-.Ltmp3, $3  }
0x59e: {  	_ =	sdelay $0x1  }
0x59f: {  	s22 =	simm.s32 $0x1710;
	s28 =	simm.s32 $0x16A8  }
0x5a0: {  	s26 =	simm.s32 $0x17D8;
	s23 =	simm.s32 $0x1770;
	s20 =	simm.s32 $0x1838  }
.LBB2_3:
.Ltmp4:
0x5a1: {  	(pc) =	sbr.rel .LBB2_6-.Ltmp4, $3  }
0x5a2: {  	_ =	sdelay $0x1  }
0x5a3: {  	s22 =	simm.s32 $0x1710;
	s28 =	simm.s32 $0x16A8;
	s26 =	simm.s32 $0x17D8  }
0x5a4: {  	s23 =	simm.s32 $0x1770;
	s20 =	simm.s32 $0x1838;
	s19 =	stileid.u32  }
.Lfunc_end2:
_tile_overlayer_lowered:
.L_overlay_start_2:
0x5a5: {  	(tag) =	ssettag $0x2  }
0x5a6: {  	s0 =	rddreg [dreg:$0x0];
	s2 =	stileid.u32  }
0x5a7: {  	s1 =	rddreg [dreg:$0x1];
	p0 =	sne.s32 s2, $0x0  }
0x5a8: {  	s3 =	rddreg [dreg:$0x2];
	[bflag:$0x3] =	sbarrier.arrive $0xFFFF;
	s2 =	simm.s32 @!p0 $0x1C09  }
0x5a9: {  	[timem:s3], [sflag:s2] =	dma.local @!p0 [hbm:s0], s1  }
0x5aa: {  	s0 =	simm.s32 @!p0 $0x9  }
0x5ab: {  	_ =	swait.ge @!p0 [sflag:s0], s1  }
0x5ac: {  	s1 =	ssub.s32 @!p0 $0x0, s1;
	[sflag:s0] =	ssyncset.done @!p0 $0x0  }
0x5ad: {  	[sflag:s0] =	ssyncadd.s32 @!p0 s1  }
0x5ae: {  	[bflag:$0x3] =	sbarrier.arrive $0xFFFF  }
0x5af: {  	_ =	shalt  }

</sc_bundles>
